<compile_context>
chip_gen: v7x
topology: tpu7x:2x2x1
jax: 0.10.2.dev20260603
libtpu: 0.0.44.dev20260713+nightly
codegen_flags: <defaults>
</compile_context>

<pallas_src>
import functools

import jax
import jax.numpy as jnp
from jax import lax
from jax.experimental import pallas as pl
from jax.experimental.pallas import tpu as pltpu
from jax.experimental.pallas import tpu_sc as plsc

N = 10000
E = 320000
D = 128
G = 64

NC = 2
NS = 16
NW = NC * NS
EC = 80
RT = E // NW // EC
NQ = EC // 16
SEG = 5
SR = RT // SEG
NPT = 640
NPT_LAST = N - NPT * (NS - 1)
RBLK = 2000
NBLK = N // RBLK


def _wid(c, s):
    return c * NS + s


def _copy_tile_slice(s, src, dst):
    @pl.when(s < NS - 1)
    def _():
        pltpu.sync_copy(src.at[pl.ds(s * NPT, NPT)],
                        dst.at[pl.ds(s * NPT, NPT)])

    @pl.when(s == NS - 1)
    def _():
        pltpu.sync_copy(src.at[pl.ds((NS - 1) * NPT, NPT_LAST)],
                        dst.at[pl.ds((NS - 1) * NPT, NPT_LAST)])


def _stage_idx_row(idx_v, j, idx_cur):
    for q in range(NQ):
        idx_cur[pl.ds(q * 16, 16)] = idx_v[j, pl.ds(q * 16, 16)]


def _deg_body(dst3d, zeros128, ones128, out, idx_v, idx_cur, idx_cur1,
              ones_v, sem0, sem1, acc):
    c = lax.axis_index("c")
    s = lax.axis_index("s")
    w = _wid(c, s)
    pltpu.sync_copy(dst3d.at[w], idx_v)
    pltpu.sync_copy(ones128, ones_v)
    _copy_tile_slice(s, zeros128, acc)
    plsc.subcore_barrier()

    _stage_idx_row(idx_v, 0, idx_cur)
    pltpu.async_copy(ones_v, acc.at[idx_cur], sem0, add=True)

    def step(j2, carry):
        j = j2 * 2
        _stage_idx_row(idx_v, j + 1, idx_cur1)
        pltpu.async_copy(ones_v, acc.at[idx_cur1], sem1, add=True)
        pltpu.make_async_copy(ones_v, acc.at[idx_cur], sem0).wait()
        _stage_idx_row(idx_v, j + 2, idx_cur)
        pltpu.async_copy(ones_v, acc.at[idx_cur], sem0, add=True)
        pltpu.make_async_copy(ones_v, acc.at[idx_cur1], sem1).wait()
        return carry

    lax.fori_loop(0, (RT - 1) // 2, step, 0)
    pltpu.make_async_copy(ones_v, acc.at[idx_cur], sem0).wait()
    plsc.subcore_barrier()
    _copy_tile_slice(s, acc, out.at[c])




@functools.cache
def _deg_kernel():
    return pl.kernel(
        _deg_body,
        out_type=jax.ShapeDtypeStruct((NC, N, D), jnp.float32),
        mesh=plsc.VectorSubcoreMesh(core_axis_name="c", subcore_axis_name="s",
                                    num_cores=NC, num_subcores=NS),
        scratch_types=[
            pltpu.VMEM((RT, EC), jnp.int32),
            pltpu.VMEM((EC,), jnp.int32),
            pltpu.VMEM((EC,), jnp.int32),
            pltpu.VMEM((EC, D), jnp.float32),
            pltpu.SemaphoreType.DMA,
            pltpu.SemaphoreType.DMA,
            pltpu.VMEM_SHARED((N, D), jnp.float32),
        ],
    )


def _edge_body(hn, src4d, dst4d, zeros128, out, src_v, dst_v,
               src_cur0, src_cur1, src_cur2, dst_cur0, dst_cur1, dst_cur2,
               rows0, rows1, rows2, sem0, sem1, sem2,
               ssem0, ssem1, ssem2, acc):
    c = lax.axis_index("c")
    s = lax.axis_index("s")
    w = _wid(c, s)
    _copy_tile_slice(s, zeros128, acc)
    plsc.subcore_barrier()

    def gath(sv, j, cur, rows, gsem):
        _stage_idx_row(sv, j, cur)
        pltpu.async_copy(hn.at[cur], rows, gsem)

    def scat(dv, j, scur, gcur, rows, gsem, ssem):
        pltpu.make_async_copy(hn.at[gcur], rows, gsem).wait()
        _stage_idx_row(dv, j, scur)
        pltpu.async_copy(rows, acc.at[scur], ssem, add=True)

    def swait(scur, rows, ssem):
        pltpu.make_async_copy(rows, acc.at[scur], ssem).wait()

    def segment(seg, carry):
        pltpu.sync_copy(src4d.at[w, seg], src_v)
        pltpu.sync_copy(dst4d.at[w, seg], dst_v)
        gath(src_v, 0, src_cur0, rows0, sem0)
        gath(src_v, 1, src_cur1, rows1, sem1)

        def step(t, carry2):
            j = t * 3

            @pl.when(t > 0)
            def _():
                swait(dst_cur2, rows2, ssem2)

            gath(src_v, j + 2, src_cur2, rows2, sem2)
            scat(dst_v, j, dst_cur0, src_cur0, rows0, sem0, ssem0)
            swait(dst_cur0, rows0, ssem0)
            gath(src_v, j + 3, src_cur0, rows0, sem0)
            scat(dst_v, j + 1, dst_cur1, src_cur1, rows1, sem1, ssem1)
            swait(dst_cur1, rows1, ssem1)

            @pl.when(t < (SR - 1) // 3 - 1)
            def _():
                gath(src_v, j + 4, src_cur1, rows1, sem1)

            scat(dst_v, j + 2, dst_cur2, src_cur2, rows2, sem2, ssem2)
            return carry2

        lax.fori_loop(0, (SR - 1) // 3, step, 0)
        scat(dst_v, SR - 1, dst_cur0, src_cur0, rows0, sem0, ssem0)
        swait(dst_cur2, rows2, ssem2)
        swait(dst_cur0, rows0, ssem0)
        return carry

    lax.fori_loop(0, SEG, segment, 0)
    plsc.subcore_barrier()
    _copy_tile_slice(s, acc, out.at[c])


@functools.cache
def _edge_kernel():
    return pl.kernel(
        _edge_body,
        out_type=jax.ShapeDtypeStruct((NC, N, D), jnp.float32),
        mesh=plsc.VectorSubcoreMesh(core_axis_name="c", subcore_axis_name="s",
                                    num_cores=NC, num_subcores=NS),
        scratch_types=[
            pltpu.VMEM((SR, EC), jnp.int32),
            pltpu.VMEM((SR, EC), jnp.int32),
            pltpu.VMEM((EC,), jnp.int32),
            pltpu.VMEM((EC,), jnp.int32),
            pltpu.VMEM((EC,), jnp.int32),
            pltpu.VMEM((EC,), jnp.int32),
            pltpu.VMEM((EC,), jnp.int32),
            pltpu.VMEM((EC,), jnp.int32),
            pltpu.VMEM((EC, D), jnp.float32),
            pltpu.VMEM((EC, D), jnp.float32),
            pltpu.VMEM((EC, D), jnp.float32),
            pltpu.SemaphoreType.DMA,
            pltpu.SemaphoreType.DMA,
            pltpu.SemaphoreType.DMA,
            pltpu.SemaphoreType.DMA,
            pltpu.SemaphoreType.DMA,
            pltpu.SemaphoreType.DMA,
            pltpu.VMEM_SHARED((N, D), jnp.float32),
        ],
    )


def _dinv_from_deg(deg_blk):
    deg = jnp.sum(deg_blk[0] + deg_blk[1], axis=-1,
                  keepdims=True) * (1.0 / D) + 1.0
    return lax.rsqrt(deg)


def _mm1_body(x_ref, w_ref, deg_ref, hn_ref, dinv_ref):
    dinv = _dinv_from_deg(deg_ref[...])
    dinv_ref[...] = dinv
    hn_ref[...] = jnp.dot(x_ref[...], w_ref[...],
                          preferred_element_type=jnp.float32) * dinv


def _mm1(x, w0, deg_part):
    return pl.pallas_call(
        _mm1_body,
        grid=(NBLK,),
        in_specs=[
            pl.BlockSpec((RBLK, D), lambda i: (i, 0)),
            pl.BlockSpec((D, D), lambda i: (0, 0)),
            pl.BlockSpec((NC, RBLK, D), lambda i: (0, i, 0)),
        ],
        out_specs=[pl.BlockSpec((RBLK, D), lambda i: (i, 0)),
                   pl.BlockSpec((RBLK, 1), lambda i: (i, 0))],
        out_shape=[jax.ShapeDtypeStruct((N, D), jnp.float32),
                   jax.ShapeDtypeStruct((N, 1), jnp.float32)],
    )(x, w0, deg_part)


def _mm2_body(part_ref, hn_ref, dinv_ref, b_ref, w_ref, out_ref):
    dinv = dinv_ref[...]
    t = part_ref[0] + part_ref[1] + hn_ref[...]
    t = jnp.maximum(t * dinv + b_ref[...], 0.0)
    out_ref[...] = jnp.dot(t, w_ref[...],
                           preferred_element_type=jnp.float32) * dinv


def _mm2(part, hn, dinv, b2d, w1):
    return pl.pallas_call(
        _mm2_body,
        grid=(NBLK,),
        in_specs=[
            pl.BlockSpec((NC, RBLK, D), lambda i: (0, i, 0)),
            pl.BlockSpec((RBLK, D), lambda i: (i, 0)),
            pl.BlockSpec((RBLK, 1), lambda i: (i, 0)),
            pl.BlockSpec((1, D), lambda i: (0, 0)),
            pl.BlockSpec((D, D), lambda i: (0, 0)),
        ],
        out_specs=pl.BlockSpec((RBLK, D), lambda i: (i, 0)),
        out_shape=jax.ShapeDtypeStruct((N, D), jnp.float32),
    )(part, hn, dinv, b2d, w1)


def _head_body(bounds_ref, part_ref, hn_ref, dinv_ref, b_ref, batch_ref,
               wf_ref, bf_ref, out_ref, gmax_ref):
    i = pl.program_id(0)

    @pl.when(i == 0)
    def _():
        gmax_ref[...] = jnp.full((G, D), -jnp.inf, jnp.float32)

    dinv = dinv_ref[...]
    h = part_ref[0] + part_ref[1] + hn_ref[...]
    h = jnp.maximum(h * dinv + b_ref[...], 0.0)
    batch = batch_ref[0]
    neg = jnp.float32(-jnp.inf)
    lo = bounds_ref[i, 0]
    hi = bounds_ref[i, 1]
    for g in range(G):
        @pl.when((lo <= g) & (g <= hi))
        def _():
            m = jnp.max(jnp.where(batch == g, h, neg), axis=0, keepdims=True)
            gmax_ref[g:g + 1, :] = jnp.maximum(gmax_ref[g:g + 1, :], m)

    @pl.when(i == NBLK - 1)
    def _():
        out_ref[...] = jnp.maximum(
            jnp.dot(gmax_ref[...], wf_ref[...],
                    preferred_element_type=jnp.float32) + bf_ref[...],
            0.0)


def _head(bounds, part, hn, dinv, b2d, batch3d, wf, bf2d):
    return pl.pallas_call(
        _head_body,
        grid_spec=pltpu.PrefetchScalarGridSpec(
            num_scalar_prefetch=1,
            grid=(NBLK,),
            in_specs=[
                pl.BlockSpec((NC, RBLK, D), lambda i, b: (0, i, 0)),
                pl.BlockSpec((RBLK, D), lambda i, b: (i, 0)),
                pl.BlockSpec((RBLK, 1), lambda i, b: (i, 0)),
                pl.BlockSpec((1, D), lambda i, b: (0, 0)),
                pl.BlockSpec((1, RBLK, 1), lambda i, b: (i, 0, 0)),
                pl.BlockSpec((D, D), lambda i, b: (0, 0)),
                pl.BlockSpec((1, D), lambda i, b: (0, 0)),
            ],
            out_specs=pl.BlockSpec((G, D), lambda i, b: (0, 0)),
            scratch_shapes=[pltpu.VMEM((G, D), jnp.float32)],
        ),
        out_shape=jax.ShapeDtypeStruct((G, D), jnp.float32),
    )(bounds, part, hn, dinv, b2d, batch3d, wf, bf2d)


def kernel(x, edge_index, batch, W0, b0, W1, b1, Wf, bf):
    src4d = edge_index[0].reshape(NW, SEG, SR, EC)
    dst4d = edge_index[1].reshape(NW, SEG, SR, EC)
    dst3d = edge_index[1].reshape(NW, RT, EC)
    ones128 = jnp.ones((EC, D), jnp.float32)
    zeros128 = jnp.zeros((N, D), jnp.float32)
    batch3d = batch.reshape(NBLK, RBLK, 1)

    deg_part = _deg_kernel()(dst3d, zeros128, ones128)
    hn1, dinv = _mm1(x, W0, deg_part)
    part1 = _edge_kernel()(hn1, src4d, dst4d, zeros128)
    hn2 = _mm2(part1, hn1, dinv, b0.reshape(1, D), W1)
    part2 = _edge_kernel()(hn2, src4d, dst4d, zeros128)
    bounds = jnp.stack([batch[::RBLK], batch[RBLK - 1::RBLK]], axis=1)
    out = _head(bounds, part2, hn2, dinv, b1.reshape(1, D), batch3d,
                Wf, bf.reshape(1, D))
    return out

# --- scband reference (transcript-rebuilt; emitter-appended) ---
"""Pipeline reference for scband-gcn-encoder-19791209300728 (READ-ONLY COPY).

The authoritative reference and input builder live on the scoring server;
editing this copy changes nothing except your own understanding.
"""

import jax, jax.numpy as jnp
import numpy as np

N = 10000
E = 320000
D = 128
G = 64


def setup_inputs(seed: int = 0) -> dict:
    key = jax.random.key(seed)
    ks = jax.random.split(key, 10)
    x = jax.random.normal(ks[0], (N, D), dtype=jnp.float32)
    edge_index = jax.random.randint(ks[1], (2, E), 0, N, dtype=jnp.int32)
    batch = jnp.sort(jax.random.randint(ks[2], (N,), 0, G, dtype=jnp.int32))
    W0 = jax.random.normal(ks[3], (D, D), dtype=jnp.float32) * 0.05
    b0 = jnp.zeros((D,), dtype=jnp.float32)
    W1 = jax.random.normal(ks[4], (D, D), dtype=jnp.float32) * 0.05
    b1 = jnp.zeros((D,), dtype=jnp.float32)
    Wf = jax.random.normal(ks[5], (D, D), dtype=jnp.float32) * 0.05
    bf = jnp.zeros((D,), dtype=jnp.float32)
    return {"x": x, "edge_index": edge_index, "batch": batch,
            "W0": W0, "b0": b0, "W1": W1, "b1": b1, "Wf": Wf, "bf": bf}


def gcn_conv(x, edge_index, W, b):
    # PyG GCNConv with add_self_loops=True: X' = D^-1/2 (A+I) D^-1/2 (X W) + b
    h = x @ W
    src = edge_index[0]
    dst = edge_index[1]
    loop = jnp.arange(N, dtype=src.dtype)
    src = jnp.concatenate([src, loop])
    dst = jnp.concatenate([dst, loop])
    deg = jax.ops.segment_sum(jnp.ones_like(dst, dtype=h.dtype), dst, num_segments=N)
    dinv = jnp.where(deg > 0, deg ** -0.5, 0.0)
    norm = dinv[src] * dinv[dst]
    msg = h[src] * norm[:, None]
    out = jax.ops.segment_sum(msg, dst, num_segments=N)
    return out + b


def reference(x, edge_index, batch, W0, b0, W1, b1, Wf, bf):
    h = jax.nn.relu(gcn_conv(x, edge_index, W0, b0))
    h = jax.nn.relu(gcn_conv(h, edge_index, W1, b1))
    # global max pool over graphs in the batch
    g = jax.ops.segment_max(h, batch, num_segments=G)
    # ff layers: Linear -> ReLU (batch_norm=False, dropout inactive at eval)
    out = jax.nn.relu(g @ Wf + bf)
    return out

if __name__ == "__main__":
    import jax
    _d = setup_inputs()
    print(jax.jit(kernel)(*tuple(_d.values())))

</pallas_src>

<mosaic_0001>
#map = affine_map<(d0, d1) -> (0, 0, 0)>
#map1 = affine_map<(d0, d1) -> (0, 0)>
module attributes {stable_mosaic.version = 14 : i64} {
  func.func @_deg_body(%arg0: i32, %arg1: i32, %arg2: memref<32x125x80xi32, #tpu.memory_space<hbm>>, %arg3: memref<10000x128xf32, #tpu.memory_space<hbm>>, %arg4: memref<80x128xf32, #tpu.memory_space<hbm>>, %arg5: memref<2x10000x128xf32, #tpu.memory_space<hbm>>, %arg6: memref<125x80xi32, #tpu.memory_space<vmem>>, %arg7: memref<80xi32, #tpu.memory_space<vmem>>, %arg8: memref<80xi32, #tpu.memory_space<vmem>>, %arg9: memref<80x128xf32, #tpu.memory_space<vmem>>, %arg10: memref<!tpu.dma_semaphore, #tpu.memory_space<semaphore_mem>>, %arg11: memref<!tpu.dma_semaphore, #tpu.memory_space<semaphore_mem>>, %arg12: memref<10000x128xf32, #tpu.memory_space<vmem_shared>>) attributes {dimension_semantics = [#tpu.dimension_semantics<core_parallel>, #tpu.dimension_semantics<subcore_parallel>], iteration_bounds = array<i64: 2, 16>, scalar_prefetch = 0 : i64, scratch_operands = 7 : i64, tpu.core_type = #tpu.core_type<sc_vector_subcore>, window_params = [{transform_indices = #map}, {transform_indices = #map1}, {transform_indices = #map1}, {transform_indices = #map}]} {
    %mul3A = arith.constant 16 : i32
    %mul3A_0 = arith.muli %arg0, %mul3A : i32
    %add3A = arith.addi %mul3A_0, %arg1 : i32
    "tpu.region"() ({
      %run_scoped3A = tpu.sem_alloc : memref<!tpu.dma_semaphore, #tpu.memory_space<semaphore_mem>>
      %dma_start3A_70 = arith.constant 0 : i32
      %dma_start3A_71 = arith.constant 0 : i32
      %dma_start3A_72 = tpu.memref_slice %arg2[%add3A, %dma_start3A_70, %dma_start3A_71] : memref<32x125x80xi32, #tpu.memory_space<hbm>> -> memref<1x125x80xi32, #tpu.memory_space<hbm>>
      %dma_start3A_73 = tpu.memref_squeeze %dma_start3A_72 : memref<1x125x80xi32, #tpu.memory_space<hbm>> -> memref<125x80xi32, #tpu.memory_space<hbm>>
      %dma_start3A_74 = arith.constant 0 : i32
      %dma_start3A_75 = arith.constant 0 : i32
      %dma_start3A_76 = tpu.memref_slice %arg2[%add3A, %dma_start3A_74, %dma_start3A_75] : memref<32x125x80xi32, #tpu.memory_space<hbm>> -> memref<1x125x80xi32, #tpu.memory_space<hbm>>
      %dma_start3A_77 = tpu.memref_squeeze %dma_start3A_76 : memref<1x125x80xi32, #tpu.memory_space<hbm>> -> memref<125x80xi32, #tpu.memory_space<hbm>>
      tpu.enqueue_dma source(%dma_start3A_77 : memref<125x80xi32, #tpu.memory_space<hbm>>) target(%arg6 : memref<125x80xi32, #tpu.memory_space<vmem>>) target_semaphore(%run_scoped3A : memref<!tpu.dma_semaphore, #tpu.memory_space<semaphore_mem>>)
      %dma_wait3A_78 = arith.constant 0 : i32
      %dma_wait3A_79 = arith.constant 0 : i32
      %dma_wait3A_80 = tpu.memref_slice %arg2[%add3A, %dma_wait3A_78, %dma_wait3A_79] : memref<32x125x80xi32, #tpu.memory_space<hbm>> -> memref<1x125x80xi32, #tpu.memory_space<hbm>>
      %dma_wait3A_81 = tpu.memref_squeeze %dma_wait3A_80 : memref<1x125x80xi32, #tpu.memory_space<hbm>> -> memref<125x80xi32, #tpu.memory_space<hbm>>
      %dma_wait3A_82 = arith.constant 0 : i32
      %dma_wait3A_83 = arith.constant 0 : i32
      %dma_wait3A_84 = tpu.memref_slice %arg2[%add3A, %dma_wait3A_82, %dma_wait3A_83] : memref<32x125x80xi32, #tpu.memory_space<hbm>> -> memref<1x125x80xi32, #tpu.memory_space<hbm>>
      %dma_wait3A_85 = tpu.memref_squeeze %dma_wait3A_84 : memref<1x125x80xi32, #tpu.memory_space<hbm>> -> memref<125x80xi32, #tpu.memory_space<hbm>>
      tpu.wait_dma2 semaphore(%run_scoped3A : memref<!tpu.dma_semaphore, #tpu.memory_space<semaphore_mem>>) src(%dma_wait3A_85 : memref<125x80xi32, #tpu.memory_space<hbm>>) dst(%arg6 : memref<125x80xi32, #tpu.memory_space<vmem>>)
      tpu.yield
    }) : () -> ()
    "tpu.region"() ({
      %run_scoped3A = tpu.sem_alloc : memref<!tpu.dma_semaphore, #tpu.memory_space<semaphore_mem>>
      tpu.enqueue_dma source(%arg4 : memref<80x128xf32, #tpu.memory_space<hbm>>) target(%arg9 : memref<80x128xf32, #tpu.memory_space<vmem>>) target_semaphore(%run_scoped3A : memref<!tpu.dma_semaphore, #tpu.memory_space<semaphore_mem>>)
      tpu.wait_dma2 semaphore(%run_scoped3A : memref<!tpu.dma_semaphore, #tpu.memory_space<semaphore_mem>>) src(%arg4 : memref<80x128xf32, #tpu.memory_space<hbm>>) dst(%arg9 : memref<80x128xf32, #tpu.memory_space<vmem>>)
      tpu.yield
    }) : () -> ()
    %lt3A = arith.constant 15 : i32
    %lt3A_1 = arith.cmpi slt, %arg1, %lt3A : i32
    %convert_element_type3A = arith.extui %lt3A_1 : i1 to i32
    %cond3A = arith.constant 0 : i32
    %cond3A_2 = arith.cmpi ne, %convert_element_type3A, %cond3A : i32
    scf.if %cond3A_2 {
      %mul3A_70 = arith.constant 640 : i32
      %mul3A_71 = arith.muli %arg1, %mul3A_70 : i32
      %mul3A_72 = arith.constant 640 : i32
      %mul3A_73 = arith.muli %arg1, %mul3A_72 : i32
      "tpu.region"() ({
        %run_scoped3A = tpu.sem_alloc : memref<!tpu.dma_semaphore, #tpu.memory_space<semaphore_mem>>
        %dma_start3A_74 = arith.constant 0 : i32
        %dma_start3A_75 = tpu.memref_slice %arg12[%mul3A_73, %dma_start3A_74] : memref<10000x128xf32, #tpu.memory_space<vmem_shared>> -> memref<640x128xf32, #tpu.memory_space<vmem_shared>>
        %dma_start3A_76 = arith.constant 0 : i32
        %dma_start3A_77 = tpu.memref_slice %arg3[%mul3A_71, %dma_start3A_76] : memref<10000x128xf32, #tpu.memory_space<hbm>> -> memref<640x128xf32, #tpu.memory_space<hbm>>
        tpu.enqueue_dma source(%dma_start3A_77 : memref<640x128xf32, #tpu.memory_space<hbm>>) target(%dma_start3A_75 : memref<640x128xf32, #tpu.memory_space<vmem_shared>>) target_semaphore(%run_scoped3A : memref<!tpu.dma_semaphore, #tpu.memory_space<semaphore_mem>>)
        %dma_wait3A_78 = arith.constant 0 : i32
        %dma_wait3A_79 = tpu.memref_slice %arg12[%mul3A_73, %dma_wait3A_78] : memref<10000x128xf32, #tpu.memory_space<vmem_shared>> -> memref<640x128xf32, #tpu.memory_space<vmem_shared>>
        %dma_wait3A_80 = arith.constant 0 : i32
        %dma_wait3A_81 = tpu.memref_slice %arg3[%mul3A_71, %dma_wait3A_80] : memref<10000x128xf32, #tpu.memory_space<hbm>> -> memref<640x128xf32, #tpu.memory_space<hbm>>
        tpu.wait_dma2 semaphore(%run_scoped3A : memref<!tpu.dma_semaphore, #tpu.memory_space<semaphore_mem>>) src(%dma_wait3A_81 : memref<640x128xf32, #tpu.memory_space<hbm>>) dst(%dma_wait3A_79 : memref<640x128xf32, #tpu.memory_space<vmem_shared>>)
        tpu.yield
      }) : () -> ()
    } else {
    }
    %eq3A = arith.constant 15 : i32
    %eq3A_3 = arith.cmpi eq, %arg1, %eq3A : i32
    %convert_element_type3A_4 = arith.extui %eq3A_3 : i1 to i32
    %cond3A_5 = arith.constant 0 : i32
    %cond3A_6 = arith.cmpi ne, %convert_element_type3A_4, %cond3A_5 : i32
    scf.if %cond3A_6 {
      "tpu.region"() ({
        %run_scoped3A = tpu.sem_alloc : memref<!tpu.dma_semaphore, #tpu.memory_space<semaphore_mem>>
        %dma_start3A_70 = arith.constant 9600 : i32
        %dma_start3A_71 = arith.constant 0 : i32
        %dma_start3A_72 = tpu.memref_slice %arg12[%dma_start3A_70, %dma_start3A_71] : memref<10000x128xf32, #tpu.memory_space<vmem_shared>> -> memref<400x128xf32, #tpu.memory_space<vmem_shared>>
        %dma_start3A_73 = arith.constant 9600 : i32
        %dma_start3A_74 = arith.constant 0 : i32
        %dma_start3A_75 = tpu.memref_slice %arg3[%dma_start3A_73, %dma_start3A_74] : memref<10000x128xf32, #tpu.memory_space<hbm>> -> memref<400x128xf32, #tpu.memory_space<hbm>>
        tpu.enqueue_dma source(%dma_start3A_75 : memref<400x128xf32, #tpu.memory_space<hbm>>) target(%dma_start3A_72 : memref<400x128xf32, #tpu.memory_space<vmem_shared>>) target_semaphore(%run_scoped3A : memref<!tpu.dma_semaphore, #tpu.memory_space<semaphore_mem>>)
        %dma_wait3A_76 = arith.constant 9600 : i32
        %dma_wait3A_77 = arith.constant 0 : i32
        %dma_wait3A_78 = tpu.memref_slice %arg12[%dma_wait3A_76, %dma_wait3A_77] : memref<10000x128xf32, #tpu.memory_space<vmem_shared>> -> memref<400x128xf32, #tpu.memory_space<vmem_shared>>
        %dma_wait3A_79 = arith.constant 9600 : i32
        %dma_wait3A_80 = arith.constant 0 : i32
        %dma_wait3A_81 = tpu.memref_slice %arg3[%dma_wait3A_79, %dma_wait3A_80] : memref<10000x128xf32, #tpu.memory_space<hbm>> -> memref<400x128xf32, #tpu.memory_space<hbm>>
        tpu.wait_dma2 semaphore(%run_scoped3A : memref<!tpu.dma_semaphore, #tpu.memory_space<semaphore_mem>>) src(%dma_wait3A_81 : memref<400x128xf32, #tpu.memory_space<hbm>>) dst(%dma_wait3A_78 : memref<400x128xf32, #tpu.memory_space<vmem_shared>>)
        tpu.yield
      }) : () -> ()
    } else {
    }
    %barrier3A = arith.constant 0 : index
    tpu.barrier barrier_id(%barrier3A)
    %get3A = arith.constant 0 : i32
    %get3A_7 = arith.index_cast %get3A : i32 to index
    %get3A_8 = arith.constant 0 : index
    %get3A_9 = tpu.vector_load %arg6[%get3A_7, %get3A_8] {strides = array<i32>} : memref<125x80xi32, #tpu.memory_space<vmem>>, vector<1x16xi32>,
    %get3A_10 = vector.shape_cast %get3A_9 : vector<1x16xi32> to vector<16xi32>
    %swap3A = arith.constant 0 : index
    %swap3A_11 = tpu.vector_load %arg7[%swap3A] {strides = array<i32>} : memref<80xi32, #tpu.memory_space<vmem>>, vector<16xi32>,
    %swap3A_12 = vector.shape_cast %swap3A_11 : vector<16xi32> to vector<16xi32>
    %swap3A_13 = vector.shape_cast %get3A_10 : vector<16xi32> to vector<16xi32>
    tpu.vector_store %arg7[%swap3A], %swap3A_13 {strides = array<i32>} : memref<80xi32, #tpu.memory_space<vmem>>, vector<16xi32>,
    %get3A_14 = arith.constant 0 : i32
    %get3A_15 = arith.index_cast %get3A_14 : i32 to index
    %get3A_16 = arith.constant 16 : index
    %get3A_17 = tpu.vector_load %arg6[%get3A_15, %get3A_16] {strides = array<i32>} : memref<125x80xi32, #tpu.memory_space<vmem>>, vector<1x16xi32>,
    %get3A_18 = vector.shape_cast %get3A_17 : vector<1x16xi32> to vector<16xi32>
    %swap3A_19 = arith.constant 16 : index
    %swap3A_20 = tpu.vector_load %arg7[%swap3A_19] {strides = array<i32>} : memref<80xi32, #tpu.memory_space<vmem>>, vector<16xi32>,
    %swap3A_21 = vector.shape_cast %swap3A_20 : vector<16xi32> to vector<16xi32>
    %swap3A_22 = vector.shape_cast %get3A_18 : vector<16xi32> to vector<16xi32>
    tpu.vector_store %arg7[%swap3A_19], %swap3A_22 {strides = array<i32>} : memref<80xi32, #tpu.memory_space<vmem>>, vector<16xi32>,
    %get3A_23 = arith.constant 0 : i32
    %get3A_24 = arith.index_cast %get3A_23 : i32 to index
    %get3A_25 = arith.constant 32 : index
    %get3A_26 = tpu.vector_load %arg6[%get3A_24, %get3A_25] {strides = array<i32>} : memref<125x80xi32, #tpu.memory_space<vmem>>, vector<1x16xi32>,
    %get3A_27 = vector.shape_cast %get3A_26 : vector<1x16xi32> to vector<16xi32>
    %swap3A_28 = arith.constant 32 : index
    %swap3A_29 = tpu.vector_load %arg7[%swap3A_28] {strides = array<i32>} : memref<80xi32, #tpu.memory_space<vmem>>, vector<16xi32>,
    %swap3A_30 = vector.shape_cast %swap3A_29 : vector<16xi32> to vector<16xi32>
    %swap3A_31 = vector.shape_cast %get3A_27 : vector<16xi32> to vector<16xi32>
    tpu.vector_store %arg7[%swap3A_28], %swap3A_31 {strides = array<i32>} : memref<80xi32, #tpu.memory_space<vmem>>, vector<16xi32>,
    %get3A_32 = arith.constant 0 : i32
    %get3A_33 = arith.index_cast %get3A_32 : i32 to index
    %get3A_34 = arith.constant 48 : index
    %get3A_35 = tpu.vector_load %arg6[%get3A_33, %get3A_34] {strides = array<i32>} : memref<125x80xi32, #tpu.memory_space<vmem>>, vector<1x16xi32>,
    %get3A_36 = vector.shape_cast %get3A_35 : vector<1x16xi32> to vector<16xi32>
    %swap3A_37 = arith.constant 48 : index
    %swap3A_38 = tpu.vector_load %arg7[%swap3A_37] {strides = array<i32>} : memref<80xi32, #tpu.memory_space<vmem>>, vector<16xi32>,
    %swap3A_39 = vector.shape_cast %swap3A_38 : vector<16xi32> to vector<16xi32>
    %swap3A_40 = vector.shape_cast %get3A_36 : vector<16xi32> to vector<16xi32>
    tpu.vector_store %arg7[%swap3A_37], %swap3A_40 {strides = array<i32>} : memref<80xi32, #tpu.memory_space<vmem>>, vector<16xi32>,
    %get3A_41 = arith.constant 0 : i32
    %get3A_42 = arith.index_cast %get3A_41 : i32 to index
    %get3A_43 = arith.constant 64 : index
    %get3A_44 = tpu.vector_load %arg6[%get3A_42, %get3A_43] {strides = array<i32>} : memref<125x80xi32, #tpu.memory_space<vmem>>, vector<1x16xi32>,
    %get3A_45 = vector.shape_cast %get3A_44 : vector<1x16xi32> to vector<16xi32>
    %swap3A_46 = arith.constant 64 : index
    %swap3A_47 = tpu.vector_load %arg7[%swap3A_46] {strides = array<i32>} : memref<80xi32, #tpu.memory_space<vmem>>, vector<16xi32>,
    %swap3A_48 = vector.shape_cast %swap3A_47 : vector<16xi32> to vector<16xi32>
    %swap3A_49 = vector.shape_cast %get3A_45 : vector<16xi32> to vector<16xi32>
    tpu.vector_store %arg7[%swap3A_46], %swap3A_49 {strides = array<i32>} : memref<80xi32, #tpu.memory_space<vmem>>, vector<16xi32>,
    %dma_start3A = arith.constant 0 : i32
    %dma_start3A_50 = arith.constant 0 : i32
    %dma_start3A_51 = tpu.memref_slice %arg12[%dma_start3A, %dma_start3A_50] : memref<10000x128xf32, #tpu.memory_space<vmem_shared>> -> memref<10000x128xf32, #tpu.memory_space<vmem_shared>>
    tpu.enqueue_indirect_dma source(%arg9 : memref<80x128xf32, #tpu.memory_space<vmem>>) target(%dma_start3A_51 : memref<10000x128xf32, #tpu.memory_space<vmem_shared>>) offsets(%arg7 : memref<80xi32, #tpu.memory_space<vmem>>) semaphore(%arg10 : memref<!tpu.dma_semaphore, #tpu.memory_space<semaphore_mem>>) {add = true}
    %scan3A = arith.constant 0 : i32
    %scan3A_52 = arith.constant 0 : i32
    %scan3A_53 = arith.constant 62 : i32
    %scan3A_54 = arith.addi %scan3A_52, %scan3A_53 : i32
    %scan3A_55 = arith.constant 1 : i32
    scf.for %scan3A_70 = %scan3A_52 to %scan3A_54 step %scan3A_55  : i32 {
      %mul3A_71 = arith.constant 2 : i32
      %mul3A_72 = arith.muli %scan3A_70, %mul3A_71 : i32
      %add3A_73 = arith.constant 1 : i32
      %add3A_74 = arith.addi %mul3A_72, %add3A_73 : i32
      %get3A_75 = arith.index_cast %add3A_74 : i32 to index
      %get3A_76 = arith.constant 0 : index
      %get3A_77 = tpu.vector_load %arg6[%get3A_75, %get3A_76] {strides = array<i32>} : memref<125x80xi32, #tpu.memory_space<vmem>>, vector<1x16xi32>,
      %get3A_78 = vector.shape_cast %get3A_77 : vector<1x16xi32> to vector<16xi32>
      %swap3A_79 = arith.constant 0 : index
      %swap3A_80 = tpu.vector_load %arg8[%swap3A_79] {strides = array<i32>} : memref<80xi32, #tpu.memory_space<vmem>>, vector<16xi32>,
      %swap3A_81 = vector.shape_cast %swap3A_80 : vector<16xi32> to vector<16xi32>
      %swap3A_82 = vector.shape_cast %get3A_78 : vector<16xi32> to vector<16xi32>
      tpu.vector_store %arg8[%swap3A_79], %swap3A_82 {strides = array<i32>} : memref<80xi32, #tpu.memory_space<vmem>>, vector<16xi32>,
      %get3A_83 = arith.index_cast %add3A_74 : i32 to index
      %get3A_84 = arith.constant 16 : index
      %get3A_85 = tpu.vector_load %arg6[%get3A_83, %get3A_84] {strides = array<i32>} : memref<125x80xi32, #tpu.memory_space<vmem>>, vector<1x16xi32>,
      %get3A_86 = vector.shape_cast %get3A_85 : vector<1x16xi32> to vector<16xi32>
      %swap3A_87 = arith.constant 16 : index
      %swap3A_88 = tpu.vector_load %arg8[%swap3A_87] {strides = array<i32>} : memref<80xi32, #tpu.memory_space<vmem>>, vector<16xi32>,
      %swap3A_89 = vector.shape_cast %swap3A_88 : vector<16xi32> to vector<16xi32>
      %swap3A_90 = vector.shape_cast %get3A_86 : vector<16xi32> to vector<16xi32>
      tpu.vector_store %arg8[%swap3A_87], %swap3A_90 {strides = array<i32>} : memref<80xi32, #tpu.memory_space<vmem>>, vector<16xi32>,
      %get3A_91 = arith.index_cast %add3A_74 : i32 to index
      %get3A_92 = arith.constant 32 : index
      %get3A_93 = tpu.vector_load %arg6[%get3A_91, %get3A_92] {strides = array<i32>} : memref<125x80xi32, #tpu.memory_space<vmem>>, vector<1x16xi32>,
      %get3A_94 = vector.shape_cast %get3A_93 : vector<1x16xi32> to vector<16xi32>
      %swap3A_95 = arith.constant 32 : index
      %swap3A_96 = tpu.vector_load %arg8[%swap3A_95] {strides = array<i32>} : memref<80xi32, #tpu.memory_space<vmem>>, vector<16xi32>,
      %swap3A_97 = vector.shape_cast %swap3A_96 : vector<16xi32> to vector<16xi32>
      %swap3A_98 = vector.shape_cast %get3A_94 : vector<16xi32> to vector<16xi32>
      tpu.vector_store %arg8[%swap3A_95], %swap3A_98 {strides = array<i32>} : memref<80xi32, #tpu.memory_space<vmem>>, vector<16xi32>,
      %get3A_99 = arith.index_cast %add3A_74 : i32 to index
      %get3A_100 = arith.constant 48 : index
      %get3A_101 = tpu.vector_load %arg6[%get3A_99, %get3A_100] {strides = array<i32>} : memref<125x80xi32, #tpu.memory_space<vmem>>, vector<1x16xi32>,
      %get3A_102 = vector.shape_cast %get3A_101 : vector<1x16xi32> to vector<16xi32>
      %swap3A_103 = arith.constant 48 : index
      %swap3A_104 = tpu.vector_load %arg8[%swap3A_103] {strides = array<i32>} : memref<80xi32, #tpu.memory_space<vmem>>, vector<16xi32>,
      %swap3A_105 = vector.shape_cast %swap3A_104 : vector<16xi32> to vector<16xi32>
      %swap3A_106 = vector.shape_cast %get3A_102 : vector<16xi32> to vector<16xi32>
      tpu.vector_store %arg8[%swap3A_103], %swap3A_106 {strides = array<i32>} : memref<80xi32, #tpu.memory_space<vmem>>, vector<16xi32>,
      %get3A_107 = arith.index_cast %add3A_74 : i32 to index
      %get3A_108 = arith.constant 64 : index
      %get3A_109 = tpu.vector_load %arg6[%get3A_107, %get3A_108] {strides = array<i32>} : memref<125x80xi32, #tpu.memory_space<vmem>>, vector<1x16xi32>,
      %get3A_110 = vector.shape_cast %get3A_109 : vector<1x16xi32> to vector<16xi32>
      %swap3A_111 = arith.constant 64 : index
      %swap3A_112 = tpu.vector_load %arg8[%swap3A_111] {strides = array<i32>} : memref<80xi32, #tpu.memory_space<vmem>>, vector<16xi32>,
      %swap3A_113 = vector.shape_cast %swap3A_112 : vector<16xi32> to vector<16xi32>
      %swap3A_114 = vector.shape_cast %get3A_110 : vector<16xi32> to vector<16xi32>
      tpu.vector_store %arg8[%swap3A_111], %swap3A_114 {strides = array<i32>} : memref<80xi32, #tpu.memory_space<vmem>>, vector<16xi32>,
      %dma_start3A_115 = arith.constant 0 : i32
      %dma_start3A_116 = arith.constant 0 : i32
      %dma_start3A_117 = tpu.memref_slice %arg12[%dma_start3A_115, %dma_start3A_116] : memref<10000x128xf32, #tpu.memory_space<vmem_shared>> -> memref<10000x128xf32, #tpu.memory_space<vmem_shared>>
      tpu.enqueue_indirect_dma source(%arg9 : memref<80x128xf32, #tpu.memory_space<vmem>>) target(%dma_start3A_117 : memref<10000x128xf32, #tpu.memory_space<vmem_shared>>) offsets(%arg8 : memref<80xi32, #tpu.memory_space<vmem>>) semaphore(%arg11 : memref<!tpu.dma_semaphore, #tpu.memory_space<semaphore_mem>>) {add = true}
      %dma_wait3A_118 = arith.constant 0 : i32
      %dma_wait3A_119 = arith.constant 0 : i32
      %dma_wait3A_120 = tpu.memref_slice %arg12[%dma_wait3A_118, %dma_wait3A_119] : memref<10000x128xf32, #tpu.memory_space<vmem_shared>> -> memref<10000x128xf32, #tpu.memory_space<vmem_shared>>
      tpu.wait_indirect_dma semaphore(%arg10 : memref<!tpu.dma_semaphore, #tpu.memory_space<semaphore_mem>>) src(%arg9 : memref<80x128xf32, #tpu.memory_space<vmem>>) dst(%dma_wait3A_120 : memref<10000x128xf32, #tpu.memory_space<vmem_shared>>)
      %add3A_121 = arith.constant 2 : i32
      %add3A_122 = arith.addi %mul3A_72, %add3A_121 : i32
      %get3A_123 = arith.index_cast %add3A_122 : i32 to index
      %get3A_124 = arith.constant 0 : index
      %get3A_125 = tpu.vector_load %arg6[%get3A_123, %get3A_124] {strides = array<i32>} : memref<125x80xi32, #tpu.memory_space<vmem>>, vector<1x16xi32>,
      %get3A_126 = vector.shape_cast %get3A_125 : vector<1x16xi32> to vector<16xi32>
      %swap3A_127 = arith.constant 0 : index
      %swap3A_128 = tpu.vector_load %arg7[%swap3A_127] {strides = array<i32>} : memref<80xi32, #tpu.memory_space<vmem>>, vector<16xi32>,
      %swap3A_129 = vector.shape_cast %swap3A_128 : vector<16xi32> to vector<16xi32>
      %swap3A_130 = vector.shape_cast %get3A_126 : vector<16xi32> to vector<16xi32>
      tpu.vector_store %arg7[%swap3A_127], %swap3A_130 {strides = array<i32>} : memref<80xi32, #tpu.memory_space<vmem>>, vector<16xi32>,
      %get3A_131 = arith.index_cast %add3A_122 : i32 to index
      %get3A_132 = arith.constant 16 : index
      %get3A_133 = tpu.vector_load %arg6[%get3A_131, %get3A_132] {strides = array<i32>} : memref<125x80xi32, #tpu.memory_space<vmem>>, vector<1x16xi32>,
      %get3A_134 = vector.shape_cast %get3A_133 : vector<1x16xi32> to vector<16xi32>
      %swap3A_135 = arith.constant 16 : index
      %swap3A_136 = tpu.vector_load %arg7[%swap3A_135] {strides = array<i32>} : memref<80xi32, #tpu.memory_space<vmem>>, vector<16xi32>,
      %swap3A_137 = vector.shape_cast %swap3A_136 : vector<16xi32> to vector<16xi32>
      %swap3A_138 = vector.shape_cast %get3A_134 : vector<16xi32> to vector<16xi32>
      tpu.vector_store %arg7[%swap3A_135], %swap3A_138 {strides = array<i32>} : memref<80xi32, #tpu.memory_space<vmem>>, vector<16xi32>,
      %get3A_139 = arith.index_cast %add3A_122 : i32 to index
      %get3A_140 = arith.constant 32 : index
      %get3A_141 = tpu.vector_load %arg6[%get3A_139, %get3A_140] {strides = array<i32>} : memref<125x80xi32, #tpu.memory_space<vmem>>, vector<1x16xi32>,
      %get3A_142 = vector.shape_cast %get3A_141 : vector<1x16xi32> to vector<16xi32>
      %swap3A_143 = arith.constant 32 : index
      %swap3A_144 = tpu.vector_load %arg7[%swap3A_143] {strides = array<i32>} : memref<80xi32, #tpu.memory_space<vmem>>, vector<16xi32>,
      %swap3A_145 = vector.shape_cast %swap3A_144 : vector<16xi32> to vector<16xi32>
      %swap3A_146 = vector.shape_cast %get3A_142 : vector<16xi32> to vector<16xi32>
      tpu.vector_store %arg7[%swap3A_143], %swap3A_146 {strides = array<i32>} : memref<80xi32, #tpu.memory_space<vmem>>, vector<16xi32>,
      %get3A_147 = arith.index_cast %add3A_122 : i32 to index
      %get3A_148 = arith.constant 48 : index
      %get3A_149 = tpu.vector_load %arg6[%get3A_147, %get3A_148] {strides = array<i32>} : memref<125x80xi32, #tpu.memory_space<vmem>>, vector<1x16xi32>,
      %get3A_150 = vector.shape_cast %get3A_149 : vector<1x16xi32> to vector<16xi32>
      %swap3A_151 = arith.constant 48 : index
      %swap3A_152 = tpu.vector_load %arg7[%swap3A_151] {strides = array<i32>} : memref<80xi32, #tpu.memory_space<vmem>>, vector<16xi32>,
      %swap3A_153 = vector.shape_cast %swap3A_152 : vector<16xi32> to vector<16xi32>
      %swap3A_154 = vector.shape_cast %get3A_150 : vector<16xi32> to vector<16xi32>
      tpu.vector_store %arg7[%swap3A_151], %swap3A_154 {strides = array<i32>} : memref<80xi32, #tpu.memory_space<vmem>>, vector<16xi32>,
      %get3A_155 = arith.index_cast %add3A_122 : i32 to index
      %get3A_156 = arith.constant 64 : index
      %get3A_157 = tpu.vector_load %arg6[%get3A_155, %get3A_156] {strides = array<i32>} : memref<125x80xi32, #tpu.memory_space<vmem>>, vector<1x16xi32>,
      %get3A_158 = vector.shape_cast %get3A_157 : vector<1x16xi32> to vector<16xi32>
      %swap3A_159 = arith.constant 64 : index
      %swap3A_160 = tpu.vector_load %arg7[%swap3A_159] {strides = array<i32>} : memref<80xi32, #tpu.memory_space<vmem>>, vector<16xi32>,
      %swap3A_161 = vector.shape_cast %swap3A_160 : vector<16xi32> to vector<16xi32>
      %swap3A_162 = vector.shape_cast %get3A_158 : vector<16xi32> to vector<16xi32>
      tpu.vector_store %arg7[%swap3A_159], %swap3A_162 {strides = array<i32>} : memref<80xi32, #tpu.memory_space<vmem>>, vector<16xi32>,
      %dma_start3A_163 = arith.constant 0 : i32
      %dma_start3A_164 = arith.constant 0 : i32
      %dma_start3A_165 = tpu.memref_slice %arg12[%dma_start3A_163, %dma_start3A_164] : memref<10000x128xf32, #tpu.memory_space<vmem_shared>> -> memref<10000x128xf32, #tpu.memory_space<vmem_shared>>
      tpu.enqueue_indirect_dma source(%arg9 : memref<80x128xf32, #tpu.memory_space<vmem>>) target(%dma_start3A_165 : memref<10000x128xf32, #tpu.memory_space<vmem_shared>>) offsets(%arg7 : memref<80xi32, #tpu.memory_space<vmem>>) semaphore(%arg10 : memref<!tpu.dma_semaphore, #tpu.memory_space<semaphore_mem>>) {add = true}
      %dma_wait3A_166 = arith.constant 0 : i32
      %dma_wait3A_167 = arith.constant 0 : i32
      %dma_wait3A_168 = tpu.memref_slice %arg12[%dma_wait3A_166, %dma_wait3A_167] : memref<10000x128xf32, #tpu.memory_space<vmem_shared>> -> memref<10000x128xf32, #tpu.memory_space<vmem_shared>>
      tpu.wait_indirect_dma semaphore(%arg11 : memref<!tpu.dma_semaphore, #tpu.memory_space<semaphore_mem>>) src(%arg9 : memref<80x128xf32, #tpu.memory_space<vmem>>) dst(%dma_wait3A_168 : memref<10000x128xf32, #tpu.memory_space<vmem_shared>>)
    }
    %scan3A_56 = arith.constant 62 : i32
    %dma_wait3A = arith.constant 0 : i32
    %dma_wait3A_57 = arith.constant 0 : i32
    %dma_wait3A_58 = tpu.memref_slice %arg12[%dma_wait3A, %dma_wait3A_57] : memref<10000x128xf32, #tpu.memory_space<vmem_shared>> -> memref<10000x128xf32, #tpu.memory_space<vmem_shared>>
    tpu.wait_indirect_dma semaphore(%arg10 : memref<!tpu.dma_semaphore, #tpu.memory_space<semaphore_mem>>) src(%arg9 : memref<80x128xf32, #tpu.memory_space<vmem>>) dst(%dma_wait3A_58 : memref<10000x128xf32, #tpu.memory_space<vmem_shared>>)
    %barrier3A_59 = arith.constant 0 : index
    tpu.barrier barrier_id(%barrier3A_59)
    %lt3A_60 = arith.constant 15 : i32
    %lt3A_61 = arith.cmpi slt, %arg1, %lt3A_60 : i32
    %convert_element_type3A_62 = arith.extui %lt3A_61 : i1 to i32
    %cond3A_63 = arith.constant 0 : i32
    %cond3A_64 = arith.cmpi ne, %convert_element_type3A_62, %cond3A_63 : i32
    scf.if %cond3A_64 {
      %mul3A_70 = arith.constant 640 : i32
      %mul3A_71 = arith.muli %arg1, %mul3A_70 : i32
      %mul3A_72 = arith.constant 640 : i32
      %mul3A_73 = arith.muli %arg1, %mul3A_72 : i32
      "tpu.region"() ({
        %run_scoped3A = tpu.sem_alloc : memref<!tpu.dma_semaphore, #tpu.memory_space<semaphore_mem>>
        %dma_start3A_74 = arith.constant 0 : i32
        %dma_start3A_75 = arith.constant 0 : i32
        %dma_start3A_76 = tpu.memref_slice %arg5[%arg0, %dma_start3A_74, %dma_start3A_75] : memref<2x10000x128xf32, #tpu.memory_space<hbm>> -> memref<1x10000x128xf32, #tpu.memory_space<hbm>>
        %dma_start3A_77 = tpu.memref_squeeze %dma_start3A_76 : memref<1x10000x128xf32, #tpu.memory_space<hbm>> -> memref<10000x128xf32, #tpu.memory_space<hbm>>
        %dma_start3A_78 = arith.constant 0 : i32
        %dma_start3A_79 = tpu.memref_slice %dma_start3A_77[%mul3A_73, %dma_start3A_78] : memref<10000x128xf32, #tpu.memory_space<hbm>> -> memref<640x128xf32, #tpu.memory_space<hbm>>
        %dma_start3A_80 = arith.constant 0 : i32
        %dma_start3A_81 = tpu.memref_slice %arg12[%mul3A_71, %dma_start3A_80] : memref<10000x128xf32, #tpu.memory_space<vmem_shared>> -> memref<640x128xf32, #tpu.memory_space<vmem_shared>>
        tpu.enqueue_dma source(%dma_start3A_81 : memref<640x128xf32, #tpu.memory_space<vmem_shared>>) target(%dma_start3A_79 : memref<640x128xf32, #tpu.memory_space<hbm>>) target_semaphore(%run_scoped3A : memref<!tpu.dma_semaphore, #tpu.memory_space<semaphore_mem>>)
        %dma_wait3A_82 = arith.constant 0 : i32
        %dma_wait3A_83 = arith.constant 0 : i32
        %dma_wait3A_84 = tpu.memref_slice %arg5[%arg0, %dma_wait3A_82, %dma_wait3A_83] : memref<2x10000x128xf32, #tpu.memory_space<hbm>> -> memref<1x10000x128xf32, #tpu.memory_space<hbm>>
        %dma_wait3A_85 = tpu.memref_squeeze %dma_wait3A_84 : memref<1x10000x128xf32, #tpu.memory_space<hbm>> -> memref<10000x128xf32, #tpu.memory_space<hbm>>
        %dma_wait3A_86 = arith.constant 0 : i32
        %dma_wait3A_87 = tpu.memref_slice %dma_wait3A_85[%mul3A_73, %dma_wait3A_86] : memref<10000x128xf32, #tpu.memory_space<hbm>> -> memref<640x128xf32, #tpu.memory_space<hbm>>
        %dma_wait3A_88 = arith.constant 0 : i32
        %dma_wait3A_89 = tpu.memref_slice %arg12[%mul3A_71, %dma_wait3A_88] : memref<10000x128xf32, #tpu.memory_space<vmem_shared>> -> memref<640x128xf32, #tpu.memory_space<vmem_shared>>
        tpu.wait_dma2 semaphore(%run_scoped3A : memref<!tpu.dma_semaphore, #tpu.memory_space<semaphore_mem>>) src(%dma_wait3A_89 : memref<640x128xf32, #tpu.memory_space<vmem_shared>>) dst(%dma_wait3A_87 : memref<640x128xf32, #tpu.memory_space<hbm>>)
        tpu.yield
      }) : () -> ()
    } else {
    }
    %eq3A_65 = arith.constant 15 : i32
    %eq3A_66 = arith.cmpi eq, %arg1, %eq3A_65 : i32
    %convert_element_type3A_67 = arith.extui %eq3A_66 : i1 to i32
    %cond3A_68 = arith.constant 0 : i32
    %cond3A_69 = arith.cmpi ne, %convert_element_type3A_67, %cond3A_68 : i32
    scf.if %cond3A_69 {
      "tpu.region"() ({
        %run_scoped3A = tpu.sem_alloc : memref<!tpu.dma_semaphore, #tpu.memory_space<semaphore_mem>>
        %dma_start3A_70 = arith.constant 0 : i32
        %dma_start3A_71 = arith.constant 0 : i32
        %dma_start3A_72 = tpu.memref_slice %arg5[%arg0, %dma_start3A_70, %dma_start3A_71] : memref<2x10000x128xf32, #tpu.memory_space<hbm>> -> memref<1x10000x128xf32, #tpu.memory_space<hbm>>
        %dma_start3A_73 = tpu.memref_squeeze %dma_start3A_72 : memref<1x10000x128xf32, #tpu.memory_space<hbm>> -> memref<10000x128xf32, #tpu.memory_space<hbm>>
        %dma_start3A_74 = arith.constant 9600 : i32
        %dma_start3A_75 = arith.constant 0 : i32
        %dma_start3A_76 = tpu.memref_slice %dma_start3A_73[%dma_start3A_74, %dma_start3A_75] : memref<10000x128xf32, #tpu.memory_space<hbm>> -> memref<400x128xf32, #tpu.memory_space<hbm>>
        %dma_start3A_77 = arith.constant 9600 : i32
        %dma_start3A_78 = arith.constant 0 : i32
        %dma_start3A_79 = tpu.memref_slice %arg12[%dma_start3A_77, %dma_start3A_78] : memref<10000x128xf32, #tpu.memory_space<vmem_shared>> -> memref<400x128xf32, #tpu.memory_space<vmem_shared>>
        tpu.enqueue_dma source(%dma_start3A_79 : memref<400x128xf32, #tpu.memory_space<vmem_shared>>) target(%dma_start3A_76 : memref<400x128xf32, #tpu.memory_space<hbm>>) target_semaphore(%run_scoped3A : memref<!tpu.dma_semaphore, #tpu.memory_space<semaphore_mem>>)
        %dma_wait3A_80 = arith.constant 0 : i32
        %dma_wait3A_81 = arith.constant 0 : i32
        %dma_wait3A_82 = tpu.memref_slice %arg5[%arg0, %dma_wait3A_80, %dma_wait3A_81] : memref<2x10000x128xf32, #tpu.memory_space<hbm>> -> memref<1x10000x128xf32, #tpu.memory_space<hbm>>
        %dma_wait3A_83 = tpu.memref_squeeze %dma_wait3A_82 : memref<1x10000x128xf32, #tpu.memory_space<hbm>> -> memref<10000x128xf32, #tpu.memory_space<hbm>>
        %dma_wait3A_84 = arith.constant 9600 : i32
        %dma_wait3A_85 = arith.constant 0 : i32
        %dma_wait3A_86 = tpu.memref_slice %dma_wait3A_83[%dma_wait3A_84, %dma_wait3A_85] : memref<10000x128xf32, #tpu.memory_space<hbm>> -> memref<400x128xf32, #tpu.memory_space<hbm>>
        %dma_wait3A_87 = arith.constant 9600 : i32
        %dma_wait3A_88 = arith.constant 0 : i32
        %dma_wait3A_89 = tpu.memref_slice %arg12[%dma_wait3A_87, %dma_wait3A_88] : memref<10000x128xf32, #tpu.memory_space<vmem_shared>> -> memref<400x128xf32, #tpu.memory_space<vmem_shared>>
        tpu.wait_dma2 semaphore(%run_scoped3A : memref<!tpu.dma_semaphore, #tpu.memory_space<semaphore_mem>>) src(%dma_wait3A_89 : memref<400x128xf32, #tpu.memory_space<vmem_shared>>) dst(%dma_wait3A_86 : memref<400x128xf32, #tpu.memory_space<hbm>>)
        tpu.yield
      }) : () -> ()
    } else {
    }
    return
  }
}

#map = affine_map<(d0, d1) -> (0, 0)>
#map1 = affine_map<(d0, d1) -> (0, 0, 0, 0)>
#map2 = affine_map<(d0, d1) -> (0, 0, 0)>
module attributes {stable_mosaic.version = 14 : i64} {
  func.func @_edge_body(%arg0: i32, %arg1: i32, %arg2: memref<10000x128xf32, #tpu.memory_space<hbm>>, %arg3: memref<32x5x25x80xi32, #tpu.memory_space<hbm>>, %arg4: memref<32x5x25x80xi32, #tpu.memory_space<hbm>>, %arg5: memref<10000x128xf32, #tpu.memory_space<hbm>>, %arg6: memref<2x10000x128xf32, #tpu.memory_space<hbm>>, %arg7: memref<25x80xi32, #tpu.memory_space<vmem>>, %arg8: memref<25x80xi32, #tpu.memory_space<vmem>>, %arg9: memref<80xi32, #tpu.memory_space<vmem>>, %arg10: memref<80xi32, #tpu.memory_space<vmem>>, %arg11: memref<80xi32, #tpu.memory_space<vmem>>, %arg12: memref<80xi32, #tpu.memory_space<vmem>>, %arg13: memref<80xi32, #tpu.memory_space<vmem>>, %arg14: memref<80xi32, #tpu.memory_space<vmem>>, %arg15: memref<80x128xf32, #tpu.memory_space<vmem>>, %arg16: memref<80x128xf32, #tpu.memory_space<vmem>>, %arg17: memref<80x128xf32, #tpu.memory_space<vmem>>, %arg18: memref<!tpu.dma_semaphore, #tpu.memory_space<semaphore_mem>>, %arg19: memref<!tpu.dma_semaphore, #tpu.memory_space<semaphore_mem>>, %arg20: memref<!tpu.dma_semaphore, #tpu.memory_space<semaphore_mem>>, %arg21: memref<!tpu.dma_semaphore, #tpu.memory_space<semaphore_mem>>, %arg22: memref<!tpu.dma_semaphore, #tpu.memory_space<semaphore_mem>>, %arg23: memref<!tpu.dma_semaphore, #tpu.memory_space<semaphore_mem>>, %arg24: memref<10000x128xf32, #tpu.memory_space<vmem_shared>>) attributes {dimension_semantics = [#tpu.dimension_semantics<core_parallel>, #tpu.dimension_semantics<subcore_parallel>], iteration_bounds = array<i64: 2, 16>, scalar_prefetch = 0 : i64, scratch_operands = 18 : i64, tpu.core_type = #tpu.core_type<sc_vector_subcore>, window_params = [{transform_indices = #map}, {transform_indices = #map1}, {transform_indices = #map1}, {transform_indices = #map}, {transform_indices = #map2}]} {
    %mul3A = arith.constant 16 : i32
    %mul3A_0 = arith.muli %arg0, %mul3A : i32
    %add3A = arith.addi %mul3A_0, %arg1 : i32
    %lt3A = arith.constant 15 : i32
    %lt3A_1 = arith.cmpi slt, %arg1, %lt3A : i32
    %convert_element_type3A = arith.extui %lt3A_1 : i1 to i32
    %cond3A = arith.constant 0 : i32
    %cond3A_2 = arith.cmpi ne, %convert_element_type3A, %cond3A : i32
    scf.if %cond3A_2 {
      %mul3A_23 = arith.constant 640 : i32
      %mul3A_24 = arith.muli %arg1, %mul3A_23 : i32
      %mul3A_25 = arith.constant 640 : i32
      %mul3A_26 = arith.muli %arg1, %mul3A_25 : i32
      "tpu.region"() ({
        %run_scoped3A = tpu.sem_alloc : memref<!tpu.dma_semaphore, #tpu.memory_space<semaphore_mem>>
        %dma_start3A = arith.constant 0 : i32
        %dma_start3A_27 = tpu.memref_slice %arg24[%mul3A_26, %dma_start3A] : memref<10000x128xf32, #tpu.memory_space<vmem_shared>> -> memref<640x128xf32, #tpu.memory_space<vmem_shared>>
        %dma_start3A_28 = arith.constant 0 : i32
        %dma_start3A_29 = tpu.memref_slice %arg5[%mul3A_24, %dma_start3A_28] : memref<10000x128xf32, #tpu.memory_space<hbm>> -> memref<640x128xf32, #tpu.memory_space<hbm>>
        tpu.enqueue_dma source(%dma_start3A_29 : memref<640x128xf32, #tpu.memory_space<hbm>>) target(%dma_start3A_27 : memref<640x128xf32, #tpu.memory_space<vmem_shared>>) target_semaphore(%run_scoped3A : memref<!tpu.dma_semaphore, #tpu.memory_space<semaphore_mem>>)
        %dma_wait3A = arith.constant 0 : i32
        %dma_wait3A_30 = tpu.memref_slice %arg24[%mul3A_26, %dma_wait3A] : memref<10000x128xf32, #tpu.memory_space<vmem_shared>> -> memref<640x128xf32, #tpu.memory_space<vmem_shared>>
        %dma_wait3A_31 = arith.constant 0 : i32
        %dma_wait3A_32 = tpu.memref_slice %arg5[%mul3A_24, %dma_wait3A_31] : memref<10000x128xf32, #tpu.memory_space<hbm>> -> memref<640x128xf32, #tpu.memory_space<hbm>>
        tpu.wait_dma2 semaphore(%run_scoped3A : memref<!tpu.dma_semaphore, #tpu.memory_space<semaphore_mem>>) src(%dma_wait3A_32 : memref<640x128xf32, #tpu.memory_space<hbm>>) dst(%dma_wait3A_30 : memref<640x128xf32, #tpu.memory_space<vmem_shared>>)
        tpu.yield
      }) : () -> ()
    } else {
    }
    %eq3A = arith.constant 15 : i32
    %eq3A_3 = arith.cmpi eq, %arg1, %eq3A : i32
    %convert_element_type3A_4 = arith.extui %eq3A_3 : i1 to i32
    %cond3A_5 = arith.constant 0 : i32
    %cond3A_6 = arith.cmpi ne, %convert_element_type3A_4, %cond3A_5 : i32
    scf.if %cond3A_6 {
      "tpu.region"() ({
        %run_scoped3A = tpu.sem_alloc : memref<!tpu.dma_semaphore, #tpu.memory_space<semaphore_mem>>
        %dma_start3A = arith.constant 9600 : i32
        %dma_start3A_23 = arith.constant 0 : i32
        %dma_start3A_24 = tpu.memref_slice %arg24[%dma_start3A, %dma_start3A_23] : memref<10000x128xf32, #tpu.memory_space<vmem_shared>> -> memref<400x128xf32, #tpu.memory_space<vmem_shared>>
        %dma_start3A_25 = arith.constant 9600 : i32
        %dma_start3A_26 = arith.constant 0 : i32
        %dma_start3A_27 = tpu.memref_slice %arg5[%dma_start3A_25, %dma_start3A_26] : memref<10000x128xf32, #tpu.memory_space<hbm>> -> memref<400x128xf32, #tpu.memory_space<hbm>>
        tpu.enqueue_dma source(%dma_start3A_27 : memref<400x128xf32, #tpu.memory_space<hbm>>) target(%dma_start3A_24 : memref<400x128xf32, #tpu.memory_space<vmem_shared>>) target_semaphore(%run_scoped3A : memref<!tpu.dma_semaphore, #tpu.memory_space<semaphore_mem>>)
        %dma_wait3A = arith.constant 9600 : i32
        %dma_wait3A_28 = arith.constant 0 : i32
        %dma_wait3A_29 = tpu.memref_slice %arg24[%dma_wait3A, %dma_wait3A_28] : memref<10000x128xf32, #tpu.memory_space<vmem_shared>> -> memref<400x128xf32, #tpu.memory_space<vmem_shared>>
        %dma_wait3A_30 = arith.constant 9600 : i32
        %dma_wait3A_31 = arith.constant 0 : i32
        %dma_wait3A_32 = tpu.memref_slice %arg5[%dma_wait3A_30, %dma_wait3A_31] : memref<10000x128xf32, #tpu.memory_space<hbm>> -> memref<400x128xf32, #tpu.memory_space<hbm>>
        tpu.wait_dma2 semaphore(%run_scoped3A : memref<!tpu.dma_semaphore, #tpu.memory_space<semaphore_mem>>) src(%dma_wait3A_32 : memref<400x128xf32, #tpu.memory_space<hbm>>) dst(%dma_wait3A_29 : memref<400x128xf32, #tpu.memory_space<vmem_shared>>)
        tpu.yield
      }) : () -> ()
    } else {
    }
    %barrier3A = arith.constant 0 : index
    tpu.barrier barrier_id(%barrier3A)
    %scan3A = arith.constant 0 : i32
    %scan3A_7 = arith.constant 0 : i32
    %scan3A_8 = arith.constant 5 : i32
    %scan3A_9 = arith.addi %scan3A_7, %scan3A_8 : i32
    %scan3A_10 = arith.constant 1 : i32
    scf.for %scan3A_23 = %scan3A_7 to %scan3A_9 step %scan3A_10  : i32 {
      "tpu.region"() ({
        %run_scoped3A = tpu.sem_alloc : memref<!tpu.dma_semaphore, #tpu.memory_space<semaphore_mem>>
        %dma_start3A_179 = arith.constant 0 : i32
        %dma_start3A_180 = arith.constant 0 : i32
        %dma_start3A_181 = tpu.memref_slice %arg3[%add3A, %scan3A_23, %dma_start3A_179, %dma_start3A_180] : memref<32x5x25x80xi32, #tpu.memory_space<hbm>> -> memref<1x1x25x80xi32, #tpu.memory_space<hbm>>
        %dma_start3A_182 = tpu.memref_squeeze %dma_start3A_181 : memref<1x1x25x80xi32, #tpu.memory_space<hbm>> -> memref<25x80xi32, #tpu.memory_space<hbm>>
        %dma_start3A_183 = arith.constant 0 : i32
        %dma_start3A_184 = arith.constant 0 : i32
        %dma_start3A_185 = tpu.memref_slice %arg3[%add3A, %scan3A_23, %dma_start3A_183, %dma_start3A_184] : memref<32x5x25x80xi32, #tpu.memory_space<hbm>> -> memref<1x1x25x80xi32, #tpu.memory_space<hbm>>
        %dma_start3A_186 = tpu.memref_squeeze %dma_start3A_185 : memref<1x1x25x80xi32, #tpu.memory_space<hbm>> -> memref<25x80xi32, #tpu.memory_space<hbm>>
        tpu.enqueue_dma source(%dma_start3A_186 : memref<25x80xi32, #tpu.memory_space<hbm>>) target(%arg7 : memref<25x80xi32, #tpu.memory_space<vmem>>) target_semaphore(%run_scoped3A : memref<!tpu.dma_semaphore, #tpu.memory_space<semaphore_mem>>)
        %dma_wait3A_187 = arith.constant 0 : i32
        %dma_wait3A_188 = arith.constant 0 : i32
        %dma_wait3A_189 = tpu.memref_slice %arg3[%add3A, %scan3A_23, %dma_wait3A_187, %dma_wait3A_188] : memref<32x5x25x80xi32, #tpu.memory_space<hbm>> -> memref<1x1x25x80xi32, #tpu.memory_space<hbm>>
        %dma_wait3A_190 = tpu.memref_squeeze %dma_wait3A_189 : memref<1x1x25x80xi32, #tpu.memory_space<hbm>> -> memref<25x80xi32, #tpu.memory_space<hbm>>
        %dma_wait3A_191 = arith.constant 0 : i32
        %dma_wait3A_192 = arith.constant 0 : i32
        %dma_wait3A_193 = tpu.memref_slice %arg3[%add3A, %scan3A_23, %dma_wait3A_191, %dma_wait3A_192] : memref<32x5x25x80xi32, #tpu.memory_space<hbm>> -> memref<1x1x25x80xi32, #tpu.memory_space<hbm>>
        %dma_wait3A_194 = tpu.memref_squeeze %dma_wait3A_193 : memref<1x1x25x80xi32, #tpu.memory_space<hbm>> -> memref<25x80xi32, #tpu.memory_space<hbm>>
        tpu.wait_dma2 semaphore(%run_scoped3A : memref<!tpu.dma_semaphore, #tpu.memory_space<semaphore_mem>>) src(%dma_wait3A_194 : memref<25x80xi32, #tpu.memory_space<hbm>>) dst(%arg7 : memref<25x80xi32, #tpu.memory_space<vmem>>)
        tpu.yield
      }) : () -> ()
      "tpu.region"() ({
        %run_scoped3A = tpu.sem_alloc : memref<!tpu.dma_semaphore, #tpu.memory_space<semaphore_mem>>
        %dma_start3A_179 = arith.constant 0 : i32
        %dma_start3A_180 = arith.constant 0 : i32
        %dma_start3A_181 = tpu.memref_slice %arg4[%add3A, %scan3A_23, %dma_start3A_179, %dma_start3A_180] : memref<32x5x25x80xi32, #tpu.memory_space<hbm>> -> memref<1x1x25x80xi32, #tpu.memory_space<hbm>>
        %dma_start3A_182 = tpu.memref_squeeze %dma_start3A_181 : memref<1x1x25x80xi32, #tpu.memory_space<hbm>> -> memref<25x80xi32, #tpu.memory_space<hbm>>
        %dma_start3A_183 = arith.constant 0 : i32
        %dma_start3A_184 = arith.constant 0 : i32
        %dma_start3A_185 = tpu.memref_slice %arg4[%add3A, %scan3A_23, %dma_start3A_183, %dma_start3A_184] : memref<32x5x25x80xi32, #tpu.memory_space<hbm>> -> memref<1x1x25x80xi32, #tpu.memory_space<hbm>>
        %dma_start3A_186 = tpu.memref_squeeze %dma_start3A_185 : memref<1x1x25x80xi32, #tpu.memory_space<hbm>> -> memref<25x80xi32, #tpu.memory_space<hbm>>
        tpu.enqueue_dma source(%dma_start3A_186 : memref<25x80xi32, #tpu.memory_space<hbm>>) target(%arg8 : memref<25x80xi32, #tpu.memory_space<vmem>>) target_semaphore(%run_scoped3A : memref<!tpu.dma_semaphore, #tpu.memory_space<semaphore_mem>>)
        %dma_wait3A_187 = arith.constant 0 : i32
        %dma_wait3A_188 = arith.constant 0 : i32
        %dma_wait3A_189 = tpu.memref_slice %arg4[%add3A, %scan3A_23, %dma_wait3A_187, %dma_wait3A_188] : memref<32x5x25x80xi32, #tpu.memory_space<hbm>> -> memref<1x1x25x80xi32, #tpu.memory_space<hbm>>
        %dma_wait3A_190 = tpu.memref_squeeze %dma_wait3A_189 : memref<1x1x25x80xi32, #tpu.memory_space<hbm>> -> memref<25x80xi32, #tpu.memory_space<hbm>>
        %dma_wait3A_191 = arith.constant 0 : i32
        %dma_wait3A_192 = arith.constant 0 : i32
        %dma_wait3A_193 = tpu.memref_slice %arg4[%add3A, %scan3A_23, %dma_wait3A_191, %dma_wait3A_192] : memref<32x5x25x80xi32, #tpu.memory_space<hbm>> -> memref<1x1x25x80xi32, #tpu.memory_space<hbm>>
        %dma_wait3A_194 = tpu.memref_squeeze %dma_wait3A_193 : memref<1x1x25x80xi32, #tpu.memory_space<hbm>> -> memref<25x80xi32, #tpu.memory_space<hbm>>
        tpu.wait_dma2 semaphore(%run_scoped3A : memref<!tpu.dma_semaphore, #tpu.memory_space<semaphore_mem>>) src(%dma_wait3A_194 : memref<25x80xi32, #tpu.memory_space<hbm>>) dst(%arg8 : memref<25x80xi32, #tpu.memory_space<vmem>>)
        tpu.yield
      }) : () -> ()
      %get3A = arith.constant 0 : i32
      %get3A_24 = arith.index_cast %get3A : i32 to index
      %get3A_25 = arith.constant 0 : index
      %get3A_26 = tpu.vector_load %arg7[%get3A_24, %get3A_25] {strides = array<i32>} : memref<25x80xi32, #tpu.memory_space<vmem>>, vector<1x16xi32>,
      %get3A_27 = vector.shape_cast %get3A_26 : vector<1x16xi32> to vector<16xi32>
      %swap3A = arith.constant 0 : index
      %swap3A_28 = tpu.vector_load %arg9[%swap3A] {strides = array<i32>} : memref<80xi32, #tpu.memory_space<vmem>>, vector<16xi32>,
      %swap3A_29 = vector.shape_cast %swap3A_28 : vector<16xi32> to vector<16xi32>
      %swap3A_30 = vector.shape_cast %get3A_27 : vector<16xi32> to vector<16xi32>
      tpu.vector_store %arg9[%swap3A], %swap3A_30 {strides = array<i32>} : memref<80xi32, #tpu.memory_space<vmem>>, vector<16xi32>,
      %get3A_31 = arith.constant 0 : i32
      %get3A_32 = arith.index_cast %get3A_31 : i32 to index
      %get3A_33 = arith.constant 16 : index
      %get3A_34 = tpu.vector_load %arg7[%get3A_32, %get3A_33] {strides = array<i32>} : memref<25x80xi32, #tpu.memory_space<vmem>>, vector<1x16xi32>,
      %get3A_35 = vector.shape_cast %get3A_34 : vector<1x16xi32> to vector<16xi32>
      %swap3A_36 = arith.constant 16 : index
      %swap3A_37 = tpu.vector_load %arg9[%swap3A_36] {strides = array<i32>} : memref<80xi32, #tpu.memory_space<vmem>>, vector<16xi32>,
      %swap3A_38 = vector.shape_cast %swap3A_37 : vector<16xi32> to vector<16xi32>
      %swap3A_39 = vector.shape_cast %get3A_35 : vector<16xi32> to vector<16xi32>
      tpu.vector_store %arg9[%swap3A_36], %swap3A_39 {strides = array<i32>} : memref<80xi32, #tpu.memory_space<vmem>>, vector<16xi32>,
      %get3A_40 = arith.constant 0 : i32
      %get3A_41 = arith.index_cast %get3A_40 : i32 to index
      %get3A_42 = arith.constant 32 : index
      %get3A_43 = tpu.vector_load %arg7[%get3A_41, %get3A_42] {strides = array<i32>} : memref<25x80xi32, #tpu.memory_space<vmem>>, vector<1x16xi32>,
      %get3A_44 = vector.shape_cast %get3A_43 : vector<1x16xi32> to vector<16xi32>
      %swap3A_45 = arith.constant 32 : index
      %swap3A_46 = tpu.vector_load %arg9[%swap3A_45] {strides = array<i32>} : memref<80xi32, #tpu.memory_space<vmem>>, vector<16xi32>,
      %swap3A_47 = vector.shape_cast %swap3A_46 : vector<16xi32> to vector<16xi32>
      %swap3A_48 = vector.shape_cast %get3A_44 : vector<16xi32> to vector<16xi32>
      tpu.vector_store %arg9[%swap3A_45], %swap3A_48 {strides = array<i32>} : memref<80xi32, #tpu.memory_space<vmem>>, vector<16xi32>,
      %get3A_49 = arith.constant 0 : i32
      %get3A_50 = arith.index_cast %get3A_49 : i32 to index
      %get3A_51 = arith.constant 48 : index
      %get3A_52 = tpu.vector_load %arg7[%get3A_50, %get3A_51] {strides = array<i32>} : memref<25x80xi32, #tpu.memory_space<vmem>>, vector<1x16xi32>,
      %get3A_53 = vector.shape_cast %get3A_52 : vector<1x16xi32> to vector<16xi32>
      %swap3A_54 = arith.constant 48 : index
      %swap3A_55 = tpu.vector_load %arg9[%swap3A_54] {strides = array<i32>} : memref<80xi32, #tpu.memory_space<vmem>>, vector<16xi32>,
      %swap3A_56 = vector.shape_cast %swap3A_55 : vector<16xi32> to vector<16xi32>
      %swap3A_57 = vector.shape_cast %get3A_53 : vector<16xi32> to vector<16xi32>
      tpu.vector_store %arg9[%swap3A_54], %swap3A_57 {strides = array<i32>} : memref<80xi32, #tpu.memory_space<vmem>>, vector<16xi32>,
      %get3A_58 = arith.constant 0 : i32
      %get3A_59 = arith.index_cast %get3A_58 : i32 to index
      %get3A_60 = arith.constant 64 : index
      %get3A_61 = tpu.vector_load %arg7[%get3A_59, %get3A_60] {strides = array<i32>} : memref<25x80xi32, #tpu.memory_space<vmem>>, vector<1x16xi32>,
      %get3A_62 = vector.shape_cast %get3A_61 : vector<1x16xi32> to vector<16xi32>
      %swap3A_63 = arith.constant 64 : index
      %swap3A_64 = tpu.vector_load %arg9[%swap3A_63] {strides = array<i32>} : memref<80xi32, #tpu.memory_space<vmem>>, vector<16xi32>,
      %swap3A_65 = vector.shape_cast %swap3A_64 : vector<16xi32> to vector<16xi32>
      %swap3A_66 = vector.shape_cast %get3A_62 : vector<16xi32> to vector<16xi32>
      tpu.vector_store %arg9[%swap3A_63], %swap3A_66 {strides = array<i32>} : memref<80xi32, #tpu.memory_space<vmem>>, vector<16xi32>,
      %dma_start3A = arith.constant 0 : i32
      %dma_start3A_67 = arith.constant 0 : i32
      %dma_start3A_68 = tpu.memref_slice %arg2[%dma_start3A, %dma_start3A_67] : memref<10000x128xf32, #tpu.memory_space<hbm>> -> memref<10000x128xf32, #tpu.memory_space<hbm>>
      tpu.enqueue_indirect_dma source(%dma_start3A_68 : memref<10000x128xf32, #tpu.memory_space<hbm>>) target(%arg15 : memref<80x128xf32, #tpu.memory_space<vmem>>) offsets(%arg9 : memref<80xi32, #tpu.memory_space<vmem>>) semaphore(%arg18 : memref<!tpu.dma_semaphore, #tpu.memory_space<semaphore_mem>>)
      %get3A_69 = arith.constant 1 : i32
      %get3A_70 = arith.index_cast %get3A_69 : i32 to index
      %get3A_71 = arith.constant 0 : index
      %get3A_72 = tpu.vector_load %arg7[%get3A_70, %get3A_71] {strides = array<i32>} : memref<25x80xi32, #tpu.memory_space<vmem>>, vector<1x16xi32>,
      %get3A_73 = vector.shape_cast %get3A_72 : vector<1x16xi32> to vector<16xi32>
      %swap3A_74 = arith.constant 0 : index
      %swap3A_75 = tpu.vector_load %arg10[%swap3A_74] {strides = array<i32>} : memref<80xi32, #tpu.memory_space<vmem>>, vector<16xi32>,
      %swap3A_76 = vector.shape_cast %swap3A_75 : vector<16xi32> to vector<16xi32>
      %swap3A_77 = vector.shape_cast %get3A_73 : vector<16xi32> to vector<16xi32>
      tpu.vector_store %arg10[%swap3A_74], %swap3A_77 {strides = array<i32>} : memref<80xi32, #tpu.memory_space<vmem>>, vector<16xi32>,
      %get3A_78 = arith.constant 1 : i32
      %get3A_79 = arith.index_cast %get3A_78 : i32 to index
      %get3A_80 = arith.constant 16 : index
      %get3A_81 = tpu.vector_load %arg7[%get3A_79, %get3A_80] {strides = array<i32>} : memref<25x80xi32, #tpu.memory_space<vmem>>, vector<1x16xi32>,
      %get3A_82 = vector.shape_cast %get3A_81 : vector<1x16xi32> to vector<16xi32>
      %swap3A_83 = arith.constant 16 : index
      %swap3A_84 = tpu.vector_load %arg10[%swap3A_83] {strides = array<i32>} : memref<80xi32, #tpu.memory_space<vmem>>, vector<16xi32>,
      %swap3A_85 = vector.shape_cast %swap3A_84 : vector<16xi32> to vector<16xi32>
      %swap3A_86 = vector.shape_cast %get3A_82 : vector<16xi32> to vector<16xi32>
      tpu.vector_store %arg10[%swap3A_83], %swap3A_86 {strides = array<i32>} : memref<80xi32, #tpu.memory_space<vmem>>, vector<16xi32>,
      %get3A_87 = arith.constant 1 : i32
      %get3A_88 = arith.index_cast %get3A_87 : i32 to index
      %get3A_89 = arith.constant 32 : index
      %get3A_90 = tpu.vector_load %arg7[%get3A_88, %get3A_89] {strides = array<i32>} : memref<25x80xi32, #tpu.memory_space<vmem>>, vector<1x16xi32>,
      %get3A_91 = vector.shape_cast %get3A_90 : vector<1x16xi32> to vector<16xi32>
      %swap3A_92 = arith.constant 32 : index
      %swap3A_93 = tpu.vector_load %arg10[%swap3A_92] {strides = array<i32>} : memref<80xi32, #tpu.memory_space<vmem>>, vector<16xi32>,
      %swap3A_94 = vector.shape_cast %swap3A_93 : vector<16xi32> to vector<16xi32>
      %swap3A_95 = vector.shape_cast %get3A_91 : vector<16xi32> to vector<16xi32>
      tpu.vector_store %arg10[%swap3A_92], %swap3A_95 {strides = array<i32>} : memref<80xi32, #tpu.memory_space<vmem>>, vector<16xi32>,
      %get3A_96 = arith.constant 1 : i32
      %get3A_97 = arith.index_cast %get3A_96 : i32 to index
      %get3A_98 = arith.constant 48 : index
      %get3A_99 = tpu.vector_load %arg7[%get3A_97, %get3A_98] {strides = array<i32>} : memref<25x80xi32, #tpu.memory_space<vmem>>, vector<1x16xi32>,
      %get3A_100 = vector.shape_cast %get3A_99 : vector<1x16xi32> to vector<16xi32>
      %swap3A_101 = arith.constant 48 : index
      %swap3A_102 = tpu.vector_load %arg10[%swap3A_101] {strides = array<i32>} : memref<80xi32, #tpu.memory_space<vmem>>, vector<16xi32>,
      %swap3A_103 = vector.shape_cast %swap3A_102 : vector<16xi32> to vector<16xi32>
      %swap3A_104 = vector.shape_cast %get3A_100 : vector<16xi32> to vector<16xi32>
      tpu.vector_store %arg10[%swap3A_101], %swap3A_104 {strides = array<i32>} : memref<80xi32, #tpu.memory_space<vmem>>, vector<16xi32>,
      %get3A_105 = arith.constant 1 : i32
      %get3A_106 = arith.index_cast %get3A_105 : i32 to index
      %get3A_107 = arith.constant 64 : index
      %get3A_108 = tpu.vector_load %arg7[%get3A_106, %get3A_107] {strides = array<i32>} : memref<25x80xi32, #tpu.memory_space<vmem>>, vector<1x16xi32>,
      %get3A_109 = vector.shape_cast %get3A_108 : vector<1x16xi32> to vector<16xi32>
      %swap3A_110 = arith.constant 64 : index
      %swap3A_111 = tpu.vector_load %arg10[%swap3A_110] {strides = array<i32>} : memref<80xi32, #tpu.memory_space<vmem>>, vector<16xi32>,
      %swap3A_112 = vector.shape_cast %swap3A_111 : vector<16xi32> to vector<16xi32>
      %swap3A_113 = vector.shape_cast %get3A_109 : vector<16xi32> to vector<16xi32>
      tpu.vector_store %arg10[%swap3A_110], %swap3A_113 {strides = array<i32>} : memref<80xi32, #tpu.memory_space<vmem>>, vector<16xi32>,
      %dma_start3A_114 = arith.constant 0 : i32
      %dma_start3A_115 = arith.constant 0 : i32
      %dma_start3A_116 = tpu.memref_slice %arg2[%dma_start3A_114, %dma_start3A_115] : memref<10000x128xf32, #tpu.memory_space<hbm>> -> memref<10000x128xf32, #tpu.memory_space<hbm>>
      tpu.enqueue_indirect_dma source(%dma_start3A_116 : memref<10000x128xf32, #tpu.memory_space<hbm>>) target(%arg16 : memref<80x128xf32, #tpu.memory_space<vmem>>) offsets(%arg10 : memref<80xi32, #tpu.memory_space<vmem>>) semaphore(%arg19 : memref<!tpu.dma_semaphore, #tpu.memory_space<semaphore_mem>>)
      %scan3A_117 = arith.constant 0 : i32
      %scan3A_118 = arith.constant 0 : i32
      %scan3A_119 = arith.constant 8 : i32
      %scan3A_120 = arith.addi %scan3A_118, %scan3A_119 : i32
      %scan3A_121 = arith.constant 1 : i32
      scf.for %scan3A_179 = %scan3A_118 to %scan3A_120 step %scan3A_121  : i32 {
        %mul3A_180 = arith.constant 3 : i32
        %mul3A_181 = arith.muli %scan3A_179, %mul3A_180 : i32
        %gt3A = arith.constant 0 : i32
        %gt3A_182 = arith.cmpi sgt, %scan3A_179, %gt3A : i32
        %convert_element_type3A_183 = arith.extui %gt3A_182 : i1 to i32
        %cond3A_184 = arith.constant 0 : i32
        %cond3A_185 = arith.cmpi ne, %convert_element_type3A_183, %cond3A_184 : i32
        scf.if %cond3A_185 {
          %dma_wait3A_429 = arith.constant 0 : i32
          %dma_wait3A_430 = arith.constant 0 : i32
          %dma_wait3A_431 = tpu.memref_slice %arg24[%dma_wait3A_429, %dma_wait3A_430] : memref<10000x128xf32, #tpu.memory_space<vmem_shared>> -> memref<10000x128xf32, #tpu.memory_space<vmem_shared>>
          tpu.wait_indirect_dma semaphore(%arg23 : memref<!tpu.dma_semaphore, #tpu.memory_space<semaphore_mem>>) src(%arg17 : memref<80x128xf32, #tpu.memory_space<vmem>>) dst(%dma_wait3A_431 : memref<10000x128xf32, #tpu.memory_space<vmem_shared>>)
        } else {
        }
        %add3A_186 = arith.constant 2 : i32
        %add3A_187 = arith.addi %mul3A_181, %add3A_186 : i32
        %get3A_188 = arith.index_cast %add3A_187 : i32 to index
        %get3A_189 = arith.constant 0 : index
        %get3A_190 = tpu.vector_load %arg7[%get3A_188, %get3A_189] {strides = array<i32>} : memref<25x80xi32, #tpu.memory_space<vmem>>, vector<1x16xi32>,
        %get3A_191 = vector.shape_cast %get3A_190 : vector<1x16xi32> to vector<16xi32>
        %swap3A_192 = arith.constant 0 : index
        %swap3A_193 = tpu.vector_load %arg11[%swap3A_192] {strides = array<i32>} : memref<80xi32, #tpu.memory_space<vmem>>, vector<16xi32>,
        %swap3A_194 = vector.shape_cast %swap3A_193 : vector<16xi32> to vector<16xi32>
        %swap3A_195 = vector.shape_cast %get3A_191 : vector<16xi32> to vector<16xi32>
        tpu.vector_store %arg11[%swap3A_192], %swap3A_195 {strides = array<i32>} : memref<80xi32, #tpu.memory_space<vmem>>, vector<16xi32>,
        %get3A_196 = arith.index_cast %add3A_187 : i32 to index
        %get3A_197 = arith.constant 16 : index
        %get3A_198 = tpu.vector_load %arg7[%get3A_196, %get3A_197] {strides = array<i32>} : memref<25x80xi32, #tpu.memory_space<vmem>>, vector<1x16xi32>,
        %get3A_199 = vector.shape_cast %get3A_198 : vector<1x16xi32> to vector<16xi32>
        %swap3A_200 = arith.constant 16 : index
        %swap3A_201 = tpu.vector_load %arg11[%swap3A_200] {strides = array<i32>} : memref<80xi32, #tpu.memory_space<vmem>>, vector<16xi32>,
        %swap3A_202 = vector.shape_cast %swap3A_201 : vector<16xi32> to vector<16xi32>
        %swap3A_203 = vector.shape_cast %get3A_199 : vector<16xi32> to vector<16xi32>
        tpu.vector_store %arg11[%swap3A_200], %swap3A_203 {strides = array<i32>} : memref<80xi32, #tpu.memory_space<vmem>>, vector<16xi32>,
        %get3A_204 = arith.index_cast %add3A_187 : i32 to index
        %get3A_205 = arith.constant 32 : index
        %get3A_206 = tpu.vector_load %arg7[%get3A_204, %get3A_205] {strides = array<i32>} : memref<25x80xi32, #tpu.memory_space<vmem>>, vector<1x16xi32>,
        %get3A_207 = vector.shape_cast %get3A_206 : vector<1x16xi32> to vector<16xi32>
        %swap3A_208 = arith.constant 32 : index
        %swap3A_209 = tpu.vector_load %arg11[%swap3A_208] {strides = array<i32>} : memref<80xi32, #tpu.memory_space<vmem>>, vector<16xi32>,
        %swap3A_210 = vector.shape_cast %swap3A_209 : vector<16xi32> to vector<16xi32>
        %swap3A_211 = vector.shape_cast %get3A_207 : vector<16xi32> to vector<16xi32>
        tpu.vector_store %arg11[%swap3A_208], %swap3A_211 {strides = array<i32>} : memref<80xi32, #tpu.memory_space<vmem>>, vector<16xi32>,
        %get3A_212 = arith.index_cast %add3A_187 : i32 to index
        %get3A_213 = arith.constant 48 : index
        %get3A_214 = tpu.vector_load %arg7[%get3A_212, %get3A_213] {strides = array<i32>} : memref<25x80xi32, #tpu.memory_space<vmem>>, vector<1x16xi32>,
        %get3A_215 = vector.shape_cast %get3A_214 : vector<1x16xi32> to vector<16xi32>
        %swap3A_216 = arith.constant 48 : index
        %swap3A_217 = tpu.vector_load %arg11[%swap3A_216] {strides = array<i32>} : memref<80xi32, #tpu.memory_space<vmem>>, vector<16xi32>,
        %swap3A_218 = vector.shape_cast %swap3A_217 : vector<16xi32> to vector<16xi32>
        %swap3A_219 = vector.shape_cast %get3A_215 : vector<16xi32> to vector<16xi32>
        tpu.vector_store %arg11[%swap3A_216], %swap3A_219 {strides = array<i32>} : memref<80xi32, #tpu.memory_space<vmem>>, vector<16xi32>,
        %get3A_220 = arith.index_cast %add3A_187 : i32 to index
        %get3A_221 = arith.constant 64 : index
        %get3A_222 = tpu.vector_load %arg7[%get3A_220, %get3A_221] {strides = array<i32>} : memref<25x80xi32, #tpu.memory_space<vmem>>, vector<1x16xi32>,
        %get3A_223 = vector.shape_cast %get3A_222 : vector<1x16xi32> to vector<16xi32>
        %swap3A_224 = arith.constant 64 : index
        %swap3A_225 = tpu.vector_load %arg11[%swap3A_224] {strides = array<i32>} : memref<80xi32, #tpu.memory_space<vmem>>, vector<16xi32>,
        %swap3A_226 = vector.shape_cast %swap3A_225 : vector<16xi32> to vector<16xi32>
        %swap3A_227 = vector.shape_cast %get3A_223 : vector<16xi32> to vector<16xi32>
        tpu.vector_store %arg11[%swap3A_224], %swap3A_227 {strides = array<i32>} : memref<80xi32, #tpu.memory_space<vmem>>, vector<16xi32>,
        %dma_start3A_228 = arith.constant 0 : i32
        %dma_start3A_229 = arith.constant 0 : i32
        %dma_start3A_230 = tpu.memref_slice %arg2[%dma_start3A_228, %dma_start3A_229] : memref<10000x128xf32, #tpu.memory_space<hbm>> -> memref<10000x128xf32, #tpu.memory_space<hbm>>
        tpu.enqueue_indirect_dma source(%dma_start3A_230 : memref<10000x128xf32, #tpu.memory_space<hbm>>) target(%arg17 : memref<80x128xf32, #tpu.memory_space<vmem>>) offsets(%arg11 : memref<80xi32, #tpu.memory_space<vmem>>) semaphore(%arg20 : memref<!tpu.dma_semaphore, #tpu.memory_space<semaphore_mem>>)
        %dma_wait3A_231 = arith.constant 0 : i32
        %dma_wait3A_232 = arith.constant 0 : i32
        %dma_wait3A_233 = tpu.memref_slice %arg2[%dma_wait3A_231, %dma_wait3A_232] : memref<10000x128xf32, #tpu.memory_space<hbm>> -> memref<10000x128xf32, #tpu.memory_space<hbm>>
        tpu.wait_indirect_dma semaphore(%arg18 : memref<!tpu.dma_semaphore, #tpu.memory_space<semaphore_mem>>) src(%dma_wait3A_233 : memref<10000x128xf32, #tpu.memory_space<hbm>>) dst(%arg15 : memref<80x128xf32, #tpu.memory_space<vmem>>)
        %get3A_234 = arith.index_cast %mul3A_181 : i32 to index
        %get3A_235 = arith.constant 0 : index
        %get3A_236 = tpu.vector_load %arg8[%get3A_234, %get3A_235] {strides = array<i32>} : memref<25x80xi32, #tpu.memory_space<vmem>>, vector<1x16xi32>,
        %get3A_237 = vector.shape_cast %get3A_236 : vector<1x16xi32> to vector<16xi32>
        %swap3A_238 = arith.constant 0 : index
        %swap3A_239 = tpu.vector_load %arg12[%swap3A_238] {strides = array<i32>} : memref<80xi32, #tpu.memory_space<vmem>>, vector<16xi32>,
        %swap3A_240 = vector.shape_cast %swap3A_239 : vector<16xi32> to vector<16xi32>
        %swap3A_241 = vector.shape_cast %get3A_237 : vector<16xi32> to vector<16xi32>
        tpu.vector_store %arg12[%swap3A_238], %swap3A_241 {strides = array<i32>} : memref<80xi32, #tpu.memory_space<vmem>>, vector<16xi32>,
        %get3A_242 = arith.index_cast %mul3A_181 : i32 to index
        %get3A_243 = arith.constant 16 : index
        %get3A_244 = tpu.vector_load %arg8[%get3A_242, %get3A_243] {strides = array<i32>} : memref<25x80xi32, #tpu.memory_space<vmem>>, vector<1x16xi32>,
        %get3A_245 = vector.shape_cast %get3A_244 : vector<1x16xi32> to vector<16xi32>
        %swap3A_246 = arith.constant 16 : index
        %swap3A_247 = tpu.vector_load %arg12[%swap3A_246] {strides = array<i32>} : memref<80xi32, #tpu.memory_space<vmem>>, vector<16xi32>,
        %swap3A_248 = vector.shape_cast %swap3A_247 : vector<16xi32> to vector<16xi32>
        %swap3A_249 = vector.shape_cast %get3A_245 : vector<16xi32> to vector<16xi32>
        tpu.vector_store %arg12[%swap3A_246], %swap3A_249 {strides = array<i32>} : memref<80xi32, #tpu.memory_space<vmem>>, vector<16xi32>,
        %get3A_250 = arith.index_cast %mul3A_181 : i32 to index
        %get3A_251 = arith.constant 32 : index
        %get3A_252 = tpu.vector_load %arg8[%get3A_250, %get3A_251] {strides = array<i32>} : memref<25x80xi32, #tpu.memory_space<vmem>>, vector<1x16xi32>,
        %get3A_253 = vector.shape_cast %get3A_252 : vector<1x16xi32> to vector<16xi32>
        %swap3A_254 = arith.constant 32 : index
        %swap3A_255 = tpu.vector_load %arg12[%swap3A_254] {strides = array<i32>} : memref<80xi32, #tpu.memory_space<vmem>>, vector<16xi32>,
        %swap3A_256 = vector.shape_cast %swap3A_255 : vector<16xi32> to vector<16xi32>
        %swap3A_257 = vector.shape_cast %get3A_253 : vector<16xi32> to vector<16xi32>
        tpu.vector_store %arg12[%swap3A_254], %swap3A_257 {strides = array<i32>} : memref<80xi32, #tpu.memory_space<vmem>>, vector<16xi32>,
        %get3A_258 = arith.index_cast %mul3A_181 : i32 to index
        %get3A_259 = arith.constant 48 : index
        %get3A_260 = tpu.vector_load %arg8[%get3A_258, %get3A_259] {strides = array<i32>} : memref<25x80xi32, #tpu.memory_space<vmem>>, vector<1x16xi32>,
        %get3A_261 = vector.shape_cast %get3A_260 : vector<1x16xi32> to vector<16xi32>
        %swap3A_262 = arith.constant 48 : index
        %swap3A_263 = tpu.vector_load %arg12[%swap3A_262] {strides = array<i32>} : memref<80xi32, #tpu.memory_space<vmem>>, vector<16xi32>,
        %swap3A_264 = vector.shape_cast %swap3A_263 : vector<16xi32> to vector<16xi32>
        %swap3A_265 = vector.shape_cast %get3A_261 : vector<16xi32> to vector<16xi32>
        tpu.vector_store %arg12[%swap3A_262], %swap3A_265 {strides = array<i32>} : memref<80xi32, #tpu.memory_space<vmem>>, vector<16xi32>,
        %get3A_266 = arith.index_cast %mul3A_181 : i32 to index
        %get3A_267 = arith.constant 64 : index
        %get3A_268 = tpu.vector_load %arg8[%get3A_266, %get3A_267] {strides = array<i32>} : memref<25x80xi32, #tpu.memory_space<vmem>>, vector<1x16xi32>,
        %get3A_269 = vector.shape_cast %get3A_268 : vector<1x16xi32> to vector<16xi32>
        %swap3A_270 = arith.constant 64 : index
        %swap3A_271 = tpu.vector_load %arg12[%swap3A_270] {strides = array<i32>} : memref<80xi32, #tpu.memory_space<vmem>>, vector<16xi32>,
        %swap3A_272 = vector.shape_cast %swap3A_271 : vector<16xi32> to vector<16xi32>
        %swap3A_273 = vector.shape_cast %get3A_269 : vector<16xi32> to vector<16xi32>
        tpu.vector_store %arg12[%swap3A_270], %swap3A_273 {strides = array<i32>} : memref<80xi32, #tpu.memory_space<vmem>>, vector<16xi32>,
        %dma_start3A_274 = arith.constant 0 : i32
        %dma_start3A_275 = arith.constant 0 : i32
        %dma_start3A_276 = tpu.memref_slice %arg24[%dma_start3A_274, %dma_start3A_275] : memref<10000x128xf32, #tpu.memory_space<vmem_shared>> -> memref<10000x128xf32, #tpu.memory_space<vmem_shared>>
        tpu.enqueue_indirect_dma source(%arg15 : memref<80x128xf32, #tpu.memory_space<vmem>>) target(%dma_start3A_276 : memref<10000x128xf32, #tpu.memory_space<vmem_shared>>) offsets(%arg12 : memref<80xi32, #tpu.memory_space<vmem>>) semaphore(%arg21 : memref<!tpu.dma_semaphore, #tpu.memory_space<semaphore_mem>>) {add = true}
        %dma_wait3A_277 = arith.constant 0 : i32
        %dma_wait3A_278 = arith.constant 0 : i32
        %dma_wait3A_279 = tpu.memref_slice %arg24[%dma_wait3A_277, %dma_wait3A_278] : memref<10000x128xf32, #tpu.memory_space<vmem_shared>> -> memref<10000x128xf32, #tpu.memory_space<vmem_shared>>
        tpu.wait_indirect_dma semaphore(%arg21 : memref<!tpu.dma_semaphore, #tpu.memory_space<semaphore_mem>>) src(%arg15 : memref<80x128xf32, #tpu.memory_space<vmem>>) dst(%dma_wait3A_279 : memref<10000x128xf32, #tpu.memory_space<vmem_shared>>)
        %add3A_280 = arith.constant 3 : i32
        %add3A_281 = arith.addi %mul3A_181, %add3A_280 : i32
        %get3A_282 = arith.index_cast %add3A_281 : i32 to index
        %get3A_283 = arith.constant 0 : index
        %get3A_284 = tpu.vector_load %arg7[%get3A_282, %get3A_283] {strides = array<i32>} : memref<25x80xi32, #tpu.memory_space<vmem>>, vector<1x16xi32>,
        %get3A_285 = vector.shape_cast %get3A_284 : vector<1x16xi32> to vector<16xi32>
        %swap3A_286 = arith.constant 0 : index
        %swap3A_287 = tpu.vector_load %arg9[%swap3A_286] {strides = array<i32>} : memref<80xi32, #tpu.memory_space<vmem>>, vector<16xi32>,
        %swap3A_288 = vector.shape_cast %swap3A_287 : vector<16xi32> to vector<16xi32>
        %swap3A_289 = vector.shape_cast %get3A_285 : vector<16xi32> to vector<16xi32>
        tpu.vector_store %arg9[%swap3A_286], %swap3A_289 {strides = array<i32>} : memref<80xi32, #tpu.memory_space<vmem>>, vector<16xi32>,
        %get3A_290 = arith.index_cast %add3A_281 : i32 to index
        %get3A_291 = arith.constant 16 : index
        %get3A_292 = tpu.vector_load %arg7[%get3A_290, %get3A_291] {strides = array<i32>} : memref<25x80xi32, #tpu.memory_space<vmem>>, vector<1x16xi32>,
        %get3A_293 = vector.shape_cast %get3A_292 : vector<1x16xi32> to vector<16xi32>
        %swap3A_294 = arith.constant 16 : index
        %swap3A_295 = tpu.vector_load %arg9[%swap3A_294] {strides = array<i32>} : memref<80xi32, #tpu.memory_space<vmem>>, vector<16xi32>,
        %swap3A_296 = vector.shape_cast %swap3A_295 : vector<16xi32> to vector<16xi32>
        %swap3A_297 = vector.shape_cast %get3A_293 : vector<16xi32> to vector<16xi32>
        tpu.vector_store %arg9[%swap3A_294], %swap3A_297 {strides = array<i32>} : memref<80xi32, #tpu.memory_space<vmem>>, vector<16xi32>,
        %get3A_298 = arith.index_cast %add3A_281 : i32 to index
        %get3A_299 = arith.constant 32 : index
        %get3A_300 = tpu.vector_load %arg7[%get3A_298, %get3A_299] {strides = array<i32>} : memref<25x80xi32, #tpu.memory_space<vmem>>, vector<1x16xi32>,
        %get3A_301 = vector.shape_cast %get3A_300 : vector<1x16xi32> to vector<16xi32>
        %swap3A_302 = arith.constant 32 : index
        %swap3A_303 = tpu.vector_load %arg9[%swap3A_302] {strides = array<i32>} : memref<80xi32, #tpu.memory_space<vmem>>, vector<16xi32>,
        %swap3A_304 = vector.shape_cast %swap3A_303 : vector<16xi32> to vector<16xi32>
        %swap3A_305 = vector.shape_cast %get3A_301 : vector<16xi32> to vector<16xi32>
        tpu.vector_store %arg9[%swap3A_302], %swap3A_305 {strides = array<i32>} : memref<80xi32, #tpu.memory_space<vmem>>, vector<16xi32>,
        %get3A_306 = arith.index_cast %add3A_281 : i32 to index
        %get3A_307 = arith.constant 48 : index
        %get3A_308 = tpu.vector_load %arg7[%get3A_306, %get3A_307] {strides = array<i32>} : memref<25x80xi32, #tpu.memory_space<vmem>>, vector<1x16xi32>,
        %get3A_309 = vector.shape_cast %get3A_308 : vector<1x16xi32> to vector<16xi32>
        %swap3A_310 = arith.constant 48 : index
        %swap3A_311 = tpu.vector_load %arg9[%swap3A_310] {strides = array<i32>} : memref<80xi32, #tpu.memory_space<vmem>>, vector<16xi32>,
        %swap3A_312 = vector.shape_cast %swap3A_311 : vector<16xi32> to vector<16xi32>
        %swap3A_313 = vector.shape_cast %get3A_309 : vector<16xi32> to vector<16xi32>
        tpu.vector_store %arg9[%swap3A_310], %swap3A_313 {strides = array<i32>} : memref<80xi32, #tpu.memory_space<vmem>>, vector<16xi32>,
        %get3A_314 = arith.index_cast %add3A_281 : i32 to index
        %get3A_315 = arith.constant 64 : index
        %get3A_316 = tpu.vector_load %arg7[%get3A_314, %get3A_315] {strides = array<i32>} : memref<25x80xi32, #tpu.memory_space<vmem>>, vector<1x16xi32>,
        %get3A_317 = vector.shape_cast %get3A_316 : vector<1x16xi32> to vector<16xi32>
        %swap3A_318 = arith.constant 64 : index
        %swap3A_319 = tpu.vector_load %arg9[%swap3A_318] {strides = array<i32>} : memref<80xi32, #tpu.memory_space<vmem>>, vector<16xi32>,
        %swap3A_320 = vector.shape_cast %swap3A_319 : vector<16xi32> to vector<16xi32>
        %swap3A_321 = vector.shape_cast %get3A_317 : vector<16xi32> to vector<16xi32>
        tpu.vector_store %arg9[%swap3A_318], %swap3A_321 {strides = array<i32>} : memref<80xi32, #tpu.memory_space<vmem>>, vector<16xi32>,
        %dma_start3A_322 = arith.constant 0 : i32
        %dma_start3A_323 = arith.constant 0 : i32
        %dma_start3A_324 = tpu.memref_slice %arg2[%dma_start3A_322, %dma_start3A_323] : memref<10000x128xf32, #tpu.memory_space<hbm>> -> memref<10000x128xf32, #tpu.memory_space<hbm>>
        tpu.enqueue_indirect_dma source(%dma_start3A_324 : memref<10000x128xf32, #tpu.memory_space<hbm>>) target(%arg15 : memref<80x128xf32, #tpu.memory_space<vmem>>) offsets(%arg9 : memref<80xi32, #tpu.memory_space<vmem>>) semaphore(%arg18 : memref<!tpu.dma_semaphore, #tpu.memory_space<semaphore_mem>>)
        %add3A_325 = arith.constant 1 : i32
        %add3A_326 = arith.addi %mul3A_181, %add3A_325 : i32
        %dma_wait3A_327 = arith.constant 0 : i32
        %dma_wait3A_328 = arith.constant 0 : i32
        %dma_wait3A_329 = tpu.memref_slice %arg2[%dma_wait3A_327, %dma_wait3A_328] : memref<10000x128xf32, #tpu.memory_space<hbm>> -> memref<10000x128xf32, #tpu.memory_space<hbm>>
        tpu.wait_indirect_dma semaphore(%arg19 : memref<!tpu.dma_semaphore, #tpu.memory_space<semaphore_mem>>) src(%dma_wait3A_329 : memref<10000x128xf32, #tpu.memory_space<hbm>>) dst(%arg16 : memref<80x128xf32, #tpu.memory_space<vmem>>)
        %get3A_330 = arith.index_cast %add3A_326 : i32 to index
        %get3A_331 = arith.constant 0 : index
        %get3A_332 = tpu.vector_load %arg8[%get3A_330, %get3A_331] {strides = array<i32>} : memref<25x80xi32, #tpu.memory_space<vmem>>, vector<1x16xi32>,
        %get3A_333 = vector.shape_cast %get3A_332 : vector<1x16xi32> to vector<16xi32>
        %swap3A_334 = arith.constant 0 : index
        %swap3A_335 = tpu.vector_load %arg13[%swap3A_334] {strides = array<i32>} : memref<80xi32, #tpu.memory_space<vmem>>, vector<16xi32>,
        %swap3A_336 = vector.shape_cast %swap3A_335 : vector<16xi32> to vector<16xi32>
        %swap3A_337 = vector.shape_cast %get3A_333 : vector<16xi32> to vector<16xi32>
        tpu.vector_store %arg13[%swap3A_334], %swap3A_337 {strides = array<i32>} : memref<80xi32, #tpu.memory_space<vmem>>, vector<16xi32>,
        %get3A_338 = arith.index_cast %add3A_326 : i32 to index
        %get3A_339 = arith.constant 16 : index
        %get3A_340 = tpu.vector_load %arg8[%get3A_338, %get3A_339] {strides = array<i32>} : memref<25x80xi32, #tpu.memory_space<vmem>>, vector<1x16xi32>,
        %get3A_341 = vector.shape_cast %get3A_340 : vector<1x16xi32> to vector<16xi32>
        %swap3A_342 = arith.constant 16 : index
        %swap3A_343 = tpu.vector_load %arg13[%swap3A_342] {strides = array<i32>} : memref<80xi32, #tpu.memory_space<vmem>>, vector<16xi32>,
        %swap3A_344 = vector.shape_cast %swap3A_343 : vector<16xi32> to vector<16xi32>
        %swap3A_345 = vector.shape_cast %get3A_341 : vector<16xi32> to vector<16xi32>
        tpu.vector_store %arg13[%swap3A_342], %swap3A_345 {strides = array<i32>} : memref<80xi32, #tpu.memory_space<vmem>>, vector<16xi32>,
        %get3A_346 = arith.index_cast %add3A_326 : i32 to index
        %get3A_347 = arith.constant 32 : index
        %get3A_348 = tpu.vector_load %arg8[%get3A_346, %get3A_347] {strides = array<i32>} : memref<25x80xi32, #tpu.memory_space<vmem>>, vector<1x16xi32>,
        %get3A_349 = vector.shape_cast %get3A_348 : vector<1x16xi32> to vector<16xi32>
        %swap3A_350 = arith.constant 32 : index
        %swap3A_351 = tpu.vector_load %arg13[%swap3A_350] {strides = array<i32>} : memref<80xi32, #tpu.memory_space<vmem>>, vector<16xi32>,
        %swap3A_352 = vector.shape_cast %swap3A_351 : vector<16xi32> to vector<16xi32>
        %swap3A_353 = vector.shape_cast %get3A_349 : vector<16xi32> to vector<16xi32>
        tpu.vector_store %arg13[%swap3A_350], %swap3A_353 {strides = array<i32>} : memref<80xi32, #tpu.memory_space<vmem>>, vector<16xi32>,
        %get3A_354 = arith.index_cast %add3A_326 : i32 to index
        %get3A_355 = arith.constant 48 : index
        %get3A_356 = tpu.vector_load %arg8[%get3A_354, %get3A_355] {strides = array<i32>} : memref<25x80xi32, #tpu.memory_space<vmem>>, vector<1x16xi32>,
        %get3A_357 = vector.shape_cast %get3A_356 : vector<1x16xi32> to vector<16xi32>
        %swap3A_358 = arith.constant 48 : index
        %swap3A_359 = tpu.vector_load %arg13[%swap3A_358] {strides = array<i32>} : memref<80xi32, #tpu.memory_space<vmem>>, vector<16xi32>,
        %swap3A_360 = vector.shape_cast %swap3A_359 : vector<16xi32> to vector<16xi32>
        %swap3A_361 = vector.shape_cast %get3A_357 : vector<16xi32> to vector<16xi32>
        tpu.vector_store %arg13[%swap3A_358], %swap3A_361 {strides = array<i32>} : memref<80xi32, #tpu.memory_space<vmem>>, vector<16xi32>,
        %get3A_362 = arith.index_cast %add3A_326 : i32 to index
        %get3A_363 = arith.constant 64 : index
        %get3A_364 = tpu.vector_load %arg8[%get3A_362, %get3A_363] {strides = array<i32>} : memref<25x80xi32, #tpu.memory_space<vmem>>, vector<1x16xi32>,
        %get3A_365 = vector.shape_cast %get3A_364 : vector<1x16xi32> to vector<16xi32>
        %swap3A_366 = arith.constant 64 : index
        %swap3A_367 = tpu.vector_load %arg13[%swap3A_366] {strides = array<i32>} : memref<80xi32, #tpu.memory_space<vmem>>, vector<16xi32>,
        %swap3A_368 = vector.shape_cast %swap3A_367 : vector<16xi32> to vector<16xi32>
        %swap3A_369 = vector.shape_cast %get3A_365 : vector<16xi32> to vector<16xi32>
        tpu.vector_store %arg13[%swap3A_366], %swap3A_369 {strides = array<i32>} : memref<80xi32, #tpu.memory_space<vmem>>, vector<16xi32>,
        %dma_start3A_370 = arith.constant 0 : i32
        %dma_start3A_371 = arith.constant 0 : i32
        %dma_start3A_372 = tpu.memref_slice %arg24[%dma_start3A_370, %dma_start3A_371] : memref<10000x128xf32, #tpu.memory_space<vmem_shared>> -> memref<10000x128xf32, #tpu.memory_space<vmem_shared>>
        tpu.enqueue_indirect_dma source(%arg16 : memref<80x128xf32, #tpu.memory_space<vmem>>) target(%dma_start3A_372 : memref<10000x128xf32, #tpu.memory_space<vmem_shared>>) offsets(%arg13 : memref<80xi32, #tpu.memory_space<vmem>>) semaphore(%arg22 : memref<!tpu.dma_semaphore, #tpu.memory_space<semaphore_mem>>) {add = true}
        %dma_wait3A_373 = arith.constant 0 : i32
        %dma_wait3A_374 = arith.constant 0 : i32
        %dma_wait3A_375 = tpu.memref_slice %arg24[%dma_wait3A_373, %dma_wait3A_374] : memref<10000x128xf32, #tpu.memory_space<vmem_shared>> -> memref<10000x128xf32, #tpu.memory_space<vmem_shared>>
        tpu.wait_indirect_dma semaphore(%arg22 : memref<!tpu.dma_semaphore, #tpu.memory_space<semaphore_mem>>) src(%arg16 : memref<80x128xf32, #tpu.memory_space<vmem>>) dst(%dma_wait3A_375 : memref<10000x128xf32, #tpu.memory_space<vmem_shared>>)
        %lt3A_376 = arith.constant 7 : i32
        %lt3A_377 = arith.cmpi slt, %scan3A_179, %lt3A_376 : i32
        %convert_element_type3A_378 = arith.extui %lt3A_377 : i1 to i32
        %cond3A_379 = arith.constant 0 : i32
        %cond3A_380 = arith.cmpi ne, %convert_element_type3A_378, %cond3A_379 : i32
        scf.if %cond3A_380 {
          %add3A_429 = arith.constant 4 : i32
          %add3A_430 = arith.addi %mul3A_181, %add3A_429 : i32
          %get3A_431 = arith.index_cast %add3A_430 : i32 to index
          %get3A_432 = arith.constant 0 : index
          %get3A_433 = tpu.vector_load %arg7[%get3A_431, %get3A_432] {strides = array<i32>} : memref<25x80xi32, #tpu.memory_space<vmem>>, vector<1x16xi32>,
          %get3A_434 = vector.shape_cast %get3A_433 : vector<1x16xi32> to vector<16xi32>
          %swap3A_435 = arith.constant 0 : index
          %swap3A_436 = tpu.vector_load %arg10[%swap3A_435] {strides = array<i32>} : memref<80xi32, #tpu.memory_space<vmem>>, vector<16xi32>,
          %swap3A_437 = vector.shape_cast %swap3A_436 : vector<16xi32> to vector<16xi32>
          %swap3A_438 = vector.shape_cast %get3A_434 : vector<16xi32> to vector<16xi32>
          tpu.vector_store %arg10[%swap3A_435], %swap3A_438 {strides = array<i32>} : memref<80xi32, #tpu.memory_space<vmem>>, vector<16xi32>,
          %get3A_439 = arith.index_cast %add3A_430 : i32 to index
          %get3A_440 = arith.constant 16 : index
          %get3A_441 = tpu.vector_load %arg7[%get3A_439, %get3A_440] {strides = array<i32>} : memref<25x80xi32, #tpu.memory_space<vmem>>, vector<1x16xi32>,
          %get3A_442 = vector.shape_cast %get3A_441 : vector<1x16xi32> to vector<16xi32>
          %swap3A_443 = arith.constant 16 : index
          %swap3A_444 = tpu.vector_load %arg10[%swap3A_443] {strides = array<i32>} : memref<80xi32, #tpu.memory_space<vmem>>, vector<16xi32>,
          %swap3A_445 = vector.shape_cast %swap3A_444 : vector<16xi32> to vector<16xi32>
          %swap3A_446 = vector.shape_cast %get3A_442 : vector<16xi32> to vector<16xi32>
          tpu.vector_store %arg10[%swap3A_443], %swap3A_446 {strides = array<i32>} : memref<80xi32, #tpu.memory_space<vmem>>, vector<16xi32>,
          %get3A_447 = arith.index_cast %add3A_430 : i32 to index
          %get3A_448 = arith.constant 32 : index
          %get3A_449 = tpu.vector_load %arg7[%get3A_447, %get3A_448] {strides = array<i32>} : memref<25x80xi32, #tpu.memory_space<vmem>>, vector<1x16xi32>,
          %get3A_450 = vector.shape_cast %get3A_449 : vector<1x16xi32> to vector<16xi32>
          %swap3A_451 = arith.constant 32 : index
          %swap3A_452 = tpu.vector_load %arg10[%swap3A_451] {strides = array<i32>} : memref<80xi32, #tpu.memory_space<vmem>>, vector<16xi32>,
          %swap3A_453 = vector.shape_cast %swap3A_452 : vector<16xi32> to vector<16xi32>
          %swap3A_454 = vector.shape_cast %get3A_450 : vector<16xi32> to vector<16xi32>
          tpu.vector_store %arg10[%swap3A_451], %swap3A_454 {strides = array<i32>} : memref<80xi32, #tpu.memory_space<vmem>>, vector<16xi32>,
          %get3A_455 = arith.index_cast %add3A_430 : i32 to index
          %get3A_456 = arith.constant 48 : index
          %get3A_457 = tpu.vector_load %arg7[%get3A_455, %get3A_456] {strides = array<i32>} : memref<25x80xi32, #tpu.memory_space<vmem>>, vector<1x16xi32>,
          %get3A_458 = vector.shape_cast %get3A_457 : vector<1x16xi32> to vector<16xi32>
          %swap3A_459 = arith.constant 48 : index
          %swap3A_460 = tpu.vector_load %arg10[%swap3A_459] {strides = array<i32>} : memref<80xi32, #tpu.memory_space<vmem>>, vector<16xi32>,
          %swap3A_461 = vector.shape_cast %swap3A_460 : vector<16xi32> to vector<16xi32>
          %swap3A_462 = vector.shape_cast %get3A_458 : vector<16xi32> to vector<16xi32>
          tpu.vector_store %arg10[%swap3A_459], %swap3A_462 {strides = array<i32>} : memref<80xi32, #tpu.memory_space<vmem>>, vector<16xi32>,
          %get3A_463 = arith.index_cast %add3A_430 : i32 to index
          %get3A_464 = arith.constant 64 : index
          %get3A_465 = tpu.vector_load %arg7[%get3A_463, %get3A_464] {strides = array<i32>} : memref<25x80xi32, #tpu.memory_space<vmem>>, vector<1x16xi32>,
          %get3A_466 = vector.shape_cast %get3A_465 : vector<1x16xi32> to vector<16xi32>
          %swap3A_467 = arith.constant 64 : index
          %swap3A_468 = tpu.vector_load %arg10[%swap3A_467] {strides = array<i32>} : memref<80xi32, #tpu.memory_space<vmem>>, vector<16xi32>,
          %swap3A_469 = vector.shape_cast %swap3A_468 : vector<16xi32> to vector<16xi32>
          %swap3A_470 = vector.shape_cast %get3A_466 : vector<16xi32> to vector<16xi32>
          tpu.vector_store %arg10[%swap3A_467], %swap3A_470 {strides = array<i32>} : memref<80xi32, #tpu.memory_space<vmem>>, vector<16xi32>,
          %dma_start3A_471 = arith.constant 0 : i32
          %dma_start3A_472 = arith.constant 0 : i32
          %dma_start3A_473 = tpu.memref_slice %arg2[%dma_start3A_471, %dma_start3A_472] : memref<10000x128xf32, #tpu.memory_space<hbm>> -> memref<10000x128xf32, #tpu.memory_space<hbm>>
          tpu.enqueue_indirect_dma source(%dma_start3A_473 : memref<10000x128xf32, #tpu.memory_space<hbm>>) target(%arg16 : memref<80x128xf32, #tpu.memory_space<vmem>>) offsets(%arg10 : memref<80xi32, #tpu.memory_space<vmem>>) semaphore(%arg19 : memref<!tpu.dma_semaphore, #tpu.memory_space<semaphore_mem>>)
        } else {
        }
        %add3A_381 = arith.constant 2 : i32
        %add3A_382 = arith.addi %mul3A_181, %add3A_381 : i32
        %dma_wait3A_383 = arith.constant 0 : i32
        %dma_wait3A_384 = arith.constant 0 : i32
        %dma_wait3A_385 = tpu.memref_slice %arg2[%dma_wait3A_383, %dma_wait3A_384] : memref<10000x128xf32, #tpu.memory_space<hbm>> -> memref<10000x128xf32, #tpu.memory_space<hbm>>
        tpu.wait_indirect_dma semaphore(%arg20 : memref<!tpu.dma_semaphore, #tpu.memory_space<semaphore_mem>>) src(%dma_wait3A_385 : memref<10000x128xf32, #tpu.memory_space<hbm>>) dst(%arg17 : memref<80x128xf32, #tpu.memory_space<vmem>>)
        %get3A_386 = arith.index_cast %add3A_382 : i32 to index
        %get3A_387 = arith.constant 0 : index
        %get3A_388 = tpu.vector_load %arg8[%get3A_386, %get3A_387] {strides = array<i32>} : memref<25x80xi32, #tpu.memory_space<vmem>>, vector<1x16xi32>,
        %get3A_389 = vector.shape_cast %get3A_388 : vector<1x16xi32> to vector<16xi32>
        %swap3A_390 = arith.constant 0 : index
        %swap3A_391 = tpu.vector_load %arg14[%swap3A_390] {strides = array<i32>} : memref<80xi32, #tpu.memory_space<vmem>>, vector<16xi32>,
        %swap3A_392 = vector.shape_cast %swap3A_391 : vector<16xi32> to vector<16xi32>
        %swap3A_393 = vector.shape_cast %get3A_389 : vector<16xi32> to vector<16xi32>
        tpu.vector_store %arg14[%swap3A_390], %swap3A_393 {strides = array<i32>} : memref<80xi32, #tpu.memory_space<vmem>>, vector<16xi32>,
        %get3A_394 = arith.index_cast %add3A_382 : i32 to index
        %get3A_395 = arith.constant 16 : index
        %get3A_396 = tpu.vector_load %arg8[%get3A_394, %get3A_395] {strides = array<i32>} : memref<25x80xi32, #tpu.memory_space<vmem>>, vector<1x16xi32>,
        %get3A_397 = vector.shape_cast %get3A_396 : vector<1x16xi32> to vector<16xi32>
        %swap3A_398 = arith.constant 16 : index
        %swap3A_399 = tpu.vector_load %arg14[%swap3A_398] {strides = array<i32>} : memref<80xi32, #tpu.memory_space<vmem>>, vector<16xi32>,
        %swap3A_400 = vector.shape_cast %swap3A_399 : vector<16xi32> to vector<16xi32>
        %swap3A_401 = vector.shape_cast %get3A_397 : vector<16xi32> to vector<16xi32>
        tpu.vector_store %arg14[%swap3A_398], %swap3A_401 {strides = array<i32>} : memref<80xi32, #tpu.memory_space<vmem>>, vector<16xi32>,
        %get3A_402 = arith.index_cast %add3A_382 : i32 to index
        %get3A_403 = arith.constant 32 : index
        %get3A_404 = tpu.vector_load %arg8[%get3A_402, %get3A_403] {strides = array<i32>} : memref<25x80xi32, #tpu.memory_space<vmem>>, vector<1x16xi32>,
        %get3A_405 = vector.shape_cast %get3A_404 : vector<1x16xi32> to vector<16xi32>
        %swap3A_406 = arith.constant 32 : index
        %swap3A_407 = tpu.vector_load %arg14[%swap3A_406] {strides = array<i32>} : memref<80xi32, #tpu.memory_space<vmem>>, vector<16xi32>,
        %swap3A_408 = vector.shape_cast %swap3A_407 : vector<16xi32> to vector<16xi32>
        %swap3A_409 = vector.shape_cast %get3A_405 : vector<16xi32> to vector<16xi32>
        tpu.vector_store %arg14[%swap3A_406], %swap3A_409 {strides = array<i32>} : memref<80xi32, #tpu.memory_space<vmem>>, vector<16xi32>,
        %get3A_410 = arith.index_cast %add3A_382 : i32 to index
        %get3A_411 = arith.constant 48 : index
        %get3A_412 = tpu.vector_load %arg8[%get3A_410, %get3A_411] {strides = array<i32>} : memref<25x80xi32, #tpu.memory_space<vmem>>, vector<1x16xi32>,
        %get3A_413 = vector.shape_cast %get3A_412 : vector<1x16xi32> to vector<16xi32>
        %swap3A_414 = arith.constant 48 : index
        %swap3A_415 = tpu.vector_load %arg14[%swap3A_414] {strides = array<i32>} : memref<80xi32, #tpu.memory_space<vmem>>, vector<16xi32>,
        %swap3A_416 = vector.shape_cast %swap3A_415 : vector<16xi32> to vector<16xi32>
        %swap3A_417 = vector.shape_cast %get3A_413 : vector<16xi32> to vector<16xi32>
        tpu.vector_store %arg14[%swap3A_414], %swap3A_417 {strides = array<i32>} : memref<80xi32, #tpu.memory_space<vmem>>, vector<16xi32>,
        %get3A_418 = arith.index_cast %add3A_382 : i32 to index
        %get3A_419 = arith.constant 64 : index
        %get3A_420 = tpu.vector_load %arg8[%get3A_418, %get3A_419] {strides = array<i32>} : memref<25x80xi32, #tpu.memory_space<vmem>>, vector<1x16xi32>,
        %get3A_421 = vector.shape_cast %get3A_420 : vector<1x16xi32> to vector<16xi32>
        %swap3A_422 = arith.constant 64 : index
        %swap3A_423 = tpu.vector_load %arg14[%swap3A_422] {strides = array<i32>} : memref<80xi32, #tpu.memory_space<vmem>>, vector<16xi32>,
        %swap3A_424 = vector.shape_cast %swap3A_423 : vector<16xi32> to vector<16xi32>
        %swap3A_425 = vector.shape_cast %get3A_421 : vector<16xi32> to vector<16xi32>
        tpu.vector_store %arg14[%swap3A_422], %swap3A_425 {strides = array<i32>} : memref<80xi32, #tpu.memory_space<vmem>>, vector<16xi32>,
        %dma_start3A_426 = arith.constant 0 : i32
        %dma_start3A_427 = arith.constant 0 : i32
        %dma_start3A_428 = tpu.memref_slice %arg24[%dma_start3A_426, %dma_start3A_427] : memref<10000x128xf32, #tpu.memory_space<vmem_shared>> -> memref<10000x128xf32, #tpu.memory_space<vmem_shared>>
        tpu.enqueue_indirect_dma source(%arg17 : memref<80x128xf32, #tpu.memory_space<vmem>>) target(%dma_start3A_428 : memref<10000x128xf32, #tpu.memory_space<vmem_shared>>) offsets(%arg14 : memref<80xi32, #tpu.memory_space<vmem>>) semaphore(%arg23 : memref<!tpu.dma_semaphore, #tpu.memory_space<semaphore_mem>>) {add = true}
      }
      %scan3A_122 = arith.constant 8 : i32
      %dma_wait3A = arith.constant 0 : i32
      %dma_wait3A_123 = arith.constant 0 : i32
      %dma_wait3A_124 = tpu.memref_slice %arg2[%dma_wait3A, %dma_wait3A_123] : memref<10000x128xf32, #tpu.memory_space<hbm>> -> memref<10000x128xf32, #tpu.memory_space<hbm>>
      tpu.wait_indirect_dma semaphore(%arg18 : memref<!tpu.dma_semaphore, #tpu.memory_space<semaphore_mem>>) src(%dma_wait3A_124 : memref<10000x128xf32, #tpu.memory_space<hbm>>) dst(%arg15 : memref<80x128xf32, #tpu.memory_space<vmem>>)
      %get3A_125 = arith.constant 24 : i32
      %get3A_126 = arith.index_cast %get3A_125 : i32 to index
      %get3A_127 = arith.constant 0 : index
      %get3A_128 = tpu.vector_load %arg8[%get3A_126, %get3A_127] {strides = array<i32>} : memref<25x80xi32, #tpu.memory_space<vmem>>, vector<1x16xi32>,
      %get3A_129 = vector.shape_cast %get3A_128 : vector<1x16xi32> to vector<16xi32>
      %swap3A_130 = arith.constant 0 : index
      %swap3A_131 = tpu.vector_load %arg12[%swap3A_130] {strides = array<i32>} : memref<80xi32, #tpu.memory_space<vmem>>, vector<16xi32>,
      %swap3A_132 = vector.shape_cast %swap3A_131 : vector<16xi32> to vector<16xi32>
      %swap3A_133 = vector.shape_cast %get3A_129 : vector<16xi32> to vector<16xi32>
      tpu.vector_store %arg12[%swap3A_130], %swap3A_133 {strides = array<i32>} : memref<80xi32, #tpu.memory_space<vmem>>, vector<16xi32>,
      %get3A_134 = arith.constant 24 : i32
      %get3A_135 = arith.index_cast %get3A_134 : i32 to index
      %get3A_136 = arith.constant 16 : index
      %get3A_137 = tpu.vector_load %arg8[%get3A_135, %get3A_136] {strides = array<i32>} : memref<25x80xi32, #tpu.memory_space<vmem>>, vector<1x16xi32>,
      %get3A_138 = vector.shape_cast %get3A_137 : vector<1x16xi32> to vector<16xi32>
      %swap3A_139 = arith.constant 16 : index
      %swap3A_140 = tpu.vector_load %arg12[%swap3A_139] {strides = array<i32>} : memref<80xi32, #tpu.memory_space<vmem>>, vector<16xi32>,
      %swap3A_141 = vector.shape_cast %swap3A_140 : vector<16xi32> to vector<16xi32>
      %swap3A_142 = vector.shape_cast %get3A_138 : vector<16xi32> to vector<16xi32>
      tpu.vector_store %arg12[%swap3A_139], %swap3A_142 {strides = array<i32>} : memref<80xi32, #tpu.memory_space<vmem>>, vector<16xi32>,
      %get3A_143 = arith.constant 24 : i32
      %get3A_144 = arith.index_cast %get3A_143 : i32 to index
      %get3A_145 = arith.constant 32 : index
      %get3A_146 = tpu.vector_load %arg8[%get3A_144, %get3A_145] {strides = array<i32>} : memref<25x80xi32, #tpu.memory_space<vmem>>, vector<1x16xi32>,
      %get3A_147 = vector.shape_cast %get3A_146 : vector<1x16xi32> to vector<16xi32>
      %swap3A_148 = arith.constant 32 : index
      %swap3A_149 = tpu.vector_load %arg12[%swap3A_148] {strides = array<i32>} : memref<80xi32, #tpu.memory_space<vmem>>, vector<16xi32>,
      %swap3A_150 = vector.shape_cast %swap3A_149 : vector<16xi32> to vector<16xi32>
      %swap3A_151 = vector.shape_cast %get3A_147 : vector<16xi32> to vector<16xi32>
      tpu.vector_store %arg12[%swap3A_148], %swap3A_151 {strides = array<i32>} : memref<80xi32, #tpu.memory_space<vmem>>, vector<16xi32>,
      %get3A_152 = arith.constant 24 : i32
      %get3A_153 = arith.index_cast %get3A_152 : i32 to index
      %get3A_154 = arith.constant 48 : index
      %get3A_155 = tpu.vector_load %arg8[%get3A_153, %get3A_154] {strides = array<i32>} : memref<25x80xi32, #tpu.memory_space<vmem>>, vector<1x16xi32>,
      %get3A_156 = vector.shape_cast %get3A_155 : vector<1x16xi32> to vector<16xi32>
      %swap3A_157 = arith.constant 48 : index
      %swap3A_158 = tpu.vector_load %arg12[%swap3A_157] {strides = array<i32>} : memref<80xi32, #tpu.memory_space<vmem>>, vector<16xi32>,
      %swap3A_159 = vector.shape_cast %swap3A_158 : vector<16xi32> to vector<16xi32>
      %swap3A_160 = vector.shape_cast %get3A_156 : vector<16xi32> to vector<16xi32>
      tpu.vector_store %arg12[%swap3A_157], %swap3A_160 {strides = array<i32>} : memref<80xi32, #tpu.memory_space<vmem>>, vector<16xi32>,
      %get3A_161 = arith.constant 24 : i32
      %get3A_162 = arith.index_cast %get3A_161 : i32 to index
      %get3A_163 = arith.constant 64 : index
      %get3A_164 = tpu.vector_load %arg8[%get3A_162, %get3A_163] {strides = array<i32>} : memref<25x80xi32, #tpu.memory_space<vmem>>, vector<1x16xi32>,
      %get3A_165 = vector.shape_cast %get3A_164 : vector<1x16xi32> to vector<16xi32>
      %swap3A_166 = arith.constant 64 : index
      %swap3A_167 = tpu.vector_load %arg12[%swap3A_166] {strides = array<i32>} : memref<80xi32, #tpu.memory_space<vmem>>, vector<16xi32>,
      %swap3A_168 = vector.shape_cast %swap3A_167 : vector<16xi32> to vector<16xi32>
      %swap3A_169 = vector.shape_cast %get3A_165 : vector<16xi32> to vector<16xi32>
      tpu.vector_store %arg12[%swap3A_166], %swap3A_169 {strides = array<i32>} : memref<80xi32, #tpu.memory_space<vmem>>, vector<16xi32>,
      %dma_start3A_170 = arith.constant 0 : i32
      %dma_start3A_171 = arith.constant 0 : i32
      %dma_start3A_172 = tpu.memref_slice %arg24[%dma_start3A_170, %dma_start3A_171] : memref<10000x128xf32, #tpu.memory_space<vmem_shared>> -> memref<10000x128xf32, #tpu.memory_space<vmem_shared>>
      tpu.enqueue_indirect_dma source(%arg15 : memref<80x128xf32, #tpu.memory_space<vmem>>) target(%dma_start3A_172 : memref<10000x128xf32, #tpu.memory_space<vmem_shared>>) offsets(%arg12 : memref<80xi32, #tpu.memory_space<vmem>>) semaphore(%arg21 : memref<!tpu.dma_semaphore, #tpu.memory_space<semaphore_mem>>) {add = true}
      %dma_wait3A_173 = arith.constant 0 : i32
      %dma_wait3A_174 = arith.constant 0 : i32
      %dma_wait3A_175 = tpu.memref_slice %arg24[%dma_wait3A_173, %dma_wait3A_174] : memref<10000x128xf32, #tpu.memory_space<vmem_shared>> -> memref<10000x128xf32, #tpu.memory_space<vmem_shared>>
      tpu.wait_indirect_dma semaphore(%arg23 : memref<!tpu.dma_semaphore, #tpu.memory_space<semaphore_mem>>) src(%arg17 : memref<80x128xf32, #tpu.memory_space<vmem>>) dst(%dma_wait3A_175 : memref<10000x128xf32, #tpu.memory_space<vmem_shared>>)
      %dma_wait3A_176 = arith.constant 0 : i32
      %dma_wait3A_177 = arith.constant 0 : i32
      %dma_wait3A_178 = tpu.memref_slice %arg24[%dma_wait3A_176, %dma_wait3A_177] : memref<10000x128xf32, #tpu.memory_space<vmem_shared>> -> memref<10000x128xf32, #tpu.memory_space<vmem_shared>>
      tpu.wait_indirect_dma semaphore(%arg21 : memref<!tpu.dma_semaphore, #tpu.memory_space<semaphore_mem>>) src(%arg15 : memref<80x128xf32, #tpu.memory_space<vmem>>) dst(%dma_wait3A_178 : memref<10000x128xf32, #tpu.memory_space<vmem_shared>>)
    }
    %scan3A_11 = arith.constant 5 : i32
    %barrier3A_12 = arith.constant 0 : index
    tpu.barrier barrier_id(%barrier3A_12)
    %lt3A_13 = arith.constant 15 : i32
    %lt3A_14 = arith.cmpi slt, %arg1, %lt3A_13 : i32
    %convert_element_type3A_15 = arith.extui %lt3A_14 : i1 to i32
    %cond3A_16 = arith.constant 0 : i32
    %cond3A_17 = arith.cmpi ne, %convert_element_type3A_15, %cond3A_16 : i32
    scf.if %cond3A_17 {
      %mul3A_23 = arith.constant 640 : i32
      %mul3A_24 = arith.muli %arg1, %mul3A_23 : i32
      %mul3A_25 = arith.constant 640 : i32
      %mul3A_26 = arith.muli %arg1, %mul3A_25 : i32
      "tpu.region"() ({
        %run_scoped3A = tpu.sem_alloc : memref<!tpu.dma_semaphore, #tpu.memory_space<semaphore_mem>>
        %dma_start3A = arith.constant 0 : i32
        %dma_start3A_27 = arith.constant 0 : i32
        %dma_start3A_28 = tpu.memref_slice %arg6[%arg0, %dma_start3A, %dma_start3A_27] : memref<2x10000x128xf32, #tpu.memory_space<hbm>> -> memref<1x10000x128xf32, #tpu.memory_space<hbm>>
        %dma_start3A_29 = tpu.memref_squeeze %dma_start3A_28 : memref<1x10000x128xf32, #tpu.memory_space<hbm>> -> memref<10000x128xf32, #tpu.memory_space<hbm>>
        %dma_start3A_30 = arith.constant 0 : i32
        %dma_start3A_31 = tpu.memref_slice %dma_start3A_29[%mul3A_26, %dma_start3A_30] : memref<10000x128xf32, #tpu.memory_space<hbm>> -> memref<640x128xf32, #tpu.memory_space<hbm>>
        %dma_start3A_32 = arith.constant 0 : i32
        %dma_start3A_33 = tpu.memref_slice %arg24[%mul3A_24, %dma_start3A_32] : memref<10000x128xf32, #tpu.memory_space<vmem_shared>> -> memref<640x128xf32, #tpu.memory_space<vmem_shared>>
        tpu.enqueue_dma source(%dma_start3A_33 : memref<640x128xf32, #tpu.memory_space<vmem_shared>>) target(%dma_start3A_31 : memref<640x128xf32, #tpu.memory_space<hbm>>) target_semaphore(%run_scoped3A : memref<!tpu.dma_semaphore, #tpu.memory_space<semaphore_mem>>)
        %dma_wait3A = arith.constant 0 : i32
        %dma_wait3A_34 = arith.constant 0 : i32
        %dma_wait3A_35 = tpu.memref_slice %arg6[%arg0, %dma_wait3A, %dma_wait3A_34] : memref<2x10000x128xf32, #tpu.memory_space<hbm>> -> memref<1x10000x128xf32, #tpu.memory_space<hbm>>
        %dma_wait3A_36 = tpu.memref_squeeze %dma_wait3A_35 : memref<1x10000x128xf32, #tpu.memory_space<hbm>> -> memref<10000x128xf32, #tpu.memory_space<hbm>>
        %dma_wait3A_37 = arith.constant 0 : i32
        %dma_wait3A_38 = tpu.memref_slice %dma_wait3A_36[%mul3A_26, %dma_wait3A_37] : memref<10000x128xf32, #tpu.memory_space<hbm>> -> memref<640x128xf32, #tpu.memory_space<hbm>>
        %dma_wait3A_39 = arith.constant 0 : i32
        %dma_wait3A_40 = tpu.memref_slice %arg24[%mul3A_24, %dma_wait3A_39] : memref<10000x128xf32, #tpu.memory_space<vmem_shared>> -> memref<640x128xf32, #tpu.memory_space<vmem_shared>>
        tpu.wait_dma2 semaphore(%run_scoped3A : memref<!tpu.dma_semaphore, #tpu.memory_space<semaphore_mem>>) src(%dma_wait3A_40 : memref<640x128xf32, #tpu.memory_space<vmem_shared>>) dst(%dma_wait3A_38 : memref<640x128xf32, #tpu.memory_space<hbm>>)
        tpu.yield
      }) : () -> ()
    } else {
    }
    %eq3A_18 = arith.constant 15 : i32
    %eq3A_19 = arith.cmpi eq, %arg1, %eq3A_18 : i32
    %convert_element_type3A_20 = arith.extui %eq3A_19 : i1 to i32
    %cond3A_21 = arith.constant 0 : i32
    %cond3A_22 = arith.cmpi ne, %convert_element_type3A_20, %cond3A_21 : i32
    scf.if %cond3A_22 {
      "tpu.region"() ({
        %run_scoped3A = tpu.sem_alloc : memref<!tpu.dma_semaphore, #tpu.memory_space<semaphore_mem>>
        %dma_start3A = arith.constant 0 : i32
        %dma_start3A_23 = arith.constant 0 : i32
        %dma_start3A_24 = tpu.memref_slice %arg6[%arg0, %dma_start3A, %dma_start3A_23] : memref<2x10000x128xf32, #tpu.memory_space<hbm>> -> memref<1x10000x128xf32, #tpu.memory_space<hbm>>
        %dma_start3A_25 = tpu.memref_squeeze %dma_start3A_24 : memref<1x10000x128xf32, #tpu.memory_space<hbm>> -> memref<10000x128xf32, #tpu.memory_space<hbm>>
        %dma_start3A_26 = arith.constant 9600 : i32
        %dma_start3A_27 = arith.constant 0 : i32
        %dma_start3A_28 = tpu.memref_slice %dma_start3A_25[%dma_start3A_26, %dma_start3A_27] : memref<10000x128xf32, #tpu.memory_space<hbm>> -> memref<400x128xf32, #tpu.memory_space<hbm>>
        %dma_start3A_29 = arith.constant 9600 : i32
        %dma_start3A_30 = arith.constant 0 : i32
        %dma_start3A_31 = tpu.memref_slice %arg24[%dma_start3A_29, %dma_start3A_30] : memref<10000x128xf32, #tpu.memory_space<vmem_shared>> -> memref<400x128xf32, #tpu.memory_space<vmem_shared>>
        tpu.enqueue_dma source(%dma_start3A_31 : memref<400x128xf32, #tpu.memory_space<vmem_shared>>) target(%dma_start3A_28 : memref<400x128xf32, #tpu.memory_space<hbm>>) target_semaphore(%run_scoped3A : memref<!tpu.dma_semaphore, #tpu.memory_space<semaphore_mem>>)
        %dma_wait3A = arith.constant 0 : i32
        %dma_wait3A_32 = arith.constant 0 : i32
        %dma_wait3A_33 = tpu.memref_slice %arg6[%arg0, %dma_wait3A, %dma_wait3A_32] : memref<2x10000x128xf32, #tpu.memory_space<hbm>> -> memref<1x10000x128xf32, #tpu.memory_space<hbm>>
        %dma_wait3A_34 = tpu.memref_squeeze %dma_wait3A_33 : memref<1x10000x128xf32, #tpu.memory_space<hbm>> -> memref<10000x128xf32, #tpu.memory_space<hbm>>
        %dma_wait3A_35 = arith.constant 9600 : i32
        %dma_wait3A_36 = arith.constant 0 : i32
        %dma_wait3A_37 = tpu.memref_slice %dma_wait3A_34[%dma_wait3A_35, %dma_wait3A_36] : memref<10000x128xf32, #tpu.memory_space<hbm>> -> memref<400x128xf32, #tpu.memory_space<hbm>>
        %dma_wait3A_38 = arith.constant 9600 : i32
        %dma_wait3A_39 = arith.constant 0 : i32
        %dma_wait3A_40 = tpu.memref_slice %arg24[%dma_wait3A_38, %dma_wait3A_39] : memref<10000x128xf32, #tpu.memory_space<vmem_shared>> -> memref<400x128xf32, #tpu.memory_space<vmem_shared>>
        tpu.wait_dma2 semaphore(%run_scoped3A : memref<!tpu.dma_semaphore, #tpu.memory_space<semaphore_mem>>) src(%dma_wait3A_40 : memref<400x128xf32, #tpu.memory_space<vmem_shared>>) dst(%dma_wait3A_37 : memref<400x128xf32, #tpu.memory_space<hbm>>)
        tpu.yield
      }) : () -> ()
    } else {
    }
    return
  }
}

#map = affine_map<(d0, d1) -> (0, 0)>
#map1 = affine_map<(d0, d1) -> (0, 0, 0, 0)>
#map2 = affine_map<(d0, d1) -> (0, 0, 0)>
module attributes {stable_mosaic.version = 14 : i64} {
  func.func @_edge_body(%arg0: i32, %arg1: i32, %arg2: memref<10000x128xf32, #tpu.memory_space<hbm>>, %arg3: memref<32x5x25x80xi32, #tpu.memory_space<hbm>>, %arg4: memref<32x5x25x80xi32, #tpu.memory_space<hbm>>, %arg5: memref<10000x128xf32, #tpu.memory_space<hbm>>, %arg6: memref<2x10000x128xf32, #tpu.memory_space<hbm>>, %arg7: memref<25x80xi32, #tpu.memory_space<vmem>>, %arg8: memref<25x80xi32, #tpu.memory_space<vmem>>, %arg9: memref<80xi32, #tpu.memory_space<vmem>>, %arg10: memref<80xi32, #tpu.memory_space<vmem>>, %arg11: memref<80xi32, #tpu.memory_space<vmem>>, %arg12: memref<80xi32, #tpu.memory_space<vmem>>, %arg13: memref<80xi32, #tpu.memory_space<vmem>>, %arg14: memref<80xi32, #tpu.memory_space<vmem>>, %arg15: memref<80x128xf32, #tpu.memory_space<vmem>>, %arg16: memref<80x128xf32, #tpu.memory_space<vmem>>, %arg17: memref<80x128xf32, #tpu.memory_space<vmem>>, %arg18: memref<!tpu.dma_semaphore, #tpu.memory_space<semaphore_mem>>, %arg19: memref<!tpu.dma_semaphore, #tpu.memory_space<semaphore_mem>>, %arg20: memref<!tpu.dma_semaphore, #tpu.memory_space<semaphore_mem>>, %arg21: memref<!tpu.dma_semaphore, #tpu.memory_space<semaphore_mem>>, %arg22: memref<!tpu.dma_semaphore, #tpu.memory_space<semaphore_mem>>, %arg23: memref<!tpu.dma_semaphore, #tpu.memory_space<semaphore_mem>>, %arg24: memref<10000x128xf32, #tpu.memory_space<vmem_shared>>) attributes {dimension_semantics = [#tpu.dimension_semantics<core_parallel>, #tpu.dimension_semantics<subcore_parallel>], iteration_bounds = array<i64: 2, 16>, scalar_prefetch = 0 : i64, scratch_operands = 18 : i64, tpu.core_type = #tpu.core_type<sc_vector_subcore>, window_params = [{transform_indices = #map}, {transform_indices = #map1}, {transform_indices = #map1}, {transform_indices = #map}, {transform_indices = #map2}]} {
    %mul3A = arith.constant 16 : i32
    %mul3A_0 = arith.muli %arg0, %mul3A : i32
    %add3A = arith.addi %mul3A_0, %arg1 : i32
    %lt3A = arith.constant 15 : i32
    %lt3A_1 = arith.cmpi slt, %arg1, %lt3A : i32
    %convert_element_type3A = arith.extui %lt3A_1 : i1 to i32
    %cond3A = arith.constant 0 : i32
    %cond3A_2 = arith.cmpi ne, %convert_element_type3A, %cond3A : i32
    scf.if %cond3A_2 {
      %mul3A_23 = arith.constant 640 : i32
      %mul3A_24 = arith.muli %arg1, %mul3A_23 : i32
      %mul3A_25 = arith.constant 640 : i32
      %mul3A_26 = arith.muli %arg1, %mul3A_25 : i32
      "tpu.region"() ({
        %run_scoped3A = tpu.sem_alloc : memref<!tpu.dma_semaphore, #tpu.memory_space<semaphore_mem>>
        %dma_start3A = arith.constant 0 : i32
        %dma_start3A_27 = tpu.memref_slice %arg24[%mul3A_26, %dma_start3A] : memref<10000x128xf32, #tpu.memory_space<vmem_shared>> -> memref<640x128xf32, #tpu.memory_space<vmem_shared>>
        %dma_start3A_28 = arith.constant 0 : i32
        %dma_start3A_29 = tpu.memref_slice %arg5[%mul3A_24, %dma_start3A_28] : memref<10000x128xf32, #tpu.memory_space<hbm>> -> memref<640x128xf32, #tpu.memory_space<hbm>>
        tpu.enqueue_dma source(%dma_start3A_29 : memref<640x128xf32, #tpu.memory_space<hbm>>) target(%dma_start3A_27 : memref<640x128xf32, #tpu.memory_space<vmem_shared>>) target_semaphore(%run_scoped3A : memref<!tpu.dma_semaphore, #tpu.memory_space<semaphore_mem>>)
        %dma_wait3A = arith.constant 0 : i32
        %dma_wait3A_30 = tpu.memref_slice %arg24[%mul3A_26, %dma_wait3A] : memref<10000x128xf32, #tpu.memory_space<vmem_shared>> -> memref<640x128xf32, #tpu.memory_space<vmem_shared>>
        %dma_wait3A_31 = arith.constant 0 : i32
        %dma_wait3A_32 = tpu.memref_slice %arg5[%mul3A_24, %dma_wait3A_31] : memref<10000x128xf32, #tpu.memory_space<hbm>> -> memref<640x128xf32, #tpu.memory_space<hbm>>
        tpu.wait_dma2 semaphore(%run_scoped3A : memref<!tpu.dma_semaphore, #tpu.memory_space<semaphore_mem>>) src(%dma_wait3A_32 : memref<640x128xf32, #tpu.memory_space<hbm>>) dst(%dma_wait3A_30 : memref<640x128xf32, #tpu.memory_space<vmem_shared>>)
        tpu.yield
      }) : () -> ()
    } else {
    }
    %eq3A = arith.constant 15 : i32
    %eq3A_3 = arith.cmpi eq, %arg1, %eq3A : i32
    %convert_element_type3A_4 = arith.extui %eq3A_3 : i1 to i32
    %cond3A_5 = arith.constant 0 : i32
    %cond3A_6 = arith.cmpi ne, %convert_element_type3A_4, %cond3A_5 : i32
    scf.if %cond3A_6 {
      "tpu.region"() ({
        %run_scoped3A = tpu.sem_alloc : memref<!tpu.dma_semaphore, #tpu.memory_space<semaphore_mem>>
        %dma_start3A = arith.constant 9600 : i32
        %dma_start3A_23 = arith.constant 0 : i32
        %dma_start3A_24 = tpu.memref_slice %arg24[%dma_start3A, %dma_start3A_23] : memref<10000x128xf32, #tpu.memory_space<vmem_shared>> -> memref<400x128xf32, #tpu.memory_space<vmem_shared>>
        %dma_start3A_25 = arith.constant 9600 : i32
        %dma_start3A_26 = arith.constant 0 : i32
        %dma_start3A_27 = tpu.memref_slice %arg5[%dma_start3A_25, %dma_start3A_26] : memref<10000x128xf32, #tpu.memory_space<hbm>> -> memref<400x128xf32, #tpu.memory_space<hbm>>
        tpu.enqueue_dma source(%dma_start3A_27 : memref<400x128xf32, #tpu.memory_space<hbm>>) target(%dma_start3A_24 : memref<400x128xf32, #tpu.memory_space<vmem_shared>>) target_semaphore(%run_scoped3A : memref<!tpu.dma_semaphore, #tpu.memory_space<semaphore_mem>>)
        %dma_wait3A = arith.constant 9600 : i32
        %dma_wait3A_28 = arith.constant 0 : i32
        %dma_wait3A_29 = tpu.memref_slice %arg24[%dma_wait3A, %dma_wait3A_28] : memref<10000x128xf32, #tpu.memory_space<vmem_shared>> -> memref<400x128xf32, #tpu.memory_space<vmem_shared>>
        %dma_wait3A_30 = arith.constant 9600 : i32
        %dma_wait3A_31 = arith.constant 0 : i32
        %dma_wait3A_32 = tpu.memref_slice %arg5[%dma_wait3A_30, %dma_wait3A_31] : memref<10000x128xf32, #tpu.memory_space<hbm>> -> memref<400x128xf32, #tpu.memory_space<hbm>>
        tpu.wait_dma2 semaphore(%run_scoped3A : memref<!tpu.dma_semaphore, #tpu.memory_space<semaphore_mem>>) src(%dma_wait3A_32 : memref<400x128xf32, #tpu.memory_space<hbm>>) dst(%dma_wait3A_29 : memref<400x128xf32, #tpu.memory_space<vmem_shared>>)
        tpu.yield
      }) : () -> ()
    } else {
    }
    %barrier3A = arith.constant 0 : index
    tpu.barrier barrier_id(%barrier3A)
    %scan3A = arith.constant 0 : i32
    %scan3A_7 = arith.constant 0 : i32
    %scan3A_8 = arith.constant 5 : i32
    %scan3A_9 = arith.addi %scan3A_7, %scan3A_8 : i32
    %scan3A_10 = arith.constant 1 : i32
    scf.for %scan3A_23 = %scan3A_7 to %scan3A_9 step %scan3A_10  : i32 {
      "tpu.region"() ({
        %run_scoped3A = tpu.sem_alloc : memref<!tpu.dma_semaphore, #tpu.memory_space<semaphore_mem>>
        %dma_start3A_179 = arith.constant 0 : i32
        %dma_start3A_180 = arith.constant 0 : i32
        %dma_start3A_181 = tpu.memref_slice %arg3[%add3A, %scan3A_23, %dma_start3A_179, %dma_start3A_180] : memref<32x5x25x80xi32, #tpu.memory_space<hbm>> -> memref<1x1x25x80xi32, #tpu.memory_space<hbm>>
        %dma_start3A_182 = tpu.memref_squeeze %dma_start3A_181 : memref<1x1x25x80xi32, #tpu.memory_space<hbm>> -> memref<25x80xi32, #tpu.memory_space<hbm>>
        %dma_start3A_183 = arith.constant 0 : i32
        %dma_start3A_184 = arith.constant 0 : i32
        %dma_start3A_185 = tpu.memref_slice %arg3[%add3A, %scan3A_23, %dma_start3A_183, %dma_start3A_184] : memref<32x5x25x80xi32, #tpu.memory_space<hbm>> -> memref<1x1x25x80xi32, #tpu.memory_space<hbm>>
        %dma_start3A_186 = tpu.memref_squeeze %dma_start3A_185 : memref<1x1x25x80xi32, #tpu.memory_space<hbm>> -> memref<25x80xi32, #tpu.memory_space<hbm>>
        tpu.enqueue_dma source(%dma_start3A_186 : memref<25x80xi32, #tpu.memory_space<hbm>>) target(%arg7 : memref<25x80xi32, #tpu.memory_space<vmem>>) target_semaphore(%run_scoped3A : memref<!tpu.dma_semaphore, #tpu.memory_space<semaphore_mem>>)
        %dma_wait3A_187 = arith.constant 0 : i32
        %dma_wait3A_188 = arith.constant 0 : i32
        %dma_wait3A_189 = tpu.memref_slice %arg3[%add3A, %scan3A_23, %dma_wait3A_187, %dma_wait3A_188] : memref<32x5x25x80xi32, #tpu.memory_space<hbm>> -> memref<1x1x25x80xi32, #tpu.memory_space<hbm>>
        %dma_wait3A_190 = tpu.memref_squeeze %dma_wait3A_189 : memref<1x1x25x80xi32, #tpu.memory_space<hbm>> -> memref<25x80xi32, #tpu.memory_space<hbm>>
        %dma_wait3A_191 = arith.constant 0 : i32
        %dma_wait3A_192 = arith.constant 0 : i32
        %dma_wait3A_193 = tpu.memref_slice %arg3[%add3A, %scan3A_23, %dma_wait3A_191, %dma_wait3A_192] : memref<32x5x25x80xi32, #tpu.memory_space<hbm>> -> memref<1x1x25x80xi32, #tpu.memory_space<hbm>>
        %dma_wait3A_194 = tpu.memref_squeeze %dma_wait3A_193 : memref<1x1x25x80xi32, #tpu.memory_space<hbm>> -> memref<25x80xi32, #tpu.memory_space<hbm>>
        tpu.wait_dma2 semaphore(%run_scoped3A : memref<!tpu.dma_semaphore, #tpu.memory_space<semaphore_mem>>) src(%dma_wait3A_194 : memref<25x80xi32, #tpu.memory_space<hbm>>) dst(%arg7 : memref<25x80xi32, #tpu.memory_space<vmem>>)
        tpu.yield
      }) : () -> ()
      "tpu.region"() ({
        %run_scoped3A = tpu.sem_alloc : memref<!tpu.dma_semaphore, #tpu.memory_space<semaphore_mem>>
        %dma_start3A_179 = arith.constant 0 : i32
        %dma_start3A_180 = arith.constant 0 : i32
        %dma_start3A_181 = tpu.memref_slice %arg4[%add3A, %scan3A_23, %dma_start3A_179, %dma_start3A_180] : memref<32x5x25x80xi32, #tpu.memory_space<hbm>> -> memref<1x1x25x80xi32, #tpu.memory_space<hbm>>
        %dma_start3A_182 = tpu.memref_squeeze %dma_start3A_181 : memref<1x1x25x80xi32, #tpu.memory_space<hbm>> -> memref<25x80xi32, #tpu.memory_space<hbm>>
        %dma_start3A_183 = arith.constant 0 : i32
        %dma_start3A_184 = arith.constant 0 : i32
        %dma_start3A_185 = tpu.memref_slice %arg4[%add3A, %scan3A_23, %dma_start3A_183, %dma_start3A_184] : memref<32x5x25x80xi32, #tpu.memory_space<hbm>> -> memref<1x1x25x80xi32, #tpu.memory_space<hbm>>
        %dma_start3A_186 = tpu.memref_squeeze %dma_start3A_185 : memref<1x1x25x80xi32, #tpu.memory_space<hbm>> -> memref<25x80xi32, #tpu.memory_space<hbm>>
        tpu.enqueue_dma source(%dma_start3A_186 : memref<25x80xi32, #tpu.memory_space<hbm>>) target(%arg8 : memref<25x80xi32, #tpu.memory_space<vmem>>) target_semaphore(%run_scoped3A : memref<!tpu.dma_semaphore, #tpu.memory_space<semaphore_mem>>)
        %dma_wait3A_187 = arith.constant 0 : i32
        %dma_wait3A_188 = arith.constant 0 : i32
        %dma_wait3A_189 = tpu.memref_slice %arg4[%add3A, %scan3A_23, %dma_wait3A_187, %dma_wait3A_188] : memref<32x5x25x80xi32, #tpu.memory_space<hbm>> -> memref<1x1x25x80xi32, #tpu.memory_space<hbm>>
        %dma_wait3A_190 = tpu.memref_squeeze %dma_wait3A_189 : memref<1x1x25x80xi32, #tpu.memory_space<hbm>> -> memref<25x80xi32, #tpu.memory_space<hbm>>
        %dma_wait3A_191 = arith.constant 0 : i32
        %dma_wait3A_192 = arith.constant 0 : i32
        %dma_wait3A_193 = tpu.memref_slice %arg4[%add3A, %scan3A_23, %dma_wait3A_191, %dma_wait3A_192] : memref<32x5x25x80xi32, #tpu.memory_space<hbm>> -> memref<1x1x25x80xi32, #tpu.memory_space<hbm>>
        %dma_wait3A_194 = tpu.memref_squeeze %dma_wait3A_193 : memref<1x1x25x80xi32, #tpu.memory_space<hbm>> -> memref<25x80xi32, #tpu.memory_space<hbm>>
        tpu.wait_dma2 semaphore(%run_scoped3A : memref<!tpu.dma_semaphore, #tpu.memory_space<semaphore_mem>>) src(%dma_wait3A_194 : memref<25x80xi32, #tpu.memory_space<hbm>>) dst(%arg8 : memref<25x80xi32, #tpu.memory_space<vmem>>)
        tpu.yield
      }) : () -> ()
      %get3A = arith.constant 0 : i32
      %get3A_24 = arith.index_cast %get3A : i32 to index
      %get3A_25 = arith.constant 0 : index
      %get3A_26 = tpu.vector_load %arg7[%get3A_24, %get3A_25] {strides = array<i32>} : memref<25x80xi32, #tpu.memory_space<vmem>>, vector<1x16xi32>,
      %get3A_27 = vector.shape_cast %get3A_26 : vector<1x16xi32> to vector<16xi32>
      %swap3A = arith.constant 0 : index
      %swap3A_28 = tpu.vector_load %arg9[%swap3A] {strides = array<i32>} : memref<80xi32, #tpu.memory_space<vmem>>, vector<16xi32>,
      %swap3A_29 = vector.shape_cast %swap3A_28 : vector<16xi32> to vector<16xi32>
      %swap3A_30 = vector.shape_cast %get3A_27 : vector<16xi32> to vector<16xi32>
      tpu.vector_store %arg9[%swap3A], %swap3A_30 {strides = array<i32>} : memref<80xi32, #tpu.memory_space<vmem>>, vector<16xi32>,
      %get3A_31 = arith.constant 0 : i32
      %get3A_32 = arith.index_cast %get3A_31 : i32 to index
      %get3A_33 = arith.constant 16 : index
      %get3A_34 = tpu.vector_load %arg7[%get3A_32, %get3A_33] {strides = array<i32>} : memref<25x80xi32, #tpu.memory_space<vmem>>, vector<1x16xi32>,
      %get3A_35 = vector.shape_cast %get3A_34 : vector<1x16xi32> to vector<16xi32>
      %swap3A_36 = arith.constant 16 : index
      %swap3A_37 = tpu.vector_load %arg9[%swap3A_36] {strides = array<i32>} : memref<80xi32, #tpu.memory_space<vmem>>, vector<16xi32>,
      %swap3A_38 = vector.shape_cast %swap3A_37 : vector<16xi32> to vector<16xi32>
      %swap3A_39 = vector.shape_cast %get3A_35 : vector<16xi32> to vector<16xi32>
      tpu.vector_store %arg9[%swap3A_36], %swap3A_39 {strides = array<i32>} : memref<80xi32, #tpu.memory_space<vmem>>, vector<16xi32>,
      %get3A_40 = arith.constant 0 : i32
      %get3A_41 = arith.index_cast %get3A_40 : i32 to index
      %get3A_42 = arith.constant 32 : index
      %get3A_43 = tpu.vector_load %arg7[%get3A_41, %get3A_42] {strides = array<i32>} : memref<25x80xi32, #tpu.memory_space<vmem>>, vector<1x16xi32>,
      %get3A_44 = vector.shape_cast %get3A_43 : vector<1x16xi32> to vector<16xi32>
      %swap3A_45 = arith.constant 32 : index
      %swap3A_46 = tpu.vector_load %arg9[%swap3A_45] {strides = array<i32>} : memref<80xi32, #tpu.memory_space<vmem>>, vector<16xi32>,
      %swap3A_47 = vector.shape_cast %swap3A_46 : vector<16xi32> to vector<16xi32>
      %swap3A_48 = vector.shape_cast %get3A_44 : vector<16xi32> to vector<16xi32>
      tpu.vector_store %arg9[%swap3A_45], %swap3A_48 {strides = array<i32>} : memref<80xi32, #tpu.memory_space<vmem>>, vector<16xi32>,
      %get3A_49 = arith.constant 0 : i32
      %get3A_50 = arith.index_cast %get3A_49 : i32 to index
      %get3A_51 = arith.constant 48 : index
      %get3A_52 = tpu.vector_load %arg7[%get3A_50, %get3A_51] {strides = array<i32>} : memref<25x80xi32, #tpu.memory_space<vmem>>, vector<1x16xi32>,
      %get3A_53 = vector.shape_cast %get3A_52 : vector<1x16xi32> to vector<16xi32>
      %swap3A_54 = arith.constant 48 : index
      %swap3A_55 = tpu.vector_load %arg9[%swap3A_54] {strides = array<i32>} : memref<80xi32, #tpu.memory_space<vmem>>, vector<16xi32>,
      %swap3A_56 = vector.shape_cast %swap3A_55 : vector<16xi32> to vector<16xi32>
      %swap3A_57 = vector.shape_cast %get3A_53 : vector<16xi32> to vector<16xi32>
      tpu.vector_store %arg9[%swap3A_54], %swap3A_57 {strides = array<i32>} : memref<80xi32, #tpu.memory_space<vmem>>, vector<16xi32>,
      %get3A_58 = arith.constant 0 : i32
      %get3A_59 = arith.index_cast %get3A_58 : i32 to index
      %get3A_60 = arith.constant 64 : index
      %get3A_61 = tpu.vector_load %arg7[%get3A_59, %get3A_60] {strides = array<i32>} : memref<25x80xi32, #tpu.memory_space<vmem>>, vector<1x16xi32>,
      %get3A_62 = vector.shape_cast %get3A_61 : vector<1x16xi32> to vector<16xi32>
      %swap3A_63 = arith.constant 64 : index
      %swap3A_64 = tpu.vector_load %arg9[%swap3A_63] {strides = array<i32>} : memref<80xi32, #tpu.memory_space<vmem>>, vector<16xi32>,
      %swap3A_65 = vector.shape_cast %swap3A_64 : vector<16xi32> to vector<16xi32>
      %swap3A_66 = vector.shape_cast %get3A_62 : vector<16xi32> to vector<16xi32>
      tpu.vector_store %arg9[%swap3A_63], %swap3A_66 {strides = array<i32>} : memref<80xi32, #tpu.memory_space<vmem>>, vector<16xi32>,
      %dma_start3A = arith.constant 0 : i32
      %dma_start3A_67 = arith.constant 0 : i32
      %dma_start3A_68 = tpu.memref_slice %arg2[%dma_start3A, %dma_start3A_67] : memref<10000x128xf32, #tpu.memory_space<hbm>> -> memref<10000x128xf32, #tpu.memory_space<hbm>>
      tpu.enqueue_indirect_dma source(%dma_start3A_68 : memref<10000x128xf32, #tpu.memory_space<hbm>>) target(%arg15 : memref<80x128xf32, #tpu.memory_space<vmem>>) offsets(%arg9 : memref<80xi32, #tpu.memory_space<vmem>>) semaphore(%arg18 : memref<!tpu.dma_semaphore, #tpu.memory_space<semaphore_mem>>)
      %get3A_69 = arith.constant 1 : i32
      %get3A_70 = arith.index_cast %get3A_69 : i32 to index
      %get3A_71 = arith.constant 0 : index
      %get3A_72 = tpu.vector_load %arg7[%get3A_70, %get3A_71] {strides = array<i32>} : memref<25x80xi32, #tpu.memory_space<vmem>>, vector<1x16xi32>,
      %get3A_73 = vector.shape_cast %get3A_72 : vector<1x16xi32> to vector<16xi32>
      %swap3A_74 = arith.constant 0 : index
      %swap3A_75 = tpu.vector_load %arg10[%swap3A_74] {strides = array<i32>} : memref<80xi32, #tpu.memory_space<vmem>>, vector<16xi32>,
      %swap3A_76 = vector.shape_cast %swap3A_75 : vector<16xi32> to vector<16xi32>
      %swap3A_77 = vector.shape_cast %get3A_73 : vector<16xi32> to vector<16xi32>
      tpu.vector_store %arg10[%swap3A_74], %swap3A_77 {strides = array<i32>} : memref<80xi32, #tpu.memory_space<vmem>>, vector<16xi32>,
      %get3A_78 = arith.constant 1 : i32
      %get3A_79 = arith.index_cast %get3A_78 : i32 to index
      %get3A_80 = arith.constant 16 : index
      %get3A_81 = tpu.vector_load %arg7[%get3A_79, %get3A_80] {strides = array<i32>} : memref<25x80xi32, #tpu.memory_space<vmem>>, vector<1x16xi32>,
      %get3A_82 = vector.shape_cast %get3A_81 : vector<1x16xi32> to vector<16xi32>
      %swap3A_83 = arith.constant 16 : index
      %swap3A_84 = tpu.vector_load %arg10[%swap3A_83] {strides = array<i32>} : memref<80xi32, #tpu.memory_space<vmem>>, vector<16xi32>,
      %swap3A_85 = vector.shape_cast %swap3A_84 : vector<16xi32> to vector<16xi32>
      %swap3A_86 = vector.shape_cast %get3A_82 : vector<16xi32> to vector<16xi32>
      tpu.vector_store %arg10[%swap3A_83], %swap3A_86 {strides = array<i32>} : memref<80xi32, #tpu.memory_space<vmem>>, vector<16xi32>,
      %get3A_87 = arith.constant 1 : i32
      %get3A_88 = arith.index_cast %get3A_87 : i32 to index
      %get3A_89 = arith.constant 32 : index
      %get3A_90 = tpu.vector_load %arg7[%get3A_88, %get3A_89] {strides = array<i32>} : memref<25x80xi32, #tpu.memory_space<vmem>>, vector<1x16xi32>,
      %get3A_91 = vector.shape_cast %get3A_90 : vector<1x16xi32> to vector<16xi32>
      %swap3A_92 = arith.constant 32 : index
      %swap3A_93 = tpu.vector_load %arg10[%swap3A_92] {strides = array<i32>} : memref<80xi32, #tpu.memory_space<vmem>>, vector<16xi32>,
      %swap3A_94 = vector.shape_cast %swap3A_93 : vector<16xi32> to vector<16xi32>
      %swap3A_95 = vector.shape_cast %get3A_91 : vector<16xi32> to vector<16xi32>
      tpu.vector_store %arg10[%swap3A_92], %swap3A_95 {strides = array<i32>} : memref<80xi32, #tpu.memory_space<vmem>>, vector<16xi32>,
      %get3A_96 = arith.constant 1 : i32
      %get3A_97 = arith.index_cast %get3A_96 : i32 to index
      %get3A_98 = arith.constant 48 : index
      %get3A_99 = tpu.vector_load %arg7[%get3A_97, %get3A_98] {strides = array<i32>} : memref<25x80xi32, #tpu.memory_space<vmem>>, vector<1x16xi32>,
      %get3A_100 = vector.shape_cast %get3A_99 : vector<1x16xi32> to vector<16xi32>
      %swap3A_101 = arith.constant 48 : index
      %swap3A_102 = tpu.vector_load %arg10[%swap3A_101] {strides = array<i32>} : memref<80xi32, #tpu.memory_space<vmem>>, vector<16xi32>,
      %swap3A_103 = vector.shape_cast %swap3A_102 : vector<16xi32> to vector<16xi32>
      %swap3A_104 = vector.shape_cast %get3A_100 : vector<16xi32> to vector<16xi32>
      tpu.vector_store %arg10[%swap3A_101], %swap3A_104 {strides = array<i32>} : memref<80xi32, #tpu.memory_space<vmem>>, vector<16xi32>,
      %get3A_105 = arith.constant 1 : i32
      %get3A_106 = arith.index_cast %get3A_105 : i32 to index
      %get3A_107 = arith.constant 64 : index
      %get3A_108 = tpu.vector_load %arg7[%get3A_106, %get3A_107] {strides = array<i32>} : memref<25x80xi32, #tpu.memory_space<vmem>>, vector<1x16xi32>,
      %get3A_109 = vector.shape_cast %get3A_108 : vector<1x16xi32> to vector<16xi32>
      %swap3A_110 = arith.constant 64 : index
      %swap3A_111 = tpu.vector_load %arg10[%swap3A_110] {strides = array<i32>} : memref<80xi32, #tpu.memory_space<vmem>>, vector<16xi32>,
      %swap3A_112 = vector.shape_cast %swap3A_111 : vector<16xi32> to vector<16xi32>
      %swap3A_113 = vector.shape_cast %get3A_109 : vector<16xi32> to vector<16xi32>
      tpu.vector_store %arg10[%swap3A_110], %swap3A_113 {strides = array<i32>} : memref<80xi32, #tpu.memory_space<vmem>>, vector<16xi32>,
      %dma_start3A_114 = arith.constant 0 : i32
      %dma_start3A_115 = arith.constant 0 : i32
      %dma_start3A_116 = tpu.memref_slice %arg2[%dma_start3A_114, %dma_start3A_115] : memref<10000x128xf32, #tpu.memory_space<hbm>> -> memref<10000x128xf32, #tpu.memory_space<hbm>>
      tpu.enqueue_indirect_dma source(%dma_start3A_116 : memref<10000x128xf32, #tpu.memory_space<hbm>>) target(%arg16 : memref<80x128xf32, #tpu.memory_space<vmem>>) offsets(%arg10 : memref<80xi32, #tpu.memory_space<vmem>>) semaphore(%arg19 : memref<!tpu.dma_semaphore, #tpu.memory_space<semaphore_mem>>)
      %scan3A_117 = arith.constant 0 : i32
      %scan3A_118 = arith.constant 0 : i32
      %scan3A_119 = arith.constant 8 : i32
      %scan3A_120 = arith.addi %scan3A_118, %scan3A_119 : i32
      %scan3A_121 = arith.constant 1 : i32
      scf.for %scan3A_179 = %scan3A_118 to %scan3A_120 step %scan3A_121  : i32 {
        %mul3A_180 = arith.constant 3 : i32
        %mul3A_181 = arith.muli %scan3A_179, %mul3A_180 : i32
        %gt3A = arith.constant 0 : i32
        %gt3A_182 = arith.cmpi sgt, %scan3A_179, %gt3A : i32
        %convert_element_type3A_183 = arith.extui %gt3A_182 : i1 to i32
        %cond3A_184 = arith.constant 0 : i32
        %cond3A_185 = arith.cmpi ne, %convert_element_type3A_183, %cond3A_184 : i32
        scf.if %cond3A_185 {
          %dma_wait3A_429 = arith.constant 0 : i32
          %dma_wait3A_430 = arith.constant 0 : i32
          %dma_wait3A_431 = tpu.memref_slice %arg24[%dma_wait3A_429, %dma_wait3A_430] : memref<10000x128xf32, #tpu.memory_space<vmem_shared>> -> memref<10000x128xf32, #tpu.memory_space<vmem_shared>>
          tpu.wait_indirect_dma semaphore(%arg23 : memref<!tpu.dma_semaphore, #tpu.memory_space<semaphore_mem>>) src(%arg17 : memref<80x128xf32, #tpu.memory_space<vmem>>) dst(%dma_wait3A_431 : memref<10000x128xf32, #tpu.memory_space<vmem_shared>>)
        } else {
        }
        %add3A_186 = arith.constant 2 : i32
        %add3A_187 = arith.addi %mul3A_181, %add3A_186 : i32
        %get3A_188 = arith.index_cast %add3A_187 : i32 to index
        %get3A_189 = arith.constant 0 : index
        %get3A_190 = tpu.vector_load %arg7[%get3A_188, %get3A_189] {strides = array<i32>} : memref<25x80xi32, #tpu.memory_space<vmem>>, vector<1x16xi32>,
        %get3A_191 = vector.shape_cast %get3A_190 : vector<1x16xi32> to vector<16xi32>
        %swap3A_192 = arith.constant 0 : index
        %swap3A_193 = tpu.vector_load %arg11[%swap3A_192] {strides = array<i32>} : memref<80xi32, #tpu.memory_space<vmem>>, vector<16xi32>,
        %swap3A_194 = vector.shape_cast %swap3A_193 : vector<16xi32> to vector<16xi32>
        %swap3A_195 = vector.shape_cast %get3A_191 : vector<16xi32> to vector<16xi32>
        tpu.vector_store %arg11[%swap3A_192], %swap3A_195 {strides = array<i32>} : memref<80xi32, #tpu.memory_space<vmem>>, vector<16xi32>,
        %get3A_196 = arith.index_cast %add3A_187 : i32 to index
        %get3A_197 = arith.constant 16 : index
        %get3A_198 = tpu.vector_load %arg7[%get3A_196, %get3A_197] {strides = array<i32>} : memref<25x80xi32, #tpu.memory_space<vmem>>, vector<1x16xi32>,
        %get3A_199 = vector.shape_cast %get3A_198 : vector<1x16xi32> to vector<16xi32>
        %swap3A_200 = arith.constant 16 : index
        %swap3A_201 = tpu.vector_load %arg11[%swap3A_200] {strides = array<i32>} : memref<80xi32, #tpu.memory_space<vmem>>, vector<16xi32>,
        %swap3A_202 = vector.shape_cast %swap3A_201 : vector<16xi32> to vector<16xi32>
        %swap3A_203 = vector.shape_cast %get3A_199 : vector<16xi32> to vector<16xi32>
        tpu.vector_store %arg11[%swap3A_200], %swap3A_203 {strides = array<i32>} : memref<80xi32, #tpu.memory_space<vmem>>, vector<16xi32>,
        %get3A_204 = arith.index_cast %add3A_187 : i32 to index
        %get3A_205 = arith.constant 32 : index
        %get3A_206 = tpu.vector_load %arg7[%get3A_204, %get3A_205] {strides = array<i32>} : memref<25x80xi32, #tpu.memory_space<vmem>>, vector<1x16xi32>,
        %get3A_207 = vector.shape_cast %get3A_206 : vector<1x16xi32> to vector<16xi32>
        %swap3A_208 = arith.constant 32 : index
        %swap3A_209 = tpu.vector_load %arg11[%swap3A_208] {strides = array<i32>} : memref<80xi32, #tpu.memory_space<vmem>>, vector<16xi32>,
        %swap3A_210 = vector.shape_cast %swap3A_209 : vector<16xi32> to vector<16xi32>
        %swap3A_211 = vector.shape_cast %get3A_207 : vector<16xi32> to vector<16xi32>
        tpu.vector_store %arg11[%swap3A_208], %swap3A_211 {strides = array<i32>} : memref<80xi32, #tpu.memory_space<vmem>>, vector<16xi32>,
        %get3A_212 = arith.index_cast %add3A_187 : i32 to index
        %get3A_213 = arith.constant 48 : index
        %get3A_214 = tpu.vector_load %arg7[%get3A_212, %get3A_213] {strides = array<i32>} : memref<25x80xi32, #tpu.memory_space<vmem>>, vector<1x16xi32>,
        %get3A_215 = vector.shape_cast %get3A_214 : vector<1x16xi32> to vector<16xi32>
        %swap3A_216 = arith.constant 48 : index
        %swap3A_217 = tpu.vector_load %arg11[%swap3A_216] {strides = array<i32>} : memref<80xi32, #tpu.memory_space<vmem>>, vector<16xi32>,
        %swap3A_218 = vector.shape_cast %swap3A_217 : vector<16xi32> to vector<16xi32>
        %swap3A_219 = vector.shape_cast %get3A_215 : vector<16xi32> to vector<16xi32>
        tpu.vector_store %arg11[%swap3A_216], %swap3A_219 {strides = array<i32>} : memref<80xi32, #tpu.memory_space<vmem>>, vector<16xi32>,
        %get3A_220 = arith.index_cast %add3A_187 : i32 to index
        %get3A_221 = arith.constant 64 : index
        %get3A_222 = tpu.vector_load %arg7[%get3A_220, %get3A_221] {strides = array<i32>} : memref<25x80xi32, #tpu.memory_space<vmem>>, vector<1x16xi32>,
        %get3A_223 = vector.shape_cast %get3A_222 : vector<1x16xi32> to vector<16xi32>
        %swap3A_224 = arith.constant 64 : index
        %swap3A_225 = tpu.vector_load %arg11[%swap3A_224] {strides = array<i32>} : memref<80xi32, #tpu.memory_space<vmem>>, vector<16xi32>,
        %swap3A_226 = vector.shape_cast %swap3A_225 : vector<16xi32> to vector<16xi32>
        %swap3A_227 = vector.shape_cast %get3A_223 : vector<16xi32> to vector<16xi32>
        tpu.vector_store %arg11[%swap3A_224], %swap3A_227 {strides = array<i32>} : memref<80xi32, #tpu.memory_space<vmem>>, vector<16xi32>,
        %dma_start3A_228 = arith.constant 0 : i32
        %dma_start3A_229 = arith.constant 0 : i32
        %dma_start3A_230 = tpu.memref_slice %arg2[%dma_start3A_228, %dma_start3A_229] : memref<10000x128xf32, #tpu.memory_space<hbm>> -> memref<10000x128xf32, #tpu.memory_space<hbm>>
        tpu.enqueue_indirect_dma source(%dma_start3A_230 : memref<10000x128xf32, #tpu.memory_space<hbm>>) target(%arg17 : memref<80x128xf32, #tpu.memory_space<vmem>>) offsets(%arg11 : memref<80xi32, #tpu.memory_space<vmem>>) semaphore(%arg20 : memref<!tpu.dma_semaphore, #tpu.memory_space<semaphore_mem>>)
        %dma_wait3A_231 = arith.constant 0 : i32
        %dma_wait3A_232 = arith.constant 0 : i32
        %dma_wait3A_233 = tpu.memref_slice %arg2[%dma_wait3A_231, %dma_wait3A_232] : memref<10000x128xf32, #tpu.memory_space<hbm>> -> memref<10000x128xf32, #tpu.memory_space<hbm>>
        tpu.wait_indirect_dma semaphore(%arg18 : memref<!tpu.dma_semaphore, #tpu.memory_space<semaphore_mem>>) src(%dma_wait3A_233 : memref<10000x128xf32, #tpu.memory_space<hbm>>) dst(%arg15 : memref<80x128xf32, #tpu.memory_space<vmem>>)
        %get3A_234 = arith.index_cast %mul3A_181 : i32 to index
        %get3A_235 = arith.constant 0 : index
        %get3A_236 = tpu.vector_load %arg8[%get3A_234, %get3A_235] {strides = array<i32>} : memref<25x80xi32, #tpu.memory_space<vmem>>, vector<1x16xi32>,
        %get3A_237 = vector.shape_cast %get3A_236 : vector<1x16xi32> to vector<16xi32>
        %swap3A_238 = arith.constant 0 : index
        %swap3A_239 = tpu.vector_load %arg12[%swap3A_238] {strides = array<i32>} : memref<80xi32, #tpu.memory_space<vmem>>, vector<16xi32>,
        %swap3A_240 = vector.shape_cast %swap3A_239 : vector<16xi32> to vector<16xi32>
        %swap3A_241 = vector.shape_cast %get3A_237 : vector<16xi32> to vector<16xi32>
        tpu.vector_store %arg12[%swap3A_238], %swap3A_241 {strides = array<i32>} : memref<80xi32, #tpu.memory_space<vmem>>, vector<16xi32>,
        %get3A_242 = arith.index_cast %mul3A_181 : i32 to index
        %get3A_243 = arith.constant 16 : index
        %get3A_244 = tpu.vector_load %arg8[%get3A_242, %get3A_243] {strides = array<i32>} : memref<25x80xi32, #tpu.memory_space<vmem>>, vector<1x16xi32>,
        %get3A_245 = vector.shape_cast %get3A_244 : vector<1x16xi32> to vector<16xi32>
        %swap3A_246 = arith.constant 16 : index
        %swap3A_247 = tpu.vector_load %arg12[%swap3A_246] {strides = array<i32>} : memref<80xi32, #tpu.memory_space<vmem>>, vector<16xi32>,
        %swap3A_248 = vector.shape_cast %swap3A_247 : vector<16xi32> to vector<16xi32>
        %swap3A_249 = vector.shape_cast %get3A_245 : vector<16xi32> to vector<16xi32>
        tpu.vector_store %arg12[%swap3A_246], %swap3A_249 {strides = array<i32>} : memref<80xi32, #tpu.memory_space<vmem>>, vector<16xi32>,
        %get3A_250 = arith.index_cast %mul3A_181 : i32 to index
        %get3A_251 = arith.constant 32 : index
        %get3A_252 = tpu.vector_load %arg8[%get3A_250, %get3A_251] {strides = array<i32>} : memref<25x80xi32, #tpu.memory_space<vmem>>, vector<1x16xi32>,
        %get3A_253 = vector.shape_cast %get3A_252 : vector<1x16xi32> to vector<16xi32>
        %swap3A_254 = arith.constant 32 : index
        %swap3A_255 = tpu.vector_load %arg12[%swap3A_254] {strides = array<i32>} : memref<80xi32, #tpu.memory_space<vmem>>, vector<16xi32>,
        %swap3A_256 = vector.shape_cast %swap3A_255 : vector<16xi32> to vector<16xi32>
        %swap3A_257 = vector.shape_cast %get3A_253 : vector<16xi32> to vector<16xi32>
        tpu.vector_store %arg12[%swap3A_254], %swap3A_257 {strides = array<i32>} : memref<80xi32, #tpu.memory_space<vmem>>, vector<16xi32>,
        %get3A_258 = arith.index_cast %mul3A_181 : i32 to index
        %get3A_259 = arith.constant 48 : index
        %get3A_260 = tpu.vector_load %arg8[%get3A_258, %get3A_259] {strides = array<i32>} : memref<25x80xi32, #tpu.memory_space<vmem>>, vector<1x16xi32>,
        %get3A_261 = vector.shape_cast %get3A_260 : vector<1x16xi32> to vector<16xi32>
        %swap3A_262 = arith.constant 48 : index
        %swap3A_263 = tpu.vector_load %arg12[%swap3A_262] {strides = array<i32>} : memref<80xi32, #tpu.memory_space<vmem>>, vector<16xi32>,
        %swap3A_264 = vector.shape_cast %swap3A_263 : vector<16xi32> to vector<16xi32>
        %swap3A_265 = vector.shape_cast %get3A_261 : vector<16xi32> to vector<16xi32>
        tpu.vector_store %arg12[%swap3A_262], %swap3A_265 {strides = array<i32>} : memref<80xi32, #tpu.memory_space<vmem>>, vector<16xi32>,
        %get3A_266 = arith.index_cast %mul3A_181 : i32 to index
        %get3A_267 = arith.constant 64 : index
        %get3A_268 = tpu.vector_load %arg8[%get3A_266, %get3A_267] {strides = array<i32>} : memref<25x80xi32, #tpu.memory_space<vmem>>, vector<1x16xi32>,
        %get3A_269 = vector.shape_cast %get3A_268 : vector<1x16xi32> to vector<16xi32>
        %swap3A_270 = arith.constant 64 : index
        %swap3A_271 = tpu.vector_load %arg12[%swap3A_270] {strides = array<i32>} : memref<80xi32, #tpu.memory_space<vmem>>, vector<16xi32>,
        %swap3A_272 = vector.shape_cast %swap3A_271 : vector<16xi32> to vector<16xi32>
        %swap3A_273 = vector.shape_cast %get3A_269 : vector<16xi32> to vector<16xi32>
        tpu.vector_store %arg12[%swap3A_270], %swap3A_273 {strides = array<i32>} : memref<80xi32, #tpu.memory_space<vmem>>, vector<16xi32>,
        %dma_start3A_274 = arith.constant 0 : i32
        %dma_start3A_275 = arith.constant 0 : i32
        %dma_start3A_276 = tpu.memref_slice %arg24[%dma_start3A_274, %dma_start3A_275] : memref<10000x128xf32, #tpu.memory_space<vmem_shared>> -> memref<10000x128xf32, #tpu.memory_space<vmem_shared>>
        tpu.enqueue_indirect_dma source(%arg15 : memref<80x128xf32, #tpu.memory_space<vmem>>) target(%dma_start3A_276 : memref<10000x128xf32, #tpu.memory_space<vmem_shared>>) offsets(%arg12 : memref<80xi32, #tpu.memory_space<vmem>>) semaphore(%arg21 : memref<!tpu.dma_semaphore, #tpu.memory_space<semaphore_mem>>) {add = true}
        %dma_wait3A_277 = arith.constant 0 : i32
        %dma_wait3A_278 = arith.constant 0 : i32
        %dma_wait3A_279 = tpu.memref_slice %arg24[%dma_wait3A_277, %dma_wait3A_278] : memref<10000x128xf32, #tpu.memory_space<vmem_shared>> -> memref<10000x128xf32, #tpu.memory_space<vmem_shared>>
        tpu.wait_indirect_dma semaphore(%arg21 : memref<!tpu.dma_semaphore, #tpu.memory_space<semaphore_mem>>) src(%arg15 : memref<80x128xf32, #tpu.memory_space<vmem>>) dst(%dma_wait3A_279 : memref<10000x128xf32, #tpu.memory_space<vmem_shared>>)
        %add3A_280 = arith.constant 3 : i32
        %add3A_281 = arith.addi %mul3A_181, %add3A_280 : i32
        %get3A_282 = arith.index_cast %add3A_281 : i32 to index
        %get3A_283 = arith.constant 0 : index
        %get3A_284 = tpu.vector_load %arg7[%get3A_282, %get3A_283] {strides = array<i32>} : memref<25x80xi32, #tpu.memory_space<vmem>>, vector<1x16xi32>,
        %get3A_285 = vector.shape_cast %get3A_284 : vector<1x16xi32> to vector<16xi32>
        %swap3A_286 = arith.constant 0 : index
        %swap3A_287 = tpu.vector_load %arg9[%swap3A_286] {strides = array<i32>} : memref<80xi32, #tpu.memory_space<vmem>>, vector<16xi32>,
        %swap3A_288 = vector.shape_cast %swap3A_287 : vector<16xi32> to vector<16xi32>
        %swap3A_289 = vector.shape_cast %get3A_285 : vector<16xi32> to vector<16xi32>
        tpu.vector_store %arg9[%swap3A_286], %swap3A_289 {strides = array<i32>} : memref<80xi32, #tpu.memory_space<vmem>>, vector<16xi32>,
        %get3A_290 = arith.index_cast %add3A_281 : i32 to index
        %get3A_291 = arith.constant 16 : index
        %get3A_292 = tpu.vector_load %arg7[%get3A_290, %get3A_291] {strides = array<i32>} : memref<25x80xi32, #tpu.memory_space<vmem>>, vector<1x16xi32>,
        %get3A_293 = vector.shape_cast %get3A_292 : vector<1x16xi32> to vector<16xi32>
        %swap3A_294 = arith.constant 16 : index
        %swap3A_295 = tpu.vector_load %arg9[%swap3A_294] {strides = array<i32>} : memref<80xi32, #tpu.memory_space<vmem>>, vector<16xi32>,
        %swap3A_296 = vector.shape_cast %swap3A_295 : vector<16xi32> to vector<16xi32>
        %swap3A_297 = vector.shape_cast %get3A_293 : vector<16xi32> to vector<16xi32>
        tpu.vector_store %arg9[%swap3A_294], %swap3A_297 {strides = array<i32>} : memref<80xi32, #tpu.memory_space<vmem>>, vector<16xi32>,
        %get3A_298 = arith.index_cast %add3A_281 : i32 to index
        %get3A_299 = arith.constant 32 : index
        %get3A_300 = tpu.vector_load %arg7[%get3A_298, %get3A_299] {strides = array<i32>} : memref<25x80xi32, #tpu.memory_space<vmem>>, vector<1x16xi32>,
        %get3A_301 = vector.shape_cast %get3A_300 : vector<1x16xi32> to vector<16xi32>
        %swap3A_302 = arith.constant 32 : index
        %swap3A_303 = tpu.vector_load %arg9[%swap3A_302] {strides = array<i32>} : memref<80xi32, #tpu.memory_space<vmem>>, vector<16xi32>,
        %swap3A_304 = vector.shape_cast %swap3A_303 : vector<16xi32> to vector<16xi32>
        %swap3A_305 = vector.shape_cast %get3A_301 : vector<16xi32> to vector<16xi32>
        tpu.vector_store %arg9[%swap3A_302], %swap3A_305 {strides = array<i32>} : memref<80xi32, #tpu.memory_space<vmem>>, vector<16xi32>,
        %get3A_306 = arith.index_cast %add3A_281 : i32 to index
        %get3A_307 = arith.constant 48 : index
        %get3A_308 = tpu.vector_load %arg7[%get3A_306, %get3A_307] {strides = array<i32>} : memref<25x80xi32, #tpu.memory_space<vmem>>, vector<1x16xi32>,
        %get3A_309 = vector.shape_cast %get3A_308 : vector<1x16xi32> to vector<16xi32>
        %swap3A_310 = arith.constant 48 : index
        %swap3A_311 = tpu.vector_load %arg9[%swap3A_310] {strides = array<i32>} : memref<80xi32, #tpu.memory_space<vmem>>, vector<16xi32>,
        %swap3A_312 = vector.shape_cast %swap3A_311 : vector<16xi32> to vector<16xi32>
        %swap3A_313 = vector.shape_cast %get3A_309 : vector<16xi32> to vector<16xi32>
        tpu.vector_store %arg9[%swap3A_310], %swap3A_313 {strides = array<i32>} : memref<80xi32, #tpu.memory_space<vmem>>, vector<16xi32>,
        %get3A_314 = arith.index_cast %add3A_281 : i32 to index
        %get3A_315 = arith.constant 64 : index
        %get3A_316 = tpu.vector_load %arg7[%get3A_314, %get3A_315] {strides = array<i32>} : memref<25x80xi32, #tpu.memory_space<vmem>>, vector<1x16xi32>,
        %get3A_317 = vector.shape_cast %get3A_316 : vector<1x16xi32> to vector<16xi32>
        %swap3A_318 = arith.constant 64 : index
        %swap3A_319 = tpu.vector_load %arg9[%swap3A_318] {strides = array<i32>} : memref<80xi32, #tpu.memory_space<vmem>>, vector<16xi32>,
        %swap3A_320 = vector.shape_cast %swap3A_319 : vector<16xi32> to vector<16xi32>
        %swap3A_321 = vector.shape_cast %get3A_317 : vector<16xi32> to vector<16xi32>
        tpu.vector_store %arg9[%swap3A_318], %swap3A_321 {strides = array<i32>} : memref<80xi32, #tpu.memory_space<vmem>>, vector<16xi32>,
        %dma_start3A_322 = arith.constant 0 : i32
        %dma_start3A_323 = arith.constant 0 : i32
        %dma_start3A_324 = tpu.memref_slice %arg2[%dma_start3A_322, %dma_start3A_323] : memref<10000x128xf32, #tpu.memory_space<hbm>> -> memref<10000x128xf32, #tpu.memory_space<hbm>>
        tpu.enqueue_indirect_dma source(%dma_start3A_324 : memref<10000x128xf32, #tpu.memory_space<hbm>>) target(%arg15 : memref<80x128xf32, #tpu.memory_space<vmem>>) offsets(%arg9 : memref<80xi32, #tpu.memory_space<vmem>>) semaphore(%arg18 : memref<!tpu.dma_semaphore, #tpu.memory_space<semaphore_mem>>)
        %add3A_325 = arith.constant 1 : i32
        %add3A_326 = arith.addi %mul3A_181, %add3A_325 : i32
        %dma_wait3A_327 = arith.constant 0 : i32
        %dma_wait3A_328 = arith.constant 0 : i32
        %dma_wait3A_329 = tpu.memref_slice %arg2[%dma_wait3A_327, %dma_wait3A_328] : memref<10000x128xf32, #tpu.memory_space<hbm>> -> memref<10000x128xf32, #tpu.memory_space<hbm>>
        tpu.wait_indirect_dma semaphore(%arg19 : memref<!tpu.dma_semaphore, #tpu.memory_space<semaphore_mem>>) src(%dma_wait3A_329 : memref<10000x128xf32, #tpu.memory_space<hbm>>) dst(%arg16 : memref<80x128xf32, #tpu.memory_space<vmem>>)
        %get3A_330 = arith.index_cast %add3A_326 : i32 to index
        %get3A_331 = arith.constant 0 : index
        %get3A_332 = tpu.vector_load %arg8[%get3A_330, %get3A_331] {strides = array<i32>} : memref<25x80xi32, #tpu.memory_space<vmem>>, vector<1x16xi32>,
        %get3A_333 = vector.shape_cast %get3A_332 : vector<1x16xi32> to vector<16xi32>
        %swap3A_334 = arith.constant 0 : index
        %swap3A_335 = tpu.vector_load %arg13[%swap3A_334] {strides = array<i32>} : memref<80xi32, #tpu.memory_space<vmem>>, vector<16xi32>,
        %swap3A_336 = vector.shape_cast %swap3A_335 : vector<16xi32> to vector<16xi32>
        %swap3A_337 = vector.shape_cast %get3A_333 : vector<16xi32> to vector<16xi32>
        tpu.vector_store %arg13[%swap3A_334], %swap3A_337 {strides = array<i32>} : memref<80xi32, #tpu.memory_space<vmem>>, vector<16xi32>,
        %get3A_338 = arith.index_cast %add3A_326 : i32 to index
        %get3A_339 = arith.constant 16 : index
        %get3A_340 = tpu.vector_load %arg8[%get3A_338, %get3A_339] {strides = array<i32>} : memref<25x80xi32, #tpu.memory_space<vmem>>, vector<1x16xi32>,
        %get3A_341 = vector.shape_cast %get3A_340 : vector<1x16xi32> to vector<16xi32>
        %swap3A_342 = arith.constant 16 : index
        %swap3A_343 = tpu.vector_load %arg13[%swap3A_342] {strides = array<i32>} : memref<80xi32, #tpu.memory_space<vmem>>, vector<16xi32>,
        %swap3A_344 = vector.shape_cast %swap3A_343 : vector<16xi32> to vector<16xi32>
        %swap3A_345 = vector.shape_cast %get3A_341 : vector<16xi32> to vector<16xi32>
        tpu.vector_store %arg13[%swap3A_342], %swap3A_345 {strides = array<i32>} : memref<80xi32, #tpu.memory_space<vmem>>, vector<16xi32>,
        %get3A_346 = arith.index_cast %add3A_326 : i32 to index
        %get3A_347 = arith.constant 32 : index
        %get3A_348 = tpu.vector_load %arg8[%get3A_346, %get3A_347] {strides = array<i32>} : memref<25x80xi32, #tpu.memory_space<vmem>>, vector<1x16xi32>,
        %get3A_349 = vector.shape_cast %get3A_348 : vector<1x16xi32> to vector<16xi32>
        %swap3A_350 = arith.constant 32 : index
        %swap3A_351 = tpu.vector_load %arg13[%swap3A_350] {strides = array<i32>} : memref<80xi32, #tpu.memory_space<vmem>>, vector<16xi32>,
        %swap3A_352 = vector.shape_cast %swap3A_351 : vector<16xi32> to vector<16xi32>
        %swap3A_353 = vector.shape_cast %get3A_349 : vector<16xi32> to vector<16xi32>
        tpu.vector_store %arg13[%swap3A_350], %swap3A_353 {strides = array<i32>} : memref<80xi32, #tpu.memory_space<vmem>>, vector<16xi32>,
        %get3A_354 = arith.index_cast %add3A_326 : i32 to index
        %get3A_355 = arith.constant 48 : index
        %get3A_356 = tpu.vector_load %arg8[%get3A_354, %get3A_355] {strides = array<i32>} : memref<25x80xi32, #tpu.memory_space<vmem>>, vector<1x16xi32>,
        %get3A_357 = vector.shape_cast %get3A_356 : vector<1x16xi32> to vector<16xi32>
        %swap3A_358 = arith.constant 48 : index
        %swap3A_359 = tpu.vector_load %arg13[%swap3A_358] {strides = array<i32>} : memref<80xi32, #tpu.memory_space<vmem>>, vector<16xi32>,
        %swap3A_360 = vector.shape_cast %swap3A_359 : vector<16xi32> to vector<16xi32>
        %swap3A_361 = vector.shape_cast %get3A_357 : vector<16xi32> to vector<16xi32>
        tpu.vector_store %arg13[%swap3A_358], %swap3A_361 {strides = array<i32>} : memref<80xi32, #tpu.memory_space<vmem>>, vector<16xi32>,
        %get3A_362 = arith.index_cast %add3A_326 : i32 to index
        %get3A_363 = arith.constant 64 : index
        %get3A_364 = tpu.vector_load %arg8[%get3A_362, %get3A_363] {strides = array<i32>} : memref<25x80xi32, #tpu.memory_space<vmem>>, vector<1x16xi32>,
        %get3A_365 = vector.shape_cast %get3A_364 : vector<1x16xi32> to vector<16xi32>
        %swap3A_366 = arith.constant 64 : index
        %swap3A_367 = tpu.vector_load %arg13[%swap3A_366] {strides = array<i32>} : memref<80xi32, #tpu.memory_space<vmem>>, vector<16xi32>,
        %swap3A_368 = vector.shape_cast %swap3A_367 : vector<16xi32> to vector<16xi32>
        %swap3A_369 = vector.shape_cast %get3A_365 : vector<16xi32> to vector<16xi32>
        tpu.vector_store %arg13[%swap3A_366], %swap3A_369 {strides = array<i32>} : memref<80xi32, #tpu.memory_space<vmem>>, vector<16xi32>,
        %dma_start3A_370 = arith.constant 0 : i32
        %dma_start3A_371 = arith.constant 0 : i32
        %dma_start3A_372 = tpu.memref_slice %arg24[%dma_start3A_370, %dma_start3A_371] : memref<10000x128xf32, #tpu.memory_space<vmem_shared>> -> memref<10000x128xf32, #tpu.memory_space<vmem_shared>>
        tpu.enqueue_indirect_dma source(%arg16 : memref<80x128xf32, #tpu.memory_space<vmem>>) target(%dma_start3A_372 : memref<10000x128xf32, #tpu.memory_space<vmem_shared>>) offsets(%arg13 : memref<80xi32, #tpu.memory_space<vmem>>) semaphore(%arg22 : memref<!tpu.dma_semaphore, #tpu.memory_space<semaphore_mem>>) {add = true}
        %dma_wait3A_373 = arith.constant 0 : i32
        %dma_wait3A_374 = arith.constant 0 : i32
        %dma_wait3A_375 = tpu.memref_slice %arg24[%dma_wait3A_373, %dma_wait3A_374] : memref<10000x128xf32, #tpu.memory_space<vmem_shared>> -> memref<10000x128xf32, #tpu.memory_space<vmem_shared>>
        tpu.wait_indirect_dma semaphore(%arg22 : memref<!tpu.dma_semaphore, #tpu.memory_space<semaphore_mem>>) src(%arg16 : memref<80x128xf32, #tpu.memory_space<vmem>>) dst(%dma_wait3A_375 : memref<10000x128xf32, #tpu.memory_space<vmem_shared>>)
        %lt3A_376 = arith.constant 7 : i32
        %lt3A_377 = arith.cmpi slt, %scan3A_179, %lt3A_376 : i32
        %convert_element_type3A_378 = arith.extui %lt3A_377 : i1 to i32
        %cond3A_379 = arith.constant 0 : i32
        %cond3A_380 = arith.cmpi ne, %convert_element_type3A_378, %cond3A_379 : i32
        scf.if %cond3A_380 {
          %add3A_429 = arith.constant 4 : i32
          %add3A_430 = arith.addi %mul3A_181, %add3A_429 : i32
          %get3A_431 = arith.index_cast %add3A_430 : i32 to index
          %get3A_432 = arith.constant 0 : index
          %get3A_433 = tpu.vector_load %arg7[%get3A_431, %get3A_432] {strides = array<i32>} : memref<25x80xi32, #tpu.memory_space<vmem>>, vector<1x16xi32>,
          %get3A_434 = vector.shape_cast %get3A_433 : vector<1x16xi32> to vector<16xi32>
          %swap3A_435 = arith.constant 0 : index
          %swap3A_436 = tpu.vector_load %arg10[%swap3A_435] {strides = array<i32>} : memref<80xi32, #tpu.memory_space<vmem>>, vector<16xi32>,
          %swap3A_437 = vector.shape_cast %swap3A_436 : vector<16xi32> to vector<16xi32>
          %swap3A_438 = vector.shape_cast %get3A_434 : vector<16xi32> to vector<16xi32>
          tpu.vector_store %arg10[%swap3A_435], %swap3A_438 {strides = array<i32>} : memref<80xi32, #tpu.memory_space<vmem>>, vector<16xi32>,
          %get3A_439 = arith.index_cast %add3A_430 : i32 to index
          %get3A_440 = arith.constant 16 : index
          %get3A_441 = tpu.vector_load %arg7[%get3A_439, %get3A_440] {strides = array<i32>} : memref<25x80xi32, #tpu.memory_space<vmem>>, vector<1x16xi32>,
          %get3A_442 = vector.shape_cast %get3A_441 : vector<1x16xi32> to vector<16xi32>
          %swap3A_443 = arith.constant 16 : index
          %swap3A_444 = tpu.vector_load %arg10[%swap3A_443] {strides = array<i32>} : memref<80xi32, #tpu.memory_space<vmem>>, vector<16xi32>,
          %swap3A_445 = vector.shape_cast %swap3A_444 : vector<16xi32> to vector<16xi32>
          %swap3A_446 = vector.shape_cast %get3A_442 : vector<16xi32> to vector<16xi32>
          tpu.vector_store %arg10[%swap3A_443], %swap3A_446 {strides = array<i32>} : memref<80xi32, #tpu.memory_space<vmem>>, vector<16xi32>,
          %get3A_447 = arith.index_cast %add3A_430 : i32 to index
          %get3A_448 = arith.constant 32 : index
          %get3A_449 = tpu.vector_load %arg7[%get3A_447, %get3A_448] {strides = array<i32>} : memref<25x80xi32, #tpu.memory_space<vmem>>, vector<1x16xi32>,
          %get3A_450 = vector.shape_cast %get3A_449 : vector<1x16xi32> to vector<16xi32>
          %swap3A_451 = arith.constant 32 : index
          %swap3A_452 = tpu.vector_load %arg10[%swap3A_451] {strides = array<i32>} : memref<80xi32, #tpu.memory_space<vmem>>, vector<16xi32>,
          %swap3A_453 = vector.shape_cast %swap3A_452 : vector<16xi32> to vector<16xi32>
          %swap3A_454 = vector.shape_cast %get3A_450 : vector<16xi32> to vector<16xi32>
          tpu.vector_store %arg10[%swap3A_451], %swap3A_454 {strides = array<i32>} : memref<80xi32, #tpu.memory_space<vmem>>, vector<16xi32>,
          %get3A_455 = arith.index_cast %add3A_430 : i32 to index
          %get3A_456 = arith.constant 48 : index
          %get3A_457 = tpu.vector_load %arg7[%get3A_455, %get3A_456] {strides = array<i32>} : memref<25x80xi32, #tpu.memory_space<vmem>>, vector<1x16xi32>,
          %get3A_458 = vector.shape_cast %get3A_457 : vector<1x16xi32> to vector<16xi32>
          %swap3A_459 = arith.constant 48 : index
          %swap3A_460 = tpu.vector_load %arg10[%swap3A_459] {strides = array<i32>} : memref<80xi32, #tpu.memory_space<vmem>>, vector<16xi32>,
          %swap3A_461 = vector.shape_cast %swap3A_460 : vector<16xi32> to vector<16xi32>
          %swap3A_462 = vector.shape_cast %get3A_458 : vector<16xi32> to vector<16xi32>
          tpu.vector_store %arg10[%swap3A_459], %swap3A_462 {strides = array<i32>} : memref<80xi32, #tpu.memory_space<vmem>>, vector<16xi32>,
          %get3A_463 = arith.index_cast %add3A_430 : i32 to index
          %get3A_464 = arith.constant 64 : index
          %get3A_465 = tpu.vector_load %arg7[%get3A_463, %get3A_464] {strides = array<i32>} : memref<25x80xi32, #tpu.memory_space<vmem>>, vector<1x16xi32>,
          %get3A_466 = vector.shape_cast %get3A_465 : vector<1x16xi32> to vector<16xi32>
          %swap3A_467 = arith.constant 64 : index
          %swap3A_468 = tpu.vector_load %arg10[%swap3A_467] {strides = array<i32>} : memref<80xi32, #tpu.memory_space<vmem>>, vector<16xi32>,
          %swap3A_469 = vector.shape_cast %swap3A_468 : vector<16xi32> to vector<16xi32>
          %swap3A_470 = vector.shape_cast %get3A_466 : vector<16xi32> to vector<16xi32>
          tpu.vector_store %arg10[%swap3A_467], %swap3A_470 {strides = array<i32>} : memref<80xi32, #tpu.memory_space<vmem>>, vector<16xi32>,
          %dma_start3A_471 = arith.constant 0 : i32
          %dma_start3A_472 = arith.constant 0 : i32
          %dma_start3A_473 = tpu.memref_slice %arg2[%dma_start3A_471, %dma_start3A_472] : memref<10000x128xf32, #tpu.memory_space<hbm>> -> memref<10000x128xf32, #tpu.memory_space<hbm>>
          tpu.enqueue_indirect_dma source(%dma_start3A_473 : memref<10000x128xf32, #tpu.memory_space<hbm>>) target(%arg16 : memref<80x128xf32, #tpu.memory_space<vmem>>) offsets(%arg10 : memref<80xi32, #tpu.memory_space<vmem>>) semaphore(%arg19 : memref<!tpu.dma_semaphore, #tpu.memory_space<semaphore_mem>>)
        } else {
        }
        %add3A_381 = arith.constant 2 : i32
        %add3A_382 = arith.addi %mul3A_181, %add3A_381 : i32
        %dma_wait3A_383 = arith.constant 0 : i32
        %dma_wait3A_384 = arith.constant 0 : i32
        %dma_wait3A_385 = tpu.memref_slice %arg2[%dma_wait3A_383, %dma_wait3A_384] : memref<10000x128xf32, #tpu.memory_space<hbm>> -> memref<10000x128xf32, #tpu.memory_space<hbm>>
        tpu.wait_indirect_dma semaphore(%arg20 : memref<!tpu.dma_semaphore, #tpu.memory_space<semaphore_mem>>) src(%dma_wait3A_385 : memref<10000x128xf32, #tpu.memory_space<hbm>>) dst(%arg17 : memref<80x128xf32, #tpu.memory_space<vmem>>)
        %get3A_386 = arith.index_cast %add3A_382 : i32 to index
        %get3A_387 = arith.constant 0 : index
        %get3A_388 = tpu.vector_load %arg8[%get3A_386, %get3A_387] {strides = array<i32>} : memref<25x80xi32, #tpu.memory_space<vmem>>, vector<1x16xi32>,
        %get3A_389 = vector.shape_cast %get3A_388 : vector<1x16xi32> to vector<16xi32>
        %swap3A_390 = arith.constant 0 : index
        %swap3A_391 = tpu.vector_load %arg14[%swap3A_390] {strides = array<i32>} : memref<80xi32, #tpu.memory_space<vmem>>, vector<16xi32>,
        %swap3A_392 = vector.shape_cast %swap3A_391 : vector<16xi32> to vector<16xi32>
        %swap3A_393 = vector.shape_cast %get3A_389 : vector<16xi32> to vector<16xi32>
        tpu.vector_store %arg14[%swap3A_390], %swap3A_393 {strides = array<i32>} : memref<80xi32, #tpu.memory_space<vmem>>, vector<16xi32>,
        %get3A_394 = arith.index_cast %add3A_382 : i32 to index
        %get3A_395 = arith.constant 16 : index
        %get3A_396 = tpu.vector_load %arg8[%get3A_394, %get3A_395] {strides = array<i32>} : memref<25x80xi32, #tpu.memory_space<vmem>>, vector<1x16xi32>,
        %get3A_397 = vector.shape_cast %get3A_396 : vector<1x16xi32> to vector<16xi32>
        %swap3A_398 = arith.constant 16 : index
        %swap3A_399 = tpu.vector_load %arg14[%swap3A_398] {strides = array<i32>} : memref<80xi32, #tpu.memory_space<vmem>>, vector<16xi32>,
        %swap3A_400 = vector.shape_cast %swap3A_399 : vector<16xi32> to vector<16xi32>
        %swap3A_401 = vector.shape_cast %get3A_397 : vector<16xi32> to vector<16xi32>
        tpu.vector_store %arg14[%swap3A_398], %swap3A_401 {strides = array<i32>} : memref<80xi32, #tpu.memory_space<vmem>>, vector<16xi32>,
        %get3A_402 = arith.index_cast %add3A_382 : i32 to index
        %get3A_403 = arith.constant 32 : index
        %get3A_404 = tpu.vector_load %arg8[%get3A_402, %get3A_403] {strides = array<i32>} : memref<25x80xi32, #tpu.memory_space<vmem>>, vector<1x16xi32>,
        %get3A_405 = vector.shape_cast %get3A_404 : vector<1x16xi32> to vector<16xi32>
        %swap3A_406 = arith.constant 32 : index
        %swap3A_407 = tpu.vector_load %arg14[%swap3A_406] {strides = array<i32>} : memref<80xi32, #tpu.memory_space<vmem>>, vector<16xi32>,
        %swap3A_408 = vector.shape_cast %swap3A_407 : vector<16xi32> to vector<16xi32>
        %swap3A_409 = vector.shape_cast %get3A_405 : vector<16xi32> to vector<16xi32>
        tpu.vector_store %arg14[%swap3A_406], %swap3A_409 {strides = array<i32>} : memref<80xi32, #tpu.memory_space<vmem>>, vector<16xi32>,
        %get3A_410 = arith.index_cast %add3A_382 : i32 to index
        %get3A_411 = arith.constant 48 : index
        %get3A_412 = tpu.vector_load %arg8[%get3A_410, %get3A_411] {strides = array<i32>} : memref<25x80xi32, #tpu.memory_space<vmem>>, vector<1x16xi32>,
        %get3A_413 = vector.shape_cast %get3A_412 : vector<1x16xi32> to vector<16xi32>
        %swap3A_414 = arith.constant 48 : index
        %swap3A_415 = tpu.vector_load %arg14[%swap3A_414] {strides = array<i32>} : memref<80xi32, #tpu.memory_space<vmem>>, vector<16xi32>,
        %swap3A_416 = vector.shape_cast %swap3A_415 : vector<16xi32> to vector<16xi32>
        %swap3A_417 = vector.shape_cast %get3A_413 : vector<16xi32> to vector<16xi32>
        tpu.vector_store %arg14[%swap3A_414], %swap3A_417 {strides = array<i32>} : memref<80xi32, #tpu.memory_space<vmem>>, vector<16xi32>,
        %get3A_418 = arith.index_cast %add3A_382 : i32 to index
        %get3A_419 = arith.constant 64 : index
        %get3A_420 = tpu.vector_load %arg8[%get3A_418, %get3A_419] {strides = array<i32>} : memref<25x80xi32, #tpu.memory_space<vmem>>, vector<1x16xi32>,
        %get3A_421 = vector.shape_cast %get3A_420 : vector<1x16xi32> to vector<16xi32>
        %swap3A_422 = arith.constant 64 : index
        %swap3A_423 = tpu.vector_load %arg14[%swap3A_422] {strides = array<i32>} : memref<80xi32, #tpu.memory_space<vmem>>, vector<16xi32>,
        %swap3A_424 = vector.shape_cast %swap3A_423 : vector<16xi32> to vector<16xi32>
        %swap3A_425 = vector.shape_cast %get3A_421 : vector<16xi32> to vector<16xi32>
        tpu.vector_store %arg14[%swap3A_422], %swap3A_425 {strides = array<i32>} : memref<80xi32, #tpu.memory_space<vmem>>, vector<16xi32>,
        %dma_start3A_426 = arith.constant 0 : i32
        %dma_start3A_427 = arith.constant 0 : i32
        %dma_start3A_428 = tpu.memref_slice %arg24[%dma_start3A_426, %dma_start3A_427] : memref<10000x128xf32, #tpu.memory_space<vmem_shared>> -> memref<10000x128xf32, #tpu.memory_space<vmem_shared>>
        tpu.enqueue_indirect_dma source(%arg17 : memref<80x128xf32, #tpu.memory_space<vmem>>) target(%dma_start3A_428 : memref<10000x128xf32, #tpu.memory_space<vmem_shared>>) offsets(%arg14 : memref<80xi32, #tpu.memory_space<vmem>>) semaphore(%arg23 : memref<!tpu.dma_semaphore, #tpu.memory_space<semaphore_mem>>) {add = true}
      }
      %scan3A_122 = arith.constant 8 : i32
      %dma_wait3A = arith.constant 0 : i32
      %dma_wait3A_123 = arith.constant 0 : i32
      %dma_wait3A_124 = tpu.memref_slice %arg2[%dma_wait3A, %dma_wait3A_123] : memref<10000x128xf32, #tpu.memory_space<hbm>> -> memref<10000x128xf32, #tpu.memory_space<hbm>>
      tpu.wait_indirect_dma semaphore(%arg18 : memref<!tpu.dma_semaphore, #tpu.memory_space<semaphore_mem>>) src(%dma_wait3A_124 : memref<10000x128xf32, #tpu.memory_space<hbm>>) dst(%arg15 : memref<80x128xf32, #tpu.memory_space<vmem>>)
      %get3A_125 = arith.constant 24 : i32
      %get3A_126 = arith.index_cast %get3A_125 : i32 to index
      %get3A_127 = arith.constant 0 : index
      %get3A_128 = tpu.vector_load %arg8[%get3A_126, %get3A_127] {strides = array<i32>} : memref<25x80xi32, #tpu.memory_space<vmem>>, vector<1x16xi32>,
      %get3A_129 = vector.shape_cast %get3A_128 : vector<1x16xi32> to vector<16xi32>
      %swap3A_130 = arith.constant 0 : index
      %swap3A_131 = tpu.vector_load %arg12[%swap3A_130] {strides = array<i32>} : memref<80xi32, #tpu.memory_space<vmem>>, vector<16xi32>,
      %swap3A_132 = vector.shape_cast %swap3A_131 : vector<16xi32> to vector<16xi32>
      %swap3A_133 = vector.shape_cast %get3A_129 : vector<16xi32> to vector<16xi32>
      tpu.vector_store %arg12[%swap3A_130], %swap3A_133 {strides = array<i32>} : memref<80xi32, #tpu.memory_space<vmem>>, vector<16xi32>,
      %get3A_134 = arith.constant 24 : i32
      %get3A_135 = arith.index_cast %get3A_134 : i32 to index
      %get3A_136 = arith.constant 16 : index
      %get3A_137 = tpu.vector_load %arg8[%get3A_135, %get3A_136] {strides = array<i32>} : memref<25x80xi32, #tpu.memory_space<vmem>>, vector<1x16xi32>,
      %get3A_138 = vector.shape_cast %get3A_137 : vector<1x16xi32> to vector<16xi32>
      %swap3A_139 = arith.constant 16 : index
      %swap3A_140 = tpu.vector_load %arg12[%swap3A_139] {strides = array<i32>} : memref<80xi32, #tpu.memory_space<vmem>>, vector<16xi32>,
      %swap3A_141 = vector.shape_cast %swap3A_140 : vector<16xi32> to vector<16xi32>
      %swap3A_142 = vector.shape_cast %get3A_138 : vector<16xi32> to vector<16xi32>
      tpu.vector_store %arg12[%swap3A_139], %swap3A_142 {strides = array<i32>} : memref<80xi32, #tpu.memory_space<vmem>>, vector<16xi32>,
      %get3A_143 = arith.constant 24 : i32
      %get3A_144 = arith.index_cast %get3A_143 : i32 to index
      %get3A_145 = arith.constant 32 : index
      %get3A_146 = tpu.vector_load %arg8[%get3A_144, %get3A_145] {strides = array<i32>} : memref<25x80xi32, #tpu.memory_space<vmem>>, vector<1x16xi32>,
      %get3A_147 = vector.shape_cast %get3A_146 : vector<1x16xi32> to vector<16xi32>
      %swap3A_148 = arith.constant 32 : index
      %swap3A_149 = tpu.vector_load %arg12[%swap3A_148] {strides = array<i32>} : memref<80xi32, #tpu.memory_space<vmem>>, vector<16xi32>,
      %swap3A_150 = vector.shape_cast %swap3A_149 : vector<16xi32> to vector<16xi32>
      %swap3A_151 = vector.shape_cast %get3A_147 : vector<16xi32> to vector<16xi32>
      tpu.vector_store %arg12[%swap3A_148], %swap3A_151 {strides = array<i32>} : memref<80xi32, #tpu.memory_space<vmem>>, vector<16xi32>,
      %get3A_152 = arith.constant 24 : i32
      %get3A_153 = arith.index_cast %get3A_152 : i32 to index
      %get3A_154 = arith.constant 48 : index
      %get3A_155 = tpu.vector_load %arg8[%get3A_153, %get3A_154] {strides = array<i32>} : memref<25x80xi32, #tpu.memory_space<vmem>>, vector<1x16xi32>,
      %get3A_156 = vector.shape_cast %get3A_155 : vector<1x16xi32> to vector<16xi32>
      %swap3A_157 = arith.constant 48 : index
      %swap3A_158 = tpu.vector_load %arg12[%swap3A_157] {strides = array<i32>} : memref<80xi32, #tpu.memory_space<vmem>>, vector<16xi32>,
      %swap3A_159 = vector.shape_cast %swap3A_158 : vector<16xi32> to vector<16xi32>
      %swap3A_160 = vector.shape_cast %get3A_156 : vector<16xi32> to vector<16xi32>
      tpu.vector_store %arg12[%swap3A_157], %swap3A_160 {strides = array<i32>} : memref<80xi32, #tpu.memory_space<vmem>>, vector<16xi32>,
      %get3A_161 = arith.constant 24 : i32
      %get3A_162 = arith.index_cast %get3A_161 : i32 to index
      %get3A_163 = arith.constant 64 : index
      %get3A_164 = tpu.vector_load %arg8[%get3A_162, %get3A_163] {strides = array<i32>} : memref<25x80xi32, #tpu.memory_space<vmem>>, vector<1x16xi32>,
      %get3A_165 = vector.shape_cast %get3A_164 : vector<1x16xi32> to vector<16xi32>
      %swap3A_166 = arith.constant 64 : index
      %swap3A_167 = tpu.vector_load %arg12[%swap3A_166] {strides = array<i32>} : memref<80xi32, #tpu.memory_space<vmem>>, vector<16xi32>,
      %swap3A_168 = vector.shape_cast %swap3A_167 : vector<16xi32> to vector<16xi32>
      %swap3A_169 = vector.shape_cast %get3A_165 : vector<16xi32> to vector<16xi32>
      tpu.vector_store %arg12[%swap3A_166], %swap3A_169 {strides = array<i32>} : memref<80xi32, #tpu.memory_space<vmem>>, vector<16xi32>,
      %dma_start3A_170 = arith.constant 0 : i32
      %dma_start3A_171 = arith.constant 0 : i32
      %dma_start3A_172 = tpu.memref_slice %arg24[%dma_start3A_170, %dma_start3A_171] : memref<10000x128xf32, #tpu.memory_space<vmem_shared>> -> memref<10000x128xf32, #tpu.memory_space<vmem_shared>>
      tpu.enqueue_indirect_dma source(%arg15 : memref<80x128xf32, #tpu.memory_space<vmem>>) target(%dma_start3A_172 : memref<10000x128xf32, #tpu.memory_space<vmem_shared>>) offsets(%arg12 : memref<80xi32, #tpu.memory_space<vmem>>) semaphore(%arg21 : memref<!tpu.dma_semaphore, #tpu.memory_space<semaphore_mem>>) {add = true}
      %dma_wait3A_173 = arith.constant 0 : i32
      %dma_wait3A_174 = arith.constant 0 : i32
      %dma_wait3A_175 = tpu.memref_slice %arg24[%dma_wait3A_173, %dma_wait3A_174] : memref<10000x128xf32, #tpu.memory_space<vmem_shared>> -> memref<10000x128xf32, #tpu.memory_space<vmem_shared>>
      tpu.wait_indirect_dma semaphore(%arg23 : memref<!tpu.dma_semaphore, #tpu.memory_space<semaphore_mem>>) src(%arg17 : memref<80x128xf32, #tpu.memory_space<vmem>>) dst(%dma_wait3A_175 : memref<10000x128xf32, #tpu.memory_space<vmem_shared>>)
      %dma_wait3A_176 = arith.constant 0 : i32
      %dma_wait3A_177 = arith.constant 0 : i32
      %dma_wait3A_178 = tpu.memref_slice %arg24[%dma_wait3A_176, %dma_wait3A_177] : memref<10000x128xf32, #tpu.memory_space<vmem_shared>> -> memref<10000x128xf32, #tpu.memory_space<vmem_shared>>
      tpu.wait_indirect_dma semaphore(%arg21 : memref<!tpu.dma_semaphore, #tpu.memory_space<semaphore_mem>>) src(%arg15 : memref<80x128xf32, #tpu.memory_space<vmem>>) dst(%dma_wait3A_178 : memref<10000x128xf32, #tpu.memory_space<vmem_shared>>)
    }
    %scan3A_11 = arith.constant 5 : i32
    %barrier3A_12 = arith.constant 0 : index
    tpu.barrier barrier_id(%barrier3A_12)
    %lt3A_13 = arith.constant 15 : i32
    %lt3A_14 = arith.cmpi slt, %arg1, %lt3A_13 : i32
    %convert_element_type3A_15 = arith.extui %lt3A_14 : i1 to i32
    %cond3A_16 = arith.constant 0 : i32
    %cond3A_17 = arith.cmpi ne, %convert_element_type3A_15, %cond3A_16 : i32
    scf.if %cond3A_17 {
      %mul3A_23 = arith.constant 640 : i32
      %mul3A_24 = arith.muli %arg1, %mul3A_23 : i32
      %mul3A_25 = arith.constant 640 : i32
      %mul3A_26 = arith.muli %arg1, %mul3A_25 : i32
      "tpu.region"() ({
        %run_scoped3A = tpu.sem_alloc : memref<!tpu.dma_semaphore, #tpu.memory_space<semaphore_mem>>
        %dma_start3A = arith.constant 0 : i32
        %dma_start3A_27 = arith.constant 0 : i32
        %dma_start3A_28 = tpu.memref_slice %arg6[%arg0, %dma_start3A, %dma_start3A_27] : memref<2x10000x128xf32, #tpu.memory_space<hbm>> -> memref<1x10000x128xf32, #tpu.memory_space<hbm>>
        %dma_start3A_29 = tpu.memref_squeeze %dma_start3A_28 : memref<1x10000x128xf32, #tpu.memory_space<hbm>> -> memref<10000x128xf32, #tpu.memory_space<hbm>>
        %dma_start3A_30 = arith.constant 0 : i32
        %dma_start3A_31 = tpu.memref_slice %dma_start3A_29[%mul3A_26, %dma_start3A_30] : memref<10000x128xf32, #tpu.memory_space<hbm>> -> memref<640x128xf32, #tpu.memory_space<hbm>>
        %dma_start3A_32 = arith.constant 0 : i32
        %dma_start3A_33 = tpu.memref_slice %arg24[%mul3A_24, %dma_start3A_32] : memref<10000x128xf32, #tpu.memory_space<vmem_shared>> -> memref<640x128xf32, #tpu.memory_space<vmem_shared>>
        tpu.enqueue_dma source(%dma_start3A_33 : memref<640x128xf32, #tpu.memory_space<vmem_shared>>) target(%dma_start3A_31 : memref<640x128xf32, #tpu.memory_space<hbm>>) target_semaphore(%run_scoped3A : memref<!tpu.dma_semaphore, #tpu.memory_space<semaphore_mem>>)
        %dma_wait3A = arith.constant 0 : i32
        %dma_wait3A_34 = arith.constant 0 : i32
        %dma_wait3A_35 = tpu.memref_slice %arg6[%arg0, %dma_wait3A, %dma_wait3A_34] : memref<2x10000x128xf32, #tpu.memory_space<hbm>> -> memref<1x10000x128xf32, #tpu.memory_space<hbm>>
        %dma_wait3A_36 = tpu.memref_squeeze %dma_wait3A_35 : memref<1x10000x128xf32, #tpu.memory_space<hbm>> -> memref<10000x128xf32, #tpu.memory_space<hbm>>
        %dma_wait3A_37 = arith.constant 0 : i32
        %dma_wait3A_38 = tpu.memref_slice %dma_wait3A_36[%mul3A_26, %dma_wait3A_37] : memref<10000x128xf32, #tpu.memory_space<hbm>> -> memref<640x128xf32, #tpu.memory_space<hbm>>
        %dma_wait3A_39 = arith.constant 0 : i32
        %dma_wait3A_40 = tpu.memref_slice %arg24[%mul3A_24, %dma_wait3A_39] : memref<10000x128xf32, #tpu.memory_space<vmem_shared>> -> memref<640x128xf32, #tpu.memory_space<vmem_shared>>
        tpu.wait_dma2 semaphore(%run_scoped3A : memref<!tpu.dma_semaphore, #tpu.memory_space<semaphore_mem>>) src(%dma_wait3A_40 : memref<640x128xf32, #tpu.memory_space<vmem_shared>>) dst(%dma_wait3A_38 : memref<640x128xf32, #tpu.memory_space<hbm>>)
        tpu.yield
      }) : () -> ()
    } else {
    }
    %eq3A_18 = arith.constant 15 : i32
    %eq3A_19 = arith.cmpi eq, %arg1, %eq3A_18 : i32
    %convert_element_type3A_20 = arith.extui %eq3A_19 : i1 to i32
    %cond3A_21 = arith.constant 0 : i32
    %cond3A_22 = arith.cmpi ne, %convert_element_type3A_20, %cond3A_21 : i32
    scf.if %cond3A_22 {
      "tpu.region"() ({
        %run_scoped3A = tpu.sem_alloc : memref<!tpu.dma_semaphore, #tpu.memory_space<semaphore_mem>>
        %dma_start3A = arith.constant 0 : i32
        %dma_start3A_23 = arith.constant 0 : i32
        %dma_start3A_24 = tpu.memref_slice %arg6[%arg0, %dma_start3A, %dma_start3A_23] : memref<2x10000x128xf32, #tpu.memory_space<hbm>> -> memref<1x10000x128xf32, #tpu.memory_space<hbm>>
        %dma_start3A_25 = tpu.memref_squeeze %dma_start3A_24 : memref<1x10000x128xf32, #tpu.memory_space<hbm>> -> memref<10000x128xf32, #tpu.memory_space<hbm>>
        %dma_start3A_26 = arith.constant 9600 : i32
        %dma_start3A_27 = arith.constant 0 : i32
        %dma_start3A_28 = tpu.memref_slice %dma_start3A_25[%dma_start3A_26, %dma_start3A_27] : memref<10000x128xf32, #tpu.memory_space<hbm>> -> memref<400x128xf32, #tpu.memory_space<hbm>>
        %dma_start3A_29 = arith.constant 9600 : i32
        %dma_start3A_30 = arith.constant 0 : i32
        %dma_start3A_31 = tpu.memref_slice %arg24[%dma_start3A_29, %dma_start3A_30] : memref<10000x128xf32, #tpu.memory_space<vmem_shared>> -> memref<400x128xf32, #tpu.memory_space<vmem_shared>>
        tpu.enqueue_dma source(%dma_start3A_31 : memref<400x128xf32, #tpu.memory_space<vmem_shared>>) target(%dma_start3A_28 : memref<400x128xf32, #tpu.memory_space<hbm>>) target_semaphore(%run_scoped3A : memref<!tpu.dma_semaphore, #tpu.memory_space<semaphore_mem>>)
        %dma_wait3A = arith.constant 0 : i32
        %dma_wait3A_32 = arith.constant 0 : i32
        %dma_wait3A_33 = tpu.memref_slice %arg6[%arg0, %dma_wait3A, %dma_wait3A_32] : memref<2x10000x128xf32, #tpu.memory_space<hbm>> -> memref<1x10000x128xf32, #tpu.memory_space<hbm>>
        %dma_wait3A_34 = tpu.memref_squeeze %dma_wait3A_33 : memref<1x10000x128xf32, #tpu.memory_space<hbm>> -> memref<10000x128xf32, #tpu.memory_space<hbm>>
        %dma_wait3A_35 = arith.constant 9600 : i32
        %dma_wait3A_36 = arith.constant 0 : i32
        %dma_wait3A_37 = tpu.memref_slice %dma_wait3A_34[%dma_wait3A_35, %dma_wait3A_36] : memref<10000x128xf32, #tpu.memory_space<hbm>> -> memref<400x128xf32, #tpu.memory_space<hbm>>
        %dma_wait3A_38 = arith.constant 9600 : i32
        %dma_wait3A_39 = arith.constant 0 : i32
        %dma_wait3A_40 = tpu.memref_slice %arg24[%dma_wait3A_38, %dma_wait3A_39] : memref<10000x128xf32, #tpu.memory_space<vmem_shared>> -> memref<400x128xf32, #tpu.memory_space<vmem_shared>>
        tpu.wait_dma2 semaphore(%run_scoped3A : memref<!tpu.dma_semaphore, #tpu.memory_space<semaphore_mem>>) src(%dma_wait3A_40 : memref<400x128xf32, #tpu.memory_space<vmem_shared>>) dst(%dma_wait3A_37 : memref<400x128xf32, #tpu.memory_space<hbm>>)
        tpu.yield
      }) : () -> ()
    } else {
    }
    return
  }
}

module attributes {stable_mosaic.version = 14 : i64} {
  func.func @_mm1_body(%arg0: i32, %arg1: memref<2000x128xf32, #tpu.memory_space<vmem>>, %arg2: memref<128x128xf32, #tpu.memory_space<vmem>>, %arg3: memref<2x2000x128xf32, #tpu.memory_space<vmem>>, %arg4: memref<2000x128xf32, #tpu.memory_space<vmem>>, %arg5: memref<2000x1xf32, #tpu.memory_space<vmem>>) attributes {dimension_semantics = [#tpu.dimension_semantics<arbitrary>], iteration_bounds = array<i64: 5>, scalar_prefetch = 0 : i64, scratch_operands = 0 : i64, tpu.core_type = #tpu.core_type<tc>, window_params = [{transform_indices = @transform_0, window_bounds = array<i64: 2000, 128>}, {pipeline_mode = #tpu.pipeline_mode<synchronous>, transform_indices = @transform_1, window_bounds = array<i64: 128, 128>}, {transform_indices = @transform_2, window_bounds = array<i64: 2, 2000, 128>}, {transform_indices = @transform_3, window_bounds = array<i64: 2000, 128>}, {transform_indices = @transform_4, window_bounds = array<i64: 2000, 1>}]} {
    %get3A = arith.constant 0 : index
    %get3A_0 = arith.constant 0 : index
    %get3A_1 = arith.constant 0 : index
    %get3A_2 = vector.load %arg3[%get3A, %get3A_0, %get3A_1] : memref<2x2000x128xf32, #tpu.memory_space<vmem>>, vector<2x2000x128xf32>
    %slice3A = vector.extract_strided_slice %get3A_2 {offsets = [0, 0, 0], sizes = [1, 2000, 128], strides = [1, 1, 1]} : vector<2x2000x128xf32> to vector<1x2000x128xf32>
    %squeeze3A = vector.shape_cast %slice3A : vector<1x2000x128xf32> to vector<2000x128xf32>
    %slice3A_3 = vector.extract_strided_slice %get3A_2 {offsets = [1, 0, 0], sizes = [1, 2000, 128], strides = [1, 1, 1]} : vector<2x2000x128xf32> to vector<1x2000x128xf32>
    %squeeze3A_4 = vector.shape_cast %slice3A_3 : vector<1x2000x128xf32> to vector<2000x128xf32>
    %add3A = arith.addf %squeeze3A, %squeeze3A_4 : vector<2000x128xf32>
    %reduce_sum3A = arith.constant dense<0.000000e+00> : vector<2000xf32>
    %reduce_sum3A_5 = vector.multi_reduction <add>, %add3A, %reduce_sum3A [1] : vector<2000x128xf32> to vector<2000xf32>
    %broadcast_in_dim3A = vector.shape_cast %reduce_sum3A_5 : vector<2000xf32> to vector<2000x1xf32>
    %mul3A = arith.constant 7.812500e-03 : f32
    %mul3A_6 = vector.broadcast %mul3A : f32 to vector<2000x1xf32>
    %mul3A_7 = arith.mulf %broadcast_in_dim3A, %mul3A_6 : vector<2000x1xf32>
    %add3A_8 = arith.constant 1.000000e+00 : f32
    %add3A_9 = vector.broadcast %add3A_8 : f32 to vector<2000x1xf32>
    %add3A_10 = arith.addf %mul3A_7, %add3A_9 : vector<2000x1xf32>
    %rsqrt3A = math.rsqrt %add3A_10 : vector<2000x1xf32>
    %swap3A = arith.constant 0 : index
    %swap3A_11 = arith.constant 0 : index
    %swap3A_12 = vector.load %arg5[%swap3A, %swap3A_11] : memref<2000x1xf32, #tpu.memory_space<vmem>>, vector<2000x1xf32>
    tpu.vector_store %arg5[%swap3A, %swap3A_11], %rsqrt3A {strides = array<i32>} : memref<2000x1xf32, #tpu.memory_space<vmem>>, vector<2000x1xf32>,
    %get3A_13 = arith.constant 0 : index
    %get3A_14 = arith.constant 0 : index
    %get3A_15 = vector.load %arg1[%get3A_13, %get3A_14] : memref<2000x128xf32, #tpu.memory_space<vmem>>, vector<2000x128xf32>
    %get3A_16 = arith.constant 0 : index
    %get3A_17 = arith.constant 0 : index
    %get3A_18 = vector.load %arg2[%get3A_16, %get3A_17] : memref<128x128xf32, #tpu.memory_space<vmem>>, vector<128x128xf32>
    %dot_general3A = arith.constant dense<0.000000e+00> : vector<2000x128xf32>
    %dot_general3A_19 = tpu.matmul %get3A_15, %get3A_18, %dot_general3A {dimension_numbers = #tpu.dot_dimension_numbers<[1], [0], [0], [1], [0, 0, 1, 1], [], []>, transpose_lhs_hint = false} : vector<2000x128xf32>, vector<128x128xf32>, vector<2000x128xf32> -> vector<2000x128xf32>
    %mul3A_20 = vector.broadcast %rsqrt3A : vector<2000x1xf32> to vector<2000x128xf32>
    %mul3A_21 = arith.mulf %dot_general3A_19, %mul3A_20 : vector<2000x128xf32>
    %swap3A_22 = arith.constant 0 : index
    %swap3A_23 = arith.constant 0 : index
    %swap3A_24 = vector.load %arg4[%swap3A_22, %swap3A_23] : memref<2000x128xf32, #tpu.memory_space<vmem>>, vector<2000x128xf32>
    tpu.vector_store %arg4[%swap3A_22, %swap3A_23], %mul3A_21 {strides = array<i32>} : memref<2000x128xf32, #tpu.memory_space<vmem>>, vector<2000x128xf32>,
    return
  }
  func.func @transform_0(%arg0: i32) -> (i32, i32) {
    %c0_i32 = arith.constant 0 : i32
    %c0_i32_0 = arith.constant 0 : i32
    return %arg0, %c0_i32 : i32, i32
  }
  func.func @transform_1(%arg0: i32) -> (i32, i32) {
    %c0_i32 = arith.constant 0 : i32
    %c0_i32_0 = arith.constant 0 : i32
    %c0_i32_1 = arith.constant 0 : i32
    return %c0_i32, %c0_i32_0 : i32, i32
  }
  func.func @transform_2(%arg0: i32) -> (i32, i32, i32) {
    %c0_i32 = arith.constant 0 : i32
    %c0_i32_0 = arith.constant 0 : i32
    %c0_i32_1 = arith.constant 0 : i32
    return %c0_i32, %arg0, %c0_i32_0 : i32, i32, i32
  }
  func.func @transform_3(%arg0: i32) -> (i32, i32) {
    %c0_i32 = arith.constant 0 : i32
    %c0_i32_0 = arith.constant 0 : i32
    return %arg0, %c0_i32 : i32, i32
  }
  func.func @transform_4(%arg0: i32) -> (i32, i32) {
    %c0_i32 = arith.constant 0 : i32
    %c0_i32_0 = arith.constant 0 : i32
    return %arg0, %c0_i32 : i32, i32
  }
}

module attributes {stable_mosaic.version = 14 : i64} {
  func.func @_mm2_body(%arg0: i32, %arg1: memref<2x2000x128xf32, #tpu.memory_space<vmem>>, %arg2: memref<2000x128xf32, #tpu.memory_space<vmem>>, %arg3: memref<2000x1xf32, #tpu.memory_space<vmem>>, %arg4: memref<1x128xf32, #tpu.memory_space<vmem>>, %arg5: memref<128x128xf32, #tpu.memory_space<vmem>>, %arg6: memref<2000x128xf32, #tpu.memory_space<vmem>>) attributes {dimension_semantics = [#tpu.dimension_semantics<arbitrary>], iteration_bounds = array<i64: 5>, scalar_prefetch = 0 : i64, scratch_operands = 0 : i64, tpu.core_type = #tpu.core_type<tc>, window_params = [{transform_indices = @transform_0, window_bounds = array<i64: 2, 2000, 128>}, {transform_indices = @transform_1, window_bounds = array<i64: 2000, 128>}, {transform_indices = @transform_2, window_bounds = array<i64: 2000, 1>}, {pipeline_mode = #tpu.pipeline_mode<synchronous>, transform_indices = @transform_3, window_bounds = array<i64: 1, 128>}, {pipeline_mode = #tpu.pipeline_mode<synchronous>, transform_indices = @transform_4, window_bounds = array<i64: 128, 128>}, {transform_indices = @transform_5, window_bounds = array<i64: 2000, 128>}]} {
    %get3A = arith.constant 0 : index
    %get3A_0 = arith.constant 0 : index
    %get3A_1 = vector.load %arg3[%get3A, %get3A_0] : memref<2000x1xf32, #tpu.memory_space<vmem>>, vector<2000x1xf32>
    %get3A_2 = arith.constant 0 : index
    %get3A_3 = arith.constant 0 : index
    %get3A_4 = arith.constant 0 : index
    %get3A_5 = vector.load %arg1[%get3A_2, %get3A_3, %get3A_4] : memref<2x2000x128xf32, #tpu.memory_space<vmem>>, vector<1x2000x128xf32>
    %get3A_6 = vector.shape_cast %get3A_5 : vector<1x2000x128xf32> to vector<2000x128xf32>
    %get3A_7 = arith.constant 1 : index
    %get3A_8 = arith.constant 0 : index
    %get3A_9 = arith.constant 0 : index
    %get3A_10 = vector.load %arg1[%get3A_7, %get3A_8, %get3A_9] : memref<2x2000x128xf32, #tpu.memory_space<vmem>>, vector<1x2000x128xf32>
    %get3A_11 = vector.shape_cast %get3A_10 : vector<1x2000x128xf32> to vector<2000x128xf32>
    %add3A = arith.addf %get3A_6, %get3A_11 : vector<2000x128xf32>
    %get3A_12 = arith.constant 0 : index
    %get3A_13 = arith.constant 0 : index
    %get3A_14 = vector.load %arg2[%get3A_12, %get3A_13] : memref<2000x128xf32, #tpu.memory_space<vmem>>, vector<2000x128xf32>
    %add3A_15 = arith.addf %add3A, %get3A_14 : vector<2000x128xf32>
    %mul3A = vector.broadcast %get3A_1 : vector<2000x1xf32> to vector<2000x128xf32>
    %mul3A_16 = arith.mulf %add3A_15, %mul3A : vector<2000x128xf32>
    %get3A_17 = arith.constant 0 : index
    %get3A_18 = arith.constant 0 : index
    %get3A_19 = vector.load %arg4[%get3A_17, %get3A_18] : memref<1x128xf32, #tpu.memory_space<vmem>>, vector<1x128xf32>
    %add3A_20 = vector.broadcast %get3A_19 : vector<1x128xf32> to vector<2000x128xf32>
    %add3A_21 = arith.addf %mul3A_16, %add3A_20 : vector<2000x128xf32>
    %max3A = arith.constant 0.000000e+00 : f32
    %max3A_22 = vector.broadcast %max3A : f32 to vector<2000x128xf32>
    %max3A_23 = arith.maximumf %add3A_21, %max3A_22 : vector<2000x128xf32>
    %get3A_24 = arith.constant 0 : index
    %get3A_25 = arith.constant 0 : index
    %get3A_26 = vector.load %arg5[%get3A_24, %get3A_25] : memref<128x128xf32, #tpu.memory_space<vmem>>, vector<128x128xf32>
    %dot_general3A = arith.constant dense<0.000000e+00> : vector<2000x128xf32>
    %dot_general3A_27 = tpu.matmul %max3A_23, %get3A_26, %dot_general3A {dimension_numbers = #tpu.dot_dimension_numbers<[1], [0], [0], [1], [0, 0, 1, 1], [], []>, transpose_lhs_hint = false} : vector<2000x128xf32>, vector<128x128xf32>, vector<2000x128xf32> -> vector<2000x128xf32>
    %mul3A_28 = vector.broadcast %get3A_1 : vector<2000x1xf32> to vector<2000x128xf32>
    %mul3A_29 = arith.mulf %dot_general3A_27, %mul3A_28 : vector<2000x128xf32>
    %swap3A = arith.constant 0 : index
    %swap3A_30 = arith.constant 0 : index
    %swap3A_31 = vector.load %arg6[%swap3A, %swap3A_30] : memref<2000x128xf32, #tpu.memory_space<vmem>>, vector<2000x128xf32>
    tpu.vector_store %arg6[%swap3A, %swap3A_30], %mul3A_29 {strides = array<i32>} : memref<2000x128xf32, #tpu.memory_space<vmem>>, vector<2000x128xf32>,
    return
  }
  func.func @transform_0(%arg0: i32) -> (i32, i32, i32) {
    %c0_i32 = arith.constant 0 : i32
    %c0_i32_0 = arith.constant 0 : i32
    %c0_i32_1 = arith.constant 0 : i32
    return %c0_i32, %arg0, %c0_i32_0 : i32, i32, i32
  }
  func.func @transform_1(%arg0: i32) -> (i32, i32) {
    %c0_i32 = arith.constant 0 : i32
    %c0_i32_0 = arith.constant 0 : i32
    return %arg0, %c0_i32 : i32, i32
  }
  func.func @transform_2(%arg0: i32) -> (i32, i32) {
    %c0_i32 = arith.constant 0 : i32
    %c0_i32_0 = arith.constant 0 : i32
    return %arg0, %c0_i32 : i32, i32
  }
  func.func @transform_3(%arg0: i32) -> (i32, i32) {
    %c0_i32 = arith.constant 0 : i32
    %c0_i32_0 = arith.constant 0 : i32
    %c0_i32_1 = arith.constant 0 : i32
    return %c0_i32, %c0_i32_0 : i32, i32
  }
  func.func @transform_4(%arg0: i32) -> (i32, i32) {
    %c0_i32 = arith.constant 0 : i32
    %c0_i32_0 = arith.constant 0 : i32
    %c0_i32_1 = arith.constant 0 : i32
    return %c0_i32, %c0_i32_0 : i32, i32
  }
  func.func @transform_5(%arg0: i32) -> (i32, i32) {
    %c0_i32 = arith.constant 0 : i32
    %c0_i32_0 = arith.constant 0 : i32
    return %arg0, %c0_i32 : i32, i32
  }
}

module attributes {stable_mosaic.version = 14 : i64} {
  func.func @_head_body(%arg0: i32, %arg1: memref<5x2xi32, #tpu.memory_space<smem>>, %arg2: memref<2x2000x128xf32, #tpu.memory_space<vmem>>, %arg3: memref<2000x128xf32, #tpu.memory_space<vmem>>, %arg4: memref<2000x1xf32, #tpu.memory_space<vmem>>, %arg5: memref<1x128xf32, #tpu.memory_space<vmem>>, %arg6: memref<1x2000x1xi32, #tpu.memory_space<vmem>>, %arg7: memref<128x128xf32, #tpu.memory_space<vmem>>, %arg8: memref<1x128xf32, #tpu.memory_space<vmem>>, %arg9: memref<64x128xf32, #tpu.memory_space<vmem>>, %arg10: memref<64x128xf32, #tpu.memory_space<vmem>>) attributes {dimension_semantics = [#tpu.dimension_semantics<arbitrary>], iteration_bounds = array<i64: 5>, scalar_prefetch = 1 : i64, scratch_operands = 1 : i64, tpu.core_type = #tpu.core_type<tc>, window_params = [{transform_indices = @transform_0, window_bounds = array<i64: 2, 2000, 128>}, {transform_indices = @transform_1, window_bounds = array<i64: 2000, 128>}, {transform_indices = @transform_2, window_bounds = array<i64: 2000, 1>}, {pipeline_mode = #tpu.pipeline_mode<synchronous>, transform_indices = @transform_3, window_bounds = array<i64: 1, 128>}, {transform_indices = @transform_4, window_bounds = array<i64: 1, 2000, 1>}, {pipeline_mode = #tpu.pipeline_mode<synchronous>, transform_indices = @transform_5, window_bounds = array<i64: 128, 128>}, {pipeline_mode = #tpu.pipeline_mode<synchronous>, transform_indices = @transform_6, window_bounds = array<i64: 1, 128>}, {pipeline_mode = #tpu.pipeline_mode<synchronous>, transform_indices = @transform_7, window_bounds = array<i64: 64, 128>}]} {
    %eq3A = arith.constant 0 : i32
    %eq3A_0 = arith.cmpi eq, %arg0, %eq3A : i32
    %convert_element_type3A = arith.extui %eq3A_0 : i1 to i32
    %cond3A = arith.constant 0 : i32
    %cond3A_1 = arith.cmpi ne, %convert_element_type3A, %cond3A : i32
    scf.if %cond3A_1 {
      %broadcast_in_dim3A = arith.constant 0xFF800000 : f32
      %broadcast_in_dim3A_615 = vector.broadcast %broadcast_in_dim3A : f32 to vector<64x128xf32>
      %swap3A = arith.constant 0 : index
      %swap3A_616 = arith.constant 0 : index
      %swap3A_617 = vector.load %arg10[%swap3A, %swap3A_616] : memref<64x128xf32, #tpu.memory_space<vmem>>, vector<64x128xf32>
      tpu.vector_store %arg10[%swap3A, %swap3A_616], %broadcast_in_dim3A_615 {strides = array<i32>} : memref<64x128xf32, #tpu.memory_space<vmem>>, vector<64x128xf32>,
    } else {
    }
    %get3A = arith.constant 0 : index
    %get3A_2 = arith.constant 0 : index
    %get3A_3 = vector.load %arg4[%get3A, %get3A_2] : memref<2000x1xf32, #tpu.memory_space<vmem>>, vector<2000x1xf32>
    %get3A_4 = arith.constant 0 : index
    %get3A_5 = arith.constant 0 : index
    %get3A_6 = arith.constant 0 : index
    %get3A_7 = vector.load %arg2[%get3A_4, %get3A_5, %get3A_6] : memref<2x2000x128xf32, #tpu.memory_space<vmem>>, vector<1x2000x128xf32>
    %get3A_8 = vector.shape_cast %get3A_7 : vector<1x2000x128xf32> to vector<2000x128xf32>
    %get3A_9 = arith.constant 1 : index
    %get3A_10 = arith.constant 0 : index
    %get3A_11 = arith.constant 0 : index
    %get3A_12 = vector.load %arg2[%get3A_9, %get3A_10, %get3A_11] : memref<2x2000x128xf32, #tpu.memory_space<vmem>>, vector<1x2000x128xf32>
    %get3A_13 = vector.shape_cast %get3A_12 : vector<1x2000x128xf32> to vector<2000x128xf32>
    %add3A = arith.addf %get3A_8, %get3A_13 : vector<2000x128xf32>
    %get3A_14 = arith.constant 0 : index
    %get3A_15 = arith.constant 0 : index
    %get3A_16 = vector.load %arg3[%get3A_14, %get3A_15] : memref<2000x128xf32, #tpu.memory_space<vmem>>, vector<2000x128xf32>
    %add3A_17 = arith.addf %add3A, %get3A_16 : vector<2000x128xf32>
    %mul3A = vector.broadcast %get3A_3 : vector<2000x1xf32> to vector<2000x128xf32>
    %mul3A_18 = arith.mulf %add3A_17, %mul3A : vector<2000x128xf32>
    %get3A_19 = arith.constant 0 : index
    %get3A_20 = arith.constant 0 : index
    %get3A_21 = vector.load %arg5[%get3A_19, %get3A_20] : memref<1x128xf32, #tpu.memory_space<vmem>>, vector<1x128xf32>
    %add3A_22 = vector.broadcast %get3A_21 : vector<1x128xf32> to vector<2000x128xf32>
    %add3A_23 = arith.addf %mul3A_18, %add3A_22 : vector<2000x128xf32>
    %max3A = arith.constant 0.000000e+00 : f32
    %max3A_24 = vector.broadcast %max3A : f32 to vector<2000x128xf32>
    %max3A_25 = arith.maximumf %add3A_23, %max3A_24 : vector<2000x128xf32>
    %get3A_26 = arith.constant 0 : index
    %get3A_27 = arith.constant 0 : index
    %get3A_28 = arith.constant 0 : index
    %get3A_29 = vector.load %arg6[%get3A_26, %get3A_27, %get3A_28] : memref<1x2000x1xi32, #tpu.memory_space<vmem>>, vector<1x2000x1xi32>
    %get3A_30 = vector.shape_cast %get3A_29 : vector<1x2000x1xi32> to vector<2000x1xi32>
    %get3A_31 = arith.index_cast %arg0 : i32 to index
    %get3A_32 = arith.constant 0 : index
    %get3A_33 = memref.load %arg1[%get3A_31, %get3A_32] : memref<5x2xi32, #tpu.memory_space<smem>>
    %get3A_34 = arith.index_cast %arg0 : i32 to index
    %get3A_35 = arith.constant 1 : index
    %get3A_36 = memref.load %arg1[%get3A_34, %get3A_35] : memref<5x2xi32, #tpu.memory_space<smem>>
    %le3A = arith.constant 0 : i32
    %le3A_37 = arith.cmpi sle, %get3A_33, %le3A : i32
    %ge3A = arith.constant 0 : i32
    %ge3A_38 = arith.cmpi sge, %get3A_36, %ge3A : i32
    %and3A = arith.andi %le3A_37, %ge3A_38 : i1
    %convert_element_type3A_39 = arith.extui %and3A : i1 to i32
    %cond3A_40 = arith.constant 0xFF800000 : f32
    %cond3A_41 = arith.constant 0 : i32
    %cond3A_42 = arith.cmpi ne, %convert_element_type3A_39, %cond3A_41 : i32
    scf.if %cond3A_42 {
      %eq3A_615 = arith.constant 0 : i32
      %eq3A_616 = vector.broadcast %eq3A_615 : i32 to vector<2000x1xi32>
      %eq3A_617 = arith.cmpi eq, %get3A_30, %eq3A_616 : vector<2000x1xi32>
      %broadcast_in_dim3A = vector.shape_cast %eq3A_617 : vector<2000x1xi1> to vector<2000x1xi1>
      %broadcast_in_dim3A_618 = vector.broadcast %broadcast_in_dim3A : vector<2000x1xi1> to vector<2000x128xi1>
      %broadcast_in_dim3A_619 = vector.broadcast %cond3A_40 : f32 to vector<2000x128xf32>
      %select_n3A = arith.select %broadcast_in_dim3A_618, %max3A_25, %broadcast_in_dim3A_619 : vector<2000x128xi1>, vector<2000x128xf32>
      %reduce_max3A = arith.constant dense<0xFF800000> : vector<128xf32>
      %reduce_max3A_620 = vector.multi_reduction <maximumf>, %select_n3A, %reduce_max3A [0] : vector<2000x128xf32> to vector<128xf32>
      %broadcast_in_dim3A_621 = vector.shape_cast %reduce_max3A_620 : vector<128xf32> to vector<1x128xf32>
      %get3A_622 = arith.constant 0 : index
      %get3A_623 = arith.constant 0 : index
      %get3A_624 = vector.load %arg10[%get3A_622, %get3A_623] : memref<64x128xf32, #tpu.memory_space<vmem>>, vector<1x128xf32>
      %max3A_625 = arith.maximumf %get3A_624, %broadcast_in_dim3A_621 : vector<1x128xf32>
      %swap3A = arith.constant 0 : index
      %swap3A_626 = arith.constant 0 : index
      %swap3A_627 = vector.load %arg10[%swap3A, %swap3A_626] : memref<64x128xf32, #tpu.memory_space<vmem>>, vector<1x128xf32>
      tpu.vector_store %arg10[%swap3A, %swap3A_626], %max3A_625 {strides = array<i32>} : memref<64x128xf32, #tpu.memory_space<vmem>>, vector<1x128xf32>,
    } else {
    }
    %le3A_43 = arith.constant 1 : i32
    %le3A_44 = arith.cmpi sle, %get3A_33, %le3A_43 : i32
    %ge3A_45 = arith.constant 1 : i32
    %ge3A_46 = arith.cmpi sge, %get3A_36, %ge3A_45 : i32
    %and3A_47 = arith.andi %le3A_44, %ge3A_46 : i1
    %convert_element_type3A_48 = arith.extui %and3A_47 : i1 to i32
    %cond3A_49 = arith.constant 0xFF800000 : f32
    %cond3A_50 = arith.constant 0 : i32
    %cond3A_51 = arith.cmpi ne, %convert_element_type3A_48, %cond3A_50 : i32
    scf.if %cond3A_51 {
      %eq3A_615 = arith.constant 1 : i32
      %eq3A_616 = vector.broadcast %eq3A_615 : i32 to vector<2000x1xi32>
      %eq3A_617 = arith.cmpi eq, %get3A_30, %eq3A_616 : vector<2000x1xi32>
      %broadcast_in_dim3A = vector.shape_cast %eq3A_617 : vector<2000x1xi1> to vector<2000x1xi1>
      %broadcast_in_dim3A_618 = vector.broadcast %broadcast_in_dim3A : vector<2000x1xi1> to vector<2000x128xi1>
      %broadcast_in_dim3A_619 = vector.broadcast %cond3A_49 : f32 to vector<2000x128xf32>
      %select_n3A = arith.select %broadcast_in_dim3A_618, %max3A_25, %broadcast_in_dim3A_619 : vector<2000x128xi1>, vector<2000x128xf32>
      %reduce_max3A = arith.constant dense<0xFF800000> : vector<128xf32>
      %reduce_max3A_620 = vector.multi_reduction <maximumf>, %select_n3A, %reduce_max3A [0] : vector<2000x128xf32> to vector<128xf32>
      %broadcast_in_dim3A_621 = vector.shape_cast %reduce_max3A_620 : vector<128xf32> to vector<1x128xf32>
      %get3A_622 = arith.constant 1 : index
      %get3A_623 = arith.constant 0 : index
      %get3A_624 = vector.load %arg10[%get3A_622, %get3A_623] : memref<64x128xf32, #tpu.memory_space<vmem>>, vector<1x128xf32>
      %max3A_625 = arith.maximumf %get3A_624, %broadcast_in_dim3A_621 : vector<1x128xf32>
      %swap3A = arith.constant 1 : index
      %swap3A_626 = arith.constant 0 : index
      %swap3A_627 = vector.load %arg10[%swap3A, %swap3A_626] : memref<64x128xf32, #tpu.memory_space<vmem>>, vector<1x128xf32>
      tpu.vector_store %arg10[%swap3A, %swap3A_626], %max3A_625 {strides = array<i32>} : memref<64x128xf32, #tpu.memory_space<vmem>>, vector<1x128xf32>,
    } else {
    }
    %le3A_52 = arith.constant 2 : i32
    %le3A_53 = arith.cmpi sle, %get3A_33, %le3A_52 : i32
    %ge3A_54 = arith.constant 2 : i32
    %ge3A_55 = arith.cmpi sge, %get3A_36, %ge3A_54 : i32
    %and3A_56 = arith.andi %le3A_53, %ge3A_55 : i1
    %convert_element_type3A_57 = arith.extui %and3A_56 : i1 to i32
    %cond3A_58 = arith.constant 0xFF800000 : f32
    %cond3A_59 = arith.constant 0 : i32
    %cond3A_60 = arith.cmpi ne, %convert_element_type3A_57, %cond3A_59 : i32
    scf.if %cond3A_60 {
      %eq3A_615 = arith.constant 2 : i32
      %eq3A_616 = vector.broadcast %eq3A_615 : i32 to vector<2000x1xi32>
      %eq3A_617 = arith.cmpi eq, %get3A_30, %eq3A_616 : vector<2000x1xi32>
      %broadcast_in_dim3A = vector.shape_cast %eq3A_617 : vector<2000x1xi1> to vector<2000x1xi1>
      %broadcast_in_dim3A_618 = vector.broadcast %broadcast_in_dim3A : vector<2000x1xi1> to vector<2000x128xi1>
      %broadcast_in_dim3A_619 = vector.broadcast %cond3A_58 : f32 to vector<2000x128xf32>
      %select_n3A = arith.select %broadcast_in_dim3A_618, %max3A_25, %broadcast_in_dim3A_619 : vector<2000x128xi1>, vector<2000x128xf32>
      %reduce_max3A = arith.constant dense<0xFF800000> : vector<128xf32>
      %reduce_max3A_620 = vector.multi_reduction <maximumf>, %select_n3A, %reduce_max3A [0] : vector<2000x128xf32> to vector<128xf32>
      %broadcast_in_dim3A_621 = vector.shape_cast %reduce_max3A_620 : vector<128xf32> to vector<1x128xf32>
      %get3A_622 = arith.constant 2 : index
      %get3A_623 = arith.constant 0 : index
      %get3A_624 = vector.load %arg10[%get3A_622, %get3A_623] : memref<64x128xf32, #tpu.memory_space<vmem>>, vector<1x128xf32>
      %max3A_625 = arith.maximumf %get3A_624, %broadcast_in_dim3A_621 : vector<1x128xf32>
      %swap3A = arith.constant 2 : index
      %swap3A_626 = arith.constant 0 : index
      %swap3A_627 = vector.load %arg10[%swap3A, %swap3A_626] : memref<64x128xf32, #tpu.memory_space<vmem>>, vector<1x128xf32>
      tpu.vector_store %arg10[%swap3A, %swap3A_626], %max3A_625 {strides = array<i32>} : memref<64x128xf32, #tpu.memory_space<vmem>>, vector<1x128xf32>,
    } else {
    }
    %le3A_61 = arith.constant 3 : i32
    %le3A_62 = arith.cmpi sle, %get3A_33, %le3A_61 : i32
    %ge3A_63 = arith.constant 3 : i32
    %ge3A_64 = arith.cmpi sge, %get3A_36, %ge3A_63 : i32
    %and3A_65 = arith.andi %le3A_62, %ge3A_64 : i1
    %convert_element_type3A_66 = arith.extui %and3A_65 : i1 to i32
    %cond3A_67 = arith.constant 0xFF800000 : f32
    %cond3A_68 = arith.constant 0 : i32
    %cond3A_69 = arith.cmpi ne, %convert_element_type3A_66, %cond3A_68 : i32
    scf.if %cond3A_69 {
      %eq3A_615 = arith.constant 3 : i32
      %eq3A_616 = vector.broadcast %eq3A_615 : i32 to vector<2000x1xi32>
      %eq3A_617 = arith.cmpi eq, %get3A_30, %eq3A_616 : vector<2000x1xi32>
      %broadcast_in_dim3A = vector.shape_cast %eq3A_617 : vector<2000x1xi1> to vector<2000x1xi1>
      %broadcast_in_dim3A_618 = vector.broadcast %broadcast_in_dim3A : vector<2000x1xi1> to vector<2000x128xi1>
      %broadcast_in_dim3A_619 = vector.broadcast %cond3A_67 : f32 to vector<2000x128xf32>
      %select_n3A = arith.select %broadcast_in_dim3A_618, %max3A_25, %broadcast_in_dim3A_619 : vector<2000x128xi1>, vector<2000x128xf32>
      %reduce_max3A = arith.constant dense<0xFF800000> : vector<128xf32>
      %reduce_max3A_620 = vector.multi_reduction <maximumf>, %select_n3A, %reduce_max3A [0] : vector<2000x128xf32> to vector<128xf32>
      %broadcast_in_dim3A_621 = vector.shape_cast %reduce_max3A_620 : vector<128xf32> to vector<1x128xf32>
      %get3A_622 = arith.constant 3 : index
      %get3A_623 = arith.constant 0 : index
      %get3A_624 = vector.load %arg10[%get3A_622, %get3A_623] : memref<64x128xf32, #tpu.memory_space<vmem>>, vector<1x128xf32>
      %max3A_625 = arith.maximumf %get3A_624, %broadcast_in_dim3A_621 : vector<1x128xf32>
      %swap3A = arith.constant 3 : index
      %swap3A_626 = arith.constant 0 : index
      %swap3A_627 = vector.load %arg10[%swap3A, %swap3A_626] : memref<64x128xf32, #tpu.memory_space<vmem>>, vector<1x128xf32>
      tpu.vector_store %arg10[%swap3A, %swap3A_626], %max3A_625 {strides = array<i32>} : memref<64x128xf32, #tpu.memory_space<vmem>>, vector<1x128xf32>,
    } else {
    }
    %le3A_70 = arith.constant 4 : i32
    %le3A_71 = arith.cmpi sle, %get3A_33, %le3A_70 : i32
    %ge3A_72 = arith.constant 4 : i32
    %ge3A_73 = arith.cmpi sge, %get3A_36, %ge3A_72 : i32
    %and3A_74 = arith.andi %le3A_71, %ge3A_73 : i1
    %convert_element_type3A_75 = arith.extui %and3A_74 : i1 to i32
    %cond3A_76 = arith.constant 0xFF800000 : f32
    %cond3A_77 = arith.constant 0 : i32
    %cond3A_78 = arith.cmpi ne, %convert_element_type3A_75, %cond3A_77 : i32
    scf.if %cond3A_78 {
      %eq3A_615 = arith.constant 4 : i32
      %eq3A_616 = vector.broadcast %eq3A_615 : i32 to vector<2000x1xi32>
      %eq3A_617 = arith.cmpi eq, %get3A_30, %eq3A_616 : vector<2000x1xi32>
      %broadcast_in_dim3A = vector.shape_cast %eq3A_617 : vector<2000x1xi1> to vector<2000x1xi1>
      %broadcast_in_dim3A_618 = vector.broadcast %broadcast_in_dim3A : vector<2000x1xi1> to vector<2000x128xi1>
      %broadcast_in_dim3A_619 = vector.broadcast %cond3A_76 : f32 to vector<2000x128xf32>
      %select_n3A = arith.select %broadcast_in_dim3A_618, %max3A_25, %broadcast_in_dim3A_619 : vector<2000x128xi1>, vector<2000x128xf32>
      %reduce_max3A = arith.constant dense<0xFF800000> : vector<128xf32>
      %reduce_max3A_620 = vector.multi_reduction <maximumf>, %select_n3A, %reduce_max3A [0] : vector<2000x128xf32> to vector<128xf32>
      %broadcast_in_dim3A_621 = vector.shape_cast %reduce_max3A_620 : vector<128xf32> to vector<1x128xf32>
      %get3A_622 = arith.constant 4 : index
      %get3A_623 = arith.constant 0 : index
      %get3A_624 = vector.load %arg10[%get3A_622, %get3A_623] : memref<64x128xf32, #tpu.memory_space<vmem>>, vector<1x128xf32>
      %max3A_625 = arith.maximumf %get3A_624, %broadcast_in_dim3A_621 : vector<1x128xf32>
      %swap3A = arith.constant 4 : index
      %swap3A_626 = arith.constant 0 : index
      %swap3A_627 = vector.load %arg10[%swap3A, %swap3A_626] : memref<64x128xf32, #tpu.memory_space<vmem>>, vector<1x128xf32>
      tpu.vector_store %arg10[%swap3A, %swap3A_626], %max3A_625 {strides = array<i32>} : memref<64x128xf32, #tpu.memory_space<vmem>>, vector<1x128xf32>,
    } else {
    }
    %le3A_79 = arith.constant 5 : i32
    %le3A_80 = arith.cmpi sle, %get3A_33, %le3A_79 : i32
    %ge3A_81 = arith.constant 5 : i32
    %ge3A_82 = arith.cmpi sge, %get3A_36, %ge3A_81 : i32
    %and3A_83 = arith.andi %le3A_80, %ge3A_82 : i1
    %convert_element_type3A_84 = arith.extui %and3A_83 : i1 to i32
    %cond3A_85 = arith.constant 0xFF800000 : f32
    %cond3A_86 = arith.constant 0 : i32
    %cond3A_87 = arith.cmpi ne, %convert_element_type3A_84, %cond3A_86 : i32
    scf.if %cond3A_87 {
      %eq3A_615 = arith.constant 5 : i32
      %eq3A_616 = vector.broadcast %eq3A_615 : i32 to vector<2000x1xi32>
      %eq3A_617 = arith.cmpi eq, %get3A_30, %eq3A_616 : vector<2000x1xi32>
      %broadcast_in_dim3A = vector.shape_cast %eq3A_617 : vector<2000x1xi1> to vector<2000x1xi1>
      %broadcast_in_dim3A_618 = vector.broadcast %broadcast_in_dim3A : vector<2000x1xi1> to vector<2000x128xi1>
      %broadcast_in_dim3A_619 = vector.broadcast %cond3A_85 : f32 to vector<2000x128xf32>
      %select_n3A = arith.select %broadcast_in_dim3A_618, %max3A_25, %broadcast_in_dim3A_619 : vector<2000x128xi1>, vector<2000x128xf32>
      %reduce_max3A = arith.constant dense<0xFF800000> : vector<128xf32>
      %reduce_max3A_620 = vector.multi_reduction <maximumf>, %select_n3A, %reduce_max3A [0] : vector<2000x128xf32> to vector<128xf32>
      %broadcast_in_dim3A_621 = vector.shape_cast %reduce_max3A_620 : vector<128xf32> to vector<1x128xf32>
      %get3A_622 = arith.constant 5 : index
      %get3A_623 = arith.constant 0 : index
      %get3A_624 = vector.load %arg10[%get3A_622, %get3A_623] : memref<64x128xf32, #tpu.memory_space<vmem>>, vector<1x128xf32>
      %max3A_625 = arith.maximumf %get3A_624, %broadcast_in_dim3A_621 : vector<1x128xf32>
      %swap3A = arith.constant 5 : index
      %swap3A_626 = arith.constant 0 : index
      %swap3A_627 = vector.load %arg10[%swap3A, %swap3A_626] : memref<64x128xf32, #tpu.memory_space<vmem>>, vector<1x128xf32>
      tpu.vector_store %arg10[%swap3A, %swap3A_626], %max3A_625 {strides = array<i32>} : memref<64x128xf32, #tpu.memory_space<vmem>>, vector<1x128xf32>,
    } else {
    }
    %le3A_88 = arith.constant 6 : i32
    %le3A_89 = arith.cmpi sle, %get3A_33, %le3A_88 : i32
    %ge3A_90 = arith.constant 6 : i32
    %ge3A_91 = arith.cmpi sge, %get3A_36, %ge3A_90 : i32
    %and3A_92 = arith.andi %le3A_89, %ge3A_91 : i1
    %convert_element_type3A_93 = arith.extui %and3A_92 : i1 to i32
    %cond3A_94 = arith.constant 0xFF800000 : f32
    %cond3A_95 = arith.constant 0 : i32
    %cond3A_96 = arith.cmpi ne, %convert_element_type3A_93, %cond3A_95 : i32
    scf.if %cond3A_96 {
      %eq3A_615 = arith.constant 6 : i32
      %eq3A_616 = vector.broadcast %eq3A_615 : i32 to vector<2000x1xi32>
      %eq3A_617 = arith.cmpi eq, %get3A_30, %eq3A_616 : vector<2000x1xi32>
      %broadcast_in_dim3A = vector.shape_cast %eq3A_617 : vector<2000x1xi1> to vector<2000x1xi1>
      %broadcast_in_dim3A_618 = vector.broadcast %broadcast_in_dim3A : vector<2000x1xi1> to vector<2000x128xi1>
      %broadcast_in_dim3A_619 = vector.broadcast %cond3A_94 : f32 to vector<2000x128xf32>
      %select_n3A = arith.select %broadcast_in_dim3A_618, %max3A_25, %broadcast_in_dim3A_619 : vector<2000x128xi1>, vector<2000x128xf32>
      %reduce_max3A = arith.constant dense<0xFF800000> : vector<128xf32>
      %reduce_max3A_620 = vector.multi_reduction <maximumf>, %select_n3A, %reduce_max3A [0] : vector<2000x128xf32> to vector<128xf32>
      %broadcast_in_dim3A_621 = vector.shape_cast %reduce_max3A_620 : vector<128xf32> to vector<1x128xf32>
      %get3A_622 = arith.constant 6 : index
      %get3A_623 = arith.constant 0 : index
      %get3A_624 = vector.load %arg10[%get3A_622, %get3A_623] : memref<64x128xf32, #tpu.memory_space<vmem>>, vector<1x128xf32>
      %max3A_625 = arith.maximumf %get3A_624, %broadcast_in_dim3A_621 : vector<1x128xf32>
      %swap3A = arith.constant 6 : index
      %swap3A_626 = arith.constant 0 : index
      %swap3A_627 = vector.load %arg10[%swap3A, %swap3A_626] : memref<64x128xf32, #tpu.memory_space<vmem>>, vector<1x128xf32>
      tpu.vector_store %arg10[%swap3A, %swap3A_626], %max3A_625 {strides = array<i32>} : memref<64x128xf32, #tpu.memory_space<vmem>>, vector<1x128xf32>,
    } else {
    }
    %le3A_97 = arith.constant 7 : i32
    %le3A_98 = arith.cmpi sle, %get3A_33, %le3A_97 : i32
    %ge3A_99 = arith.constant 7 : i32
    %ge3A_100 = arith.cmpi sge, %get3A_36, %ge3A_99 : i32
    %and3A_101 = arith.andi %le3A_98, %ge3A_100 : i1
    %convert_element_type3A_102 = arith.extui %and3A_101 : i1 to i32
    %cond3A_103 = arith.constant 0xFF800000 : f32
    %cond3A_104 = arith.constant 0 : i32
    %cond3A_105 = arith.cmpi ne, %convert_element_type3A_102, %cond3A_104 : i32
    scf.if %cond3A_105 {
      %eq3A_615 = arith.constant 7 : i32
      %eq3A_616 = vector.broadcast %eq3A_615 : i32 to vector<2000x1xi32>
      %eq3A_617 = arith.cmpi eq, %get3A_30, %eq3A_616 : vector<2000x1xi32>
      %broadcast_in_dim3A = vector.shape_cast %eq3A_617 : vector<2000x1xi1> to vector<2000x1xi1>
      %broadcast_in_dim3A_618 = vector.broadcast %broadcast_in_dim3A : vector<2000x1xi1> to vector<2000x128xi1>
      %broadcast_in_dim3A_619 = vector.broadcast %cond3A_103 : f32 to vector<2000x128xf32>
      %select_n3A = arith.select %broadcast_in_dim3A_618, %max3A_25, %broadcast_in_dim3A_619 : vector<2000x128xi1>, vector<2000x128xf32>
      %reduce_max3A = arith.constant dense<0xFF800000> : vector<128xf32>
      %reduce_max3A_620 = vector.multi_reduction <maximumf>, %select_n3A, %reduce_max3A [0] : vector<2000x128xf32> to vector<128xf32>
      %broadcast_in_dim3A_621 = vector.shape_cast %reduce_max3A_620 : vector<128xf32> to vector<1x128xf32>
      %get3A_622 = arith.constant 7 : index
      %get3A_623 = arith.constant 0 : index
      %get3A_624 = vector.load %arg10[%get3A_622, %get3A_623] : memref<64x128xf32, #tpu.memory_space<vmem>>, vector<1x128xf32>
      %max3A_625 = arith.maximumf %get3A_624, %broadcast_in_dim3A_621 : vector<1x128xf32>
      %swap3A = arith.constant 7 : index
      %swap3A_626 = arith.constant 0 : index
      %swap3A_627 = vector.load %arg10[%swap3A, %swap3A_626] : memref<64x128xf32, #tpu.memory_space<vmem>>, vector<1x128xf32>
      tpu.vector_store %arg10[%swap3A, %swap3A_626], %max3A_625 {strides = array<i32>} : memref<64x128xf32, #tpu.memory_space<vmem>>, vector<1x128xf32>,
    } else {
    }
    %le3A_106 = arith.constant 8 : i32
    %le3A_107 = arith.cmpi sle, %get3A_33, %le3A_106 : i32
    %ge3A_108 = arith.constant 8 : i32
    %ge3A_109 = arith.cmpi sge, %get3A_36, %ge3A_108 : i32
    %and3A_110 = arith.andi %le3A_107, %ge3A_109 : i1
    %convert_element_type3A_111 = arith.extui %and3A_110 : i1 to i32
    %cond3A_112 = arith.constant 0xFF800000 : f32
    %cond3A_113 = arith.constant 0 : i32
    %cond3A_114 = arith.cmpi ne, %convert_element_type3A_111, %cond3A_113 : i32
    scf.if %cond3A_114 {
      %eq3A_615 = arith.constant 8 : i32
      %eq3A_616 = vector.broadcast %eq3A_615 : i32 to vector<2000x1xi32>
      %eq3A_617 = arith.cmpi eq, %get3A_30, %eq3A_616 : vector<2000x1xi32>
      %broadcast_in_dim3A = vector.shape_cast %eq3A_617 : vector<2000x1xi1> to vector<2000x1xi1>
      %broadcast_in_dim3A_618 = vector.broadcast %broadcast_in_dim3A : vector<2000x1xi1> to vector<2000x128xi1>
      %broadcast_in_dim3A_619 = vector.broadcast %cond3A_112 : f32 to vector<2000x128xf32>
      %select_n3A = arith.select %broadcast_in_dim3A_618, %max3A_25, %broadcast_in_dim3A_619 : vector<2000x128xi1>, vector<2000x128xf32>
      %reduce_max3A = arith.constant dense<0xFF800000> : vector<128xf32>
      %reduce_max3A_620 = vector.multi_reduction <maximumf>, %select_n3A, %reduce_max3A [0] : vector<2000x128xf32> to vector<128xf32>
      %broadcast_in_dim3A_621 = vector.shape_cast %reduce_max3A_620 : vector<128xf32> to vector<1x128xf32>
      %get3A_622 = arith.constant 8 : index
      %get3A_623 = arith.constant 0 : index
      %get3A_624 = vector.load %arg10[%get3A_622, %get3A_623] : memref<64x128xf32, #tpu.memory_space<vmem>>, vector<1x128xf32>
      %max3A_625 = arith.maximumf %get3A_624, %broadcast_in_dim3A_621 : vector<1x128xf32>
      %swap3A = arith.constant 8 : index
      %swap3A_626 = arith.constant 0 : index
      %swap3A_627 = vector.load %arg10[%swap3A, %swap3A_626] : memref<64x128xf32, #tpu.memory_space<vmem>>, vector<1x128xf32>
      tpu.vector_store %arg10[%swap3A, %swap3A_626], %max3A_625 {strides = array<i32>} : memref<64x128xf32, #tpu.memory_space<vmem>>, vector<1x128xf32>,
    } else {
    }
    %le3A_115 = arith.constant 9 : i32
    %le3A_116 = arith.cmpi sle, %get3A_33, %le3A_115 : i32
    %ge3A_117 = arith.constant 9 : i32
    %ge3A_118 = arith.cmpi sge, %get3A_36, %ge3A_117 : i32
    %and3A_119 = arith.andi %le3A_116, %ge3A_118 : i1
    %convert_element_type3A_120 = arith.extui %and3A_119 : i1 to i32
    %cond3A_121 = arith.constant 0xFF800000 : f32
    %cond3A_122 = arith.constant 0 : i32
    %cond3A_123 = arith.cmpi ne, %convert_element_type3A_120, %cond3A_122 : i32
    scf.if %cond3A_123 {
      %eq3A_615 = arith.constant 9 : i32
      %eq3A_616 = vector.broadcast %eq3A_615 : i32 to vector<2000x1xi32>
      %eq3A_617 = arith.cmpi eq, %get3A_30, %eq3A_616 : vector<2000x1xi32>
      %broadcast_in_dim3A = vector.shape_cast %eq3A_617 : vector<2000x1xi1> to vector<2000x1xi1>
      %broadcast_in_dim3A_618 = vector.broadcast %broadcast_in_dim3A : vector<2000x1xi1> to vector<2000x128xi1>
      %broadcast_in_dim3A_619 = vector.broadcast %cond3A_121 : f32 to vector<2000x128xf32>
      %select_n3A = arith.select %broadcast_in_dim3A_618, %max3A_25, %broadcast_in_dim3A_619 : vector<2000x128xi1>, vector<2000x128xf32>
      %reduce_max3A = arith.constant dense<0xFF800000> : vector<128xf32>
      %reduce_max3A_620 = vector.multi_reduction <maximumf>, %select_n3A, %reduce_max3A [0] : vector<2000x128xf32> to vector<128xf32>
      %broadcast_in_dim3A_621 = vector.shape_cast %reduce_max3A_620 : vector<128xf32> to vector<1x128xf32>
      %get3A_622 = arith.constant 9 : index
      %get3A_623 = arith.constant 0 : index
      %get3A_624 = vector.load %arg10[%get3A_622, %get3A_623] : memref<64x128xf32, #tpu.memory_space<vmem>>, vector<1x128xf32>
      %max3A_625 = arith.maximumf %get3A_624, %broadcast_in_dim3A_621 : vector<1x128xf32>
      %swap3A = arith.constant 9 : index
      %swap3A_626 = arith.constant 0 : index
      %swap3A_627 = vector.load %arg10[%swap3A, %swap3A_626] : memref<64x128xf32, #tpu.memory_space<vmem>>, vector<1x128xf32>
      tpu.vector_store %arg10[%swap3A, %swap3A_626], %max3A_625 {strides = array<i32>} : memref<64x128xf32, #tpu.memory_space<vmem>>, vector<1x128xf32>,
    } else {
    }
    %le3A_124 = arith.constant 10 : i32
    %le3A_125 = arith.cmpi sle, %get3A_33, %le3A_124 : i32
    %ge3A_126 = arith.constant 10 : i32
    %ge3A_127 = arith.cmpi sge, %get3A_36, %ge3A_126 : i32
    %and3A_128 = arith.andi %le3A_125, %ge3A_127 : i1
    %convert_element_type3A_129 = arith.extui %and3A_128 : i1 to i32
    %cond3A_130 = arith.constant 0xFF800000 : f32
    %cond3A_131 = arith.constant 0 : i32
    %cond3A_132 = arith.cmpi ne, %convert_element_type3A_129, %cond3A_131 : i32
    scf.if %cond3A_132 {
      %eq3A_615 = arith.constant 10 : i32
      %eq3A_616 = vector.broadcast %eq3A_615 : i32 to vector<2000x1xi32>
      %eq3A_617 = arith.cmpi eq, %get3A_30, %eq3A_616 : vector<2000x1xi32>
      %broadcast_in_dim3A = vector.shape_cast %eq3A_617 : vector<2000x1xi1> to vector<2000x1xi1>
      %broadcast_in_dim3A_618 = vector.broadcast %broadcast_in_dim3A : vector<2000x1xi1> to vector<2000x128xi1>
      %broadcast_in_dim3A_619 = vector.broadcast %cond3A_130 : f32 to vector<2000x128xf32>
      %select_n3A = arith.select %broadcast_in_dim3A_618, %max3A_25, %broadcast_in_dim3A_619 : vector<2000x128xi1>, vector<2000x128xf32>
      %reduce_max3A = arith.constant dense<0xFF800000> : vector<128xf32>
      %reduce_max3A_620 = vector.multi_reduction <maximumf>, %select_n3A, %reduce_max3A [0] : vector<2000x128xf32> to vector<128xf32>
      %broadcast_in_dim3A_621 = vector.shape_cast %reduce_max3A_620 : vector<128xf32> to vector<1x128xf32>
      %get3A_622 = arith.constant 10 : index
      %get3A_623 = arith.constant 0 : index
      %get3A_624 = vector.load %arg10[%get3A_622, %get3A_623] : memref<64x128xf32, #tpu.memory_space<vmem>>, vector<1x128xf32>
      %max3A_625 = arith.maximumf %get3A_624, %broadcast_in_dim3A_621 : vector<1x128xf32>
      %swap3A = arith.constant 10 : index
      %swap3A_626 = arith.constant 0 : index
      %swap3A_627 = vector.load %arg10[%swap3A, %swap3A_626] : memref<64x128xf32, #tpu.memory_space<vmem>>, vector<1x128xf32>
      tpu.vector_store %arg10[%swap3A, %swap3A_626], %max3A_625 {strides = array<i32>} : memref<64x128xf32, #tpu.memory_space<vmem>>, vector<1x128xf32>,
    } else {
    }
    %le3A_133 = arith.constant 11 : i32
    %le3A_134 = arith.cmpi sle, %get3A_33, %le3A_133 : i32
    %ge3A_135 = arith.constant 11 : i32
    %ge3A_136 = arith.cmpi sge, %get3A_36, %ge3A_135 : i32
    %and3A_137 = arith.andi %le3A_134, %ge3A_136 : i1
    %convert_element_type3A_138 = arith.extui %and3A_137 : i1 to i32
    %cond3A_139 = arith.constant 0xFF800000 : f32
    %cond3A_140 = arith.constant 0 : i32
    %cond3A_141 = arith.cmpi ne, %convert_element_type3A_138, %cond3A_140 : i32
    scf.if %cond3A_141 {
      %eq3A_615 = arith.constant 11 : i32
      %eq3A_616 = vector.broadcast %eq3A_615 : i32 to vector<2000x1xi32>
      %eq3A_617 = arith.cmpi eq, %get3A_30, %eq3A_616 : vector<2000x1xi32>
      %broadcast_in_dim3A = vector.shape_cast %eq3A_617 : vector<2000x1xi1> to vector<2000x1xi1>
      %broadcast_in_dim3A_618 = vector.broadcast %broadcast_in_dim3A : vector<2000x1xi1> to vector<2000x128xi1>
      %broadcast_in_dim3A_619 = vector.broadcast %cond3A_139 : f32 to vector<2000x128xf32>
      %select_n3A = arith.select %broadcast_in_dim3A_618, %max3A_25, %broadcast_in_dim3A_619 : vector<2000x128xi1>, vector<2000x128xf32>
      %reduce_max3A = arith.constant dense<0xFF800000> : vector<128xf32>
      %reduce_max3A_620 = vector.multi_reduction <maximumf>, %select_n3A, %reduce_max3A [0] : vector<2000x128xf32> to vector<128xf32>
      %broadcast_in_dim3A_621 = vector.shape_cast %reduce_max3A_620 : vector<128xf32> to vector<1x128xf32>
      %get3A_622 = arith.constant 11 : index
      %get3A_623 = arith.constant 0 : index
      %get3A_624 = vector.load %arg10[%get3A_622, %get3A_623] : memref<64x128xf32, #tpu.memory_space<vmem>>, vector<1x128xf32>
      %max3A_625 = arith.maximumf %get3A_624, %broadcast_in_dim3A_621 : vector<1x128xf32>
      %swap3A = arith.constant 11 : index
      %swap3A_626 = arith.constant 0 : index
      %swap3A_627 = vector.load %arg10[%swap3A, %swap3A_626] : memref<64x128xf32, #tpu.memory_space<vmem>>, vector<1x128xf32>
      tpu.vector_store %arg10[%swap3A, %swap3A_626], %max3A_625 {strides = array<i32>} : memref<64x128xf32, #tpu.memory_space<vmem>>, vector<1x128xf32>,
    } else {
    }
    %le3A_142 = arith.constant 12 : i32
    %le3A_143 = arith.cmpi sle, %get3A_33, %le3A_142 : i32
    %ge3A_144 = arith.constant 12 : i32
    %ge3A_145 = arith.cmpi sge, %get3A_36, %ge3A_144 : i32
    %and3A_146 = arith.andi %le3A_143, %ge3A_145 : i1
    %convert_element_type3A_147 = arith.extui %and3A_146 : i1 to i32
    %cond3A_148 = arith.constant 0xFF800000 : f32
    %cond3A_149 = arith.constant 0 : i32
    %cond3A_150 = arith.cmpi ne, %convert_element_type3A_147, %cond3A_149 : i32
    scf.if %cond3A_150 {
      %eq3A_615 = arith.constant 12 : i32
      %eq3A_616 = vector.broadcast %eq3A_615 : i32 to vector<2000x1xi32>
      %eq3A_617 = arith.cmpi eq, %get3A_30, %eq3A_616 : vector<2000x1xi32>
      %broadcast_in_dim3A = vector.shape_cast %eq3A_617 : vector<2000x1xi1> to vector<2000x1xi1>
      %broadcast_in_dim3A_618 = vector.broadcast %broadcast_in_dim3A : vector<2000x1xi1> to vector<2000x128xi1>
      %broadcast_in_dim3A_619 = vector.broadcast %cond3A_148 : f32 to vector<2000x128xf32>
      %select_n3A = arith.select %broadcast_in_dim3A_618, %max3A_25, %broadcast_in_dim3A_619 : vector<2000x128xi1>, vector<2000x128xf32>
      %reduce_max3A = arith.constant dense<0xFF800000> : vector<128xf32>
      %reduce_max3A_620 = vector.multi_reduction <maximumf>, %select_n3A, %reduce_max3A [0] : vector<2000x128xf32> to vector<128xf32>
      %broadcast_in_dim3A_621 = vector.shape_cast %reduce_max3A_620 : vector<128xf32> to vector<1x128xf32>
      %get3A_622 = arith.constant 12 : index
      %get3A_623 = arith.constant 0 : index
      %get3A_624 = vector.load %arg10[%get3A_622, %get3A_623] : memref<64x128xf32, #tpu.memory_space<vmem>>, vector<1x128xf32>
      %max3A_625 = arith.maximumf %get3A_624, %broadcast_in_dim3A_621 : vector<1x128xf32>
      %swap3A = arith.constant 12 : index
      %swap3A_626 = arith.constant 0 : index
      %swap3A_627 = vector.load %arg10[%swap3A, %swap3A_626] : memref<64x128xf32, #tpu.memory_space<vmem>>, vector<1x128xf32>
      tpu.vector_store %arg10[%swap3A, %swap3A_626], %max3A_625 {strides = array<i32>} : memref<64x128xf32, #tpu.memory_space<vmem>>, vector<1x128xf32>,
    } else {
    }
    %le3A_151 = arith.constant 13 : i32
    %le3A_152 = arith.cmpi sle, %get3A_33, %le3A_151 : i32
    %ge3A_153 = arith.constant 13 : i32
    %ge3A_154 = arith.cmpi sge, %get3A_36, %ge3A_153 : i32
    %and3A_155 = arith.andi %le3A_152, %ge3A_154 : i1
    %convert_element_type3A_156 = arith.extui %and3A_155 : i1 to i32
    %cond3A_157 = arith.constant 0xFF800000 : f32
    %cond3A_158 = arith.constant 0 : i32
    %cond3A_159 = arith.cmpi ne, %convert_element_type3A_156, %cond3A_158 : i32
    scf.if %cond3A_159 {
      %eq3A_615 = arith.constant 13 : i32
      %eq3A_616 = vector.broadcast %eq3A_615 : i32 to vector<2000x1xi32>
      %eq3A_617 = arith.cmpi eq, %get3A_30, %eq3A_616 : vector<2000x1xi32>
      %broadcast_in_dim3A = vector.shape_cast %eq3A_617 : vector<2000x1xi1> to vector<2000x1xi1>
      %broadcast_in_dim3A_618 = vector.broadcast %broadcast_in_dim3A : vector<2000x1xi1> to vector<2000x128xi1>
      %broadcast_in_dim3A_619 = vector.broadcast %cond3A_157 : f32 to vector<2000x128xf32>
      %select_n3A = arith.select %broadcast_in_dim3A_618, %max3A_25, %broadcast_in_dim3A_619 : vector<2000x128xi1>, vector<2000x128xf32>
      %reduce_max3A = arith.constant dense<0xFF800000> : vector<128xf32>
      %reduce_max3A_620 = vector.multi_reduction <maximumf>, %select_n3A, %reduce_max3A [0] : vector<2000x128xf32> to vector<128xf32>
      %broadcast_in_dim3A_621 = vector.shape_cast %reduce_max3A_620 : vector<128xf32> to vector<1x128xf32>
      %get3A_622 = arith.constant 13 : index
      %get3A_623 = arith.constant 0 : index
      %get3A_624 = vector.load %arg10[%get3A_622, %get3A_623] : memref<64x128xf32, #tpu.memory_space<vmem>>, vector<1x128xf32>
      %max3A_625 = arith.maximumf %get3A_624, %broadcast_in_dim3A_621 : vector<1x128xf32>
      %swap3A = arith.constant 13 : index
      %swap3A_626 = arith.constant 0 : index
      %swap3A_627 = vector.load %arg10[%swap3A, %swap3A_626] : memref<64x128xf32, #tpu.memory_space<vmem>>, vector<1x128xf32>
      tpu.vector_store %arg10[%swap3A, %swap3A_626], %max3A_625 {strides = array<i32>} : memref<64x128xf32, #tpu.memory_space<vmem>>, vector<1x128xf32>,
    } else {
    }
    %le3A_160 = arith.constant 14 : i32
    %le3A_161 = arith.cmpi sle, %get3A_33, %le3A_160 : i32
    %ge3A_162 = arith.constant 14 : i32
    %ge3A_163 = arith.cmpi sge, %get3A_36, %ge3A_162 : i32
    %and3A_164 = arith.andi %le3A_161, %ge3A_163 : i1
    %convert_element_type3A_165 = arith.extui %and3A_164 : i1 to i32
    %cond3A_166 = arith.constant 0xFF800000 : f32
    %cond3A_167 = arith.constant 0 : i32
    %cond3A_168 = arith.cmpi ne, %convert_element_type3A_165, %cond3A_167 : i32
    scf.if %cond3A_168 {
      %eq3A_615 = arith.constant 14 : i32
      %eq3A_616 = vector.broadcast %eq3A_615 : i32 to vector<2000x1xi32>
      %eq3A_617 = arith.cmpi eq, %get3A_30, %eq3A_616 : vector<2000x1xi32>
      %broadcast_in_dim3A = vector.shape_cast %eq3A_617 : vector<2000x1xi1> to vector<2000x1xi1>
      %broadcast_in_dim3A_618 = vector.broadcast %broadcast_in_dim3A : vector<2000x1xi1> to vector<2000x128xi1>
      %broadcast_in_dim3A_619 = vector.broadcast %cond3A_166 : f32 to vector<2000x128xf32>
      %select_n3A = arith.select %broadcast_in_dim3A_618, %max3A_25, %broadcast_in_dim3A_619 : vector<2000x128xi1>, vector<2000x128xf32>
      %reduce_max3A = arith.constant dense<0xFF800000> : vector<128xf32>
      %reduce_max3A_620 = vector.multi_reduction <maximumf>, %select_n3A, %reduce_max3A [0] : vector<2000x128xf32> to vector<128xf32>
      %broadcast_in_dim3A_621 = vector.shape_cast %reduce_max3A_620 : vector<128xf32> to vector<1x128xf32>
      %get3A_622 = arith.constant 14 : index
      %get3A_623 = arith.constant 0 : index
      %get3A_624 = vector.load %arg10[%get3A_622, %get3A_623] : memref<64x128xf32, #tpu.memory_space<vmem>>, vector<1x128xf32>
      %max3A_625 = arith.maximumf %get3A_624, %broadcast_in_dim3A_621 : vector<1x128xf32>
      %swap3A = arith.constant 14 : index
      %swap3A_626 = arith.constant 0 : index
      %swap3A_627 = vector.load %arg10[%swap3A, %swap3A_626] : memref<64x128xf32, #tpu.memory_space<vmem>>, vector<1x128xf32>
      tpu.vector_store %arg10[%swap3A, %swap3A_626], %max3A_625 {strides = array<i32>} : memref<64x128xf32, #tpu.memory_space<vmem>>, vector<1x128xf32>,
    } else {
    }
    %le3A_169 = arith.constant 15 : i32
    %le3A_170 = arith.cmpi sle, %get3A_33, %le3A_169 : i32
    %ge3A_171 = arith.constant 15 : i32
    %ge3A_172 = arith.cmpi sge, %get3A_36, %ge3A_171 : i32
    %and3A_173 = arith.andi %le3A_170, %ge3A_172 : i1
    %convert_element_type3A_174 = arith.extui %and3A_173 : i1 to i32
    %cond3A_175 = arith.constant 0xFF800000 : f32
    %cond3A_176 = arith.constant 0 : i32
    %cond3A_177 = arith.cmpi ne, %convert_element_type3A_174, %cond3A_176 : i32
    scf.if %cond3A_177 {
      %eq3A_615 = arith.constant 15 : i32
      %eq3A_616 = vector.broadcast %eq3A_615 : i32 to vector<2000x1xi32>
      %eq3A_617 = arith.cmpi eq, %get3A_30, %eq3A_616 : vector<2000x1xi32>
      %broadcast_in_dim3A = vector.shape_cast %eq3A_617 : vector<2000x1xi1> to vector<2000x1xi1>
      %broadcast_in_dim3A_618 = vector.broadcast %broadcast_in_dim3A : vector<2000x1xi1> to vector<2000x128xi1>
      %broadcast_in_dim3A_619 = vector.broadcast %cond3A_175 : f32 to vector<2000x128xf32>
      %select_n3A = arith.select %broadcast_in_dim3A_618, %max3A_25, %broadcast_in_dim3A_619 : vector<2000x128xi1>, vector<2000x128xf32>
      %reduce_max3A = arith.constant dense<0xFF800000> : vector<128xf32>
      %reduce_max3A_620 = vector.multi_reduction <maximumf>, %select_n3A, %reduce_max3A [0] : vector<2000x128xf32> to vector<128xf32>
      %broadcast_in_dim3A_621 = vector.shape_cast %reduce_max3A_620 : vector<128xf32> to vector<1x128xf32>
      %get3A_622 = arith.constant 15 : index
      %get3A_623 = arith.constant 0 : index
      %get3A_624 = vector.load %arg10[%get3A_622, %get3A_623] : memref<64x128xf32, #tpu.memory_space<vmem>>, vector<1x128xf32>
      %max3A_625 = arith.maximumf %get3A_624, %broadcast_in_dim3A_621 : vector<1x128xf32>
      %swap3A = arith.constant 15 : index
      %swap3A_626 = arith.constant 0 : index
      %swap3A_627 = vector.load %arg10[%swap3A, %swap3A_626] : memref<64x128xf32, #tpu.memory_space<vmem>>, vector<1x128xf32>
      tpu.vector_store %arg10[%swap3A, %swap3A_626], %max3A_625 {strides = array<i32>} : memref<64x128xf32, #tpu.memory_space<vmem>>, vector<1x128xf32>,
    } else {
    }
    %le3A_178 = arith.constant 16 : i32
    %le3A_179 = arith.cmpi sle, %get3A_33, %le3A_178 : i32
    %ge3A_180 = arith.constant 16 : i32
    %ge3A_181 = arith.cmpi sge, %get3A_36, %ge3A_180 : i32
    %and3A_182 = arith.andi %le3A_179, %ge3A_181 : i1
    %convert_element_type3A_183 = arith.extui %and3A_182 : i1 to i32
    %cond3A_184 = arith.constant 0xFF800000 : f32
    %cond3A_185 = arith.constant 0 : i32
    %cond3A_186 = arith.cmpi ne, %convert_element_type3A_183, %cond3A_185 : i32
    scf.if %cond3A_186 {
      %eq3A_615 = arith.constant 16 : i32
      %eq3A_616 = vector.broadcast %eq3A_615 : i32 to vector<2000x1xi32>
      %eq3A_617 = arith.cmpi eq, %get3A_30, %eq3A_616 : vector<2000x1xi32>
      %broadcast_in_dim3A = vector.shape_cast %eq3A_617 : vector<2000x1xi1> to vector<2000x1xi1>
      %broadcast_in_dim3A_618 = vector.broadcast %broadcast_in_dim3A : vector<2000x1xi1> to vector<2000x128xi1>
      %broadcast_in_dim3A_619 = vector.broadcast %cond3A_184 : f32 to vector<2000x128xf32>
      %select_n3A = arith.select %broadcast_in_dim3A_618, %max3A_25, %broadcast_in_dim3A_619 : vector<2000x128xi1>, vector<2000x128xf32>
      %reduce_max3A = arith.constant dense<0xFF800000> : vector<128xf32>
      %reduce_max3A_620 = vector.multi_reduction <maximumf>, %select_n3A, %reduce_max3A [0] : vector<2000x128xf32> to vector<128xf32>
      %broadcast_in_dim3A_621 = vector.shape_cast %reduce_max3A_620 : vector<128xf32> to vector<1x128xf32>
      %get3A_622 = arith.constant 16 : index
      %get3A_623 = arith.constant 0 : index
      %get3A_624 = vector.load %arg10[%get3A_622, %get3A_623] : memref<64x128xf32, #tpu.memory_space<vmem>>, vector<1x128xf32>
      %max3A_625 = arith.maximumf %get3A_624, %broadcast_in_dim3A_621 : vector<1x128xf32>
      %swap3A = arith.constant 16 : index
      %swap3A_626 = arith.constant 0 : index
      %swap3A_627 = vector.load %arg10[%swap3A, %swap3A_626] : memref<64x128xf32, #tpu.memory_space<vmem>>, vector<1x128xf32>
      tpu.vector_store %arg10[%swap3A, %swap3A_626], %max3A_625 {strides = array<i32>} : memref<64x128xf32, #tpu.memory_space<vmem>>, vector<1x128xf32>,
    } else {
    }
    %le3A_187 = arith.constant 17 : i32
    %le3A_188 = arith.cmpi sle, %get3A_33, %le3A_187 : i32
    %ge3A_189 = arith.constant 17 : i32
    %ge3A_190 = arith.cmpi sge, %get3A_36, %ge3A_189 : i32
    %and3A_191 = arith.andi %le3A_188, %ge3A_190 : i1
    %convert_element_type3A_192 = arith.extui %and3A_191 : i1 to i32
    %cond3A_193 = arith.constant 0xFF800000 : f32
    %cond3A_194 = arith.constant 0 : i32
    %cond3A_195 = arith.cmpi ne, %convert_element_type3A_192, %cond3A_194 : i32
    scf.if %cond3A_195 {
      %eq3A_615 = arith.constant 17 : i32
      %eq3A_616 = vector.broadcast %eq3A_615 : i32 to vector<2000x1xi32>
      %eq3A_617 = arith.cmpi eq, %get3A_30, %eq3A_616 : vector<2000x1xi32>
      %broadcast_in_dim3A = vector.shape_cast %eq3A_617 : vector<2000x1xi1> to vector<2000x1xi1>
      %broadcast_in_dim3A_618 = vector.broadcast %broadcast_in_dim3A : vector<2000x1xi1> to vector<2000x128xi1>
      %broadcast_in_dim3A_619 = vector.broadcast %cond3A_193 : f32 to vector<2000x128xf32>
      %select_n3A = arith.select %broadcast_in_dim3A_618, %max3A_25, %broadcast_in_dim3A_619 : vector<2000x128xi1>, vector<2000x128xf32>
      %reduce_max3A = arith.constant dense<0xFF800000> : vector<128xf32>
      %reduce_max3A_620 = vector.multi_reduction <maximumf>, %select_n3A, %reduce_max3A [0] : vector<2000x128xf32> to vector<128xf32>
      %broadcast_in_dim3A_621 = vector.shape_cast %reduce_max3A_620 : vector<128xf32> to vector<1x128xf32>
      %get3A_622 = arith.constant 17 : index
      %get3A_623 = arith.constant 0 : index
      %get3A_624 = vector.load %arg10[%get3A_622, %get3A_623] : memref<64x128xf32, #tpu.memory_space<vmem>>, vector<1x128xf32>
      %max3A_625 = arith.maximumf %get3A_624, %broadcast_in_dim3A_621 : vector<1x128xf32>
      %swap3A = arith.constant 17 : index
      %swap3A_626 = arith.constant 0 : index
      %swap3A_627 = vector.load %arg10[%swap3A, %swap3A_626] : memref<64x128xf32, #tpu.memory_space<vmem>>, vector<1x128xf32>
      tpu.vector_store %arg10[%swap3A, %swap3A_626], %max3A_625 {strides = array<i32>} : memref<64x128xf32, #tpu.memory_space<vmem>>, vector<1x128xf32>,
    } else {
    }
    %le3A_196 = arith.constant 18 : i32
    %le3A_197 = arith.cmpi sle, %get3A_33, %le3A_196 : i32
    %ge3A_198 = arith.constant 18 : i32
    %ge3A_199 = arith.cmpi sge, %get3A_36, %ge3A_198 : i32
    %and3A_200 = arith.andi %le3A_197, %ge3A_199 : i1
    %convert_element_type3A_201 = arith.extui %and3A_200 : i1 to i32
    %cond3A_202 = arith.constant 0xFF800000 : f32
    %cond3A_203 = arith.constant 0 : i32
    %cond3A_204 = arith.cmpi ne, %convert_element_type3A_201, %cond3A_203 : i32
    scf.if %cond3A_204 {
      %eq3A_615 = arith.constant 18 : i32
      %eq3A_616 = vector.broadcast %eq3A_615 : i32 to vector<2000x1xi32>
      %eq3A_617 = arith.cmpi eq, %get3A_30, %eq3A_616 : vector<2000x1xi32>
      %broadcast_in_dim3A = vector.shape_cast %eq3A_617 : vector<2000x1xi1> to vector<2000x1xi1>
      %broadcast_in_dim3A_618 = vector.broadcast %broadcast_in_dim3A : vector<2000x1xi1> to vector<2000x128xi1>
      %broadcast_in_dim3A_619 = vector.broadcast %cond3A_202 : f32 to vector<2000x128xf32>
      %select_n3A = arith.select %broadcast_in_dim3A_618, %max3A_25, %broadcast_in_dim3A_619 : vector<2000x128xi1>, vector<2000x128xf32>
      %reduce_max3A = arith.constant dense<0xFF800000> : vector<128xf32>
      %reduce_max3A_620 = vector.multi_reduction <maximumf>, %select_n3A, %reduce_max3A [0] : vector<2000x128xf32> to vector<128xf32>
      %broadcast_in_dim3A_621 = vector.shape_cast %reduce_max3A_620 : vector<128xf32> to vector<1x128xf32>
      %get3A_622 = arith.constant 18 : index
      %get3A_623 = arith.constant 0 : index
      %get3A_624 = vector.load %arg10[%get3A_622, %get3A_623] : memref<64x128xf32, #tpu.memory_space<vmem>>, vector<1x128xf32>
      %max3A_625 = arith.maximumf %get3A_624, %broadcast_in_dim3A_621 : vector<1x128xf32>
      %swap3A = arith.constant 18 : index
      %swap3A_626 = arith.constant 0 : index
      %swap3A_627 = vector.load %arg10[%swap3A, %swap3A_626] : memref<64x128xf32, #tpu.memory_space<vmem>>, vector<1x128xf32>
      tpu.vector_store %arg10[%swap3A, %swap3A_626], %max3A_625 {strides = array<i32>} : memref<64x128xf32, #tpu.memory_space<vmem>>, vector<1x128xf32>,
    } else {
    }
    %le3A_205 = arith.constant 19 : i32
    %le3A_206 = arith.cmpi sle, %get3A_33, %le3A_205 : i32
    %ge3A_207 = arith.constant 19 : i32
    %ge3A_208 = arith.cmpi sge, %get3A_36, %ge3A_207 : i32
    %and3A_209 = arith.andi %le3A_206, %ge3A_208 : i1
    %convert_element_type3A_210 = arith.extui %and3A_209 : i1 to i32
    %cond3A_211 = arith.constant 0xFF800000 : f32
    %cond3A_212 = arith.constant 0 : i32
    %cond3A_213 = arith.cmpi ne, %convert_element_type3A_210, %cond3A_212 : i32
    scf.if %cond3A_213 {
      %eq3A_615 = arith.constant 19 : i32
      %eq3A_616 = vector.broadcast %eq3A_615 : i32 to vector<2000x1xi32>
      %eq3A_617 = arith.cmpi eq, %get3A_30, %eq3A_616 : vector<2000x1xi32>
      %broadcast_in_dim3A = vector.shape_cast %eq3A_617 : vector<2000x1xi1> to vector<2000x1xi1>
      %broadcast_in_dim3A_618 = vector.broadcast %broadcast_in_dim3A : vector<2000x1xi1> to vector<2000x128xi1>
      %broadcast_in_dim3A_619 = vector.broadcast %cond3A_211 : f32 to vector<2000x128xf32>
      %select_n3A = arith.select %broadcast_in_dim3A_618, %max3A_25, %broadcast_in_dim3A_619 : vector<2000x128xi1>, vector<2000x128xf32>
      %reduce_max3A = arith.constant dense<0xFF800000> : vector<128xf32>
      %reduce_max3A_620 = vector.multi_reduction <maximumf>, %select_n3A, %reduce_max3A [0] : vector<2000x128xf32> to vector<128xf32>
      %broadcast_in_dim3A_621 = vector.shape_cast %reduce_max3A_620 : vector<128xf32> to vector<1x128xf32>
      %get3A_622 = arith.constant 19 : index
      %get3A_623 = arith.constant 0 : index
      %get3A_624 = vector.load %arg10[%get3A_622, %get3A_623] : memref<64x128xf32, #tpu.memory_space<vmem>>, vector<1x128xf32>
      %max3A_625 = arith.maximumf %get3A_624, %broadcast_in_dim3A_621 : vector<1x128xf32>
      %swap3A = arith.constant 19 : index
      %swap3A_626 = arith.constant 0 : index
      %swap3A_627 = vector.load %arg10[%swap3A, %swap3A_626] : memref<64x128xf32, #tpu.memory_space<vmem>>, vector<1x128xf32>
      tpu.vector_store %arg10[%swap3A, %swap3A_626], %max3A_625 {strides = array<i32>} : memref<64x128xf32, #tpu.memory_space<vmem>>, vector<1x128xf32>,
    } else {
    }
    %le3A_214 = arith.constant 20 : i32
    %le3A_215 = arith.cmpi sle, %get3A_33, %le3A_214 : i32
    %ge3A_216 = arith.constant 20 : i32
    %ge3A_217 = arith.cmpi sge, %get3A_36, %ge3A_216 : i32
    %and3A_218 = arith.andi %le3A_215, %ge3A_217 : i1
    %convert_element_type3A_219 = arith.extui %and3A_218 : i1 to i32
    %cond3A_220 = arith.constant 0xFF800000 : f32
    %cond3A_221 = arith.constant 0 : i32
    %cond3A_222 = arith.cmpi ne, %convert_element_type3A_219, %cond3A_221 : i32
    scf.if %cond3A_222 {
      %eq3A_615 = arith.constant 20 : i32
      %eq3A_616 = vector.broadcast %eq3A_615 : i32 to vector<2000x1xi32>
      %eq3A_617 = arith.cmpi eq, %get3A_30, %eq3A_616 : vector<2000x1xi32>
      %broadcast_in_dim3A = vector.shape_cast %eq3A_617 : vector<2000x1xi1> to vector<2000x1xi1>
      %broadcast_in_dim3A_618 = vector.broadcast %broadcast_in_dim3A : vector<2000x1xi1> to vector<2000x128xi1>
      %broadcast_in_dim3A_619 = vector.broadcast %cond3A_220 : f32 to vector<2000x128xf32>
      %select_n3A = arith.select %broadcast_in_dim3A_618, %max3A_25, %broadcast_in_dim3A_619 : vector<2000x128xi1>, vector<2000x128xf32>
      %reduce_max3A = arith.constant dense<0xFF800000> : vector<128xf32>
      %reduce_max3A_620 = vector.multi_reduction <maximumf>, %select_n3A, %reduce_max3A [0] : vector<2000x128xf32> to vector<128xf32>
      %broadcast_in_dim3A_621 = vector.shape_cast %reduce_max3A_620 : vector<128xf32> to vector<1x128xf32>
      %get3A_622 = arith.constant 20 : index
      %get3A_623 = arith.constant 0 : index
      %get3A_624 = vector.load %arg10[%get3A_622, %get3A_623] : memref<64x128xf32, #tpu.memory_space<vmem>>, vector<1x128xf32>
      %max3A_625 = arith.maximumf %get3A_624, %broadcast_in_dim3A_621 : vector<1x128xf32>
      %swap3A = arith.constant 20 : index
      %swap3A_626 = arith.constant 0 : index
      %swap3A_627 = vector.load %arg10[%swap3A, %swap3A_626] : memref<64x128xf32, #tpu.memory_space<vmem>>, vector<1x128xf32>
      tpu.vector_store %arg10[%swap3A, %swap3A_626], %max3A_625 {strides = array<i32>} : memref<64x128xf32, #tpu.memory_space<vmem>>, vector<1x128xf32>,
    } else {
    }
    %le3A_223 = arith.constant 21 : i32
    %le3A_224 = arith.cmpi sle, %get3A_33, %le3A_223 : i32
    %ge3A_225 = arith.constant 21 : i32
    %ge3A_226 = arith.cmpi sge, %get3A_36, %ge3A_225 : i32
    %and3A_227 = arith.andi %le3A_224, %ge3A_226 : i1
    %convert_element_type3A_228 = arith.extui %and3A_227 : i1 to i32
    %cond3A_229 = arith.constant 0xFF800000 : f32
    %cond3A_230 = arith.constant 0 : i32
    %cond3A_231 = arith.cmpi ne, %convert_element_type3A_228, %cond3A_230 : i32
    scf.if %cond3A_231 {
      %eq3A_615 = arith.constant 21 : i32
      %eq3A_616 = vector.broadcast %eq3A_615 : i32 to vector<2000x1xi32>
      %eq3A_617 = arith.cmpi eq, %get3A_30, %eq3A_616 : vector<2000x1xi32>
      %broadcast_in_dim3A = vector.shape_cast %eq3A_617 : vector<2000x1xi1> to vector<2000x1xi1>
      %broadcast_in_dim3A_618 = vector.broadcast %broadcast_in_dim3A : vector<2000x1xi1> to vector<2000x128xi1>
      %broadcast_in_dim3A_619 = vector.broadcast %cond3A_229 : f32 to vector<2000x128xf32>
      %select_n3A = arith.select %broadcast_in_dim3A_618, %max3A_25, %broadcast_in_dim3A_619 : vector<2000x128xi1>, vector<2000x128xf32>
      %reduce_max3A = arith.constant dense<0xFF800000> : vector<128xf32>
      %reduce_max3A_620 = vector.multi_reduction <maximumf>, %select_n3A, %reduce_max3A [0] : vector<2000x128xf32> to vector<128xf32>
      %broadcast_in_dim3A_621 = vector.shape_cast %reduce_max3A_620 : vector<128xf32> to vector<1x128xf32>
      %get3A_622 = arith.constant 21 : index
      %get3A_623 = arith.constant 0 : index
      %get3A_624 = vector.load %arg10[%get3A_622, %get3A_623] : memref<64x128xf32, #tpu.memory_space<vmem>>, vector<1x128xf32>
      %max3A_625 = arith.maximumf %get3A_624, %broadcast_in_dim3A_621 : vector<1x128xf32>
      %swap3A = arith.constant 21 : index
      %swap3A_626 = arith.constant 0 : index
      %swap3A_627 = vector.load %arg10[%swap3A, %swap3A_626] : memref<64x128xf32, #tpu.memory_space<vmem>>, vector<1x128xf32>
      tpu.vector_store %arg10[%swap3A, %swap3A_626], %max3A_625 {strides = array<i32>} : memref<64x128xf32, #tpu.memory_space<vmem>>, vector<1x128xf32>,
    } else {
    }
    %le3A_232 = arith.constant 22 : i32
    %le3A_233 = arith.cmpi sle, %get3A_33, %le3A_232 : i32
    %ge3A_234 = arith.constant 22 : i32
    %ge3A_235 = arith.cmpi sge, %get3A_36, %ge3A_234 : i32
    %and3A_236 = arith.andi %le3A_233, %ge3A_235 : i1
    %convert_element_type3A_237 = arith.extui %and3A_236 : i1 to i32
    %cond3A_238 = arith.constant 0xFF800000 : f32
    %cond3A_239 = arith.constant 0 : i32
    %cond3A_240 = arith.cmpi ne, %convert_element_type3A_237, %cond3A_239 : i32
    scf.if %cond3A_240 {
      %eq3A_615 = arith.constant 22 : i32
      %eq3A_616 = vector.broadcast %eq3A_615 : i32 to vector<2000x1xi32>
      %eq3A_617 = arith.cmpi eq, %get3A_30, %eq3A_616 : vector<2000x1xi32>
      %broadcast_in_dim3A = vector.shape_cast %eq3A_617 : vector<2000x1xi1> to vector<2000x1xi1>
      %broadcast_in_dim3A_618 = vector.broadcast %broadcast_in_dim3A : vector<2000x1xi1> to vector<2000x128xi1>
      %broadcast_in_dim3A_619 = vector.broadcast %cond3A_238 : f32 to vector<2000x128xf32>
      %select_n3A = arith.select %broadcast_in_dim3A_618, %max3A_25, %broadcast_in_dim3A_619 : vector<2000x128xi1>, vector<2000x128xf32>
      %reduce_max3A = arith.constant dense<0xFF800000> : vector<128xf32>
      %reduce_max3A_620 = vector.multi_reduction <maximumf>, %select_n3A, %reduce_max3A [0] : vector<2000x128xf32> to vector<128xf32>
      %broadcast_in_dim3A_621 = vector.shape_cast %reduce_max3A_620 : vector<128xf32> to vector<1x128xf32>
      %get3A_622 = arith.constant 22 : index
      %get3A_623 = arith.constant 0 : index
      %get3A_624 = vector.load %arg10[%get3A_622, %get3A_623] : memref<64x128xf32, #tpu.memory_space<vmem>>, vector<1x128xf32>
      %max3A_625 = arith.maximumf %get3A_624, %broadcast_in_dim3A_621 : vector<1x128xf32>
      %swap3A = arith.constant 22 : index
      %swap3A_626 = arith.constant 0 : index
      %swap3A_627 = vector.load %arg10[%swap3A, %swap3A_626] : memref<64x128xf32, #tpu.memory_space<vmem>>, vector<1x128xf32>
      tpu.vector_store %arg10[%swap3A, %swap3A_626], %max3A_625 {strides = array<i32>} : memref<64x128xf32, #tpu.memory_space<vmem>>, vector<1x128xf32>,
    } else {
    }
    %le3A_241 = arith.constant 23 : i32
    %le3A_242 = arith.cmpi sle, %get3A_33, %le3A_241 : i32
    %ge3A_243 = arith.constant 23 : i32
    %ge3A_244 = arith.cmpi sge, %get3A_36, %ge3A_243 : i32
    %and3A_245 = arith.andi %le3A_242, %ge3A_244 : i1
    %convert_element_type3A_246 = arith.extui %and3A_245 : i1 to i32
    %cond3A_247 = arith.constant 0xFF800000 : f32
    %cond3A_248 = arith.constant 0 : i32
    %cond3A_249 = arith.cmpi ne, %convert_element_type3A_246, %cond3A_248 : i32
    scf.if %cond3A_249 {
      %eq3A_615 = arith.constant 23 : i32
      %eq3A_616 = vector.broadcast %eq3A_615 : i32 to vector<2000x1xi32>
      %eq3A_617 = arith.cmpi eq, %get3A_30, %eq3A_616 : vector<2000x1xi32>
      %broadcast_in_dim3A = vector.shape_cast %eq3A_617 : vector<2000x1xi1> to vector<2000x1xi1>
      %broadcast_in_dim3A_618 = vector.broadcast %broadcast_in_dim3A : vector<2000x1xi1> to vector<2000x128xi1>
      %broadcast_in_dim3A_619 = vector.broadcast %cond3A_247 : f32 to vector<2000x128xf32>
      %select_n3A = arith.select %broadcast_in_dim3A_618, %max3A_25, %broadcast_in_dim3A_619 : vector<2000x128xi1>, vector<2000x128xf32>
      %reduce_max3A = arith.constant dense<0xFF800000> : vector<128xf32>
      %reduce_max3A_620 = vector.multi_reduction <maximumf>, %select_n3A, %reduce_max3A [0] : vector<2000x128xf32> to vector<128xf32>
      %broadcast_in_dim3A_621 = vector.shape_cast %reduce_max3A_620 : vector<128xf32> to vector<1x128xf32>
      %get3A_622 = arith.constant 23 : index
      %get3A_623 = arith.constant 0 : index
      %get3A_624 = vector.load %arg10[%get3A_622, %get3A_623] : memref<64x128xf32, #tpu.memory_space<vmem>>, vector<1x128xf32>
      %max3A_625 = arith.maximumf %get3A_624, %broadcast_in_dim3A_621 : vector<1x128xf32>
      %swap3A = arith.constant 23 : index
      %swap3A_626 = arith.constant 0 : index
      %swap3A_627 = vector.load %arg10[%swap3A, %swap3A_626] : memref<64x128xf32, #tpu.memory_space<vmem>>, vector<1x128xf32>
      tpu.vector_store %arg10[%swap3A, %swap3A_626], %max3A_625 {strides = array<i32>} : memref<64x128xf32, #tpu.memory_space<vmem>>, vector<1x128xf32>,
    } else {
    }
    %le3A_250 = arith.constant 24 : i32
    %le3A_251 = arith.cmpi sle, %get3A_33, %le3A_250 : i32
    %ge3A_252 = arith.constant 24 : i32
    %ge3A_253 = arith.cmpi sge, %get3A_36, %ge3A_252 : i32
    %and3A_254 = arith.andi %le3A_251, %ge3A_253 : i1
    %convert_element_type3A_255 = arith.extui %and3A_254 : i1 to i32
    %cond3A_256 = arith.constant 0xFF800000 : f32
    %cond3A_257 = arith.constant 0 : i32
    %cond3A_258 = arith.cmpi ne, %convert_element_type3A_255, %cond3A_257 : i32
    scf.if %cond3A_258 {
      %eq3A_615 = arith.constant 24 : i32
      %eq3A_616 = vector.broadcast %eq3A_615 : i32 to vector<2000x1xi32>
      %eq3A_617 = arith.cmpi eq, %get3A_30, %eq3A_616 : vector<2000x1xi32>
      %broadcast_in_dim3A = vector.shape_cast %eq3A_617 : vector<2000x1xi1> to vector<2000x1xi1>
      %broadcast_in_dim3A_618 = vector.broadcast %broadcast_in_dim3A : vector<2000x1xi1> to vector<2000x128xi1>
      %broadcast_in_dim3A_619 = vector.broadcast %cond3A_256 : f32 to vector<2000x128xf32>
      %select_n3A = arith.select %broadcast_in_dim3A_618, %max3A_25, %broadcast_in_dim3A_619 : vector<2000x128xi1>, vector<2000x128xf32>
      %reduce_max3A = arith.constant dense<0xFF800000> : vector<128xf32>
      %reduce_max3A_620 = vector.multi_reduction <maximumf>, %select_n3A, %reduce_max3A [0] : vector<2000x128xf32> to vector<128xf32>
      %broadcast_in_dim3A_621 = vector.shape_cast %reduce_max3A_620 : vector<128xf32> to vector<1x128xf32>
      %get3A_622 = arith.constant 24 : index
      %get3A_623 = arith.constant 0 : index
      %get3A_624 = vector.load %arg10[%get3A_622, %get3A_623] : memref<64x128xf32, #tpu.memory_space<vmem>>, vector<1x128xf32>
      %max3A_625 = arith.maximumf %get3A_624, %broadcast_in_dim3A_621 : vector<1x128xf32>
      %swap3A = arith.constant 24 : index
      %swap3A_626 = arith.constant 0 : index
      %swap3A_627 = vector.load %arg10[%swap3A, %swap3A_626] : memref<64x128xf32, #tpu.memory_space<vmem>>, vector<1x128xf32>
      tpu.vector_store %arg10[%swap3A, %swap3A_626], %max3A_625 {strides = array<i32>} : memref<64x128xf32, #tpu.memory_space<vmem>>, vector<1x128xf32>,
    } else {
    }
    %le3A_259 = arith.constant 25 : i32
    %le3A_260 = arith.cmpi sle, %get3A_33, %le3A_259 : i32
    %ge3A_261 = arith.constant 25 : i32
    %ge3A_262 = arith.cmpi sge, %get3A_36, %ge3A_261 : i32
    %and3A_263 = arith.andi %le3A_260, %ge3A_262 : i1
    %convert_element_type3A_264 = arith.extui %and3A_263 : i1 to i32
    %cond3A_265 = arith.constant 0xFF800000 : f32
    %cond3A_266 = arith.constant 0 : i32
    %cond3A_267 = arith.cmpi ne, %convert_element_type3A_264, %cond3A_266 : i32
    scf.if %cond3A_267 {
      %eq3A_615 = arith.constant 25 : i32
      %eq3A_616 = vector.broadcast %eq3A_615 : i32 to vector<2000x1xi32>
      %eq3A_617 = arith.cmpi eq, %get3A_30, %eq3A_616 : vector<2000x1xi32>
      %broadcast_in_dim3A = vector.shape_cast %eq3A_617 : vector<2000x1xi1> to vector<2000x1xi1>
      %broadcast_in_dim3A_618 = vector.broadcast %broadcast_in_dim3A : vector<2000x1xi1> to vector<2000x128xi1>
      %broadcast_in_dim3A_619 = vector.broadcast %cond3A_265 : f32 to vector<2000x128xf32>
      %select_n3A = arith.select %broadcast_in_dim3A_618, %max3A_25, %broadcast_in_dim3A_619 : vector<2000x128xi1>, vector<2000x128xf32>
      %reduce_max3A = arith.constant dense<0xFF800000> : vector<128xf32>
      %reduce_max3A_620 = vector.multi_reduction <maximumf>, %select_n3A, %reduce_max3A [0] : vector<2000x128xf32> to vector<128xf32>
      %broadcast_in_dim3A_621 = vector.shape_cast %reduce_max3A_620 : vector<128xf32> to vector<1x128xf32>
      %get3A_622 = arith.constant 25 : index
      %get3A_623 = arith.constant 0 : index
      %get3A_624 = vector.load %arg10[%get3A_622, %get3A_623] : memref<64x128xf32, #tpu.memory_space<vmem>>, vector<1x128xf32>
      %max3A_625 = arith.maximumf %get3A_624, %broadcast_in_dim3A_621 : vector<1x128xf32>
      %swap3A = arith.constant 25 : index
      %swap3A_626 = arith.constant 0 : index
      %swap3A_627 = vector.load %arg10[%swap3A, %swap3A_626] : memref<64x128xf32, #tpu.memory_space<vmem>>, vector<1x128xf32>
      tpu.vector_store %arg10[%swap3A, %swap3A_626], %max3A_625 {strides = array<i32>} : memref<64x128xf32, #tpu.memory_space<vmem>>, vector<1x128xf32>,
    } else {
    }
    %le3A_268 = arith.constant 26 : i32
    %le3A_269 = arith.cmpi sle, %get3A_33, %le3A_268 : i32
    %ge3A_270 = arith.constant 26 : i32
    %ge3A_271 = arith.cmpi sge, %get3A_36, %ge3A_270 : i32
    %and3A_272 = arith.andi %le3A_269, %ge3A_271 : i1
    %convert_element_type3A_273 = arith.extui %and3A_272 : i1 to i32
    %cond3A_274 = arith.constant 0xFF800000 : f32
    %cond3A_275 = arith.constant 0 : i32
    %cond3A_276 = arith.cmpi ne, %convert_element_type3A_273, %cond3A_275 : i32
    scf.if %cond3A_276 {
      %eq3A_615 = arith.constant 26 : i32
      %eq3A_616 = vector.broadcast %eq3A_615 : i32 to vector<2000x1xi32>
      %eq3A_617 = arith.cmpi eq, %get3A_30, %eq3A_616 : vector<2000x1xi32>
      %broadcast_in_dim3A = vector.shape_cast %eq3A_617 : vector<2000x1xi1> to vector<2000x1xi1>
      %broadcast_in_dim3A_618 = vector.broadcast %broadcast_in_dim3A : vector<2000x1xi1> to vector<2000x128xi1>
      %broadcast_in_dim3A_619 = vector.broadcast %cond3A_274 : f32 to vector<2000x128xf32>
      %select_n3A = arith.select %broadcast_in_dim3A_618, %max3A_25, %broadcast_in_dim3A_619 : vector<2000x128xi1>, vector<2000x128xf32>
      %reduce_max3A = arith.constant dense<0xFF800000> : vector<128xf32>
      %reduce_max3A_620 = vector.multi_reduction <maximumf>, %select_n3A, %reduce_max3A [0] : vector<2000x128xf32> to vector<128xf32>
      %broadcast_in_dim3A_621 = vector.shape_cast %reduce_max3A_620 : vector<128xf32> to vector<1x128xf32>
      %get3A_622 = arith.constant 26 : index
      %get3A_623 = arith.constant 0 : index
      %get3A_624 = vector.load %arg10[%get3A_622, %get3A_623] : memref<64x128xf32, #tpu.memory_space<vmem>>, vector<1x128xf32>
      %max3A_625 = arith.maximumf %get3A_624, %broadcast_in_dim3A_621 : vector<1x128xf32>
      %swap3A = arith.constant 26 : index
      %swap3A_626 = arith.constant 0 : index
      %swap3A_627 = vector.load %arg10[%swap3A, %swap3A_626] : memref<64x128xf32, #tpu.memory_space<vmem>>, vector<1x128xf32>
      tpu.vector_store %arg10[%swap3A, %swap3A_626], %max3A_625 {strides = array<i32>} : memref<64x128xf32, #tpu.memory_space<vmem>>, vector<1x128xf32>,
    } else {
    }
    %le3A_277 = arith.constant 27 : i32
    %le3A_278 = arith.cmpi sle, %get3A_33, %le3A_277 : i32
    %ge3A_279 = arith.constant 27 : i32
    %ge3A_280 = arith.cmpi sge, %get3A_36, %ge3A_279 : i32
    %and3A_281 = arith.andi %le3A_278, %ge3A_280 : i1
    %convert_element_type3A_282 = arith.extui %and3A_281 : i1 to i32
    %cond3A_283 = arith.constant 0xFF800000 : f32
    %cond3A_284 = arith.constant 0 : i32
    %cond3A_285 = arith.cmpi ne, %convert_element_type3A_282, %cond3A_284 : i32
    scf.if %cond3A_285 {
      %eq3A_615 = arith.constant 27 : i32
      %eq3A_616 = vector.broadcast %eq3A_615 : i32 to vector<2000x1xi32>
      %eq3A_617 = arith.cmpi eq, %get3A_30, %eq3A_616 : vector<2000x1xi32>
      %broadcast_in_dim3A = vector.shape_cast %eq3A_617 : vector<2000x1xi1> to vector<2000x1xi1>
      %broadcast_in_dim3A_618 = vector.broadcast %broadcast_in_dim3A : vector<2000x1xi1> to vector<2000x128xi1>
      %broadcast_in_dim3A_619 = vector.broadcast %cond3A_283 : f32 to vector<2000x128xf32>
      %select_n3A = arith.select %broadcast_in_dim3A_618, %max3A_25, %broadcast_in_dim3A_619 : vector<2000x128xi1>, vector<2000x128xf32>
      %reduce_max3A = arith.constant dense<0xFF800000> : vector<128xf32>
      %reduce_max3A_620 = vector.multi_reduction <maximumf>, %select_n3A, %reduce_max3A [0] : vector<2000x128xf32> to vector<128xf32>
      %broadcast_in_dim3A_621 = vector.shape_cast %reduce_max3A_620 : vector<128xf32> to vector<1x128xf32>
      %get3A_622 = arith.constant 27 : index
      %get3A_623 = arith.constant 0 : index
      %get3A_624 = vector.load %arg10[%get3A_622, %get3A_623] : memref<64x128xf32, #tpu.memory_space<vmem>>, vector<1x128xf32>
      %max3A_625 = arith.maximumf %get3A_624, %broadcast_in_dim3A_621 : vector<1x128xf32>
      %swap3A = arith.constant 27 : index
      %swap3A_626 = arith.constant 0 : index
      %swap3A_627 = vector.load %arg10[%swap3A, %swap3A_626] : memref<64x128xf32, #tpu.memory_space<vmem>>, vector<1x128xf32>
      tpu.vector_store %arg10[%swap3A, %swap3A_626], %max3A_625 {strides = array<i32>} : memref<64x128xf32, #tpu.memory_space<vmem>>, vector<1x128xf32>,
    } else {
    }
    %le3A_286 = arith.constant 28 : i32
    %le3A_287 = arith.cmpi sle, %get3A_33, %le3A_286 : i32
    %ge3A_288 = arith.constant 28 : i32
    %ge3A_289 = arith.cmpi sge, %get3A_36, %ge3A_288 : i32
    %and3A_290 = arith.andi %le3A_287, %ge3A_289 : i1
    %convert_element_type3A_291 = arith.extui %and3A_290 : i1 to i32
    %cond3A_292 = arith.constant 0xFF800000 : f32
    %cond3A_293 = arith.constant 0 : i32
    %cond3A_294 = arith.cmpi ne, %convert_element_type3A_291, %cond3A_293 : i32
    scf.if %cond3A_294 {
      %eq3A_615 = arith.constant 28 : i32
      %eq3A_616 = vector.broadcast %eq3A_615 : i32 to vector<2000x1xi32>
      %eq3A_617 = arith.cmpi eq, %get3A_30, %eq3A_616 : vector<2000x1xi32>
      %broadcast_in_dim3A = vector.shape_cast %eq3A_617 : vector<2000x1xi1> to vector<2000x1xi1>
      %broadcast_in_dim3A_618 = vector.broadcast %broadcast_in_dim3A : vector<2000x1xi1> to vector<2000x128xi1>
      %broadcast_in_dim3A_619 = vector.broadcast %cond3A_292 : f32 to vector<2000x128xf32>
      %select_n3A = arith.select %broadcast_in_dim3A_618, %max3A_25, %broadcast_in_dim3A_619 : vector<2000x128xi1>, vector<2000x128xf32>
      %reduce_max3A = arith.constant dense<0xFF800000> : vector<128xf32>
      %reduce_max3A_620 = vector.multi_reduction <maximumf>, %select_n3A, %reduce_max3A [0] : vector<2000x128xf32> to vector<128xf32>
      %broadcast_in_dim3A_621 = vector.shape_cast %reduce_max3A_620 : vector<128xf32> to vector<1x128xf32>
      %get3A_622 = arith.constant 28 : index
      %get3A_623 = arith.constant 0 : index
      %get3A_624 = vector.load %arg10[%get3A_622, %get3A_623] : memref<64x128xf32, #tpu.memory_space<vmem>>, vector<1x128xf32>
      %max3A_625 = arith.maximumf %get3A_624, %broadcast_in_dim3A_621 : vector<1x128xf32>
      %swap3A = arith.constant 28 : index
      %swap3A_626 = arith.constant 0 : index
      %swap3A_627 = vector.load %arg10[%swap3A, %swap3A_626] : memref<64x128xf32, #tpu.memory_space<vmem>>, vector<1x128xf32>
      tpu.vector_store %arg10[%swap3A, %swap3A_626], %max3A_625 {strides = array<i32>} : memref<64x128xf32, #tpu.memory_space<vmem>>, vector<1x128xf32>,
    } else {
    }
    %le3A_295 = arith.constant 29 : i32
    %le3A_296 = arith.cmpi sle, %get3A_33, %le3A_295 : i32
    %ge3A_297 = arith.constant 29 : i32
    %ge3A_298 = arith.cmpi sge, %get3A_36, %ge3A_297 : i32
    %and3A_299 = arith.andi %le3A_296, %ge3A_298 : i1
    %convert_element_type3A_300 = arith.extui %and3A_299 : i1 to i32
    %cond3A_301 = arith.constant 0xFF800000 : f32
    %cond3A_302 = arith.constant 0 : i32
    %cond3A_303 = arith.cmpi ne, %convert_element_type3A_300, %cond3A_302 : i32
    scf.if %cond3A_303 {
      %eq3A_615 = arith.constant 29 : i32
      %eq3A_616 = vector.broadcast %eq3A_615 : i32 to vector<2000x1xi32>
      %eq3A_617 = arith.cmpi eq, %get3A_30, %eq3A_616 : vector<2000x1xi32>
      %broadcast_in_dim3A = vector.shape_cast %eq3A_617 : vector<2000x1xi1> to vector<2000x1xi1>
      %broadcast_in_dim3A_618 = vector.broadcast %broadcast_in_dim3A : vector<2000x1xi1> to vector<2000x128xi1>
      %broadcast_in_dim3A_619 = vector.broadcast %cond3A_301 : f32 to vector<2000x128xf32>
      %select_n3A = arith.select %broadcast_in_dim3A_618, %max3A_25, %broadcast_in_dim3A_619 : vector<2000x128xi1>, vector<2000x128xf32>
      %reduce_max3A = arith.constant dense<0xFF800000> : vector<128xf32>
      %reduce_max3A_620 = vector.multi_reduction <maximumf>, %select_n3A, %reduce_max3A [0] : vector<2000x128xf32> to vector<128xf32>
      %broadcast_in_dim3A_621 = vector.shape_cast %reduce_max3A_620 : vector<128xf32> to vector<1x128xf32>
      %get3A_622 = arith.constant 29 : index
      %get3A_623 = arith.constant 0 : index
      %get3A_624 = vector.load %arg10[%get3A_622, %get3A_623] : memref<64x128xf32, #tpu.memory_space<vmem>>, vector<1x128xf32>
      %max3A_625 = arith.maximumf %get3A_624, %broadcast_in_dim3A_621 : vector<1x128xf32>
      %swap3A = arith.constant 29 : index
      %swap3A_626 = arith.constant 0 : index
      %swap3A_627 = vector.load %arg10[%swap3A, %swap3A_626] : memref<64x128xf32, #tpu.memory_space<vmem>>, vector<1x128xf32>
      tpu.vector_store %arg10[%swap3A, %swap3A_626], %max3A_625 {strides = array<i32>} : memref<64x128xf32, #tpu.memory_space<vmem>>, vector<1x128xf32>,
    } else {
    }
    %le3A_304 = arith.constant 30 : i32
    %le3A_305 = arith.cmpi sle, %get3A_33, %le3A_304 : i32
    %ge3A_306 = arith.constant 30 : i32
    %ge3A_307 = arith.cmpi sge, %get3A_36, %ge3A_306 : i32
    %and3A_308 = arith.andi %le3A_305, %ge3A_307 : i1
    %convert_element_type3A_309 = arith.extui %and3A_308 : i1 to i32
    %cond3A_310 = arith.constant 0xFF800000 : f32
    %cond3A_311 = arith.constant 0 : i32
    %cond3A_312 = arith.cmpi ne, %convert_element_type3A_309, %cond3A_311 : i32
    scf.if %cond3A_312 {
      %eq3A_615 = arith.constant 30 : i32
      %eq3A_616 = vector.broadcast %eq3A_615 : i32 to vector<2000x1xi32>
      %eq3A_617 = arith.cmpi eq, %get3A_30, %eq3A_616 : vector<2000x1xi32>
      %broadcast_in_dim3A = vector.shape_cast %eq3A_617 : vector<2000x1xi1> to vector<2000x1xi1>
      %broadcast_in_dim3A_618 = vector.broadcast %broadcast_in_dim3A : vector<2000x1xi1> to vector<2000x128xi1>
      %broadcast_in_dim3A_619 = vector.broadcast %cond3A_310 : f32 to vector<2000x128xf32>
      %select_n3A = arith.select %broadcast_in_dim3A_618, %max3A_25, %broadcast_in_dim3A_619 : vector<2000x128xi1>, vector<2000x128xf32>
      %reduce_max3A = arith.constant dense<0xFF800000> : vector<128xf32>
      %reduce_max3A_620 = vector.multi_reduction <maximumf>, %select_n3A, %reduce_max3A [0] : vector<2000x128xf32> to vector<128xf32>
      %broadcast_in_dim3A_621 = vector.shape_cast %reduce_max3A_620 : vector<128xf32> to vector<1x128xf32>
      %get3A_622 = arith.constant 30 : index
      %get3A_623 = arith.constant 0 : index
      %get3A_624 = vector.load %arg10[%get3A_622, %get3A_623] : memref<64x128xf32, #tpu.memory_space<vmem>>, vector<1x128xf32>
      %max3A_625 = arith.maximumf %get3A_624, %broadcast_in_dim3A_621 : vector<1x128xf32>
      %swap3A = arith.constant 30 : index
      %swap3A_626 = arith.constant 0 : index
      %swap3A_627 = vector.load %arg10[%swap3A, %swap3A_626] : memref<64x128xf32, #tpu.memory_space<vmem>>, vector<1x128xf32>
      tpu.vector_store %arg10[%swap3A, %swap3A_626], %max3A_625 {strides = array<i32>} : memref<64x128xf32, #tpu.memory_space<vmem>>, vector<1x128xf32>,
    } else {
    }
    %le3A_313 = arith.constant 31 : i32
    %le3A_314 = arith.cmpi sle, %get3A_33, %le3A_313 : i32
    %ge3A_315 = arith.constant 31 : i32
    %ge3A_316 = arith.cmpi sge, %get3A_36, %ge3A_315 : i32
    %and3A_317 = arith.andi %le3A_314, %ge3A_316 : i1
    %convert_element_type3A_318 = arith.extui %and3A_317 : i1 to i32
    %cond3A_319 = arith.constant 0xFF800000 : f32
    %cond3A_320 = arith.constant 0 : i32
    %cond3A_321 = arith.cmpi ne, %convert_element_type3A_318, %cond3A_320 : i32
    scf.if %cond3A_321 {
      %eq3A_615 = arith.constant 31 : i32
      %eq3A_616 = vector.broadcast %eq3A_615 : i32 to vector<2000x1xi32>
      %eq3A_617 = arith.cmpi eq, %get3A_30, %eq3A_616 : vector<2000x1xi32>
      %broadcast_in_dim3A = vector.shape_cast %eq3A_617 : vector<2000x1xi1> to vector<2000x1xi1>
      %broadcast_in_dim3A_618 = vector.broadcast %broadcast_in_dim3A : vector<2000x1xi1> to vector<2000x128xi1>
      %broadcast_in_dim3A_619 = vector.broadcast %cond3A_319 : f32 to vector<2000x128xf32>
      %select_n3A = arith.select %broadcast_in_dim3A_618, %max3A_25, %broadcast_in_dim3A_619 : vector<2000x128xi1>, vector<2000x128xf32>
      %reduce_max3A = arith.constant dense<0xFF800000> : vector<128xf32>
      %reduce_max3A_620 = vector.multi_reduction <maximumf>, %select_n3A, %reduce_max3A [0] : vector<2000x128xf32> to vector<128xf32>
      %broadcast_in_dim3A_621 = vector.shape_cast %reduce_max3A_620 : vector<128xf32> to vector<1x128xf32>
      %get3A_622 = arith.constant 31 : index
      %get3A_623 = arith.constant 0 : index
      %get3A_624 = vector.load %arg10[%get3A_622, %get3A_623] : memref<64x128xf32, #tpu.memory_space<vmem>>, vector<1x128xf32>
      %max3A_625 = arith.maximumf %get3A_624, %broadcast_in_dim3A_621 : vector<1x128xf32>
      %swap3A = arith.constant 31 : index
      %swap3A_626 = arith.constant 0 : index
      %swap3A_627 = vector.load %arg10[%swap3A, %swap3A_626] : memref<64x128xf32, #tpu.memory_space<vmem>>, vector<1x128xf32>
      tpu.vector_store %arg10[%swap3A, %swap3A_626], %max3A_625 {strides = array<i32>} : memref<64x128xf32, #tpu.memory_space<vmem>>, vector<1x128xf32>,
    } else {
    }
    %le3A_322 = arith.constant 32 : i32
    %le3A_323 = arith.cmpi sle, %get3A_33, %le3A_322 : i32
    %ge3A_324 = arith.constant 32 : i32
    %ge3A_325 = arith.cmpi sge, %get3A_36, %ge3A_324 : i32
    %and3A_326 = arith.andi %le3A_323, %ge3A_325 : i1
    %convert_element_type3A_327 = arith.extui %and3A_326 : i1 to i32
    %cond3A_328 = arith.constant 0xFF800000 : f32
    %cond3A_329 = arith.constant 0 : i32
    %cond3A_330 = arith.cmpi ne, %convert_element_type3A_327, %cond3A_329 : i32
    scf.if %cond3A_330 {
      %eq3A_615 = arith.constant 32 : i32
      %eq3A_616 = vector.broadcast %eq3A_615 : i32 to vector<2000x1xi32>
      %eq3A_617 = arith.cmpi eq, %get3A_30, %eq3A_616 : vector<2000x1xi32>
      %broadcast_in_dim3A = vector.shape_cast %eq3A_617 : vector<2000x1xi1> to vector<2000x1xi1>
      %broadcast_in_dim3A_618 = vector.broadcast %broadcast_in_dim3A : vector<2000x1xi1> to vector<2000x128xi1>
      %broadcast_in_dim3A_619 = vector.broadcast %cond3A_328 : f32 to vector<2000x128xf32>
      %select_n3A = arith.select %broadcast_in_dim3A_618, %max3A_25, %broadcast_in_dim3A_619 : vector<2000x128xi1>, vector<2000x128xf32>
      %reduce_max3A = arith.constant dense<0xFF800000> : vector<128xf32>
      %reduce_max3A_620 = vector.multi_reduction <maximumf>, %select_n3A, %reduce_max3A [0] : vector<2000x128xf32> to vector<128xf32>
      %broadcast_in_dim3A_621 = vector.shape_cast %reduce_max3A_620 : vector<128xf32> to vector<1x128xf32>
      %get3A_622 = arith.constant 32 : index
      %get3A_623 = arith.constant 0 : index
      %get3A_624 = vector.load %arg10[%get3A_622, %get3A_623] : memref<64x128xf32, #tpu.memory_space<vmem>>, vector<1x128xf32>
      %max3A_625 = arith.maximumf %get3A_624, %broadcast_in_dim3A_621 : vector<1x128xf32>
      %swap3A = arith.constant 32 : index
      %swap3A_626 = arith.constant 0 : index
      %swap3A_627 = vector.load %arg10[%swap3A, %swap3A_626] : memref<64x128xf32, #tpu.memory_space<vmem>>, vector<1x128xf32>
      tpu.vector_store %arg10[%swap3A, %swap3A_626], %max3A_625 {strides = array<i32>} : memref<64x128xf32, #tpu.memory_space<vmem>>, vector<1x128xf32>,
    } else {
    }
    %le3A_331 = arith.constant 33 : i32
    %le3A_332 = arith.cmpi sle, %get3A_33, %le3A_331 : i32
    %ge3A_333 = arith.constant 33 : i32
    %ge3A_334 = arith.cmpi sge, %get3A_36, %ge3A_333 : i32
    %and3A_335 = arith.andi %le3A_332, %ge3A_334 : i1
    %convert_element_type3A_336 = arith.extui %and3A_335 : i1 to i32
    %cond3A_337 = arith.constant 0xFF800000 : f32
    %cond3A_338 = arith.constant 0 : i32
    %cond3A_339 = arith.cmpi ne, %convert_element_type3A_336, %cond3A_338 : i32
    scf.if %cond3A_339 {
      %eq3A_615 = arith.constant 33 : i32
      %eq3A_616 = vector.broadcast %eq3A_615 : i32 to vector<2000x1xi32>
      %eq3A_617 = arith.cmpi eq, %get3A_30, %eq3A_616 : vector<2000x1xi32>
      %broadcast_in_dim3A = vector.shape_cast %eq3A_617 : vector<2000x1xi1> to vector<2000x1xi1>
      %broadcast_in_dim3A_618 = vector.broadcast %broadcast_in_dim3A : vector<2000x1xi1> to vector<2000x128xi1>
      %broadcast_in_dim3A_619 = vector.broadcast %cond3A_337 : f32 to vector<2000x128xf32>
      %select_n3A = arith.select %broadcast_in_dim3A_618, %max3A_25, %broadcast_in_dim3A_619 : vector<2000x128xi1>, vector<2000x128xf32>
      %reduce_max3A = arith.constant dense<0xFF800000> : vector<128xf32>
      %reduce_max3A_620 = vector.multi_reduction <maximumf>, %select_n3A, %reduce_max3A [0] : vector<2000x128xf32> to vector<128xf32>
      %broadcast_in_dim3A_621 = vector.shape_cast %reduce_max3A_620 : vector<128xf32> to vector<1x128xf32>
      %get3A_622 = arith.constant 33 : index
      %get3A_623 = arith.constant 0 : index
      %get3A_624 = vector.load %arg10[%get3A_622, %get3A_623] : memref<64x128xf32, #tpu.memory_space<vmem>>, vector<1x128xf32>
      %max3A_625 = arith.maximumf %get3A_624, %broadcast_in_dim3A_621 : vector<1x128xf32>
      %swap3A = arith.constant 33 : index
      %swap3A_626 = arith.constant 0 : index
      %swap3A_627 = vector.load %arg10[%swap3A, %swap3A_626] : memref<64x128xf32, #tpu.memory_space<vmem>>, vector<1x128xf32>
      tpu.vector_store %arg10[%swap3A, %swap3A_626], %max3A_625 {strides = array<i32>} : memref<64x128xf32, #tpu.memory_space<vmem>>, vector<1x128xf32>,
    } else {
    }
    %le3A_340 = arith.constant 34 : i32
    %le3A_341 = arith.cmpi sle, %get3A_33, %le3A_340 : i32
    %ge3A_342 = arith.constant 34 : i32
    %ge3A_343 = arith.cmpi sge, %get3A_36, %ge3A_342 : i32
    %and3A_344 = arith.andi %le3A_341, %ge3A_343 : i1
    %convert_element_type3A_345 = arith.extui %and3A_344 : i1 to i32
    %cond3A_346 = arith.constant 0xFF800000 : f32
    %cond3A_347 = arith.constant 0 : i32
    %cond3A_348 = arith.cmpi ne, %convert_element_type3A_345, %cond3A_347 : i32
    scf.if %cond3A_348 {
      %eq3A_615 = arith.constant 34 : i32
      %eq3A_616 = vector.broadcast %eq3A_615 : i32 to vector<2000x1xi32>
      %eq3A_617 = arith.cmpi eq, %get3A_30, %eq3A_616 : vector<2000x1xi32>
      %broadcast_in_dim3A = vector.shape_cast %eq3A_617 : vector<2000x1xi1> to vector<2000x1xi1>
      %broadcast_in_dim3A_618 = vector.broadcast %broadcast_in_dim3A : vector<2000x1xi1> to vector<2000x128xi1>
      %broadcast_in_dim3A_619 = vector.broadcast %cond3A_346 : f32 to vector<2000x128xf32>
      %select_n3A = arith.select %broadcast_in_dim3A_618, %max3A_25, %broadcast_in_dim3A_619 : vector<2000x128xi1>, vector<2000x128xf32>
      %reduce_max3A = arith.constant dense<0xFF800000> : vector<128xf32>
      %reduce_max3A_620 = vector.multi_reduction <maximumf>, %select_n3A, %reduce_max3A [0] : vector<2000x128xf32> to vector<128xf32>
      %broadcast_in_dim3A_621 = vector.shape_cast %reduce_max3A_620 : vector<128xf32> to vector<1x128xf32>
      %get3A_622 = arith.constant 34 : index
      %get3A_623 = arith.constant 0 : index
      %get3A_624 = vector.load %arg10[%get3A_622, %get3A_623] : memref<64x128xf32, #tpu.memory_space<vmem>>, vector<1x128xf32>
      %max3A_625 = arith.maximumf %get3A_624, %broadcast_in_dim3A_621 : vector<1x128xf32>
      %swap3A = arith.constant 34 : index
      %swap3A_626 = arith.constant 0 : index
      %swap3A_627 = vector.load %arg10[%swap3A, %swap3A_626] : memref<64x128xf32, #tpu.memory_space<vmem>>, vector<1x128xf32>
      tpu.vector_store %arg10[%swap3A, %swap3A_626], %max3A_625 {strides = array<i32>} : memref<64x128xf32, #tpu.memory_space<vmem>>, vector<1x128xf32>,
    } else {
    }
    %le3A_349 = arith.constant 35 : i32
    %le3A_350 = arith.cmpi sle, %get3A_33, %le3A_349 : i32
    %ge3A_351 = arith.constant 35 : i32
    %ge3A_352 = arith.cmpi sge, %get3A_36, %ge3A_351 : i32
    %and3A_353 = arith.andi %le3A_350, %ge3A_352 : i1
    %convert_element_type3A_354 = arith.extui %and3A_353 : i1 to i32
    %cond3A_355 = arith.constant 0xFF800000 : f32
    %cond3A_356 = arith.constant 0 : i32
    %cond3A_357 = arith.cmpi ne, %convert_element_type3A_354, %cond3A_356 : i32
    scf.if %cond3A_357 {
      %eq3A_615 = arith.constant 35 : i32
      %eq3A_616 = vector.broadcast %eq3A_615 : i32 to vector<2000x1xi32>
      %eq3A_617 = arith.cmpi eq, %get3A_30, %eq3A_616 : vector<2000x1xi32>
      %broadcast_in_dim3A = vector.shape_cast %eq3A_617 : vector<2000x1xi1> to vector<2000x1xi1>
      %broadcast_in_dim3A_618 = vector.broadcast %broadcast_in_dim3A : vector<2000x1xi1> to vector<2000x128xi1>
      %broadcast_in_dim3A_619 = vector.broadcast %cond3A_355 : f32 to vector<2000x128xf32>
      %select_n3A = arith.select %broadcast_in_dim3A_618, %max3A_25, %broadcast_in_dim3A_619 : vector<2000x128xi1>, vector<2000x128xf32>
      %reduce_max3A = arith.constant dense<0xFF800000> : vector<128xf32>
      %reduce_max3A_620 = vector.multi_reduction <maximumf>, %select_n3A, %reduce_max3A [0] : vector<2000x128xf32> to vector<128xf32>
      %broadcast_in_dim3A_621 = vector.shape_cast %reduce_max3A_620 : vector<128xf32> to vector<1x128xf32>
      %get3A_622 = arith.constant 35 : index
      %get3A_623 = arith.constant 0 : index
      %get3A_624 = vector.load %arg10[%get3A_622, %get3A_623] : memref<64x128xf32, #tpu.memory_space<vmem>>, vector<1x128xf32>
      %max3A_625 = arith.maximumf %get3A_624, %broadcast_in_dim3A_621 : vector<1x128xf32>
      %swap3A = arith.constant 35 : index
      %swap3A_626 = arith.constant 0 : index
      %swap3A_627 = vector.load %arg10[%swap3A, %swap3A_626] : memref<64x128xf32, #tpu.memory_space<vmem>>, vector<1x128xf32>
      tpu.vector_store %arg10[%swap3A, %swap3A_626], %max3A_625 {strides = array<i32>} : memref<64x128xf32, #tpu.memory_space<vmem>>, vector<1x128xf32>,
    } else {
    }
    %le3A_358 = arith.constant 36 : i32
    %le3A_359 = arith.cmpi sle, %get3A_33, %le3A_358 : i32
    %ge3A_360 = arith.constant 36 : i32
    %ge3A_361 = arith.cmpi sge, %get3A_36, %ge3A_360 : i32
    %and3A_362 = arith.andi %le3A_359, %ge3A_361 : i1
    %convert_element_type3A_363 = arith.extui %and3A_362 : i1 to i32
    %cond3A_364 = arith.constant 0xFF800000 : f32
    %cond3A_365 = arith.constant 0 : i32
    %cond3A_366 = arith.cmpi ne, %convert_element_type3A_363, %cond3A_365 : i32
    scf.if %cond3A_366 {
      %eq3A_615 = arith.constant 36 : i32
      %eq3A_616 = vector.broadcast %eq3A_615 : i32 to vector<2000x1xi32>
      %eq3A_617 = arith.cmpi eq, %get3A_30, %eq3A_616 : vector<2000x1xi32>
      %broadcast_in_dim3A = vector.shape_cast %eq3A_617 : vector<2000x1xi1> to vector<2000x1xi1>
      %broadcast_in_dim3A_618 = vector.broadcast %broadcast_in_dim3A : vector<2000x1xi1> to vector<2000x128xi1>
      %broadcast_in_dim3A_619 = vector.broadcast %cond3A_364 : f32 to vector<2000x128xf32>
      %select_n3A = arith.select %broadcast_in_dim3A_618, %max3A_25, %broadcast_in_dim3A_619 : vector<2000x128xi1>, vector<2000x128xf32>
      %reduce_max3A = arith.constant dense<0xFF800000> : vector<128xf32>
      %reduce_max3A_620 = vector.multi_reduction <maximumf>, %select_n3A, %reduce_max3A [0] : vector<2000x128xf32> to vector<128xf32>
      %broadcast_in_dim3A_621 = vector.shape_cast %reduce_max3A_620 : vector<128xf32> to vector<1x128xf32>
      %get3A_622 = arith.constant 36 : index
      %get3A_623 = arith.constant 0 : index
      %get3A_624 = vector.load %arg10[%get3A_622, %get3A_623] : memref<64x128xf32, #tpu.memory_space<vmem>>, vector<1x128xf32>
      %max3A_625 = arith.maximumf %get3A_624, %broadcast_in_dim3A_621 : vector<1x128xf32>
      %swap3A = arith.constant 36 : index
      %swap3A_626 = arith.constant 0 : index
      %swap3A_627 = vector.load %arg10[%swap3A, %swap3A_626] : memref<64x128xf32, #tpu.memory_space<vmem>>, vector<1x128xf32>
      tpu.vector_store %arg10[%swap3A, %swap3A_626], %max3A_625 {strides = array<i32>} : memref<64x128xf32, #tpu.memory_space<vmem>>, vector<1x128xf32>,
    } else {
    }
    %le3A_367 = arith.constant 37 : i32
    %le3A_368 = arith.cmpi sle, %get3A_33, %le3A_367 : i32
    %ge3A_369 = arith.constant 37 : i32
    %ge3A_370 = arith.cmpi sge, %get3A_36, %ge3A_369 : i32
    %and3A_371 = arith.andi %le3A_368, %ge3A_370 : i1
    %convert_element_type3A_372 = arith.extui %and3A_371 : i1 to i32
    %cond3A_373 = arith.constant 0xFF800000 : f32
    %cond3A_374 = arith.constant 0 : i32
    %cond3A_375 = arith.cmpi ne, %convert_element_type3A_372, %cond3A_374 : i32
    scf.if %cond3A_375 {
      %eq3A_615 = arith.constant 37 : i32
      %eq3A_616 = vector.broadcast %eq3A_615 : i32 to vector<2000x1xi32>
      %eq3A_617 = arith.cmpi eq, %get3A_30, %eq3A_616 : vector<2000x1xi32>
      %broadcast_in_dim3A = vector.shape_cast %eq3A_617 : vector<2000x1xi1> to vector<2000x1xi1>
      %broadcast_in_dim3A_618 = vector.broadcast %broadcast_in_dim3A : vector<2000x1xi1> to vector<2000x128xi1>
      %broadcast_in_dim3A_619 = vector.broadcast %cond3A_373 : f32 to vector<2000x128xf32>
      %select_n3A = arith.select %broadcast_in_dim3A_618, %max3A_25, %broadcast_in_dim3A_619 : vector<2000x128xi1>, vector<2000x128xf32>
      %reduce_max3A = arith.constant dense<0xFF800000> : vector<128xf32>
      %reduce_max3A_620 = vector.multi_reduction <maximumf>, %select_n3A, %reduce_max3A [0] : vector<2000x128xf32> to vector<128xf32>
      %broadcast_in_dim3A_621 = vector.shape_cast %reduce_max3A_620 : vector<128xf32> to vector<1x128xf32>
      %get3A_622 = arith.constant 37 : index
      %get3A_623 = arith.constant 0 : index
      %get3A_624 = vector.load %arg10[%get3A_622, %get3A_623] : memref<64x128xf32, #tpu.memory_space<vmem>>, vector<1x128xf32>
      %max3A_625 = arith.maximumf %get3A_624, %broadcast_in_dim3A_621 : vector<1x128xf32>
      %swap3A = arith.constant 37 : index
      %swap3A_626 = arith.constant 0 : index
      %swap3A_627 = vector.load %arg10[%swap3A, %swap3A_626] : memref<64x128xf32, #tpu.memory_space<vmem>>, vector<1x128xf32>
      tpu.vector_store %arg10[%swap3A, %swap3A_626], %max3A_625 {strides = array<i32>} : memref<64x128xf32, #tpu.memory_space<vmem>>, vector<1x128xf32>,
    } else {
    }
    %le3A_376 = arith.constant 38 : i32
    %le3A_377 = arith.cmpi sle, %get3A_33, %le3A_376 : i32
    %ge3A_378 = arith.constant 38 : i32
    %ge3A_379 = arith.cmpi sge, %get3A_36, %ge3A_378 : i32
    %and3A_380 = arith.andi %le3A_377, %ge3A_379 : i1
    %convert_element_type3A_381 = arith.extui %and3A_380 : i1 to i32
    %cond3A_382 = arith.constant 0xFF800000 : f32
    %cond3A_383 = arith.constant 0 : i32
    %cond3A_384 = arith.cmpi ne, %convert_element_type3A_381, %cond3A_383 : i32
    scf.if %cond3A_384 {
      %eq3A_615 = arith.constant 38 : i32
      %eq3A_616 = vector.broadcast %eq3A_615 : i32 to vector<2000x1xi32>
      %eq3A_617 = arith.cmpi eq, %get3A_30, %eq3A_616 : vector<2000x1xi32>
      %broadcast_in_dim3A = vector.shape_cast %eq3A_617 : vector<2000x1xi1> to vector<2000x1xi1>
      %broadcast_in_dim3A_618 = vector.broadcast %broadcast_in_dim3A : vector<2000x1xi1> to vector<2000x128xi1>
      %broadcast_in_dim3A_619 = vector.broadcast %cond3A_382 : f32 to vector<2000x128xf32>
      %select_n3A = arith.select %broadcast_in_dim3A_618, %max3A_25, %broadcast_in_dim3A_619 : vector<2000x128xi1>, vector<2000x128xf32>
      %reduce_max3A = arith.constant dense<0xFF800000> : vector<128xf32>
      %reduce_max3A_620 = vector.multi_reduction <maximumf>, %select_n3A, %reduce_max3A [0] : vector<2000x128xf32> to vector<128xf32>
      %broadcast_in_dim3A_621 = vector.shape_cast %reduce_max3A_620 : vector<128xf32> to vector<1x128xf32>
      %get3A_622 = arith.constant 38 : index
      %get3A_623 = arith.constant 0 : index
      %get3A_624 = vector.load %arg10[%get3A_622, %get3A_623] : memref<64x128xf32, #tpu.memory_space<vmem>>, vector<1x128xf32>
      %max3A_625 = arith.maximumf %get3A_624, %broadcast_in_dim3A_621 : vector<1x128xf32>
      %swap3A = arith.constant 38 : index
      %swap3A_626 = arith.constant 0 : index
      %swap3A_627 = vector.load %arg10[%swap3A, %swap3A_626] : memref<64x128xf32, #tpu.memory_space<vmem>>, vector<1x128xf32>
      tpu.vector_store %arg10[%swap3A, %swap3A_626], %max3A_625 {strides = array<i32>} : memref<64x128xf32, #tpu.memory_space<vmem>>, vector<1x128xf32>,
    } else {
    }
    %le3A_385 = arith.constant 39 : i32
    %le3A_386 = arith.cmpi sle, %get3A_33, %le3A_385 : i32
    %ge3A_387 = arith.constant 39 : i32
    %ge3A_388 = arith.cmpi sge, %get3A_36, %ge3A_387 : i32
    %and3A_389 = arith.andi %le3A_386, %ge3A_388 : i1
    %convert_element_type3A_390 = arith.extui %and3A_389 : i1 to i32
    %cond3A_391 = arith.constant 0xFF800000 : f32
    %cond3A_392 = arith.constant 0 : i32
    %cond3A_393 = arith.cmpi ne, %convert_element_type3A_390, %cond3A_392 : i32
    scf.if %cond3A_393 {
      %eq3A_615 = arith.constant 39 : i32
      %eq3A_616 = vector.broadcast %eq3A_615 : i32 to vector<2000x1xi32>
      %eq3A_617 = arith.cmpi eq, %get3A_30, %eq3A_616 : vector<2000x1xi32>
      %broadcast_in_dim3A = vector.shape_cast %eq3A_617 : vector<2000x1xi1> to vector<2000x1xi1>
      %broadcast_in_dim3A_618 = vector.broadcast %broadcast_in_dim3A : vector<2000x1xi1> to vector<2000x128xi1>
      %broadcast_in_dim3A_619 = vector.broadcast %cond3A_391 : f32 to vector<2000x128xf32>
      %select_n3A = arith.select %broadcast_in_dim3A_618, %max3A_25, %broadcast_in_dim3A_619 : vector<2000x128xi1>, vector<2000x128xf32>
      %reduce_max3A = arith.constant dense<0xFF800000> : vector<128xf32>
      %reduce_max3A_620 = vector.multi_reduction <maximumf>, %select_n3A, %reduce_max3A [0] : vector<2000x128xf32> to vector<128xf32>
      %broadcast_in_dim3A_621 = vector.shape_cast %reduce_max3A_620 : vector<128xf32> to vector<1x128xf32>
      %get3A_622 = arith.constant 39 : index
      %get3A_623 = arith.constant 0 : index
      %get3A_624 = vector.load %arg10[%get3A_622, %get3A_623] : memref<64x128xf32, #tpu.memory_space<vmem>>, vector<1x128xf32>
      %max3A_625 = arith.maximumf %get3A_624, %broadcast_in_dim3A_621 : vector<1x128xf32>
      %swap3A = arith.constant 39 : index
      %swap3A_626 = arith.constant 0 : index
      %swap3A_627 = vector.load %arg10[%swap3A, %swap3A_626] : memref<64x128xf32, #tpu.memory_space<vmem>>, vector<1x128xf32>
      tpu.vector_store %arg10[%swap3A, %swap3A_626], %max3A_625 {strides = array<i32>} : memref<64x128xf32, #tpu.memory_space<vmem>>, vector<1x128xf32>,
    } else {
    }
    %le3A_394 = arith.constant 40 : i32
    %le3A_395 = arith.cmpi sle, %get3A_33, %le3A_394 : i32
    %ge3A_396 = arith.constant 40 : i32
    %ge3A_397 = arith.cmpi sge, %get3A_36, %ge3A_396 : i32
    %and3A_398 = arith.andi %le3A_395, %ge3A_397 : i1
    %convert_element_type3A_399 = arith.extui %and3A_398 : i1 to i32
    %cond3A_400 = arith.constant 0xFF800000 : f32
    %cond3A_401 = arith.constant 0 : i32
    %cond3A_402 = arith.cmpi ne, %convert_element_type3A_399, %cond3A_401 : i32
    scf.if %cond3A_402 {
      %eq3A_615 = arith.constant 40 : i32
      %eq3A_616 = vector.broadcast %eq3A_615 : i32 to vector<2000x1xi32>
      %eq3A_617 = arith.cmpi eq, %get3A_30, %eq3A_616 : vector<2000x1xi32>
      %broadcast_in_dim3A = vector.shape_cast %eq3A_617 : vector<2000x1xi1> to vector<2000x1xi1>
      %broadcast_in_dim3A_618 = vector.broadcast %broadcast_in_dim3A : vector<2000x1xi1> to vector<2000x128xi1>
      %broadcast_in_dim3A_619 = vector.broadcast %cond3A_400 : f32 to vector<2000x128xf32>
      %select_n3A = arith.select %broadcast_in_dim3A_618, %max3A_25, %broadcast_in_dim3A_619 : vector<2000x128xi1>, vector<2000x128xf32>
      %reduce_max3A = arith.constant dense<0xFF800000> : vector<128xf32>
      %reduce_max3A_620 = vector.multi_reduction <maximumf>, %select_n3A, %reduce_max3A [0] : vector<2000x128xf32> to vector<128xf32>
      %broadcast_in_dim3A_621 = vector.shape_cast %reduce_max3A_620 : vector<128xf32> to vector<1x128xf32>
      %get3A_622 = arith.constant 40 : index
      %get3A_623 = arith.constant 0 : index
      %get3A_624 = vector.load %arg10[%get3A_622, %get3A_623] : memref<64x128xf32, #tpu.memory_space<vmem>>, vector<1x128xf32>
      %max3A_625 = arith.maximumf %get3A_624, %broadcast_in_dim3A_621 : vector<1x128xf32>
      %swap3A = arith.constant 40 : index
      %swap3A_626 = arith.constant 0 : index
      %swap3A_627 = vector.load %arg10[%swap3A, %swap3A_626] : memref<64x128xf32, #tpu.memory_space<vmem>>, vector<1x128xf32>
      tpu.vector_store %arg10[%swap3A, %swap3A_626], %max3A_625 {strides = array<i32>} : memref<64x128xf32, #tpu.memory_space<vmem>>, vector<1x128xf32>,
    } else {
    }
    %le3A_403 = arith.constant 41 : i32
    %le3A_404 = arith.cmpi sle, %get3A_33, %le3A_403 : i32
    %ge3A_405 = arith.constant 41 : i32
    %ge3A_406 = arith.cmpi sge, %get3A_36, %ge3A_405 : i32
    %and3A_407 = arith.andi %le3A_404, %ge3A_406 : i1
    %convert_element_type3A_408 = arith.extui %and3A_407 : i1 to i32
    %cond3A_409 = arith.constant 0xFF800000 : f32
    %cond3A_410 = arith.constant 0 : i32
    %cond3A_411 = arith.cmpi ne, %convert_element_type3A_408, %cond3A_410 : i32
    scf.if %cond3A_411 {
      %eq3A_615 = arith.constant 41 : i32
      %eq3A_616 = vector.broadcast %eq3A_615 : i32 to vector<2000x1xi32>
      %eq3A_617 = arith.cmpi eq, %get3A_30, %eq3A_616 : vector<2000x1xi32>
      %broadcast_in_dim3A = vector.shape_cast %eq3A_617 : vector<2000x1xi1> to vector<2000x1xi1>
      %broadcast_in_dim3A_618 = vector.broadcast %broadcast_in_dim3A : vector<2000x1xi1> to vector<2000x128xi1>
      %broadcast_in_dim3A_619 = vector.broadcast %cond3A_409 : f32 to vector<2000x128xf32>
      %select_n3A = arith.select %broadcast_in_dim3A_618, %max3A_25, %broadcast_in_dim3A_619 : vector<2000x128xi1>, vector<2000x128xf32>
      %reduce_max3A = arith.constant dense<0xFF800000> : vector<128xf32>
      %reduce_max3A_620 = vector.multi_reduction <maximumf>, %select_n3A, %reduce_max3A [0] : vector<2000x128xf32> to vector<128xf32>
      %broadcast_in_dim3A_621 = vector.shape_cast %reduce_max3A_620 : vector<128xf32> to vector<1x128xf32>
      %get3A_622 = arith.constant 41 : index
      %get3A_623 = arith.constant 0 : index
      %get3A_624 = vector.load %arg10[%get3A_622, %get3A_623] : memref<64x128xf32, #tpu.memory_space<vmem>>, vector<1x128xf32>
      %max3A_625 = arith.maximumf %get3A_624, %broadcast_in_dim3A_621 : vector<1x128xf32>
      %swap3A = arith.constant 41 : index
      %swap3A_626 = arith.constant 0 : index
      %swap3A_627 = vector.load %arg10[%swap3A, %swap3A_626] : memref<64x128xf32, #tpu.memory_space<vmem>>, vector<1x128xf32>
      tpu.vector_store %arg10[%swap3A, %swap3A_626], %max3A_625 {strides = array<i32>} : memref<64x128xf32, #tpu.memory_space<vmem>>, vector<1x128xf32>,
    } else {
    }
    %le3A_412 = arith.constant 42 : i32
    %le3A_413 = arith.cmpi sle, %get3A_33, %le3A_412 : i32
    %ge3A_414 = arith.constant 42 : i32
    %ge3A_415 = arith.cmpi sge, %get3A_36, %ge3A_414 : i32
    %and3A_416 = arith.andi %le3A_413, %ge3A_415 : i1
    %convert_element_type3A_417 = arith.extui %and3A_416 : i1 to i32
    %cond3A_418 = arith.constant 0xFF800000 : f32
    %cond3A_419 = arith.constant 0 : i32
    %cond3A_420 = arith.cmpi ne, %convert_element_type3A_417, %cond3A_419 : i32
    scf.if %cond3A_420 {
      %eq3A_615 = arith.constant 42 : i32
      %eq3A_616 = vector.broadcast %eq3A_615 : i32 to vector<2000x1xi32>
      %eq3A_617 = arith.cmpi eq, %get3A_30, %eq3A_616 : vector<2000x1xi32>
      %broadcast_in_dim3A = vector.shape_cast %eq3A_617 : vector<2000x1xi1> to vector<2000x1xi1>
      %broadcast_in_dim3A_618 = vector.broadcast %broadcast_in_dim3A : vector<2000x1xi1> to vector<2000x128xi1>
      %broadcast_in_dim3A_619 = vector.broadcast %cond3A_418 : f32 to vector<2000x128xf32>
      %select_n3A = arith.select %broadcast_in_dim3A_618, %max3A_25, %broadcast_in_dim3A_619 : vector<2000x128xi1>, vector<2000x128xf32>
      %reduce_max3A = arith.constant dense<0xFF800000> : vector<128xf32>
      %reduce_max3A_620 = vector.multi_reduction <maximumf>, %select_n3A, %reduce_max3A [0] : vector<2000x128xf32> to vector<128xf32>
      %broadcast_in_dim3A_621 = vector.shape_cast %reduce_max3A_620 : vector<128xf32> to vector<1x128xf32>
      %get3A_622 = arith.constant 42 : index
      %get3A_623 = arith.constant 0 : index
      %get3A_624 = vector.load %arg10[%get3A_622, %get3A_623] : memref<64x128xf32, #tpu.memory_space<vmem>>, vector<1x128xf32>
      %max3A_625 = arith.maximumf %get3A_624, %broadcast_in_dim3A_621 : vector<1x128xf32>
      %swap3A = arith.constant 42 : index
      %swap3A_626 = arith.constant 0 : index
      %swap3A_627 = vector.load %arg10[%swap3A, %swap3A_626] : memref<64x128xf32, #tpu.memory_space<vmem>>, vector<1x128xf32>
      tpu.vector_store %arg10[%swap3A, %swap3A_626], %max3A_625 {strides = array<i32>} : memref<64x128xf32, #tpu.memory_space<vmem>>, vector<1x128xf32>,
    } else {
    }
    %le3A_421 = arith.constant 43 : i32
    %le3A_422 = arith.cmpi sle, %get3A_33, %le3A_421 : i32
    %ge3A_423 = arith.constant 43 : i32
    %ge3A_424 = arith.cmpi sge, %get3A_36, %ge3A_423 : i32
    %and3A_425 = arith.andi %le3A_422, %ge3A_424 : i1
    %convert_element_type3A_426 = arith.extui %and3A_425 : i1 to i32
    %cond3A_427 = arith.constant 0xFF800000 : f32
    %cond3A_428 = arith.constant 0 : i32
    %cond3A_429 = arith.cmpi ne, %convert_element_type3A_426, %cond3A_428 : i32
    scf.if %cond3A_429 {
      %eq3A_615 = arith.constant 43 : i32
      %eq3A_616 = vector.broadcast %eq3A_615 : i32 to vector<2000x1xi32>
      %eq3A_617 = arith.cmpi eq, %get3A_30, %eq3A_616 : vector<2000x1xi32>
      %broadcast_in_dim3A = vector.shape_cast %eq3A_617 : vector<2000x1xi1> to vector<2000x1xi1>
      %broadcast_in_dim3A_618 = vector.broadcast %broadcast_in_dim3A : vector<2000x1xi1> to vector<2000x128xi1>
      %broadcast_in_dim3A_619 = vector.broadcast %cond3A_427 : f32 to vector<2000x128xf32>
      %select_n3A = arith.select %broadcast_in_dim3A_618, %max3A_25, %broadcast_in_dim3A_619 : vector<2000x128xi1>, vector<2000x128xf32>
      %reduce_max3A = arith.constant dense<0xFF800000> : vector<128xf32>
      %reduce_max3A_620 = vector.multi_reduction <maximumf>, %select_n3A, %reduce_max3A [0] : vector<2000x128xf32> to vector<128xf32>
      %broadcast_in_dim3A_621 = vector.shape_cast %reduce_max3A_620 : vector<128xf32> to vector<1x128xf32>
      %get3A_622 = arith.constant 43 : index
      %get3A_623 = arith.constant 0 : index
      %get3A_624 = vector.load %arg10[%get3A_622, %get3A_623] : memref<64x128xf32, #tpu.memory_space<vmem>>, vector<1x128xf32>
      %max3A_625 = arith.maximumf %get3A_624, %broadcast_in_dim3A_621 : vector<1x128xf32>
      %swap3A = arith.constant 43 : index
      %swap3A_626 = arith.constant 0 : index
      %swap3A_627 = vector.load %arg10[%swap3A, %swap3A_626] : memref<64x128xf32, #tpu.memory_space<vmem>>, vector<1x128xf32>
      tpu.vector_store %arg10[%swap3A, %swap3A_626], %max3A_625 {strides = array<i32>} : memref<64x128xf32, #tpu.memory_space<vmem>>, vector<1x128xf32>,
    } else {
    }
    %le3A_430 = arith.constant 44 : i32
    %le3A_431 = arith.cmpi sle, %get3A_33, %le3A_430 : i32
    %ge3A_432 = arith.constant 44 : i32
    %ge3A_433 = arith.cmpi sge, %get3A_36, %ge3A_432 : i32
    %and3A_434 = arith.andi %le3A_431, %ge3A_433 : i1
    %convert_element_type3A_435 = arith.extui %and3A_434 : i1 to i32
    %cond3A_436 = arith.constant 0xFF800000 : f32
    %cond3A_437 = arith.constant 0 : i32
    %cond3A_438 = arith.cmpi ne, %convert_element_type3A_435, %cond3A_437 : i32
    scf.if %cond3A_438 {
      %eq3A_615 = arith.constant 44 : i32
      %eq3A_616 = vector.broadcast %eq3A_615 : i32 to vector<2000x1xi32>
      %eq3A_617 = arith.cmpi eq, %get3A_30, %eq3A_616 : vector<2000x1xi32>
      %broadcast_in_dim3A = vector.shape_cast %eq3A_617 : vector<2000x1xi1> to vector<2000x1xi1>
      %broadcast_in_dim3A_618 = vector.broadcast %broadcast_in_dim3A : vector<2000x1xi1> to vector<2000x128xi1>
      %broadcast_in_dim3A_619 = vector.broadcast %cond3A_436 : f32 to vector<2000x128xf32>
      %select_n3A = arith.select %broadcast_in_dim3A_618, %max3A_25, %broadcast_in_dim3A_619 : vector<2000x128xi1>, vector<2000x128xf32>
      %reduce_max3A = arith.constant dense<0xFF800000> : vector<128xf32>
      %reduce_max3A_620 = vector.multi_reduction <maximumf>, %select_n3A, %reduce_max3A [0] : vector<2000x128xf32> to vector<128xf32>
      %broadcast_in_dim3A_621 = vector.shape_cast %reduce_max3A_620 : vector<128xf32> to vector<1x128xf32>
      %get3A_622 = arith.constant 44 : index
      %get3A_623 = arith.constant 0 : index
      %get3A_624 = vector.load %arg10[%get3A_622, %get3A_623] : memref<64x128xf32, #tpu.memory_space<vmem>>, vector<1x128xf32>
      %max3A_625 = arith.maximumf %get3A_624, %broadcast_in_dim3A_621 : vector<1x128xf32>
      %swap3A = arith.constant 44 : index
      %swap3A_626 = arith.constant 0 : index
      %swap3A_627 = vector.load %arg10[%swap3A, %swap3A_626] : memref<64x128xf32, #tpu.memory_space<vmem>>, vector<1x128xf32>
      tpu.vector_store %arg10[%swap3A, %swap3A_626], %max3A_625 {strides = array<i32>} : memref<64x128xf32, #tpu.memory_space<vmem>>, vector<1x128xf32>,
    } else {
    }
    %le3A_439 = arith.constant 45 : i32
    %le3A_440 = arith.cmpi sle, %get3A_33, %le3A_439 : i32
    %ge3A_441 = arith.constant 45 : i32
    %ge3A_442 = arith.cmpi sge, %get3A_36, %ge3A_441 : i32
    %and3A_443 = arith.andi %le3A_440, %ge3A_442 : i1
    %convert_element_type3A_444 = arith.extui %and3A_443 : i1 to i32
    %cond3A_445 = arith.constant 0xFF800000 : f32
    %cond3A_446 = arith.constant 0 : i32
    %cond3A_447 = arith.cmpi ne, %convert_element_type3A_444, %cond3A_446 : i32
    scf.if %cond3A_447 {
      %eq3A_615 = arith.constant 45 : i32
      %eq3A_616 = vector.broadcast %eq3A_615 : i32 to vector<2000x1xi32>
      %eq3A_617 = arith.cmpi eq, %get3A_30, %eq3A_616 : vector<2000x1xi32>
      %broadcast_in_dim3A = vector.shape_cast %eq3A_617 : vector<2000x1xi1> to vector<2000x1xi1>
      %broadcast_in_dim3A_618 = vector.broadcast %broadcast_in_dim3A : vector<2000x1xi1> to vector<2000x128xi1>
      %broadcast_in_dim3A_619 = vector.broadcast %cond3A_445 : f32 to vector<2000x128xf32>
      %select_n3A = arith.select %broadcast_in_dim3A_618, %max3A_25, %broadcast_in_dim3A_619 : vector<2000x128xi1>, vector<2000x128xf32>
      %reduce_max3A = arith.constant dense<0xFF800000> : vector<128xf32>
      %reduce_max3A_620 = vector.multi_reduction <maximumf>, %select_n3A, %reduce_max3A [0] : vector<2000x128xf32> to vector<128xf32>
      %broadcast_in_dim3A_621 = vector.shape_cast %reduce_max3A_620 : vector<128xf32> to vector<1x128xf32>
      %get3A_622 = arith.constant 45 : index
      %get3A_623 = arith.constant 0 : index
      %get3A_624 = vector.load %arg10[%get3A_622, %get3A_623] : memref<64x128xf32, #tpu.memory_space<vmem>>, vector<1x128xf32>
      %max3A_625 = arith.maximumf %get3A_624, %broadcast_in_dim3A_621 : vector<1x128xf32>
      %swap3A = arith.constant 45 : index
      %swap3A_626 = arith.constant 0 : index
      %swap3A_627 = vector.load %arg10[%swap3A, %swap3A_626] : memref<64x128xf32, #tpu.memory_space<vmem>>, vector<1x128xf32>
      tpu.vector_store %arg10[%swap3A, %swap3A_626], %max3A_625 {strides = array<i32>} : memref<64x128xf32, #tpu.memory_space<vmem>>, vector<1x128xf32>,
    } else {
    }
    %le3A_448 = arith.constant 46 : i32
    %le3A_449 = arith.cmpi sle, %get3A_33, %le3A_448 : i32
    %ge3A_450 = arith.constant 46 : i32
    %ge3A_451 = arith.cmpi sge, %get3A_36, %ge3A_450 : i32
    %and3A_452 = arith.andi %le3A_449, %ge3A_451 : i1
    %convert_element_type3A_453 = arith.extui %and3A_452 : i1 to i32
    %cond3A_454 = arith.constant 0xFF800000 : f32
    %cond3A_455 = arith.constant 0 : i32
    %cond3A_456 = arith.cmpi ne, %convert_element_type3A_453, %cond3A_455 : i32
    scf.if %cond3A_456 {
      %eq3A_615 = arith.constant 46 : i32
      %eq3A_616 = vector.broadcast %eq3A_615 : i32 to vector<2000x1xi32>
      %eq3A_617 = arith.cmpi eq, %get3A_30, %eq3A_616 : vector<2000x1xi32>
      %broadcast_in_dim3A = vector.shape_cast %eq3A_617 : vector<2000x1xi1> to vector<2000x1xi1>
      %broadcast_in_dim3A_618 = vector.broadcast %broadcast_in_dim3A : vector<2000x1xi1> to vector<2000x128xi1>
      %broadcast_in_dim3A_619 = vector.broadcast %cond3A_454 : f32 to vector<2000x128xf32>
      %select_n3A = arith.select %broadcast_in_dim3A_618, %max3A_25, %broadcast_in_dim3A_619 : vector<2000x128xi1>, vector<2000x128xf32>
      %reduce_max3A = arith.constant dense<0xFF800000> : vector<128xf32>
      %reduce_max3A_620 = vector.multi_reduction <maximumf>, %select_n3A, %reduce_max3A [0] : vector<2000x128xf32> to vector<128xf32>
      %broadcast_in_dim3A_621 = vector.shape_cast %reduce_max3A_620 : vector<128xf32> to vector<1x128xf32>
      %get3A_622 = arith.constant 46 : index
      %get3A_623 = arith.constant 0 : index
      %get3A_624 = vector.load %arg10[%get3A_622, %get3A_623] : memref<64x128xf32, #tpu.memory_space<vmem>>, vector<1x128xf32>
      %max3A_625 = arith.maximumf %get3A_624, %broadcast_in_dim3A_621 : vector<1x128xf32>
      %swap3A = arith.constant 46 : index
      %swap3A_626 = arith.constant 0 : index
      %swap3A_627 = vector.load %arg10[%swap3A, %swap3A_626] : memref<64x128xf32, #tpu.memory_space<vmem>>, vector<1x128xf32>
      tpu.vector_store %arg10[%swap3A, %swap3A_626], %max3A_625 {strides = array<i32>} : memref<64x128xf32, #tpu.memory_space<vmem>>, vector<1x128xf32>,
    } else {
    }
    %le3A_457 = arith.constant 47 : i32
    %le3A_458 = arith.cmpi sle, %get3A_33, %le3A_457 : i32
    %ge3A_459 = arith.constant 47 : i32
    %ge3A_460 = arith.cmpi sge, %get3A_36, %ge3A_459 : i32
    %and3A_461 = arith.andi %le3A_458, %ge3A_460 : i1
    %convert_element_type3A_462 = arith.extui %and3A_461 : i1 to i32
    %cond3A_463 = arith.constant 0xFF800000 : f32
    %cond3A_464 = arith.constant 0 : i32
    %cond3A_465 = arith.cmpi ne, %convert_element_type3A_462, %cond3A_464 : i32
    scf.if %cond3A_465 {
      %eq3A_615 = arith.constant 47 : i32
      %eq3A_616 = vector.broadcast %eq3A_615 : i32 to vector<2000x1xi32>
      %eq3A_617 = arith.cmpi eq, %get3A_30, %eq3A_616 : vector<2000x1xi32>
      %broadcast_in_dim3A = vector.shape_cast %eq3A_617 : vector<2000x1xi1> to vector<2000x1xi1>
      %broadcast_in_dim3A_618 = vector.broadcast %broadcast_in_dim3A : vector<2000x1xi1> to vector<2000x128xi1>
      %broadcast_in_dim3A_619 = vector.broadcast %cond3A_463 : f32 to vector<2000x128xf32>
      %select_n3A = arith.select %broadcast_in_dim3A_618, %max3A_25, %broadcast_in_dim3A_619 : vector<2000x128xi1>, vector<2000x128xf32>
      %reduce_max3A = arith.constant dense<0xFF800000> : vector<128xf32>
      %reduce_max3A_620 = vector.multi_reduction <maximumf>, %select_n3A, %reduce_max3A [0] : vector<2000x128xf32> to vector<128xf32>
      %broadcast_in_dim3A_621 = vector.shape_cast %reduce_max3A_620 : vector<128xf32> to vector<1x128xf32>
      %get3A_622 = arith.constant 47 : index
      %get3A_623 = arith.constant 0 : index
      %get3A_624 = vector.load %arg10[%get3A_622, %get3A_623] : memref<64x128xf32, #tpu.memory_space<vmem>>, vector<1x128xf32>
      %max3A_625 = arith.maximumf %get3A_624, %broadcast_in_dim3A_621 : vector<1x128xf32>
      %swap3A = arith.constant 47 : index
      %swap3A_626 = arith.constant 0 : index
      %swap3A_627 = vector.load %arg10[%swap3A, %swap3A_626] : memref<64x128xf32, #tpu.memory_space<vmem>>, vector<1x128xf32>
      tpu.vector_store %arg10[%swap3A, %swap3A_626], %max3A_625 {strides = array<i32>} : memref<64x128xf32, #tpu.memory_space<vmem>>, vector<1x128xf32>,
    } else {
    }
    %le3A_466 = arith.constant 48 : i32
    %le3A_467 = arith.cmpi sle, %get3A_33, %le3A_466 : i32
    %ge3A_468 = arith.constant 48 : i32
    %ge3A_469 = arith.cmpi sge, %get3A_36, %ge3A_468 : i32
    %and3A_470 = arith.andi %le3A_467, %ge3A_469 : i1
    %convert_element_type3A_471 = arith.extui %and3A_470 : i1 to i32
    %cond3A_472 = arith.constant 0xFF800000 : f32
    %cond3A_473 = arith.constant 0 : i32
    %cond3A_474 = arith.cmpi ne, %convert_element_type3A_471, %cond3A_473 : i32
    scf.if %cond3A_474 {
      %eq3A_615 = arith.constant 48 : i32
      %eq3A_616 = vector.broadcast %eq3A_615 : i32 to vector<2000x1xi32>
      %eq3A_617 = arith.cmpi eq, %get3A_30, %eq3A_616 : vector<2000x1xi32>
      %broadcast_in_dim3A = vector.shape_cast %eq3A_617 : vector<2000x1xi1> to vector<2000x1xi1>
      %broadcast_in_dim3A_618 = vector.broadcast %broadcast_in_dim3A : vector<2000x1xi1> to vector<2000x128xi1>
      %broadcast_in_dim3A_619 = vector.broadcast %cond3A_472 : f32 to vector<2000x128xf32>
      %select_n3A = arith.select %broadcast_in_dim3A_618, %max3A_25, %broadcast_in_dim3A_619 : vector<2000x128xi1>, vector<2000x128xf32>
      %reduce_max3A = arith.constant dense<0xFF800000> : vector<128xf32>
      %reduce_max3A_620 = vector.multi_reduction <maximumf>, %select_n3A, %reduce_max3A [0] : vector<2000x128xf32> to vector<128xf32>
      %broadcast_in_dim3A_621 = vector.shape_cast %reduce_max3A_620 : vector<128xf32> to vector<1x128xf32>
      %get3A_622 = arith.constant 48 : index
      %get3A_623 = arith.constant 0 : index
      %get3A_624 = vector.load %arg10[%get3A_622, %get3A_623] : memref<64x128xf32, #tpu.memory_space<vmem>>, vector<1x128xf32>
      %max3A_625 = arith.maximumf %get3A_624, %broadcast_in_dim3A_621 : vector<1x128xf32>
      %swap3A = arith.constant 48 : index
      %swap3A_626 = arith.constant 0 : index
      %swap3A_627 = vector.load %arg10[%swap3A, %swap3A_626] : memref<64x128xf32, #tpu.memory_space<vmem>>, vector<1x128xf32>
      tpu.vector_store %arg10[%swap3A, %swap3A_626], %max3A_625 {strides = array<i32>} : memref<64x128xf32, #tpu.memory_space<vmem>>, vector<1x128xf32>,
    } else {
    }
    %le3A_475 = arith.constant 49 : i32
    %le3A_476 = arith.cmpi sle, %get3A_33, %le3A_475 : i32
    %ge3A_477 = arith.constant 49 : i32
    %ge3A_478 = arith.cmpi sge, %get3A_36, %ge3A_477 : i32
    %and3A_479 = arith.andi %le3A_476, %ge3A_478 : i1
    %convert_element_type3A_480 = arith.extui %and3A_479 : i1 to i32
    %cond3A_481 = arith.constant 0xFF800000 : f32
    %cond3A_482 = arith.constant 0 : i32
    %cond3A_483 = arith.cmpi ne, %convert_element_type3A_480, %cond3A_482 : i32
    scf.if %cond3A_483 {
      %eq3A_615 = arith.constant 49 : i32
      %eq3A_616 = vector.broadcast %eq3A_615 : i32 to vector<2000x1xi32>
      %eq3A_617 = arith.cmpi eq, %get3A_30, %eq3A_616 : vector<2000x1xi32>
      %broadcast_in_dim3A = vector.shape_cast %eq3A_617 : vector<2000x1xi1> to vector<2000x1xi1>
      %broadcast_in_dim3A_618 = vector.broadcast %broadcast_in_dim3A : vector<2000x1xi1> to vector<2000x128xi1>
      %broadcast_in_dim3A_619 = vector.broadcast %cond3A_481 : f32 to vector<2000x128xf32>
      %select_n3A = arith.select %broadcast_in_dim3A_618, %max3A_25, %broadcast_in_dim3A_619 : vector<2000x128xi1>, vector<2000x128xf32>
      %reduce_max3A = arith.constant dense<0xFF800000> : vector<128xf32>
      %reduce_max3A_620 = vector.multi_reduction <maximumf>, %select_n3A, %reduce_max3A [0] : vector<2000x128xf32> to vector<128xf32>
      %broadcast_in_dim3A_621 = vector.shape_cast %reduce_max3A_620 : vector<128xf32> to vector<1x128xf32>
      %get3A_622 = arith.constant 49 : index
      %get3A_623 = arith.constant 0 : index
      %get3A_624 = vector.load %arg10[%get3A_622, %get3A_623] : memref<64x128xf32, #tpu.memory_space<vmem>>, vector<1x128xf32>
      %max3A_625 = arith.maximumf %get3A_624, %broadcast_in_dim3A_621 : vector<1x128xf32>
      %swap3A = arith.constant 49 : index
      %swap3A_626 = arith.constant 0 : index
      %swap3A_627 = vector.load %arg10[%swap3A, %swap3A_626] : memref<64x128xf32, #tpu.memory_space<vmem>>, vector<1x128xf32>
      tpu.vector_store %arg10[%swap3A, %swap3A_626], %max3A_625 {strides = array<i32>} : memref<64x128xf32, #tpu.memory_space<vmem>>, vector<1x128xf32>,
    } else {
    }
    %le3A_484 = arith.constant 50 : i32
    %le3A_485 = arith.cmpi sle, %get3A_33, %le3A_484 : i32
    %ge3A_486 = arith.constant 50 : i32
    %ge3A_487 = arith.cmpi sge, %get3A_36, %ge3A_486 : i32
    %and3A_488 = arith.andi %le3A_485, %ge3A_487 : i1
    %convert_element_type3A_489 = arith.extui %and3A_488 : i1 to i32
    %cond3A_490 = arith.constant 0xFF800000 : f32
    %cond3A_491 = arith.constant 0 : i32
    %cond3A_492 = arith.cmpi ne, %convert_element_type3A_489, %cond3A_491 : i32
    scf.if %cond3A_492 {
      %eq3A_615 = arith.constant 50 : i32
      %eq3A_616 = vector.broadcast %eq3A_615 : i32 to vector<2000x1xi32>
      %eq3A_617 = arith.cmpi eq, %get3A_30, %eq3A_616 : vector<2000x1xi32>
      %broadcast_in_dim3A = vector.shape_cast %eq3A_617 : vector<2000x1xi1> to vector<2000x1xi1>
      %broadcast_in_dim3A_618 = vector.broadcast %broadcast_in_dim3A : vector<2000x1xi1> to vector<2000x128xi1>
      %broadcast_in_dim3A_619 = vector.broadcast %cond3A_490 : f32 to vector<2000x128xf32>
      %select_n3A = arith.select %broadcast_in_dim3A_618, %max3A_25, %broadcast_in_dim3A_619 : vector<2000x128xi1>, vector<2000x128xf32>
      %reduce_max3A = arith.constant dense<0xFF800000> : vector<128xf32>
      %reduce_max3A_620 = vector.multi_reduction <maximumf>, %select_n3A, %reduce_max3A [0] : vector<2000x128xf32> to vector<128xf32>
      %broadcast_in_dim3A_621 = vector.shape_cast %reduce_max3A_620 : vector<128xf32> to vector<1x128xf32>
      %get3A_622 = arith.constant 50 : index
      %get3A_623 = arith.constant 0 : index
      %get3A_624 = vector.load %arg10[%get3A_622, %get3A_623] : memref<64x128xf32, #tpu.memory_space<vmem>>, vector<1x128xf32>
      %max3A_625 = arith.maximumf %get3A_624, %broadcast_in_dim3A_621 : vector<1x128xf32>
      %swap3A = arith.constant 50 : index
      %swap3A_626 = arith.constant 0 : index
      %swap3A_627 = vector.load %arg10[%swap3A, %swap3A_626] : memref<64x128xf32, #tpu.memory_space<vmem>>, vector<1x128xf32>
      tpu.vector_store %arg10[%swap3A, %swap3A_626], %max3A_625 {strides = array<i32>} : memref<64x128xf32, #tpu.memory_space<vmem>>, vector<1x128xf32>,
    } else {
    }
    %le3A_493 = arith.constant 51 : i32
    %le3A_494 = arith.cmpi sle, %get3A_33, %le3A_493 : i32
    %ge3A_495 = arith.constant 51 : i32
    %ge3A_496 = arith.cmpi sge, %get3A_36, %ge3A_495 : i32
    %and3A_497 = arith.andi %le3A_494, %ge3A_496 : i1
    %convert_element_type3A_498 = arith.extui %and3A_497 : i1 to i32
    %cond3A_499 = arith.constant 0xFF800000 : f32
    %cond3A_500 = arith.constant 0 : i32
    %cond3A_501 = arith.cmpi ne, %convert_element_type3A_498, %cond3A_500 : i32
    scf.if %cond3A_501 {
      %eq3A_615 = arith.constant 51 : i32
      %eq3A_616 = vector.broadcast %eq3A_615 : i32 to vector<2000x1xi32>
      %eq3A_617 = arith.cmpi eq, %get3A_30, %eq3A_616 : vector<2000x1xi32>
      %broadcast_in_dim3A = vector.shape_cast %eq3A_617 : vector<2000x1xi1> to vector<2000x1xi1>
      %broadcast_in_dim3A_618 = vector.broadcast %broadcast_in_dim3A : vector<2000x1xi1> to vector<2000x128xi1>
      %broadcast_in_dim3A_619 = vector.broadcast %cond3A_499 : f32 to vector<2000x128xf32>
      %select_n3A = arith.select %broadcast_in_dim3A_618, %max3A_25, %broadcast_in_dim3A_619 : vector<2000x128xi1>, vector<2000x128xf32>
      %reduce_max3A = arith.constant dense<0xFF800000> : vector<128xf32>
      %reduce_max3A_620 = vector.multi_reduction <maximumf>, %select_n3A, %reduce_max3A [0] : vector<2000x128xf32> to vector<128xf32>
      %broadcast_in_dim3A_621 = vector.shape_cast %reduce_max3A_620 : vector<128xf32> to vector<1x128xf32>
      %get3A_622 = arith.constant 51 : index
      %get3A_623 = arith.constant 0 : index
      %get3A_624 = vector.load %arg10[%get3A_622, %get3A_623] : memref<64x128xf32, #tpu.memory_space<vmem>>, vector<1x128xf32>
      %max3A_625 = arith.maximumf %get3A_624, %broadcast_in_dim3A_621 : vector<1x128xf32>
      %swap3A = arith.constant 51 : index
      %swap3A_626 = arith.constant 0 : index
      %swap3A_627 = vector.load %arg10[%swap3A, %swap3A_626] : memref<64x128xf32, #tpu.memory_space<vmem>>, vector<1x128xf32>
      tpu.vector_store %arg10[%swap3A, %swap3A_626], %max3A_625 {strides = array<i32>} : memref<64x128xf32, #tpu.memory_space<vmem>>, vector<1x128xf32>,
    } else {
    }
    %le3A_502 = arith.constant 52 : i32
    %le3A_503 = arith.cmpi sle, %get3A_33, %le3A_502 : i32
    %ge3A_504 = arith.constant 52 : i32
    %ge3A_505 = arith.cmpi sge, %get3A_36, %ge3A_504 : i32
    %and3A_506 = arith.andi %le3A_503, %ge3A_505 : i1
    %convert_element_type3A_507 = arith.extui %and3A_506 : i1 to i32
    %cond3A_508 = arith.constant 0xFF800000 : f32
    %cond3A_509 = arith.constant 0 : i32
    %cond3A_510 = arith.cmpi ne, %convert_element_type3A_507, %cond3A_509 : i32
    scf.if %cond3A_510 {
      %eq3A_615 = arith.constant 52 : i32
      %eq3A_616 = vector.broadcast %eq3A_615 : i32 to vector<2000x1xi32>
      %eq3A_617 = arith.cmpi eq, %get3A_30, %eq3A_616 : vector<2000x1xi32>
      %broadcast_in_dim3A = vector.shape_cast %eq3A_617 : vector<2000x1xi1> to vector<2000x1xi1>
      %broadcast_in_dim3A_618 = vector.broadcast %broadcast_in_dim3A : vector<2000x1xi1> to vector<2000x128xi1>
      %broadcast_in_dim3A_619 = vector.broadcast %cond3A_508 : f32 to vector<2000x128xf32>
      %select_n3A = arith.select %broadcast_in_dim3A_618, %max3A_25, %broadcast_in_dim3A_619 : vector<2000x128xi1>, vector<2000x128xf32>
      %reduce_max3A = arith.constant dense<0xFF800000> : vector<128xf32>
      %reduce_max3A_620 = vector.multi_reduction <maximumf>, %select_n3A, %reduce_max3A [0] : vector<2000x128xf32> to vector<128xf32>
      %broadcast_in_dim3A_621 = vector.shape_cast %reduce_max3A_620 : vector<128xf32> to vector<1x128xf32>
      %get3A_622 = arith.constant 52 : index
      %get3A_623 = arith.constant 0 : index
      %get3A_624 = vector.load %arg10[%get3A_622, %get3A_623] : memref<64x128xf32, #tpu.memory_space<vmem>>, vector<1x128xf32>
      %max3A_625 = arith.maximumf %get3A_624, %broadcast_in_dim3A_621 : vector<1x128xf32>
      %swap3A = arith.constant 52 : index
      %swap3A_626 = arith.constant 0 : index
      %swap3A_627 = vector.load %arg10[%swap3A, %swap3A_626] : memref<64x128xf32, #tpu.memory_space<vmem>>, vector<1x128xf32>
      tpu.vector_store %arg10[%swap3A, %swap3A_626], %max3A_625 {strides = array<i32>} : memref<64x128xf32, #tpu.memory_space<vmem>>, vector<1x128xf32>,
    } else {
    }
    %le3A_511 = arith.constant 53 : i32
    %le3A_512 = arith.cmpi sle, %get3A_33, %le3A_511 : i32
    %ge3A_513 = arith.constant 53 : i32
    %ge3A_514 = arith.cmpi sge, %get3A_36, %ge3A_513 : i32
    %and3A_515 = arith.andi %le3A_512, %ge3A_514 : i1
    %convert_element_type3A_516 = arith.extui %and3A_515 : i1 to i32
    %cond3A_517 = arith.constant 0xFF800000 : f32
    %cond3A_518 = arith.constant 0 : i32
    %cond3A_519 = arith.cmpi ne, %convert_element_type3A_516, %cond3A_518 : i32
    scf.if %cond3A_519 {
      %eq3A_615 = arith.constant 53 : i32
      %eq3A_616 = vector.broadcast %eq3A_615 : i32 to vector<2000x1xi32>
      %eq3A_617 = arith.cmpi eq, %get3A_30, %eq3A_616 : vector<2000x1xi32>
      %broadcast_in_dim3A = vector.shape_cast %eq3A_617 : vector<2000x1xi1> to vector<2000x1xi1>
      %broadcast_in_dim3A_618 = vector.broadcast %broadcast_in_dim3A : vector<2000x1xi1> to vector<2000x128xi1>
      %broadcast_in_dim3A_619 = vector.broadcast %cond3A_517 : f32 to vector<2000x128xf32>
      %select_n3A = arith.select %broadcast_in_dim3A_618, %max3A_25, %broadcast_in_dim3A_619 : vector<2000x128xi1>, vector<2000x128xf32>
      %reduce_max3A = arith.constant dense<0xFF800000> : vector<128xf32>
      %reduce_max3A_620 = vector.multi_reduction <maximumf>, %select_n3A, %reduce_max3A [0] : vector<2000x128xf32> to vector<128xf32>
      %broadcast_in_dim3A_621 = vector.shape_cast %reduce_max3A_620 : vector<128xf32> to vector<1x128xf32>
      %get3A_622 = arith.constant 53 : index
      %get3A_623 = arith.constant 0 : index
      %get3A_624 = vector.load %arg10[%get3A_622, %get3A_623] : memref<64x128xf32, #tpu.memory_space<vmem>>, vector<1x128xf32>
      %max3A_625 = arith.maximumf %get3A_624, %broadcast_in_dim3A_621 : vector<1x128xf32>
      %swap3A = arith.constant 53 : index
      %swap3A_626 = arith.constant 0 : index
      %swap3A_627 = vector.load %arg10[%swap3A, %swap3A_626] : memref<64x128xf32, #tpu.memory_space<vmem>>, vector<1x128xf32>
      tpu.vector_store %arg10[%swap3A, %swap3A_626], %max3A_625 {strides = array<i32>} : memref<64x128xf32, #tpu.memory_space<vmem>>, vector<1x128xf32>,
    } else {
    }
    %le3A_520 = arith.constant 54 : i32
    %le3A_521 = arith.cmpi sle, %get3A_33, %le3A_520 : i32
    %ge3A_522 = arith.constant 54 : i32
    %ge3A_523 = arith.cmpi sge, %get3A_36, %ge3A_522 : i32
    %and3A_524 = arith.andi %le3A_521, %ge3A_523 : i1
    %convert_element_type3A_525 = arith.extui %and3A_524 : i1 to i32
    %cond3A_526 = arith.constant 0xFF800000 : f32
    %cond3A_527 = arith.constant 0 : i32
    %cond3A_528 = arith.cmpi ne, %convert_element_type3A_525, %cond3A_527 : i32
    scf.if %cond3A_528 {
      %eq3A_615 = arith.constant 54 : i32
      %eq3A_616 = vector.broadcast %eq3A_615 : i32 to vector<2000x1xi32>
      %eq3A_617 = arith.cmpi eq, %get3A_30, %eq3A_616 : vector<2000x1xi32>
      %broadcast_in_dim3A = vector.shape_cast %eq3A_617 : vector<2000x1xi1> to vector<2000x1xi1>
      %broadcast_in_dim3A_618 = vector.broadcast %broadcast_in_dim3A : vector<2000x1xi1> to vector<2000x128xi1>
      %broadcast_in_dim3A_619 = vector.broadcast %cond3A_526 : f32 to vector<2000x128xf32>
      %select_n3A = arith.select %broadcast_in_dim3A_618, %max3A_25, %broadcast_in_dim3A_619 : vector<2000x128xi1>, vector<2000x128xf32>
      %reduce_max3A = arith.constant dense<0xFF800000> : vector<128xf32>
      %reduce_max3A_620 = vector.multi_reduction <maximumf>, %select_n3A, %reduce_max3A [0] : vector<2000x128xf32> to vector<128xf32>
      %broadcast_in_dim3A_621 = vector.shape_cast %reduce_max3A_620 : vector<128xf32> to vector<1x128xf32>
      %get3A_622 = arith.constant 54 : index
      %get3A_623 = arith.constant 0 : index
      %get3A_624 = vector.load %arg10[%get3A_622, %get3A_623] : memref<64x128xf32, #tpu.memory_space<vmem>>, vector<1x128xf32>
      %max3A_625 = arith.maximumf %get3A_624, %broadcast_in_dim3A_621 : vector<1x128xf32>
      %swap3A = arith.constant 54 : index
      %swap3A_626 = arith.constant 0 : index
      %swap3A_627 = vector.load %arg10[%swap3A, %swap3A_626] : memref<64x128xf32, #tpu.memory_space<vmem>>, vector<1x128xf32>
      tpu.vector_store %arg10[%swap3A, %swap3A_626], %max3A_625 {strides = array<i32>} : memref<64x128xf32, #tpu.memory_space<vmem>>, vector<1x128xf32>,
    } else {
    }
    %le3A_529 = arith.constant 55 : i32
    %le3A_530 = arith.cmpi sle, %get3A_33, %le3A_529 : i32
    %ge3A_531 = arith.constant 55 : i32
    %ge3A_532 = arith.cmpi sge, %get3A_36, %ge3A_531 : i32
    %and3A_533 = arith.andi %le3A_530, %ge3A_532 : i1
    %convert_element_type3A_534 = arith.extui %and3A_533 : i1 to i32
    %cond3A_535 = arith.constant 0xFF800000 : f32
    %cond3A_536 = arith.constant 0 : i32
    %cond3A_537 = arith.cmpi ne, %convert_element_type3A_534, %cond3A_536 : i32
    scf.if %cond3A_537 {
      %eq3A_615 = arith.constant 55 : i32
      %eq3A_616 = vector.broadcast %eq3A_615 : i32 to vector<2000x1xi32>
      %eq3A_617 = arith.cmpi eq, %get3A_30, %eq3A_616 : vector<2000x1xi32>
      %broadcast_in_dim3A = vector.shape_cast %eq3A_617 : vector<2000x1xi1> to vector<2000x1xi1>
      %broadcast_in_dim3A_618 = vector.broadcast %broadcast_in_dim3A : vector<2000x1xi1> to vector<2000x128xi1>
      %broadcast_in_dim3A_619 = vector.broadcast %cond3A_535 : f32 to vector<2000x128xf32>
      %select_n3A = arith.select %broadcast_in_dim3A_618, %max3A_25, %broadcast_in_dim3A_619 : vector<2000x128xi1>, vector<2000x128xf32>
      %reduce_max3A = arith.constant dense<0xFF800000> : vector<128xf32>
      %reduce_max3A_620 = vector.multi_reduction <maximumf>, %select_n3A, %reduce_max3A [0] : vector<2000x128xf32> to vector<128xf32>
      %broadcast_in_dim3A_621 = vector.shape_cast %reduce_max3A_620 : vector<128xf32> to vector<1x128xf32>
      %get3A_622 = arith.constant 55 : index
      %get3A_623 = arith.constant 0 : index
      %get3A_624 = vector.load %arg10[%get3A_622, %get3A_623] : memref<64x128xf32, #tpu.memory_space<vmem>>, vector<1x128xf32>
      %max3A_625 = arith.maximumf %get3A_624, %broadcast_in_dim3A_621 : vector<1x128xf32>
      %swap3A = arith.constant 55 : index
      %swap3A_626 = arith.constant 0 : index
      %swap3A_627 = vector.load %arg10[%swap3A, %swap3A_626] : memref<64x128xf32, #tpu.memory_space<vmem>>, vector<1x128xf32>
      tpu.vector_store %arg10[%swap3A, %swap3A_626], %max3A_625 {strides = array<i32>} : memref<64x128xf32, #tpu.memory_space<vmem>>, vector<1x128xf32>,
    } else {
    }
    %le3A_538 = arith.constant 56 : i32
    %le3A_539 = arith.cmpi sle, %get3A_33, %le3A_538 : i32
    %ge3A_540 = arith.constant 56 : i32
    %ge3A_541 = arith.cmpi sge, %get3A_36, %ge3A_540 : i32
    %and3A_542 = arith.andi %le3A_539, %ge3A_541 : i1
    %convert_element_type3A_543 = arith.extui %and3A_542 : i1 to i32
    %cond3A_544 = arith.constant 0xFF800000 : f32
    %cond3A_545 = arith.constant 0 : i32
    %cond3A_546 = arith.cmpi ne, %convert_element_type3A_543, %cond3A_545 : i32
    scf.if %cond3A_546 {
      %eq3A_615 = arith.constant 56 : i32
      %eq3A_616 = vector.broadcast %eq3A_615 : i32 to vector<2000x1xi32>
      %eq3A_617 = arith.cmpi eq, %get3A_30, %eq3A_616 : vector<2000x1xi32>
      %broadcast_in_dim3A = vector.shape_cast %eq3A_617 : vector<2000x1xi1> to vector<2000x1xi1>
      %broadcast_in_dim3A_618 = vector.broadcast %broadcast_in_dim3A : vector<2000x1xi1> to vector<2000x128xi1>
      %broadcast_in_dim3A_619 = vector.broadcast %cond3A_544 : f32 to vector<2000x128xf32>
      %select_n3A = arith.select %broadcast_in_dim3A_618, %max3A_25, %broadcast_in_dim3A_619 : vector<2000x128xi1>, vector<2000x128xf32>
      %reduce_max3A = arith.constant dense<0xFF800000> : vector<128xf32>
      %reduce_max3A_620 = vector.multi_reduction <maximumf>, %select_n3A, %reduce_max3A [0] : vector<2000x128xf32> to vector<128xf32>
      %broadcast_in_dim3A_621 = vector.shape_cast %reduce_max3A_620 : vector<128xf32> to vector<1x128xf32>
      %get3A_622 = arith.constant 56 : index
      %get3A_623 = arith.constant 0 : index
      %get3A_624 = vector.load %arg10[%get3A_622, %get3A_623] : memref<64x128xf32, #tpu.memory_space<vmem>>, vector<1x128xf32>
      %max3A_625 = arith.maximumf %get3A_624, %broadcast_in_dim3A_621 : vector<1x128xf32>
      %swap3A = arith.constant 56 : index
      %swap3A_626 = arith.constant 0 : index
      %swap3A_627 = vector.load %arg10[%swap3A, %swap3A_626] : memref<64x128xf32, #tpu.memory_space<vmem>>, vector<1x128xf32>
      tpu.vector_store %arg10[%swap3A, %swap3A_626], %max3A_625 {strides = array<i32>} : memref<64x128xf32, #tpu.memory_space<vmem>>, vector<1x128xf32>,
    } else {
    }
    %le3A_547 = arith.constant 57 : i32
    %le3A_548 = arith.cmpi sle, %get3A_33, %le3A_547 : i32
    %ge3A_549 = arith.constant 57 : i32
    %ge3A_550 = arith.cmpi sge, %get3A_36, %ge3A_549 : i32
    %and3A_551 = arith.andi %le3A_548, %ge3A_550 : i1
    %convert_element_type3A_552 = arith.extui %and3A_551 : i1 to i32
    %cond3A_553 = arith.constant 0xFF800000 : f32
    %cond3A_554 = arith.constant 0 : i32
    %cond3A_555 = arith.cmpi ne, %convert_element_type3A_552, %cond3A_554 : i32
    scf.if %cond3A_555 {
      %eq3A_615 = arith.constant 57 : i32
      %eq3A_616 = vector.broadcast %eq3A_615 : i32 to vector<2000x1xi32>
      %eq3A_617 = arith.cmpi eq, %get3A_30, %eq3A_616 : vector<2000x1xi32>
      %broadcast_in_dim3A = vector.shape_cast %eq3A_617 : vector<2000x1xi1> to vector<2000x1xi1>
      %broadcast_in_dim3A_618 = vector.broadcast %broadcast_in_dim3A : vector<2000x1xi1> to vector<2000x128xi1>
      %broadcast_in_dim3A_619 = vector.broadcast %cond3A_553 : f32 to vector<2000x128xf32>
      %select_n3A = arith.select %broadcast_in_dim3A_618, %max3A_25, %broadcast_in_dim3A_619 : vector<2000x128xi1>, vector<2000x128xf32>
      %reduce_max3A = arith.constant dense<0xFF800000> : vector<128xf32>
      %reduce_max3A_620 = vector.multi_reduction <maximumf>, %select_n3A, %reduce_max3A [0] : vector<2000x128xf32> to vector<128xf32>
      %broadcast_in_dim3A_621 = vector.shape_cast %reduce_max3A_620 : vector<128xf32> to vector<1x128xf32>
      %get3A_622 = arith.constant 57 : index
      %get3A_623 = arith.constant 0 : index
      %get3A_624 = vector.load %arg10[%get3A_622, %get3A_623] : memref<64x128xf32, #tpu.memory_space<vmem>>, vector<1x128xf32>
      %max3A_625 = arith.maximumf %get3A_624, %broadcast_in_dim3A_621 : vector<1x128xf32>
      %swap3A = arith.constant 57 : index
      %swap3A_626 = arith.constant 0 : index
      %swap3A_627 = vector.load %arg10[%swap3A, %swap3A_626] : memref<64x128xf32, #tpu.memory_space<vmem>>, vector<1x128xf32>
      tpu.vector_store %arg10[%swap3A, %swap3A_626], %max3A_625 {strides = array<i32>} : memref<64x128xf32, #tpu.memory_space<vmem>>, vector<1x128xf32>,
    } else {
    }
    %le3A_556 = arith.constant 58 : i32
    %le3A_557 = arith.cmpi sle, %get3A_33, %le3A_556 : i32
    %ge3A_558 = arith.constant 58 : i32
    %ge3A_559 = arith.cmpi sge, %get3A_36, %ge3A_558 : i32
    %and3A_560 = arith.andi %le3A_557, %ge3A_559 : i1
    %convert_element_type3A_561 = arith.extui %and3A_560 : i1 to i32
    %cond3A_562 = arith.constant 0xFF800000 : f32
    %cond3A_563 = arith.constant 0 : i32
    %cond3A_564 = arith.cmpi ne, %convert_element_type3A_561, %cond3A_563 : i32
    scf.if %cond3A_564 {
      %eq3A_615 = arith.constant 58 : i32
      %eq3A_616 = vector.broadcast %eq3A_615 : i32 to vector<2000x1xi32>
      %eq3A_617 = arith.cmpi eq, %get3A_30, %eq3A_616 : vector<2000x1xi32>
      %broadcast_in_dim3A = vector.shape_cast %eq3A_617 : vector<2000x1xi1> to vector<2000x1xi1>
      %broadcast_in_dim3A_618 = vector.broadcast %broadcast_in_dim3A : vector<2000x1xi1> to vector<2000x128xi1>
      %broadcast_in_dim3A_619 = vector.broadcast %cond3A_562 : f32 to vector<2000x128xf32>
      %select_n3A = arith.select %broadcast_in_dim3A_618, %max3A_25, %broadcast_in_dim3A_619 : vector<2000x128xi1>, vector<2000x128xf32>
      %reduce_max3A = arith.constant dense<0xFF800000> : vector<128xf32>
      %reduce_max3A_620 = vector.multi_reduction <maximumf>, %select_n3A, %reduce_max3A [0] : vector<2000x128xf32> to vector<128xf32>
      %broadcast_in_dim3A_621 = vector.shape_cast %reduce_max3A_620 : vector<128xf32> to vector<1x128xf32>
      %get3A_622 = arith.constant 58 : index
      %get3A_623 = arith.constant 0 : index
      %get3A_624 = vector.load %arg10[%get3A_622, %get3A_623] : memref<64x128xf32, #tpu.memory_space<vmem>>, vector<1x128xf32>
      %max3A_625 = arith.maximumf %get3A_624, %broadcast_in_dim3A_621 : vector<1x128xf32>
      %swap3A = arith.constant 58 : index
      %swap3A_626 = arith.constant 0 : index
      %swap3A_627 = vector.load %arg10[%swap3A, %swap3A_626] : memref<64x128xf32, #tpu.memory_space<vmem>>, vector<1x128xf32>
      tpu.vector_store %arg10[%swap3A, %swap3A_626], %max3A_625 {strides = array<i32>} : memref<64x128xf32, #tpu.memory_space<vmem>>, vector<1x128xf32>,
    } else {
    }
    %le3A_565 = arith.constant 59 : i32
    %le3A_566 = arith.cmpi sle, %get3A_33, %le3A_565 : i32
    %ge3A_567 = arith.constant 59 : i32
    %ge3A_568 = arith.cmpi sge, %get3A_36, %ge3A_567 : i32
    %and3A_569 = arith.andi %le3A_566, %ge3A_568 : i1
    %convert_element_type3A_570 = arith.extui %and3A_569 : i1 to i32
    %cond3A_571 = arith.constant 0xFF800000 : f32
    %cond3A_572 = arith.constant 0 : i32
    %cond3A_573 = arith.cmpi ne, %convert_element_type3A_570, %cond3A_572 : i32
    scf.if %cond3A_573 {
      %eq3A_615 = arith.constant 59 : i32
      %eq3A_616 = vector.broadcast %eq3A_615 : i32 to vector<2000x1xi32>
      %eq3A_617 = arith.cmpi eq, %get3A_30, %eq3A_616 : vector<2000x1xi32>
      %broadcast_in_dim3A = vector.shape_cast %eq3A_617 : vector<2000x1xi1> to vector<2000x1xi1>
      %broadcast_in_dim3A_618 = vector.broadcast %broadcast_in_dim3A : vector<2000x1xi1> to vector<2000x128xi1>
      %broadcast_in_dim3A_619 = vector.broadcast %cond3A_571 : f32 to vector<2000x128xf32>
      %select_n3A = arith.select %broadcast_in_dim3A_618, %max3A_25, %broadcast_in_dim3A_619 : vector<2000x128xi1>, vector<2000x128xf32>
      %reduce_max3A = arith.constant dense<0xFF800000> : vector<128xf32>
      %reduce_max3A_620 = vector.multi_reduction <maximumf>, %select_n3A, %reduce_max3A [0] : vector<2000x128xf32> to vector<128xf32>
      %broadcast_in_dim3A_621 = vector.shape_cast %reduce_max3A_620 : vector<128xf32> to vector<1x128xf32>
      %get3A_622 = arith.constant 59 : index
      %get3A_623 = arith.constant 0 : index
      %get3A_624 = vector.load %arg10[%get3A_622, %get3A_623] : memref<64x128xf32, #tpu.memory_space<vmem>>, vector<1x128xf32>
      %max3A_625 = arith.maximumf %get3A_624, %broadcast_in_dim3A_621 : vector<1x128xf32>
      %swap3A = arith.constant 59 : index
      %swap3A_626 = arith.constant 0 : index
      %swap3A_627 = vector.load %arg10[%swap3A, %swap3A_626] : memref<64x128xf32, #tpu.memory_space<vmem>>, vector<1x128xf32>
      tpu.vector_store %arg10[%swap3A, %swap3A_626], %max3A_625 {strides = array<i32>} : memref<64x128xf32, #tpu.memory_space<vmem>>, vector<1x128xf32>,
    } else {
    }
    %le3A_574 = arith.constant 60 : i32
    %le3A_575 = arith.cmpi sle, %get3A_33, %le3A_574 : i32
    %ge3A_576 = arith.constant 60 : i32
    %ge3A_577 = arith.cmpi sge, %get3A_36, %ge3A_576 : i32
    %and3A_578 = arith.andi %le3A_575, %ge3A_577 : i1
    %convert_element_type3A_579 = arith.extui %and3A_578 : i1 to i32
    %cond3A_580 = arith.constant 0xFF800000 : f32
    %cond3A_581 = arith.constant 0 : i32
    %cond3A_582 = arith.cmpi ne, %convert_element_type3A_579, %cond3A_581 : i32
    scf.if %cond3A_582 {
      %eq3A_615 = arith.constant 60 : i32
      %eq3A_616 = vector.broadcast %eq3A_615 : i32 to vector<2000x1xi32>
      %eq3A_617 = arith.cmpi eq, %get3A_30, %eq3A_616 : vector<2000x1xi32>
      %broadcast_in_dim3A = vector.shape_cast %eq3A_617 : vector<2000x1xi1> to vector<2000x1xi1>
      %broadcast_in_dim3A_618 = vector.broadcast %broadcast_in_dim3A : vector<2000x1xi1> to vector<2000x128xi1>
      %broadcast_in_dim3A_619 = vector.broadcast %cond3A_580 : f32 to vector<2000x128xf32>
      %select_n3A = arith.select %broadcast_in_dim3A_618, %max3A_25, %broadcast_in_dim3A_619 : vector<2000x128xi1>, vector<2000x128xf32>
      %reduce_max3A = arith.constant dense<0xFF800000> : vector<128xf32>
      %reduce_max3A_620 = vector.multi_reduction <maximumf>, %select_n3A, %reduce_max3A [0] : vector<2000x128xf32> to vector<128xf32>
      %broadcast_in_dim3A_621 = vector.shape_cast %reduce_max3A_620 : vector<128xf32> to vector<1x128xf32>
      %get3A_622 = arith.constant 60 : index
      %get3A_623 = arith.constant 0 : index
      %get3A_624 = vector.load %arg10[%get3A_622, %get3A_623] : memref<64x128xf32, #tpu.memory_space<vmem>>, vector<1x128xf32>
      %max3A_625 = arith.maximumf %get3A_624, %broadcast_in_dim3A_621 : vector<1x128xf32>
      %swap3A = arith.constant 60 : index
      %swap3A_626 = arith.constant 0 : index
      %swap3A_627 = vector.load %arg10[%swap3A, %swap3A_626] : memref<64x128xf32, #tpu.memory_space<vmem>>, vector<1x128xf32>
      tpu.vector_store %arg10[%swap3A, %swap3A_626], %max3A_625 {strides = array<i32>} : memref<64x128xf32, #tpu.memory_space<vmem>>, vector<1x128xf32>,
    } else {
    }
    %le3A_583 = arith.constant 61 : i32
    %le3A_584 = arith.cmpi sle, %get3A_33, %le3A_583 : i32
    %ge3A_585 = arith.constant 61 : i32
    %ge3A_586 = arith.cmpi sge, %get3A_36, %ge3A_585 : i32
    %and3A_587 = arith.andi %le3A_584, %ge3A_586 : i1
    %convert_element_type3A_588 = arith.extui %and3A_587 : i1 to i32
    %cond3A_589 = arith.constant 0xFF800000 : f32
    %cond3A_590 = arith.constant 0 : i32
    %cond3A_591 = arith.cmpi ne, %convert_element_type3A_588, %cond3A_590 : i32
    scf.if %cond3A_591 {
      %eq3A_615 = arith.constant 61 : i32
      %eq3A_616 = vector.broadcast %eq3A_615 : i32 to vector<2000x1xi32>
      %eq3A_617 = arith.cmpi eq, %get3A_30, %eq3A_616 : vector<2000x1xi32>
      %broadcast_in_dim3A = vector.shape_cast %eq3A_617 : vector<2000x1xi1> to vector<2000x1xi1>
      %broadcast_in_dim3A_618 = vector.broadcast %broadcast_in_dim3A : vector<2000x1xi1> to vector<2000x128xi1>
      %broadcast_in_dim3A_619 = vector.broadcast %cond3A_589 : f32 to vector<2000x128xf32>
      %select_n3A = arith.select %broadcast_in_dim3A_618, %max3A_25, %broadcast_in_dim3A_619 : vector<2000x128xi1>, vector<2000x128xf32>
      %reduce_max3A = arith.constant dense<0xFF800000> : vector<128xf32>
      %reduce_max3A_620 = vector.multi_reduction <maximumf>, %select_n3A, %reduce_max3A [0] : vector<2000x128xf32> to vector<128xf32>
      %broadcast_in_dim3A_621 = vector.shape_cast %reduce_max3A_620 : vector<128xf32> to vector<1x128xf32>
      %get3A_622 = arith.constant 61 : index
      %get3A_623 = arith.constant 0 : index
      %get3A_624 = vector.load %arg10[%get3A_622, %get3A_623] : memref<64x128xf32, #tpu.memory_space<vmem>>, vector<1x128xf32>
      %max3A_625 = arith.maximumf %get3A_624, %broadcast_in_dim3A_621 : vector<1x128xf32>
      %swap3A = arith.constant 61 : index
      %swap3A_626 = arith.constant 0 : index
      %swap3A_627 = vector.load %arg10[%swap3A, %swap3A_626] : memref<64x128xf32, #tpu.memory_space<vmem>>, vector<1x128xf32>
      tpu.vector_store %arg10[%swap3A, %swap3A_626], %max3A_625 {strides = array<i32>} : memref<64x128xf32, #tpu.memory_space<vmem>>, vector<1x128xf32>,
    } else {
    }
    %le3A_592 = arith.constant 62 : i32
    %le3A_593 = arith.cmpi sle, %get3A_33, %le3A_592 : i32
    %ge3A_594 = arith.constant 62 : i32
    %ge3A_595 = arith.cmpi sge, %get3A_36, %ge3A_594 : i32
    %and3A_596 = arith.andi %le3A_593, %ge3A_595 : i1
    %convert_element_type3A_597 = arith.extui %and3A_596 : i1 to i32
    %cond3A_598 = arith.constant 0xFF800000 : f32
    %cond3A_599 = arith.constant 0 : i32
    %cond3A_600 = arith.cmpi ne, %convert_element_type3A_597, %cond3A_599 : i32
    scf.if %cond3A_600 {
      %eq3A_615 = arith.constant 62 : i32
      %eq3A_616 = vector.broadcast %eq3A_615 : i32 to vector<2000x1xi32>
      %eq3A_617 = arith.cmpi eq, %get3A_30, %eq3A_616 : vector<2000x1xi32>
      %broadcast_in_dim3A = vector.shape_cast %eq3A_617 : vector<2000x1xi1> to vector<2000x1xi1>
      %broadcast_in_dim3A_618 = vector.broadcast %broadcast_in_dim3A : vector<2000x1xi1> to vector<2000x128xi1>
      %broadcast_in_dim3A_619 = vector.broadcast %cond3A_598 : f32 to vector<2000x128xf32>
      %select_n3A = arith.select %broadcast_in_dim3A_618, %max3A_25, %broadcast_in_dim3A_619 : vector<2000x128xi1>, vector<2000x128xf32>
      %reduce_max3A = arith.constant dense<0xFF800000> : vector<128xf32>
      %reduce_max3A_620 = vector.multi_reduction <maximumf>, %select_n3A, %reduce_max3A [0] : vector<2000x128xf32> to vector<128xf32>
      %broadcast_in_dim3A_621 = vector.shape_cast %reduce_max3A_620 : vector<128xf32> to vector<1x128xf32>
      %get3A_622 = arith.constant 62 : index
      %get3A_623 = arith.constant 0 : index
      %get3A_624 = vector.load %arg10[%get3A_622, %get3A_623] : memref<64x128xf32, #tpu.memory_space<vmem>>, vector<1x128xf32>
      %max3A_625 = arith.maximumf %get3A_624, %broadcast_in_dim3A_621 : vector<1x128xf32>
      %swap3A = arith.constant 62 : index
      %swap3A_626 = arith.constant 0 : index
      %swap3A_627 = vector.load %arg10[%swap3A, %swap3A_626] : memref<64x128xf32, #tpu.memory_space<vmem>>, vector<1x128xf32>
      tpu.vector_store %arg10[%swap3A, %swap3A_626], %max3A_625 {strides = array<i32>} : memref<64x128xf32, #tpu.memory_space<vmem>>, vector<1x128xf32>,
    } else {
    }
    %le3A_601 = arith.constant 63 : i32
    %le3A_602 = arith.cmpi sle, %get3A_33, %le3A_601 : i32
    %ge3A_603 = arith.constant 63 : i32
    %ge3A_604 = arith.cmpi sge, %get3A_36, %ge3A_603 : i32
    %and3A_605 = arith.andi %le3A_602, %ge3A_604 : i1
    %convert_element_type3A_606 = arith.extui %and3A_605 : i1 to i32
    %cond3A_607 = arith.constant 0xFF800000 : f32
    %cond3A_608 = arith.constant 0 : i32
    %cond3A_609 = arith.cmpi ne, %convert_element_type3A_606, %cond3A_608 : i32
    scf.if %cond3A_609 {
      %eq3A_615 = arith.constant 63 : i32
      %eq3A_616 = vector.broadcast %eq3A_615 : i32 to vector<2000x1xi32>
      %eq3A_617 = arith.cmpi eq, %get3A_30, %eq3A_616 : vector<2000x1xi32>
      %broadcast_in_dim3A = vector.shape_cast %eq3A_617 : vector<2000x1xi1> to vector<2000x1xi1>
      %broadcast_in_dim3A_618 = vector.broadcast %broadcast_in_dim3A : vector<2000x1xi1> to vector<2000x128xi1>
      %broadcast_in_dim3A_619 = vector.broadcast %cond3A_607 : f32 to vector<2000x128xf32>
      %select_n3A = arith.select %broadcast_in_dim3A_618, %max3A_25, %broadcast_in_dim3A_619 : vector<2000x128xi1>, vector<2000x128xf32>
      %reduce_max3A = arith.constant dense<0xFF800000> : vector<128xf32>
      %reduce_max3A_620 = vector.multi_reduction <maximumf>, %select_n3A, %reduce_max3A [0] : vector<2000x128xf32> to vector<128xf32>
      %broadcast_in_dim3A_621 = vector.shape_cast %reduce_max3A_620 : vector<128xf32> to vector<1x128xf32>
      %get3A_622 = arith.constant 63 : index
      %get3A_623 = arith.constant 0 : index
      %get3A_624 = vector.load %arg10[%get3A_622, %get3A_623] : memref<64x128xf32, #tpu.memory_space<vmem>>, vector<1x128xf32>
      %max3A_625 = arith.maximumf %get3A_624, %broadcast_in_dim3A_621 : vector<1x128xf32>
      %swap3A = arith.constant 63 : index
      %swap3A_626 = arith.constant 0 : index
      %swap3A_627 = vector.load %arg10[%swap3A, %swap3A_626] : memref<64x128xf32, #tpu.memory_space<vmem>>, vector<1x128xf32>
      tpu.vector_store %arg10[%swap3A, %swap3A_626], %max3A_625 {strides = array<i32>} : memref<64x128xf32, #tpu.memory_space<vmem>>, vector<1x128xf32>,
    } else {
    }
    %eq3A_610 = arith.constant 4 : i32
    %eq3A_611 = arith.cmpi eq, %arg0, %eq3A_610 : i32
    %convert_element_type3A_612 = arith.extui %eq3A_611 : i1 to i32
    %cond3A_613 = arith.constant 0 : i32
    %cond3A_614 = arith.cmpi ne, %convert_element_type3A_612, %cond3A_613 : i32
    scf.if %cond3A_614 {
      %get3A_615 = arith.constant 0 : index
      %get3A_616 = arith.constant 0 : index
      %get3A_617 = vector.load %arg10[%get3A_615, %get3A_616] : memref<64x128xf32, #tpu.memory_space<vmem>>, vector<64x128xf32>
      %get3A_618 = arith.constant 0 : index
      %get3A_619 = arith.constant 0 : index
      %get3A_620 = vector.load %arg7[%get3A_618, %get3A_619] : memref<128x128xf32, #tpu.memory_space<vmem>>, vector<128x128xf32>
      %dot_general3A = arith.constant dense<0.000000e+00> : vector<64x128xf32>
      %dot_general3A_621 = tpu.matmul %get3A_617, %get3A_620, %dot_general3A {dimension_numbers = #tpu.dot_dimension_numbers<[1], [0], [0], [1], [0, 0, 1, 1], [], []>, transpose_lhs_hint = false} : vector<64x128xf32>, vector<128x128xf32>, vector<64x128xf32> -> vector<64x128xf32>
      %get3A_622 = arith.constant 0 : index
      %get3A_623 = arith.constant 0 : index
      %get3A_624 = vector.load %arg8[%get3A_622, %get3A_623] : memref<1x128xf32, #tpu.memory_space<vmem>>, vector<1x128xf32>
      %add3A_625 = vector.broadcast %get3A_624 : vector<1x128xf32> to vector<64x128xf32>
      %add3A_626 = arith.addf %dot_general3A_621, %add3A_625 : vector<64x128xf32>
      %max3A_627 = arith.constant 0.000000e+00 : f32
      %max3A_628 = vector.broadcast %max3A_627 : f32 to vector<64x128xf32>
      %max3A_629 = arith.maximumf %add3A_626, %max3A_628 : vector<64x128xf32>
      %swap3A = arith.constant 0 : index
      %swap3A_630 = arith.constant 0 : index
      %swap3A_631 = vector.load %arg9[%swap3A, %swap3A_630] : memref<64x128xf32, #tpu.memory_space<vmem>>, vector<64x128xf32>
      tpu.vector_store %arg9[%swap3A, %swap3A_630], %max3A_629 {strides = array<i32>} : memref<64x128xf32, #tpu.memory_space<vmem>>, vector<64x128xf32>,
    } else {
    }
    return
  }
  func.func @transform_0(%arg0: i32, %arg1: memref<5x2xi32, #tpu.memory_space<smem>>) -> (i32, i32, i32) {
    %c0_i32 = arith.constant 0 : i32
    %c0_i32_0 = arith.constant 0 : i32
    %c0_i32_1 = arith.constant 0 : i32
    return %c0_i32, %arg0, %c0_i32_0 : i32, i32, i32
  }
  func.func @transform_1(%arg0: i32, %arg1: memref<5x2xi32, #tpu.memory_space<smem>>) -> (i32, i32) {
    %c0_i32 = arith.constant 0 : i32
    %c0_i32_0 = arith.constant 0 : i32
    return %arg0, %c0_i32 : i32, i32
  }
  func.func @transform_2(%arg0: i32, %arg1: memref<5x2xi32, #tpu.memory_space<smem>>) -> (i32, i32) {
    %c0_i32 = arith.constant 0 : i32
    %c0_i32_0 = arith.constant 0 : i32
    return %arg0, %c0_i32 : i32, i32
  }
  func.func @transform_3(%arg0: i32, %arg1: memref<5x2xi32, #tpu.memory_space<smem>>) -> (i32, i32) {
    %c0_i32 = arith.constant 0 : i32
    %c0_i32_0 = arith.constant 0 : i32
    %c0_i32_1 = arith.constant 0 : i32
    return %c0_i32, %c0_i32_0 : i32, i32
  }
  func.func @transform_4(%arg0: i32, %arg1: memref<5x2xi32, #tpu.memory_space<smem>>) -> (i32, i32, i32) {
    %c0_i32 = arith.constant 0 : i32
    %c0_i32_0 = arith.constant 0 : i32
    %c0_i32_1 = arith.constant 0 : i32
    return %arg0, %c0_i32, %c0_i32_0 : i32, i32, i32
  }
  func.func @transform_5(%arg0: i32, %arg1: memref<5x2xi32, #tpu.memory_space<smem>>) -> (i32, i32) {
    %c0_i32 = arith.constant 0 : i32
    %c0_i32_0 = arith.constant 0 : i32
    %c0_i32_1 = arith.constant 0 : i32
    return %c0_i32, %c0_i32_0 : i32, i32
  }
  func.func @transform_6(%arg0: i32, %arg1: memref<5x2xi32, #tpu.memory_space<smem>>) -> (i32, i32) {
    %c0_i32 = arith.constant 0 : i32
    %c0_i32_0 = arith.constant 0 : i32
    %c0_i32_1 = arith.constant 0 : i32
    return %c0_i32, %c0_i32_0 : i32, i32
  }
  func.func @transform_7(%arg0: i32, %arg1: memref<5x2xi32, #tpu.memory_space<smem>>) -> (i32, i32) {
    %c0_i32 = arith.constant 0 : i32
    %c0_i32_0 = arith.constant 0 : i32
    %c0_i32_1 = arith.constant 0 : i32
    return %c0_i32, %c0_i32_0 : i32, i32
  }
}

</mosaic_0001>

<sc_bundles>
// kernel: kernel.11.cloned.1.call-start
scs
__scs_entry_jumppad:
0x0: {  	(pc) =	sbr.rel $0x88, $3  }
0x1: {  	(tag) =	ssettag $0x0;
	lr =	simm.s32 $0x1  }
0x2: {  	[smem:$0x3F98] =	sst lr;
	_ =	strace $0xD0000000  }
0x3: {  	_ = 	snop  }
0x4: {  	_ = 	snop  }
0x5: {  	_ = 	snop  }
0x6: {  	_ = 	snop  }
0x7: {  	_ = 	snop  }
__scs_overlays_trampoline_lowered:
0x8: {  	[smem:$0x3FA7] =	sst s0  }
0x9: {  	[smem:$0x3FA8] =	sst s1  }
0xa: {  	[smem:$0x3FA9] =	sst s2  }
0xb: {  	[smem:$0x3FAA] =	sst s3  }
0xc: {  	[smem:$0x3FAB] =	sst s4  }
0xd: {  	[smem:$0x3FAC] =	sst s5  }
0xe: {  	[smem:$0x3FAD] =	sst s6  }
0xf: {  	[smem:$0x3FAE] =	sst s7  }
0x10: {  	[smem:$0x3FAF] =	sst s8  }
0x11: {  	[smem:$0x3FB0] =	sst s9;
	s0 =	simm.s32 @!p0 $0x0  }
0x12: {  	s1 =	sld [smem:$0x3F96];
	s0 =	simm.s32 @p0 $0x1  }
0x13: {  	[smem:$0x3FB1] =	sst s0;
	s0 =	simm.s32 @!p1 $0x0  }
0x14: {  	s2 =	sld [smem:$0x3F95];
	s0 =	simm.s32 @p1 $0x1  }
0x15: {  	[smem:$0x3FB2] =	sst s0;
	s0 =	simm.s32 @!p2 $0x0  }
0x16: {  	s3 =	sld [smem:$0x3FDB];
	s0 =	simm.s32 @p2 $0x1  }
0x17: {  	s4 =	simm.s32 $0x1BF5;
	[smem:$0x3FB4] =	sst s0  }
0x18: {  	s0 =	sld [smem:$0x3F97];
	_ =	swait.ge [sflag:s4], $0x0  }
0x19: {  	s7 =	sld [smem:$0x3F98]  }
0x1a: {  	s8 =	sadd.s32 $0xFFFFE003, lr  }
0x1b: {  	s9 =	sadd.s32 $0xFFFFFEF7, lr;
	s5 =	simm.s32 $0xFFFFFFFF;
	p2 =	slt.u32 s8, $0xFFFFF086  }
0x1c: {  	p1 =	slt.u32 s9, $0xF7A;
	s5 =	simm.s32 @!p2 $0x0  }
0x1d: {  	s5 =	simm.s32 @p1 $0x1;
	p0 =	seq.s32 s7, s2  }
0x1e: {  	s7 =	smul.u32 @!p0 $0xF7A, s2;
	p2 =	seq.s32 @!p0 s5, $0x0  }
0x1f: {  	s9 =	smul.u32 $0xF7A, s1;
	s8 =	simm.s32 @!p0 $0x1BF5;
	p2 =	por !p2, p0  }
0x20: {  	[sflag:s8] =	ssyncset.s32 @!p0 $0xFFFFF086;
	s6 =	sadd.s32 @!p0 s3, s7;
	s7 =	simm.s32 @!p0 $0x108  }
0x21: {  	s3 =	sadd.s32 s3, s9;
	s6 =	sadd.s32 @!p0 $0x88, s6;
	s7 =	simm.s32 @p2 $0x1082  }
0x22: {  	[simem:s7], [sflag:s8] =	dma.local @!p0 [hbm:s6], $0xF7A  }
0x23: {  	s9 =	sor.u32 $0xD0000000, s2;
	s6 =	simm.s32 $0x108;
	_ =	swait.ge @!p0 [sflag:s8], $0x0  }
0x24: {  	s3 =	sadd.s32 $0x88, s3;
	s6 =	simm.s32 @!p1 $0x1082;
	[sflag:s4] =	ssyncset.s32 $0xFFFFF086  }
0x25: {  	[simem:s6], [sflag:s4] =	dma.local [hbm:s3], $0xF7A  }
0x26: {  	[smem:$0x3F98] =	sst s1;
	(tag) =	ssettag s2;
	_ =	strace s9  }
0x27: {  	s1 =	sld [smem:$0x3FA8]  }
0x28: {  	s2 =	sld [smem:$0x3FA9]  }
0x29: {  	s4 =	sld [smem:$0x3FAB]  }
0x2a: {  	p0 =	seq.s32 s5, $0x0;
	s5 =	sld [smem:$0x3FAC]  }
0x2b: {  	s6 =	sld [smem:$0x3FAD]  }
0x2c: {  	s7 =	sld [smem:$0x3FAE]  }
0x2d: {  	s3 =	simm.s32 $0x108;
	s8 =	sld [smem:$0x3FAF]  }
0x2e: {  	s3 =	simm.s32 @!p0 $0x1082;
	s9 =	sld [smem:$0x3FB0]  }
0x2f: {  	lr =	sadd.s32 s0, s3;
	s0 =	sld [smem:$0x3FA7]  }
0x30: {  	s3 =	sld [smem:$0x3FAA]  }
0x31: {  	[smem:$0x3FB3] =	sst s10  }
0x32: {  	s10 =	sld [smem:$0x3FB1];
	_ =	sdelay $0x3  }
0x33: {  	p0 =	seq.s32 s10, $0x1;
	s10 =	sld [smem:$0x3FB3];
	_ =	sdelay $0x3  }
0x34: {  	[smem:$0x3FB3] =	sst s10  }
0x35: {  	s10 =	sld [smem:$0x3FB2];
	_ =	sdelay $0x3  }
0x36: {  	p1 =	seq.s32 s10, $0x1;
	s10 =	sld [smem:$0x3FB3];
	_ =	sdelay $0x3  }
0x37: {  	[smem:$0x3FB3] =	sst s10  }
0x38: {  	s10 =	sld [smem:$0x3FB4]  }
0x39: {  	_ = 	snop;
	(pc) =	sbr.ind lr, $3  }
0x3a: {  	_ = 	snop  }
0x3b: {  	_ = 	snop  }
0x3c: {  	p2 =	seq.s32 s10, $0x1;
	s10 =	sld [smem:$0x3FB3]  }
0x3d: {  	_ =	shalt  }
0x3e: {  	_ =	shalt  }
0x3f: {  	_ =	shalt  }
0x40: {  	_ =	shalt  }
0x41: {  	_ =	shalt  }
0x42: {  	_ =	shalt  }
0x43: {  	_ =	shalt  }
0x44: {  	_ =	shalt  }
0x45: {  	_ =	shalt  }
0x46: {  	_ =	shalt  }
0x47: {  	_ =	shalt  }
0x48: {  	_ =	shalt  }
0x49: {  	_ =	shalt  }
0x4a: {  	_ =	shalt  }
0x4b: {  	_ =	shalt  }
0x4c: {  	_ =	shalt  }
0x4d: {  	_ =	shalt  }
0x4e: {  	_ =	shalt  }
0x4f: {  	_ =	shalt  }
0x50: {  	_ =	shalt  }
0x51: {  	_ =	shalt  }
0x52: {  	_ =	shalt  }
0x53: {  	_ =	shalt  }
0x54: {  	_ =	shalt  }
0x55: {  	_ =	shalt  }
0x56: {  	_ =	shalt  }
0x57: {  	_ =	shalt  }
0x58: {  	_ =	shalt  }
0x59: {  	_ =	shalt  }
0x5a: {  	_ =	shalt  }
0x5b: {  	_ =	shalt  }
0x5c: {  	_ =	shalt  }
0x5d: {  	_ =	shalt  }
0x5e: {  	_ =	shalt  }
0x5f: {  	_ =	shalt  }
0x60: {  	_ =	shalt  }
0x61: {  	_ =	shalt  }
0x62: {  	_ =	shalt  }
0x63: {  	_ =	shalt  }
0x64: {  	_ =	shalt  }
0x65: {  	_ =	shalt  }
0x66: {  	_ =	shalt  }
0x67: {  	_ =	shalt  }
0x68: {  	_ =	shalt  }
0x69: {  	_ =	shalt  }
0x6a: {  	_ =	shalt  }
0x6b: {  	_ =	shalt  }
0x6c: {  	_ =	shalt  }
0x6d: {  	_ =	shalt  }
0x6e: {  	_ =	shalt  }
0x6f: {  	_ =	shalt  }
0x70: {  	_ =	shalt  }
0x71: {  	_ =	shalt  }
0x72: {  	_ =	shalt  }
0x73: {  	_ =	shalt  }
0x74: {  	_ =	shalt  }
0x75: {  	_ =	shalt  }
0x76: {  	_ =	shalt  }
0x77: {  	_ =	shalt  }
0x78: {  	_ =	shalt  }
0x79: {  	_ =	shalt  }
0x7a: {  	_ =	shalt  }
0x7b: {  	_ =	shalt  }
0x7c: {  	_ =	shalt  }
0x7d: {  	_ =	shalt  }
0x7e: {  	_ =	shalt  }
0x7f: {  	_ =	shalt  }
0x80: {  	_ =	shalt  }
0x81: {  	_ =	shalt  }
0x82: {  	_ =	shalt  }
0x83: {  	_ =	shalt  }
0x84: {  	_ =	shalt  }
0x85: {  	_ =	shalt  }
0x86: {  	_ =	shalt  }
0x87: {  	_ =	shalt  }
.Lfunc_end0:
.L_simem_size_0:
called_computation.1_lowered:
.L_overlay_start_0:
0x88: {  	s2 =	sld [smem:$0x3FD9]  }
0x89: {  	s3 =	sld [smem:$0x3FFE];
	_ =	sdelay $0x1  }
0x8a: {  	s1 =	srdreg.scid  }
0x8b: {  	s0 =	sand.u32 $0x1, s1  }
0x8c: {  	s16 =	sshll.u32 s0, $0xA;
	s2 =	sadd.s32 s3, s2  }
0x8d: {  	s2 =	sadd.s32 s2, s16  }
0x8e: {  	[smem:$0x3FBF] =	sst s2  }
0x8f: {  	_ = 	snop  }
0x90: {  	(tm) =	ssettm $0x1  }
0x91: {  	s17 =	sld [smem:$0x3FFB];
	_ =	sdelay $0x3  }
0x92: {  	_ =	strace s17  }
0x93: {  	s2 =	sld [smem:$0x3FFC];
	_ =	sdelay $0x3  }
0x94: {  	_ =	strace s2  }
0x95: {  	s2 =	sld [smem:$0x3FFD];
	_ =	sdelay $0x3  }
0x96: {  	_ =	strace s2  }
0x97: {  	_ =	strace $0x8FFFFFFF  }
0x98: {  	s18 =	sld [smem:$0x3FDB];
	_ =	sdelay $0x1  }
0x99: {  	s19 =	simm.s32 $_scs_section_size  }
0x9a: {  	s4 =	simm.s32 $_size__tile_overlayer_lowered;
	s5 =	simm.s32 $_tile_overlayer_lowered  }
0x9b: {  	s22 =	simm.s32 $0x1BFF;
	s21 =	sshll.u32 s5, $0x1;
	s2 =	sadd.s32 s19, s18  }
0x9c: {  	s6 =	simm.s32 $0x0;
	s20 =	sshll.u32 s4, $0x1;
	s4 =	sadd.s32 s21, s2  }
0x9d: {  	[timem:s6], [sflag:s22] =	dma.local [hbm:s4], s20  }
0x9e: {  	_ =	swait.ge [sflag:s22], s20  }
0x9f: {  	s3 =	ssub.s32 $0x0, s20;
	[sflag:s22] =	ssyncset.done $0x0  }
0xa0: {  	[sflag:s22] =	ssyncadd.s32 s3;
	_ =	sdelay $0x1  }
0xa1: {  	s23 =	simm.s32 $0x1B8B  }
0xa2: {  	_ =	swait.ge [sflag:s23], $0x1  }
0xa3: {  	[sflag:s23] =	ssyncset.done $0x0  }
0xa4: {  	s25 =	simm.s32 $0x1B8E;
	s24 =	sld [smem:$0x3FFE];
	[sflag:s23] =	ssyncadd.s32 $0xFFFFFFFF  }
0xa5: {  	s26 =	simm.s32 $execute0_lowered;
	[smem:$0x3FD2] =	sst s25  }
0xa6: {  	s4 =	sshll.u32 s26, $0x1;
	_ =	strace $0x80000049;
	[dreg:$0x1] =	wrdreg $0xFFFFFFFF  }
0xa7: {  	s28 =	simm.s32 $_size_execute0_lowered;
	s2 =	sadd.s32 s2, s4;
	[dreg:$0x0] =	wrdreg $0x0  }
0xa8: {  	s4 =	sshll.u32 s28, $0x1;
	[dreg:$0x2] =	wrdreg s2  }
0xa9: {  	[dreg:$0x3] =	wrdreg s4  }
0xaa: {  	[dreg:$0x4] =	wrdreg $0xC0  }
0xab: {  	_ =	task [dreg:s6], $0x5FFFF  }
0xac: {  	[dreg:$0x1] =	wrdreg $0xFFFFFFFF  }
0xad: {  	[dreg:$0x0] =	wrdreg $0x60  }
0xae: {  	[dreg:$0x2] =	wrdreg s24  }
0xaf: {  	[dreg:$0x3] =	wrdreg $0x9B000  }
0xb0: {  	[dreg:$0x4] =	wrdreg $0x9  }
0xb1: {  	_ =	task.clear_ibuf [dreg:s6], $0x5FFFF;
	_ =	strace $0x90000049  }
0xb2: {  	s29 =	simm.s32 $0x9;
	_ =	strace $0x8000004B  }
0xb3: {  	_ =	swait.ge [sflag:s29], $0x1  }
0xb4: {  	[sflag:s29] =	ssyncadd.s32 $0xFFFFFFFF  }
0xb5: {  	_ =	strace $0x9000004B  }
0xb6: {  	_ =	sfence  }
0xb7: {  	s30 =	sld [smem:$0x0];
	_ =	sdelay $0x2  }
0xb8: {  	s31 =	sshll.u32 s1, $0xD;
	s1 =	sshrl.u32 s1, $0x2  }
0xb9: {  	s3 =	sand.u32 $0x4000, s31;
	s1 =	sadd.s32 s1, s30  }
0xba: {  	s0 =	sor.u32 s3, s0;
	s1 =	sshll.u32 s1, $0x11  }
0xbb: {  	s0 =	sor.u32 s1, s0  }
0xbc: {  	s0 =	sadd.s32 $0x8F2B, s0  }
0xbd: {  	[sflag:s0] =	ssyncadd.remote.s32 $0x1  }
0xbe: {  	_ =	sfence.sel $0xFFFF  }
0xbf: {  	[dreg:$0x0] =	wrdreg $0xFFFFFFFF;
	(pc) =	sbr.abs _section_cstart, $3  }
0xc0: {  	[dreg:$0x1] =	wrdreg $0xFFFFFFFF  }
0xc1: {  	_ =	task.clear_ibuf [dreg:s6], $0x2FFFF;
	_ =	strace $0x9FFFFFFF  }
0xc2: {  	(tm) =	ssettm $0x7FFFFFFF  }
0xc3: {  	_ =	shalt  }
tec
execute0_lowered:
.L_overlay_start_1:
0x0: {  	(tag) =	ssettag $0x1  }
0x1: {  	s0 =	rddreg [dreg:$0x0]  }
0x2: {  	s1 =	rddreg [dreg:$0x1];
	s3 =	simm.s32 $0x0  }
0x3: {  	s12 =	stileid.u32;
	s2 =	srdreg.scid;
	s16 =	simm.s32 $0x7  }
0x4: {  	s17 =	simm.s32 $0x1000;
	s18 =	simm.s32 $0x50;
	s19 =	simm.s32 $0x2000  }
0x5: {  	s20 =	simm.s32 $0x2300;
	s21 =	simm.s32 $0x2080;
	s22 =	simm.s32 $0x4B00  }
0x6: {  	s23 =	simm.s32 $0x2100;
	s24 =	simm.s32 $0x7300;
	s28 =	simm.s32 $0x4  }
0x7: {  	s29 =	simm.s32 $0x2;
	s30 =	simm.s32 $0x2200;
	s31 =	simm.s32 $0x5  }
0x8: {  	[smem:$0x7FF] =	sst s3;
	s4 =	sadd.s32 $0x39C00, s0;
	s8 =	smul.u32 $0x2800, s12  }
0x9: {  	s2 =	sand.u32 $0x1, s2;
	s6 =	sadd.s32 $0x9C400, s0;
	s7 =	sadd.s32 $0x88400, s0  }
0xa: {  	s10 =	smul.u32 $0x50000, s12;
	p0 =	seq.s32 s12, $0xF;
	_ =	strace $0x8000004A  }
0xb: {  	s5 =	smul.u32 $0x27100, s2;
	s9 =	ssub.s32 $0x2, s2;
	s2 =	sshll.u32 s2, $0x4  }
0xc: {  	[dreg:$0x3] =	wrdreg s8;
	s8 =	sadd.s32 s8, s0;
	s11 =	sshrl.u32 s9, $0x1  }
0xd: {  	s2 =	sor.u32 s12, s2;
	s10 =	sshrl.u32 s10, $0x2;
	s5 =	sadd.s32 s5, s0  }
0xe: {  	s9 =	ssub.s32 s9, s11;
	s11 =	sadd.s32 s10, s1;
	s8 =	sadd.s32 $0x12A00, s8  }
0xf: {  	s0 =	sadd.s32 $0x38200, s0;
	s10 =	smul.u32 $0x5000, s2;
	[dreg:$0x4] =	wrdreg s8  }
0x10: {  	s2 =	simm.s32 $0x2280;
	[dreg:$0x5] =	wrdreg s0;
	s25 =	sadd.s32 $0xB0400, s5  }
0x11: {  	s8 =	sadd.s32 $0x12C000, s1;
	s26 =	smax.u32 s9, $0x1;
	[dreg:$0x6] =	wrdreg s25  }
0x12: {  	s0 =	sshll.u32 @!p0 s12, $0x6;
	s11 =	sshrl.u32 @!p0 s11, $0x3;
	[dreg:$0x7] =	wrdreg s26  }
0x13: {  	s12 =	sshrl.u32 @p0 s8, $0x3;
	s13 =	sor.u32 @!p0 $0x1C07, s0;
	[dreg:$0xa] =	wrdreg s11  }
0x14: {  	s25 =	simm.s32 $0x1;
	s26 =	simm.s32 $0x2180;
	[dreg:$0x8] =	wrdreg s12  }
0x15: {  	s0 =	simm.s32 $0x3;
	s8 =	simm.s32 $0x6;
	[dreg:$0x9] =	wrdreg s13  }
.LBB2_1:
0x16: {  	s5 =	simm.s32 @p0 $0x1FC7;
	s9 =	rddreg [dreg:$0x5]  }
0x17: {  	[spmem:s12], [sflag:s5] =	dma.local @p0 [hbm:s9], $0x1900  }
0x18: {  	s5 =	simm.s32 @p0 $0x7  }
0x19: {  	_ =	swait.ge @p0 [sflag:s5], $0x1900  }
0x1a: {  	[sflag:s5] =	ssyncset.done @p0 $0x0  }
0x1b: {  	[sflag:s5] =	ssyncadd.s32 @p0 $0xFFFFE700;
	s5 =	rddreg [dreg:$0x4]  }
0x1c: {  	[spmem:s11], [sflag:s13] =	dma.local @!p0 [hbm:s5], $0x2800  }
0x1d: {  	s5 =	simm.s32 @!p0 $0x7  }
0x1e: {  	_ =	swait.ge @!p0 [sflag:s5], $0x2800  }
0x1f: {  	[sflag:s5] =	ssyncset.done @!p0 $0x0  }
0x20: {  	[sflag:s5] =	ssyncadd.s32 @!p0 $0xFFFFD800  }
0x21: {  	s9 =	simm.s32 $0x0;
	[bflag:$0x0] =	sbarrier.arrive $0xFFFF  }
.LBB2_2:
0x22: {  	s5 =	sshll.u32 s9, $0xC  }
0x23: {  	s5 =	sadd.s32 s10, s5  }
0x24: {  	s5 =	sshrl.u32 s5, $0x3  }
0x25: {  	s12 =	simm.s32 $0x0;
	s11 =	sadd.s32 s6, s5  }
0x26: {  	[tilespmem:s12], [sflag:$0x7] =	stream.linear.gather [hbm4b:s11+s12], $0xC80, $0x38;
	[tilespmem:$0x1D380] =	vst v63  }
0x27: {  	_ =	swait.ge [sflag:s16], $0xC80  }
0x28: {  	[sflag:s16] =	ssyncset.done $0x0  }
0x29: {  	s5 =	sadd.s32 s7, s5;
	[sflag:s16] =	ssyncadd.s32 $0xFFFFF380  }
0x2a: {  	[tilespmem:s17], [sflag:$0x7] =	stream.linear.gather [hbm4b:s5+s12], $0xC80, $0x38;
	[tilespmem:$0x1D380] =	vst v63  }
0x2b: {  	_ =	swait.ge [sflag:s16], $0xC80  }
0x2c: {  	[sflag:s16] =	ssyncset.done $0x0  }
0x2d: {  	[sflag:s16] =	ssyncadd.s32 $0xFFFFF380  }
0x2e: {  	v0 =	vld [tilespmem:$0x0]  }
0x2f: {  	v1 =	vld [tilespmem:$0x10]  }
0x30: {  	v2 =	vld [tilespmem:$0x20]  }
0x31: {  	v3 =	vld [tilespmem:$0x30]  }
0x32: {  	v4 =	vld [tilespmem:$0x40]  }
0x33: {  	[tilespmem:$0x2000] =	vst v0  }
0x34: {  	[tilespmem:$0x2010] =	vst v1  }
0x35: {  	[tilespmem:$0x2020] =	vst v2  }
0x36: {  	[tilespmem:$0x2030] =	vst v3  }
0x37: {  	[tilespmem:$0x2040] =	vst v4  }
0x38: {  	[tilespmem:s20], [sflag:$0x1] =	stream.indirect.gather [hbm4b:s4+s18], $0x80, s19, s18, $0xb8;
	[tilespmem:$0x1D380] =	vst v63  }
0x39: {  	v0 =	vld [tilespmem:$0x80]  }
0x3a: {  	v1 =	vld [tilespmem:$0x90]  }
0x3b: {  	v2 =	vld [tilespmem:$0xA0]  }
0x3c: {  	v3 =	vld [tilespmem:$0xB0]  }
0x3d: {  	v63 =	vld [tilespmem:$0xC0]  }
0x3e: {  	[tilespmem:$0x2080] =	vst v0  }
0x3f: {  	[tilespmem:$0x2090] =	vst v1  }
0x40: {  	[tilespmem:$0x20A0] =	vst v2  }
0x41: {  	p1 =	por $0x1, $0x1;
	[tilespmem:$0x20B0] =	vst v3  }
0x42: {  	s5 =	simm.s32 @!p1 $0x6;
	[tilespmem:$0x20C0] =	vst v63  }
0x43: {  	[tilespmem:s22], [sflag:$0x2] =	stream.indirect.gather [hbm4b:s4+s18], $0x80, s21, s18, $0xb8;
	[tilespmem:$0x1D380] =	vst v63  }
0x44: {  	_ =	swait.ge @!p1 [sflag:s5], $0x2800  }
0x45: {  	[sflag:s5] =	ssyncset.done @!p1 $0x0  }
0x46: {  	s15 =	simm.s32 $0x0;
	[sflag:s5] =	ssyncadd.s32 @!p1 $0xFFFFD800  }
0x47: {  	v0 =	vld [tilespmem:s15+$0x100];
	_ =	sdelay $0x4  }
0x48: {  	[tilespmem:$0x2100] =	vst v0  }
0x49: {  	v0 =	vld [tilespmem:s15+$0x110];
	_ =	sdelay $0x4  }
0x4a: {  	[tilespmem:$0x2110] =	vst v0  }
0x4b: {  	v0 =	vld [tilespmem:s15+$0x120];
	_ =	sdelay $0x4  }
0x4c: {  	[tilespmem:$0x2120] =	vst v0  }
0x4d: {  	v0 =	vld [tilespmem:s15+$0x130];
	_ =	sdelay $0x4  }
0x4e: {  	[tilespmem:$0x2130] =	vst v0  }
0x4f: {  	v0 =	vld [tilespmem:s15+$0x140];
	_ =	sdelay $0x4  }
0x50: {  	[tilespmem:$0x2140] =	vst v0  }
0x51: {  	[tilespmem:s24], [sflag:$0x3] =	stream.indirect.gather [hbm4b:s4+s18], $0x80, s23, s18, $0xb8;
	[tilespmem:$0x1D380] =	vst v63  }
0x52: {  	_ =	swait.ge [sflag:s25], $0x2800  }
0x53: {  	[sflag:s25] =	ssyncset.done $0x0  }
0x54: {  	[sflag:s25] =	ssyncadd.s32 $0xFFFFD800  }
0x55: {  	v0 =	vld [tilespmem:s15+$0x1000];
	_ =	sdelay $0x4  }
0x56: {  	[tilespmem:$0x2180] =	vst v0  }
0x57: {  	v0 =	vld [tilespmem:s15+$0x1010];
	_ =	sdelay $0x4  }
0x58: {  	[tilespmem:$0x2190] =	vst v0  }
0x59: {  	v0 =	vld [tilespmem:s15+$0x1020];
	_ =	sdelay $0x4  }
0x5a: {  	[tilespmem:$0x21A0] =	vst v0  }
0x5b: {  	v0 =	vld [tilespmem:s15+$0x1030];
	_ =	sdelay $0x4  }
0x5c: {  	[tilespmem:$0x21B0] =	vst v0  }
0x5d: {  	v0 =	vld [tilespmem:s15+$0x1040];
	_ =	sdelay $0x4  }
0x5e: {  	[tilespmem:$0x21C0] =	vst v0  }
0x5f: {  	[spmem:s1] =	stream.indirect.scatter.add.f32 [tilespmem:s20], [sflag:$0x4], $0x80, s26, s18, $0xb8;
	[tilespmem:$0x1D380] =	vst v63  }
0x60: {  	_ =	swait.ge [sflag:s28], $0x2800  }
0x61: {  	[sflag:s28] =	ssyncset.done $0x0  }
0x62: {  	[sflag:s28] =	ssyncadd.s32 $0xFFFFD800  }
0x63: {  	v0 =	vld [tilespmem:s15+$0x180];
	_ =	sdelay $0x4  }
0x64: {  	[tilespmem:$0x2000] =	vst v0  }
0x65: {  	v0 =	vld [tilespmem:s15+$0x190];
	_ =	sdelay $0x4  }
0x66: {  	[tilespmem:$0x2010] =	vst v0  }
0x67: {  	v0 =	vld [tilespmem:s15+$0x1A0];
	_ =	sdelay $0x4  }
0x68: {  	[tilespmem:$0x2020] =	vst v0  }
0x69: {  	v0 =	vld [tilespmem:s15+$0x1B0];
	_ =	sdelay $0x4  }
0x6a: {  	[tilespmem:$0x2030] =	vst v0  }
0x6b: {  	v0 =	vld [tilespmem:s15+$0x1C0];
	_ =	sdelay $0x4  }
0x6c: {  	[tilespmem:$0x2040] =	vst v0  }
0x6d: {  	[tilespmem:s20], [sflag:$0x1] =	stream.indirect.gather [hbm4b:s4+s18], $0x80, s19, s18, $0xb8;
	[tilespmem:$0x1D380] =	vst v63  }
0x6e: {  	_ =	swait.ge [sflag:s29], $0x2800  }
0x6f: {  	[sflag:s29] =	ssyncset.done $0x0  }
0x70: {  	[sflag:s29] =	ssyncadd.s32 $0xFFFFD800  }
0x71: {  	v0 =	vld [tilespmem:s15+$0x1080];
	_ =	sdelay $0x4  }
0x72: {  	[tilespmem:$0x2200] =	vst v0  }
0x73: {  	v0 =	vld [tilespmem:s15+$0x1090];
	_ =	sdelay $0x4  }
0x74: {  	[tilespmem:$0x2210] =	vst v0  }
0x75: {  	v0 =	vld [tilespmem:s15+$0x10A0];
	_ =	sdelay $0x4  }
0x76: {  	[tilespmem:$0x2220] =	vst v0  }
0x77: {  	v0 =	vld [tilespmem:s15+$0x10B0];
	_ =	sdelay $0x4  }
0x78: {  	[tilespmem:$0x2230] =	vst v0  }
0x79: {  	v0 =	vld [tilespmem:s15+$0x10C0];
	_ =	sdelay $0x4  }
0x7a: {  	[tilespmem:$0x2240] =	vst v0  }
0x7b: {  	[spmem:s1] =	stream.indirect.scatter.add.f32 [tilespmem:s22], [sflag:$0x5], $0x80, s30, s18, $0xb8;
	[tilespmem:$0x1D380] =	vst v63  }
0x7c: {  	_ =	swait.ge [sflag:s31], $0x2800  }
0x7d: {  	p1 =	por $0x0, $0x0;
	[sflag:s31] =	ssyncset.done $0x0  }
0x7e: {  	s5 =	simm.s32 @!p1 $0x0;
	[sflag:s31] =	ssyncadd.s32 $0xFFFFD800  }
0x7f: {  	v0 =	vld @!p1 [tilespmem:s5+$0x200];
	_ =	sdelay $0x4  }
0x80: {  	[tilespmem:$0x2080] =	vst @!p1 v0  }
0x81: {  	v0 =	vld @!p1 [tilespmem:s5+$0x210];
	_ =	sdelay $0x4  }
0x82: {  	[tilespmem:$0x2090] =	vst @!p1 v0  }
0x83: {  	v0 =	vld @!p1 [tilespmem:s5+$0x220];
	_ =	sdelay $0x4  }
0x84: {  	[tilespmem:$0x20A0] =	vst @!p1 v0  }
0x85: {  	v0 =	vld @!p1 [tilespmem:s5+$0x230];
	_ =	sdelay $0x4  }
0x86: {  	[tilespmem:$0x20B0] =	vst @!p1 v0  }
0x87: {  	v0 =	vld @!p1 [tilespmem:s5+$0x240];
	_ =	sdelay $0x4  }
0x88: {  	s12 =	simm.s32 @!p1 $0x2080;
	s13 =	simm.s32 @!p1 $0x4B00;
	s5 =	simm.s32 @!p1 $0x50;
	[tilespmem:$0x20C0] =	vst @!p1 v0  }
0x89: {  	[tilespmem:s13], [sflag:$0x2] =	stream.indirect.gather @!p1 [hbm4b:s4+s5], $0x80, s12, s5, $0xb8;
	[tilespmem:$0x1D380] =	vst v63  }
0x8a: {  	_ =	swait.ge [sflag:s0], $0x2800  }
0x8b: {  	[sflag:s0] =	ssyncset.done $0x0  }
0x8c: {  	[sflag:s0] =	ssyncadd.s32 $0xFFFFD800  }
0x8d: {  	v0 =	vld [tilespmem:s15+$0x1100];
	_ =	sdelay $0x4  }
0x8e: {  	[tilespmem:$0x2280] =	vst v0  }
0x8f: {  	v0 =	vld [tilespmem:s15+$0x1110];
	_ =	sdelay $0x4  }
0x90: {  	[tilespmem:$0x2290] =	vst v0  }
0x91: {  	v0 =	vld [tilespmem:s15+$0x1120];
	_ =	sdelay $0x4  }
0x92: {  	[tilespmem:$0x22A0] =	vst v0  }
0x93: {  	v0 =	vld [tilespmem:s15+$0x1130];
	_ =	sdelay $0x4  }
0x94: {  	[tilespmem:$0x22B0] =	vst v0  }
0x95: {  	v0 =	vld [tilespmem:s15+$0x1140];
	_ =	sdelay $0x3  }
0x96: {  	p2 =	por $0x0, $0x0;
	s5 =	simm.s32 $0x600;
	s12 =	simm.s32 $0xC00  }
.LBB2_3:
0x97: {  	s11 =	simm.s32 @!p2 $0x6;
	[tilespmem:$0x22C0] =	vst v0;
	s13 =	smov.u32 s12;
	s12 =	sadd.s32 $0x600, s12  }
0x98: {  	[spmem:s1] =	stream.indirect.scatter.add.f32 [tilespmem:s24], [sflag:$0x6], $0x80, s2, s18, $0xb8;
	[tilespmem:$0x1D380] =	vst v63  }
0x99: {  	p1 =	sne.s32 s12, $0x3000;
	_ =	swait.ge @!p2 [sflag:s11], $0x2800  }
0x9a: {  	[sflag:s11] =	ssyncset.done @!p2 $0x0  }
0x9b: {  	[sflag:s11] =	ssyncadd.s32 @!p2 $0xFFFFD800;
	s11 =	sshra.s32 s5, $0x2  }
0x9c: {  	v0 =	vld [tilespmem:s11+$0x100];
	_ =	sdelay $0x4  }
0x9d: {  	[tilespmem:$0x2100] =	vst v0  }
0x9e: {  	v0 =	vld [tilespmem:s11+$0x110];
	_ =	sdelay $0x4  }
0x9f: {  	[tilespmem:$0x2110] =	vst v0  }
0xa0: {  	v0 =	vld [tilespmem:s11+$0x120];
	_ =	sdelay $0x4  }
0xa1: {  	[tilespmem:$0x2120] =	vst v0  }
0xa2: {  	v0 =	vld [tilespmem:s11+$0x130];
	_ =	sdelay $0x4  }
0xa3: {  	[tilespmem:$0x2130] =	vst v0  }
0xa4: {  	v0 =	vld [tilespmem:s11+$0x140];
	_ =	sdelay $0x4  }
0xa5: {  	[tilespmem:$0x2140] =	vst v0  }
0xa6: {  	[tilespmem:s24], [sflag:$0x3] =	stream.indirect.gather [hbm4b:s4+s18], $0x80, s23, s18, $0xb8;
	[tilespmem:$0x1D380] =	vst v63  }
0xa7: {  	_ =	swait.ge [sflag:s25], $0x2800  }
0xa8: {  	[sflag:s25] =	ssyncset.done $0x0  }
0xa9: {  	[sflag:s25] =	ssyncadd.s32 $0xFFFFD800  }
0xaa: {  	v0 =	vld [tilespmem:s11+$0x1000];
	_ =	sdelay $0x4  }
0xab: {  	[tilespmem:$0x2180] =	vst v0  }
0xac: {  	v0 =	vld [tilespmem:s11+$0x1010];
	_ =	sdelay $0x4  }
0xad: {  	[tilespmem:$0x2190] =	vst v0  }
0xae: {  	v0 =	vld [tilespmem:s11+$0x1020];
	_ =	sdelay $0x4  }
0xaf: {  	[tilespmem:$0x21A0] =	vst v0  }
0xb0: {  	v0 =	vld [tilespmem:s11+$0x1030];
	_ =	sdelay $0x4  }
0xb1: {  	[tilespmem:$0x21B0] =	vst v0  }
0xb2: {  	v0 =	vld [tilespmem:s11+$0x1040];
	_ =	sdelay $0x4  }
0xb3: {  	[tilespmem:$0x21C0] =	vst v0  }
0xb4: {  	[spmem:s1] =	stream.indirect.scatter.add.f32 [tilespmem:s20], [sflag:$0x4], $0x80, s26, s18, $0xb8;
	[tilespmem:$0x1D380] =	vst v63  }
0xb5: {  	_ =	swait.ge [sflag:s28], $0x2800  }
0xb6: {  	[sflag:s28] =	ssyncset.done $0x0  }
0xb7: {  	[sflag:s28] =	ssyncadd.s32 $0xFFFFD800  }
0xb8: {  	v0 =	vld [tilespmem:s11+$0x180];
	_ =	sdelay $0x4  }
0xb9: {  	[tilespmem:$0x2000] =	vst v0  }
0xba: {  	v0 =	vld [tilespmem:s11+$0x190];
	_ =	sdelay $0x4  }
0xbb: {  	[tilespmem:$0x2010] =	vst v0  }
0xbc: {  	v0 =	vld [tilespmem:s11+$0x1A0];
	_ =	sdelay $0x4  }
0xbd: {  	[tilespmem:$0x2020] =	vst v0  }
0xbe: {  	v0 =	vld [tilespmem:s11+$0x1B0];
	_ =	sdelay $0x4  }
0xbf: {  	[tilespmem:$0x2030] =	vst v0  }
0xc0: {  	v0 =	vld [tilespmem:s11+$0x1C0];
	_ =	sdelay $0x4  }
0xc1: {  	[tilespmem:$0x2040] =	vst v0  }
0xc2: {  	[tilespmem:s20], [sflag:$0x1] =	stream.indirect.gather [hbm4b:s4+s18], $0x80, s19, s18, $0xb8;
	[tilespmem:$0x1D380] =	vst v63  }
0xc3: {  	_ =	swait.ge [sflag:s29], $0x2800  }
0xc4: {  	[sflag:s29] =	ssyncset.done $0x0  }
0xc5: {  	[sflag:s29] =	ssyncadd.s32 $0xFFFFD800  }
0xc6: {  	v0 =	vld [tilespmem:s11+$0x1080];
	_ =	sdelay $0x4  }
0xc7: {  	[tilespmem:$0x2200] =	vst v0  }
0xc8: {  	v0 =	vld [tilespmem:s11+$0x1090];
	_ =	sdelay $0x4  }
0xc9: {  	[tilespmem:$0x2210] =	vst v0  }
0xca: {  	v0 =	vld [tilespmem:s11+$0x10A0];
	_ =	sdelay $0x4  }
0xcb: {  	[tilespmem:$0x2220] =	vst v0  }
0xcc: {  	v0 =	vld [tilespmem:s11+$0x10B0];
	_ =	sdelay $0x4  }
0xcd: {  	[tilespmem:$0x2230] =	vst v0  }
0xce: {  	v0 =	vld [tilespmem:s11+$0x10C0];
	_ =	sdelay $0x4  }
0xcf: {  	[tilespmem:$0x2240] =	vst v0  }
0xd0: {  	[spmem:s1] =	stream.indirect.scatter.add.f32 [tilespmem:s22], [sflag:$0x5], $0x80, s30, s18, $0xb8;
	[tilespmem:$0x1D380] =	vst v63  }
0xd1: {  	_ =	swait.ge [sflag:s31], $0x2800  }
0xd2: {  	p2 =	seq.s32 s5, $0x2A00;
	[sflag:s31] =	ssyncset.done $0x0  }
0xd3: {  	s14 =	sshra.s32 @!p2 s5, $0x2;
	s5 =	smov.u32 s13;
	[sflag:s31] =	ssyncadd.s32 $0xFFFFD800  }
0xd4: {  	v0 =	vld @!p2 [tilespmem:s14+$0x200];
	_ =	sdelay $0x4  }
0xd5: {  	[tilespmem:$0x2080] =	vst @!p2 v0  }
0xd6: {  	v0 =	vld @!p2 [tilespmem:s14+$0x210];
	_ =	sdelay $0x4  }
0xd7: {  	[tilespmem:$0x2090] =	vst @!p2 v0  }
0xd8: {  	v0 =	vld @!p2 [tilespmem:s14+$0x220];
	_ =	sdelay $0x4  }
0xd9: {  	[tilespmem:$0x20A0] =	vst @!p2 v0  }
0xda: {  	v0 =	vld @!p2 [tilespmem:s14+$0x230];
	_ =	sdelay $0x4  }
0xdb: {  	[tilespmem:$0x20B0] =	vst @!p2 v0  }
0xdc: {  	v0 =	vld @!p2 [tilespmem:s14+$0x240];
	_ =	sdelay $0x4  }
0xdd: {  	s13 =	simm.s32 @!p2 $0x50;
	s15 =	simm.s32 @!p2 $0x4B00;
	s14 =	simm.s32 @!p2 $0x2080;
	[tilespmem:$0x20C0] =	vst @!p2 v0  }
0xde: {  	[tilespmem:s15], [sflag:$0x2] =	stream.indirect.gather @!p2 [hbm4b:s4+s13], $0x80, s14, s13, $0xb8;
	[tilespmem:$0x1D380] =	vst v63  }
0xdf: {  	_ =	swait.ge [sflag:s0], $0x2800  }
0xe0: {  	[sflag:s0] =	ssyncset.done $0x0  }
0xe1: {  	[sflag:s0] =	ssyncadd.s32 $0xFFFFD800  }
0xe2: {  	v0 =	vld [tilespmem:s11+$0x1100];
	_ =	sdelay $0x4  }
0xe3: {  	[tilespmem:$0x2280] =	vst v0  }
0xe4: {  	v0 =	vld [tilespmem:s11+$0x1110];
	_ =	sdelay $0x4  }
0xe5: {  	[tilespmem:$0x2290] =	vst v0  }
0xe6: {  	v0 =	vld [tilespmem:s11+$0x1120];
	_ =	sdelay $0x4  }
0xe7: {  	[tilespmem:$0x22A0] =	vst v0  }
0xe8: {  	v0 =	vld [tilespmem:s11+$0x1130];
	_ =	sdelay $0x4  }
0xe9: {  	[tilespmem:$0x22B0] =	vst v0  }
.Ltmp0:
0xea: {  	v0 =	vld [tilespmem:s11+$0x1140];
	(pc) =	sbr.rel @p1 .LBB2_3-.Ltmp0, $2  }
0xeb: {  	_ =	sdelay $0x2  }
0xec: {  	p2 =	seq.s32 s5, $0x0  }
0xed: {  	s11 =	simm.s32 @!p2 $0x6;
	[tilespmem:$0x22C0] =	vst v0  }
0xee: {  	[spmem:s1] =	stream.indirect.scatter.add.f32 [tilespmem:s24], [sflag:$0x6], $0x80, s2, s18, $0xb8;
	[tilespmem:$0x1D380] =	vst v63  }
0xef: {  	_ =	swait.ge @!p2 [sflag:s11], $0x2800  }
0xf0: {  	[sflag:s11] =	ssyncset.done @!p2 $0x0  }
0xf1: {  	s15 =	sshra.s32 s5, $0x2;
	[sflag:s11] =	ssyncadd.s32 @!p2 $0xFFFFD800  }
0xf2: {  	v58 =	vld [tilespmem:s15+$0x100];
	_ =	sdelay $0x4  }
0xf3: {  	[tilespmem:$0x2100] =	vst v58  }
0xf4: {  	v0 =	vld [tilespmem:s15+$0x110];
	_ =	sdelay $0x4  }
0xf5: {  	[tilespmem:$0x2110] =	vst v0  }
0xf6: {  	v0 =	vld [tilespmem:s15+$0x120];
	_ =	sdelay $0x4  }
0xf7: {  	[tilespmem:$0x2120] =	vst v0  }
0xf8: {  	v0 =	vld [tilespmem:s15+$0x130];
	_ =	sdelay $0x4  }
0xf9: {  	[tilespmem:$0x2130] =	vst v0  }
0xfa: {  	v0 =	vld [tilespmem:s15+$0x140];
	_ =	sdelay $0x4  }
0xfb: {  	[tilespmem:$0x2140] =	vst v0  }
0xfc: {  	[tilespmem:s24], [sflag:$0x3] =	stream.indirect.gather [hbm4b:s4+s18], $0x80, s23, s18, $0xb8;
	[tilespmem:$0x1D380] =	vst v63  }
0xfd: {  	_ =	swait.ge [sflag:s25], $0x2800  }
0xfe: {  	[sflag:s25] =	ssyncset.done $0x0  }
0xff: {  	[sflag:s25] =	ssyncadd.s32 $0xFFFFD800  }
0x100: {  	v59 =	vld [tilespmem:s15+$0x1000];
	_ =	sdelay $0x4  }
0x101: {  	[tilespmem:$0x2180] =	vst v59  }
0x102: {  	v0 =	vld [tilespmem:s15+$0x1010];
	_ =	sdelay $0x4  }
0x103: {  	[tilespmem:$0x2190] =	vst v0  }
0x104: {  	v0 =	vld [tilespmem:s15+$0x1020];
	_ =	sdelay $0x4  }
0x105: {  	[tilespmem:$0x21A0] =	vst v0  }
0x106: {  	v0 =	vld [tilespmem:s15+$0x1030];
	_ =	sdelay $0x4  }
0x107: {  	[tilespmem:$0x21B0] =	vst v0  }
0x108: {  	v0 =	vld [tilespmem:s15+$0x1040];
	_ =	sdelay $0x4  }
0x109: {  	[tilespmem:$0x21C0] =	vst v0  }
0x10a: {  	[spmem:s1] =	stream.indirect.scatter.add.f32 [tilespmem:s20], [sflag:$0x4], $0x80, s26, s18, $0xb8;
	[tilespmem:$0x1D380] =	vst v63  }
0x10b: {  	_ =	swait.ge [sflag:s28], $0x2800  }
0x10c: {  	[sflag:s28] =	ssyncset.done $0x0  }
0x10d: {  	[sflag:s28] =	ssyncadd.s32 $0xFFFFD800  }
0x10e: {  	v60 =	vld [tilespmem:s15+$0x180];
	_ =	sdelay $0x4  }
0x10f: {  	[tilespmem:$0x2000] =	vst v60  }
0x110: {  	v0 =	vld [tilespmem:s15+$0x190];
	_ =	sdelay $0x4  }
0x111: {  	[tilespmem:$0x2010] =	vst v0  }
0x112: {  	v0 =	vld [tilespmem:s15+$0x1A0];
	_ =	sdelay $0x4  }
0x113: {  	[tilespmem:$0x2020] =	vst v0  }
0x114: {  	v0 =	vld [tilespmem:s15+$0x1B0];
	_ =	sdelay $0x4  }
0x115: {  	[tilespmem:$0x2030] =	vst v0  }
0x116: {  	v0 =	vld [tilespmem:s15+$0x1C0];
	_ =	sdelay $0x4  }
0x117: {  	[tilespmem:$0x2040] =	vst v0  }
0x118: {  	[tilespmem:s20], [sflag:$0x1] =	stream.indirect.gather [hbm4b:s4+s18], $0x80, s19, s18, $0xb8;
	[tilespmem:$0x1D380] =	vst v63  }
0x119: {  	_ =	swait.ge [sflag:s29], $0x2800  }
0x11a: {  	[sflag:s29] =	ssyncset.done $0x0  }
0x11b: {  	[sflag:s29] =	ssyncadd.s32 $0xFFFFD800  }
0x11c: {  	v61 =	vld [tilespmem:s15+$0x1080];
	_ =	sdelay $0x4  }
0x11d: {  	[tilespmem:$0x2200] =	vst v61  }
0x11e: {  	v0 =	vld [tilespmem:s15+$0x1090];
	_ =	sdelay $0x4  }
0x11f: {  	[tilespmem:$0x2210] =	vst v0  }
0x120: {  	v0 =	vld [tilespmem:s15+$0x10A0];
	_ =	sdelay $0x4  }
0x121: {  	[tilespmem:$0x2220] =	vst v0  }
0x122: {  	v0 =	vld [tilespmem:s15+$0x10B0];
	_ =	sdelay $0x4  }
0x123: {  	[tilespmem:$0x2230] =	vst v0  }
0x124: {  	v0 =	vld [tilespmem:s15+$0x10C0];
	_ =	sdelay $0x4  }
0x125: {  	[tilespmem:$0x2240] =	vst v0  }
0x126: {  	[spmem:s1] =	stream.indirect.scatter.add.f32 [tilespmem:s22], [sflag:$0x5], $0x80, s30, s18, $0xb8;
	[tilespmem:$0x1D380] =	vst v63  }
0x127: {  	_ =	swait.ge [sflag:s31], $0x2800  }
0x128: {  	p1 =	seq.s32 s5, $0x2A00;
	[sflag:s31] =	ssyncset.done $0x0  }
0x129: {  	s5 =	sshra.s32 @!p1 s5, $0x2;
	[sflag:s31] =	ssyncadd.s32 $0xFFFFD800  }
0x12a: {  	v0 =	vld @!p1 [tilespmem:s5+$0x200];
	_ =	sdelay $0x4  }
0x12b: {  	[tilespmem:$0x2080] =	vst @!p1 v0  }
0x12c: {  	v0 =	vld @!p1 [tilespmem:s5+$0x210];
	_ =	sdelay $0x4  }
0x12d: {  	[tilespmem:$0x2090] =	vst @!p1 v0  }
0x12e: {  	v0 =	vld @!p1 [tilespmem:s5+$0x220];
	_ =	sdelay $0x4  }
0x12f: {  	[tilespmem:$0x20A0] =	vst @!p1 v0  }
0x130: {  	v0 =	vld @!p1 [tilespmem:s5+$0x230];
	_ =	sdelay $0x4  }
0x131: {  	[tilespmem:$0x20B0] =	vst @!p1 v0  }
0x132: {  	v0 =	vld @!p1 [tilespmem:s5+$0x240];
	_ =	sdelay $0x4  }
0x133: {  	s12 =	simm.s32 @!p1 $0x2080;
	s13 =	simm.s32 @!p1 $0x4B00;
	s5 =	simm.s32 @!p1 $0x50;
	[tilespmem:$0x20C0] =	vst @!p1 v0  }
0x134: {  	[tilespmem:s13], [sflag:$0x2] =	stream.indirect.gather @!p1 [hbm4b:s4+s5], $0x80, s12, s5, $0xb8;
	[tilespmem:$0x1D380] =	vst v63  }
0x135: {  	_ =	swait.ge [sflag:s0], $0x2800  }
0x136: {  	[sflag:s0] =	ssyncset.done $0x0  }
0x137: {  	[sflag:s0] =	ssyncadd.s32 $0xFFFFD800  }
0x138: {  	v62 =	vld [tilespmem:s15+$0x1100];
	_ =	sdelay $0x4  }
0x139: {  	[tilespmem:$0x2280] =	vst v62  }
0x13a: {  	v0 =	vld [tilespmem:s15+$0x1110];
	_ =	sdelay $0x4  }
0x13b: {  	[tilespmem:$0x2290] =	vst v0  }
0x13c: {  	v0 =	vld [tilespmem:s15+$0x1120];
	_ =	sdelay $0x4  }
0x13d: {  	[tilespmem:$0x22A0] =	vst v0  }
0x13e: {  	v0 =	vld [tilespmem:s15+$0x1130];
	_ =	sdelay $0x4  }
0x13f: {  	[tilespmem:$0x22B0] =	vst v0  }
0x140: {  	v0 =	vld [tilespmem:s15+$0x1140];
	_ =	sdelay $0x4  }
0x141: {  	[tilespmem:$0x22C0] =	vst v0  }
0x142: {  	[spmem:s1] =	stream.indirect.scatter.add.f32 [tilespmem:s24], [sflag:$0x6], $0x80, s2, s18, $0xb8;
	[tilespmem:$0x1D380] =	vst v63  }
0x143: {  	_ =	swait.ge [sflag:s25], $0x2800  }
0x144: {  	[sflag:s25] =	ssyncset.done $0x0  }
0x145: {  	[sflag:s25] =	ssyncadd.s32 $0xFFFFD800  }
0x146: {  	v63 =	vld [tilespmem:$0x1C00]  }
0x147: {  	v1 =	vld [tilespmem:$0x1C10]  }
0x148: {  	v2 =	vld [tilespmem:$0x1C20]  }
0x149: {  	v3 =	vld [tilespmem:$0x1C30]  }
0x14a: {  	v4 =	vld [tilespmem:$0x1C40]  }
0x14b: {  	[tilespmem:$0x2180] =	vst v63  }
0x14c: {  	[tilespmem:$0x2190] =	vst v1  }
0x14d: {  	[tilespmem:$0x21A0] =	vst v2  }
0x14e: {  	[tilespmem:$0x21B0] =	vst v3  }
0x14f: {  	s9 =	sadd.s32 $0x1, s9;
	[tilespmem:$0x21C0] =	vst v4  }
0x150: {  	[spmem:s1] =	stream.indirect.scatter.add.f32 [tilespmem:s20], [sflag:$0x4], $0x80, s26, s18, $0xb8;
	[tilespmem:$0x1D380] =	vst v63  }
0x151: {  	p1 =	sne.s32 s9, $0x5;
	_ =	swait.ge [sflag:s8], $0x2800  }
.Ltmp1:
0x152: {  	[sflag:s8] =	ssyncset.done $0x0;
	(pc) =	sbr.rel @p1 .LBB2_2-.Ltmp1, $4  }
0x153: {  	[sflag:s8] =	ssyncadd.s32 $0xFFFFD800  }
0x154: {  	_ =	swait.ge [sflag:s28], $0x2800  }
0x155: {  	[sflag:s28] =	ssyncset.done $0x0  }
0x156: {  	[sflag:s28] =	ssyncadd.s32 $0xFFFFD800  }
0x157: {  	[bflag:$0x0] =	sbarrier.arrive $0xFFFF  }
0x158: {  	s11 =	rddreg [dreg:$0x6]  }
0x159: {  	s9 =	simm.s32 @p0 $0x1FC7;
	s12 =	rddreg [dreg:$0x8];
	s5 =	sadd.s32 @p0 $0x25800, s11  }
0x15a: {  	[hbm:s5], [sflag:s9] =	dma.local @p0 [spmem:s12], $0x1900  }
0x15b: {  	s5 =	simm.s32 @p0 $0x7  }
0x15c: {  	_ =	swait.ge @p0 [sflag:s5], $0x1900  }
0x15d: {  	[sflag:s5] =	ssyncset.done @p0 $0x0;
	s13 =	rddreg [dreg:$0x9]  }
0x15e: {  	[sflag:s5] =	ssyncadd.s32 @p0 $0xFFFFE700;
	s5 =	rddreg [dreg:$0x3]  }
0x15f: {  	s5 =	sadd.s32 @!p0 s5, s11;
	s11 =	rddreg [dreg:$0xa]  }
0x160: {  	[hbm:s5], [sflag:s13] =	dma.local @!p0 [spmem:s11], $0x2800  }
0x161: {  	s5 =	simm.s32 @!p0 $0x7  }
0x162: {  	_ =	swait.ge @!p0 [sflag:s5], $0x2800  }
0x163: {  	s3 =	sadd.s32 $0x1, s3;
	s15 =	rddreg [dreg:$0x7]  }
0x164: {  	p1 =	sne.s32 s3, s15  }
.Ltmp2:
0x165: {  	_ = 	snop;
	(pc) =	sbr.rel @p1 .LBB2_1-.Ltmp2, $3  }
0x166: {  	_ =	sdelay $0x1  }
0x167: {  	[sflag:s5] =	ssyncset.done @!p0 $0x0  }
0x168: {  	[sflag:s5] =	ssyncadd.s32 @!p0 $0xFFFFD800  }
0x169: {  	_ =	sfence.sel $0x180000  }
0x16a: {  	[bflag:$0x0] =	sbarrier.arrive $0xFFFF  }
0x16b: {  	_ =	strace $0x9000004A  }
0x16c: {  	s0 =	stileid.u32;
	[bflag:$0x2] =	sbarrier.arrive $0xFFFF  }
0x16d: {  	p0 =	sne.s32 s0, $0x0;
	s0 =	rddreg [dreg:$0x2]  }
0x16e: {  	s0 =	sadd.s32 @!p0 $0x100000, s0  }
0x16f: {  	[sflag:s0] =	ssyncadd.tile.s32 @!p0 $0x1;
	_ =	shalt  }
.Lfunc_end2:
_tile_overlayer_lowered:
.L_overlay_start_2:
0x170: {  	(tag) =	ssettag $0x2  }
0x171: {  	s0 =	rddreg [dreg:$0x0];
	s2 =	stileid.u32  }
0x172: {  	s1 =	rddreg [dreg:$0x1];
	p0 =	sne.s32 s2, $0x0  }
0x173: {  	s3 =	rddreg [dreg:$0x2];
	[bflag:$0x3] =	sbarrier.arrive $0xFFFF;
	s2 =	simm.s32 @!p0 $0x1C07  }
0x174: {  	[timem:s3], [sflag:s2] =	dma.local @!p0 [hbm:s0], s1  }
0x175: {  	s0 =	simm.s32 @!p0 $0x7  }
0x176: {  	_ =	swait.ge @!p0 [sflag:s0], s1  }
0x177: {  	s1 =	ssub.s32 @!p0 $0x0, s1;
	[sflag:s0] =	ssyncset.done @!p0 $0x0  }
0x178: {  	[sflag:s0] =	ssyncadd.s32 @!p0 s1  }
0x179: {  	[bflag:$0x3] =	sbarrier.arrive $0xFFFF  }
0x17a: {  	_ =	shalt  }

// kernel: kernel.14.cloned.1.call-start
scs
__scs_entry_jumppad:
0x0: {  	(pc) =	sbr.rel $0x88, $3  }
0x1: {  	(tag) =	ssettag $0x0;
	lr =	simm.s32 $0x1  }
0x2: {  	[smem:$0x3F98] =	sst lr;
	_ =	strace $0xD0000000  }
0x3: {  	_ = 	snop  }
0x4: {  	_ = 	snop  }
0x5: {  	_ = 	snop  }
0x6: {  	_ = 	snop  }
0x7: {  	_ = 	snop  }
__scs_overlays_trampoline_lowered:
0x8: {  	[smem:$0x3FA7] =	sst s0  }
0x9: {  	[smem:$0x3FA8] =	sst s1  }
0xa: {  	[smem:$0x3FA9] =	sst s2  }
0xb: {  	[smem:$0x3FAA] =	sst s3  }
0xc: {  	[smem:$0x3FAB] =	sst s4  }
0xd: {  	[smem:$0x3FAC] =	sst s5  }
0xe: {  	[smem:$0x3FAD] =	sst s6  }
0xf: {  	[smem:$0x3FAE] =	sst s7  }
0x10: {  	[smem:$0x3FAF] =	sst s8  }
0x11: {  	[smem:$0x3FB0] =	sst s9;
	s0 =	simm.s32 @!p0 $0x0  }
0x12: {  	s1 =	sld [smem:$0x3F96];
	s0 =	simm.s32 @p0 $0x1  }
0x13: {  	[smem:$0x3FB1] =	sst s0;
	s0 =	simm.s32 @!p1 $0x0  }
0x14: {  	s2 =	sld [smem:$0x3F95];
	s0 =	simm.s32 @p1 $0x1  }
0x15: {  	[smem:$0x3FB2] =	sst s0;
	s0 =	simm.s32 @!p2 $0x0  }
0x16: {  	s3 =	sld [smem:$0x3FDB];
	s0 =	simm.s32 @p2 $0x1  }
0x17: {  	s4 =	simm.s32 $0x1BF5;
	[smem:$0x3FB4] =	sst s0  }
0x18: {  	s0 =	sld [smem:$0x3F97];
	_ =	swait.ge [sflag:s4], $0x0  }
0x19: {  	s7 =	sld [smem:$0x3F98]  }
0x1a: {  	s8 =	sadd.s32 $0xFFFFE003, lr  }
0x1b: {  	s9 =	sadd.s32 $0xFFFFFEF7, lr;
	s5 =	simm.s32 $0xFFFFFFFF;
	p2 =	slt.u32 s8, $0xFFFFF086  }
0x1c: {  	p1 =	slt.u32 s9, $0xF7A;
	s5 =	simm.s32 @!p2 $0x0  }
0x1d: {  	s5 =	simm.s32 @p1 $0x1;
	p0 =	seq.s32 s7, s2  }
0x1e: {  	s7 =	smul.u32 @!p0 $0xF7A, s2;
	p2 =	seq.s32 @!p0 s5, $0x0  }
0x1f: {  	s9 =	smul.u32 $0xF7A, s1;
	s8 =	simm.s32 @!p0 $0x1BF5;
	p2 =	por !p2, p0  }
0x20: {  	[sflag:s8] =	ssyncset.s32 @!p0 $0xFFFFF086;
	s6 =	sadd.s32 @!p0 s3, s7;
	s7 =	simm.s32 @!p0 $0x108  }
0x21: {  	s3 =	sadd.s32 s3, s9;
	s6 =	sadd.s32 @!p0 $0x88, s6;
	s7 =	simm.s32 @p2 $0x1082  }
0x22: {  	[simem:s7], [sflag:s8] =	dma.local @!p0 [hbm:s6], $0xF7A  }
0x23: {  	s9 =	sor.u32 $0xD0000000, s2;
	s6 =	simm.s32 $0x108;
	_ =	swait.ge @!p0 [sflag:s8], $0x0  }
0x24: {  	s3 =	sadd.s32 $0x88, s3;
	s6 =	simm.s32 @!p1 $0x1082;
	[sflag:s4] =	ssyncset.s32 $0xFFFFF086  }
0x25: {  	[simem:s6], [sflag:s4] =	dma.local [hbm:s3], $0xF7A  }
0x26: {  	[smem:$0x3F98] =	sst s1;
	(tag) =	ssettag s2;
	_ =	strace s9  }
0x27: {  	s1 =	sld [smem:$0x3FA8]  }
0x28: {  	s2 =	sld [smem:$0x3FA9]  }
0x29: {  	s4 =	sld [smem:$0x3FAB]  }
0x2a: {  	p0 =	seq.s32 s5, $0x0;
	s5 =	sld [smem:$0x3FAC]  }
0x2b: {  	s6 =	sld [smem:$0x3FAD]  }
0x2c: {  	s7 =	sld [smem:$0x3FAE]  }
0x2d: {  	s3 =	simm.s32 $0x108;
	s8 =	sld [smem:$0x3FAF]  }
0x2e: {  	s3 =	simm.s32 @!p0 $0x1082;
	s9 =	sld [smem:$0x3FB0]  }
0x2f: {  	lr =	sadd.s32 s0, s3;
	s0 =	sld [smem:$0x3FA7]  }
0x30: {  	s3 =	sld [smem:$0x3FAA]  }
0x31: {  	[smem:$0x3FB3] =	sst s10  }
0x32: {  	s10 =	sld [smem:$0x3FB1];
	_ =	sdelay $0x3  }
0x33: {  	p0 =	seq.s32 s10, $0x1;
	s10 =	sld [smem:$0x3FB3];
	_ =	sdelay $0x3  }
0x34: {  	[smem:$0x3FB3] =	sst s10  }
0x35: {  	s10 =	sld [smem:$0x3FB2];
	_ =	sdelay $0x3  }
0x36: {  	p1 =	seq.s32 s10, $0x1;
	s10 =	sld [smem:$0x3FB3];
	_ =	sdelay $0x3  }
0x37: {  	[smem:$0x3FB3] =	sst s10  }
0x38: {  	s10 =	sld [smem:$0x3FB4]  }
0x39: {  	_ = 	snop;
	(pc) =	sbr.ind lr, $3  }
0x3a: {  	_ = 	snop  }
0x3b: {  	_ = 	snop  }
0x3c: {  	p2 =	seq.s32 s10, $0x1;
	s10 =	sld [smem:$0x3FB3]  }
0x3d: {  	_ =	shalt  }
0x3e: {  	_ =	shalt  }
0x3f: {  	_ =	shalt  }
0x40: {  	_ =	shalt  }
0x41: {  	_ =	shalt  }
0x42: {  	_ =	shalt  }
0x43: {  	_ =	shalt  }
0x44: {  	_ =	shalt  }
0x45: {  	_ =	shalt  }
0x46: {  	_ =	shalt  }
0x47: {  	_ =	shalt  }
0x48: {  	_ =	shalt  }
0x49: {  	_ =	shalt  }
0x4a: {  	_ =	shalt  }
0x4b: {  	_ =	shalt  }
0x4c: {  	_ =	shalt  }
0x4d: {  	_ =	shalt  }
0x4e: {  	_ =	shalt  }
0x4f: {  	_ =	shalt  }
0x50: {  	_ =	shalt  }
0x51: {  	_ =	shalt  }
0x52: {  	_ =	shalt  }
0x53: {  	_ =	shalt  }
0x54: {  	_ =	shalt  }
0x55: {  	_ =	shalt  }
0x56: {  	_ =	shalt  }
0x57: {  	_ =	shalt  }
0x58: {  	_ =	shalt  }
0x59: {  	_ =	shalt  }
0x5a: {  	_ =	shalt  }
0x5b: {  	_ =	shalt  }
0x5c: {  	_ =	shalt  }
0x5d: {  	_ =	shalt  }
0x5e: {  	_ =	shalt  }
0x5f: {  	_ =	shalt  }
0x60: {  	_ =	shalt  }
0x61: {  	_ =	shalt  }
0x62: {  	_ =	shalt  }
0x63: {  	_ =	shalt  }
0x64: {  	_ =	shalt  }
0x65: {  	_ =	shalt  }
0x66: {  	_ =	shalt  }
0x67: {  	_ =	shalt  }
0x68: {  	_ =	shalt  }
0x69: {  	_ =	shalt  }
0x6a: {  	_ =	shalt  }
0x6b: {  	_ =	shalt  }
0x6c: {  	_ =	shalt  }
0x6d: {  	_ =	shalt  }
0x6e: {  	_ =	shalt  }
0x6f: {  	_ =	shalt  }
0x70: {  	_ =	shalt  }
0x71: {  	_ =	shalt  }
0x72: {  	_ =	shalt  }
0x73: {  	_ =	shalt  }
0x74: {  	_ =	shalt  }
0x75: {  	_ =	shalt  }
0x76: {  	_ =	shalt  }
0x77: {  	_ =	shalt  }
0x78: {  	_ =	shalt  }
0x79: {  	_ =	shalt  }
0x7a: {  	_ =	shalt  }
0x7b: {  	_ =	shalt  }
0x7c: {  	_ =	shalt  }
0x7d: {  	_ =	shalt  }
0x7e: {  	_ =	shalt  }
0x7f: {  	_ =	shalt  }
0x80: {  	_ =	shalt  }
0x81: {  	_ =	shalt  }
0x82: {  	_ =	shalt  }
0x83: {  	_ =	shalt  }
0x84: {  	_ =	shalt  }
0x85: {  	_ =	shalt  }
0x86: {  	_ =	shalt  }
0x87: {  	_ =	shalt  }
.Lfunc_end0:
.L_simem_size_0:
called_computation.2_lowered:
.L_overlay_start_0:
0x88: {  	s2 =	sld [smem:$0x3FD9]  }
0x89: {  	s3 =	sld [smem:$0x3FFE];
	_ =	sdelay $0x1  }
0x8a: {  	s1 =	srdreg.scid  }
0x8b: {  	s0 =	sand.u32 $0x1, s1  }
0x8c: {  	s16 =	sshll.u32 s0, $0xA;
	s2 =	sadd.s32 s3, s2  }
0x8d: {  	s2 =	sadd.s32 s2, s16  }
0x8e: {  	[smem:$0x3FBF] =	sst s2  }
0x8f: {  	_ = 	snop  }
0x90: {  	(tm) =	ssettm $0x1  }
0x91: {  	s17 =	sld [smem:$0x3FFB];
	_ =	sdelay $0x3  }
0x92: {  	_ =	strace s17  }
0x93: {  	s2 =	sld [smem:$0x3FFC];
	_ =	sdelay $0x3  }
0x94: {  	_ =	strace s2  }
0x95: {  	s2 =	sld [smem:$0x3FFD];
	_ =	sdelay $0x3  }
0x96: {  	_ =	strace s2  }
0x97: {  	_ =	strace $0x8FFFFFFF  }
0x98: {  	s18 =	sld [smem:$0x3FDB];
	_ =	sdelay $0x1  }
0x99: {  	s19 =	simm.s32 $_scs_section_size  }
0x9a: {  	s4 =	simm.s32 $_size__tile_overlayer_lowered;
	s5 =	simm.s32 $_tile_overlayer_lowered  }
0x9b: {  	s22 =	simm.s32 $0x1BFF;
	s21 =	sshll.u32 s5, $0x1;
	s2 =	sadd.s32 s19, s18  }
0x9c: {  	s6 =	simm.s32 $0x0;
	s20 =	sshll.u32 s4, $0x1;
	s4 =	sadd.s32 s21, s2  }
0x9d: {  	[timem:s6], [sflag:s22] =	dma.local [hbm:s4], s20  }
0x9e: {  	_ =	swait.ge [sflag:s22], s20  }
0x9f: {  	s3 =	ssub.s32 $0x0, s20;
	[sflag:s22] =	ssyncset.done $0x0  }
0xa0: {  	[sflag:s22] =	ssyncadd.s32 s3;
	_ =	sdelay $0x1  }
0xa1: {  	s23 =	simm.s32 $0x1B8B  }
0xa2: {  	_ =	swait.ge [sflag:s23], $0x1  }
0xa3: {  	[sflag:s23] =	ssyncset.done $0x0  }
0xa4: {  	s25 =	simm.s32 $0x1B8E;
	s24 =	sld [smem:$0x3FFE];
	[sflag:s23] =	ssyncadd.s32 $0xFFFFFFFF  }
0xa5: {  	s26 =	simm.s32 $execute0_lowered;
	[smem:$0x3FD2] =	sst s25  }
0xa6: {  	s4 =	sshll.u32 s26, $0x1;
	_ =	strace $0x8000004C;
	[dreg:$0x1] =	wrdreg $0xFFFFFFFF  }
0xa7: {  	s28 =	simm.s32 $_size_execute0_lowered;
	s2 =	sadd.s32 s2, s4;
	[dreg:$0x0] =	wrdreg $0x0  }
0xa8: {  	s4 =	sshll.u32 s28, $0x1;
	[dreg:$0x2] =	wrdreg s2  }
0xa9: {  	[dreg:$0x3] =	wrdreg s4  }
0xaa: {  	[dreg:$0x4] =	wrdreg $0xC0  }
0xab: {  	_ =	task [dreg:s6], $0x5FFFF  }
0xac: {  	[dreg:$0x1] =	wrdreg $0xFFFFFFFF  }
0xad: {  	[dreg:$0x0] =	wrdreg $0x60  }
0xae: {  	[dreg:$0x2] =	wrdreg s24  }
0xaf: {  	[dreg:$0x3] =	wrdreg $0x9B000  }
0xb0: {  	[dreg:$0x4] =	wrdreg $0x9  }
0xb1: {  	_ =	task.clear_ibuf [dreg:s6], $0x5FFFF;
	_ =	strace $0x9000004C  }
0xb2: {  	s29 =	simm.s32 $0x9;
	_ =	strace $0x8000004E  }
0xb3: {  	_ =	swait.ge [sflag:s29], $0x1  }
0xb4: {  	[sflag:s29] =	ssyncadd.s32 $0xFFFFFFFF  }
0xb5: {  	_ =	strace $0x9000004E  }
0xb6: {  	_ =	sfence  }
0xb7: {  	s30 =	sld [smem:$0x0];
	_ =	sdelay $0x2  }
0xb8: {  	s31 =	sshll.u32 s1, $0xD;
	s1 =	sshrl.u32 s1, $0x2  }
0xb9: {  	s3 =	sand.u32 $0x4000, s31;
	s1 =	sadd.s32 s1, s30  }
0xba: {  	s0 =	sor.u32 s3, s0;
	s1 =	sshll.u32 s1, $0x11  }
0xbb: {  	s0 =	sor.u32 s1, s0  }
0xbc: {  	s0 =	sadd.s32 $0x8F2B, s0  }
0xbd: {  	[sflag:s0] =	ssyncadd.remote.s32 $0x1  }
0xbe: {  	_ =	sfence.sel $0xFFFF  }
0xbf: {  	[dreg:$0x0] =	wrdreg $0xFFFFFFFF;
	(pc) =	sbr.abs _section_cstart, $3  }
0xc0: {  	[dreg:$0x1] =	wrdreg $0xFFFFFFFF  }
0xc1: {  	_ =	task.clear_ibuf [dreg:s6], $0x2FFFF;
	_ =	strace $0x9FFFFFFF  }
0xc2: {  	(tm) =	ssettm $0x7FFFFFFF  }
0xc3: {  	_ =	shalt  }
tec
execute0_lowered:
.L_overlay_start_1:
0x0: {  	(tag) =	ssettag $0x1  }
0x1: {  	s0 =	rddreg [dreg:$0x0]  }
0x2: {  	s1 =	rddreg [dreg:$0x1];
	s3 =	simm.s32 $0x0  }
0x3: {  	s12 =	stileid.u32;
	s2 =	srdreg.scid;
	s16 =	simm.s32 $0x7  }
0x4: {  	s17 =	simm.s32 $0x1000;
	s18 =	simm.s32 $0x50;
	s19 =	simm.s32 $0x2000  }
0x5: {  	s20 =	simm.s32 $0x2300;
	s21 =	simm.s32 $0x2080;
	s22 =	simm.s32 $0x4B00  }
0x6: {  	s23 =	simm.s32 $0x2100;
	s24 =	simm.s32 $0x7300;
	s28 =	simm.s32 $0x4  }
0x7: {  	s29 =	simm.s32 $0x2;
	s30 =	simm.s32 $0x2200;
	s31 =	simm.s32 $0x5  }
0x8: {  	[smem:$0x7FF] =	sst s3;
	s4 =	sadd.s32 $0x39C00, s0;
	s8 =	smul.u32 $0x2800, s12  }
0x9: {  	s2 =	sand.u32 $0x1, s2;
	s6 =	sadd.s32 $0x9C400, s0;
	s7 =	sadd.s32 $0x88400, s0  }
0xa: {  	s10 =	smul.u32 $0x50000, s12;
	p0 =	seq.s32 s12, $0xF;
	_ =	strace $0x8000004D  }
0xb: {  	s5 =	smul.u32 $0x27100, s2;
	s9 =	ssub.s32 $0x2, s2;
	s2 =	sshll.u32 s2, $0x4  }
0xc: {  	[dreg:$0x3] =	wrdreg s8;
	s8 =	sadd.s32 s8, s0;
	s11 =	sshrl.u32 s9, $0x1  }
0xd: {  	s2 =	sor.u32 s12, s2;
	s10 =	sshrl.u32 s10, $0x2;
	s5 =	sadd.s32 s5, s0  }
0xe: {  	s9 =	ssub.s32 s9, s11;
	s11 =	sadd.s32 s10, s1;
	s8 =	sadd.s32 $0x12A00, s8  }
0xf: {  	s0 =	sadd.s32 $0x38200, s0;
	s10 =	smul.u32 $0x5000, s2;
	[dreg:$0x4] =	wrdreg s8  }
0x10: {  	s2 =	simm.s32 $0x2280;
	[dreg:$0x5] =	wrdreg s0;
	s25 =	sadd.s32 $0xB0400, s5  }
0x11: {  	s8 =	sadd.s32 $0x12C000, s1;
	s26 =	smax.u32 s9, $0x1;
	[dreg:$0x6] =	wrdreg s25  }
0x12: {  	s0 =	sshll.u32 @!p0 s12, $0x6;
	s11 =	sshrl.u32 @!p0 s11, $0x3;
	[dreg:$0x7] =	wrdreg s26  }
0x13: {  	s12 =	sshrl.u32 @p0 s8, $0x3;
	s13 =	sor.u32 @!p0 $0x1C07, s0;
	[dreg:$0xa] =	wrdreg s11  }
0x14: {  	s25 =	simm.s32 $0x1;
	s26 =	simm.s32 $0x2180;
	[dreg:$0x8] =	wrdreg s12  }
0x15: {  	s0 =	simm.s32 $0x3;
	s8 =	simm.s32 $0x6;
	[dreg:$0x9] =	wrdreg s13  }
.LBB2_1:
0x16: {  	s5 =	simm.s32 @p0 $0x1FC7;
	s9 =	rddreg [dreg:$0x5]  }
0x17: {  	[spmem:s12], [sflag:s5] =	dma.local @p0 [hbm:s9], $0x1900  }
0x18: {  	s5 =	simm.s32 @p0 $0x7  }
0x19: {  	_ =	swait.ge @p0 [sflag:s5], $0x1900  }
0x1a: {  	[sflag:s5] =	ssyncset.done @p0 $0x0  }
0x1b: {  	[sflag:s5] =	ssyncadd.s32 @p0 $0xFFFFE700;
	s5 =	rddreg [dreg:$0x4]  }
0x1c: {  	[spmem:s11], [sflag:s13] =	dma.local @!p0 [hbm:s5], $0x2800  }
0x1d: {  	s5 =	simm.s32 @!p0 $0x7  }
0x1e: {  	_ =	swait.ge @!p0 [sflag:s5], $0x2800  }
0x1f: {  	[sflag:s5] =	ssyncset.done @!p0 $0x0  }
0x20: {  	[sflag:s5] =	ssyncadd.s32 @!p0 $0xFFFFD800  }
0x21: {  	s9 =	simm.s32 $0x0;
	[bflag:$0x0] =	sbarrier.arrive $0xFFFF  }
.LBB2_2:
0x22: {  	s5 =	sshll.u32 s9, $0xC  }
0x23: {  	s5 =	sadd.s32 s10, s5  }
0x24: {  	s5 =	sshrl.u32 s5, $0x3  }
0x25: {  	s12 =	simm.s32 $0x0;
	s11 =	sadd.s32 s6, s5  }
0x26: {  	[tilespmem:s12], [sflag:$0x7] =	stream.linear.gather [hbm4b:s11+s12], $0xC80, $0x38;
	[tilespmem:$0x1D380] =	vst v63  }
0x27: {  	_ =	swait.ge [sflag:s16], $0xC80  }
0x28: {  	[sflag:s16] =	ssyncset.done $0x0  }
0x29: {  	s5 =	sadd.s32 s7, s5;
	[sflag:s16] =	ssyncadd.s32 $0xFFFFF380  }
0x2a: {  	[tilespmem:s17], [sflag:$0x7] =	stream.linear.gather [hbm4b:s5+s12], $0xC80, $0x38;
	[tilespmem:$0x1D380] =	vst v63  }
0x2b: {  	_ =	swait.ge [sflag:s16], $0xC80  }
0x2c: {  	[sflag:s16] =	ssyncset.done $0x0  }
0x2d: {  	[sflag:s16] =	ssyncadd.s32 $0xFFFFF380  }
0x2e: {  	v0 =	vld [tilespmem:$0x0]  }
0x2f: {  	v1 =	vld [tilespmem:$0x10]  }
0x30: {  	v2 =	vld [tilespmem:$0x20]  }
0x31: {  	v3 =	vld [tilespmem:$0x30]  }
0x32: {  	v4 =	vld [tilespmem:$0x40]  }
0x33: {  	[tilespmem:$0x2000] =	vst v0  }
0x34: {  	[tilespmem:$0x2010] =	vst v1  }
0x35: {  	[tilespmem:$0x2020] =	vst v2  }
0x36: {  	[tilespmem:$0x2030] =	vst v3  }
0x37: {  	[tilespmem:$0x2040] =	vst v4  }
0x38: {  	[tilespmem:s20], [sflag:$0x1] =	stream.indirect.gather [hbm4b:s4+s18], $0x80, s19, s18, $0xb8;
	[tilespmem:$0x1D380] =	vst v63  }
0x39: {  	v0 =	vld [tilespmem:$0x80]  }
0x3a: {  	v1 =	vld [tilespmem:$0x90]  }
0x3b: {  	v2 =	vld [tilespmem:$0xA0]  }
0x3c: {  	v3 =	vld [tilespmem:$0xB0]  }
0x3d: {  	v63 =	vld [tilespmem:$0xC0]  }
0x3e: {  	[tilespmem:$0x2080] =	vst v0  }
0x3f: {  	[tilespmem:$0x2090] =	vst v1  }
0x40: {  	[tilespmem:$0x20A0] =	vst v2  }
0x41: {  	p1 =	por $0x1, $0x1;
	[tilespmem:$0x20B0] =	vst v3  }
0x42: {  	s5 =	simm.s32 @!p1 $0x6;
	[tilespmem:$0x20C0] =	vst v63  }
0x43: {  	[tilespmem:s22], [sflag:$0x2] =	stream.indirect.gather [hbm4b:s4+s18], $0x80, s21, s18, $0xb8;
	[tilespmem:$0x1D380] =	vst v63  }
0x44: {  	_ =	swait.ge @!p1 [sflag:s5], $0x2800  }
0x45: {  	[sflag:s5] =	ssyncset.done @!p1 $0x0  }
0x46: {  	s15 =	simm.s32 $0x0;
	[sflag:s5] =	ssyncadd.s32 @!p1 $0xFFFFD800  }
0x47: {  	v0 =	vld [tilespmem:s15+$0x100];
	_ =	sdelay $0x4  }
0x48: {  	[tilespmem:$0x2100] =	vst v0  }
0x49: {  	v0 =	vld [tilespmem:s15+$0x110];
	_ =	sdelay $0x4  }
0x4a: {  	[tilespmem:$0x2110] =	vst v0  }
0x4b: {  	v0 =	vld [tilespmem:s15+$0x120];
	_ =	sdelay $0x4  }
0x4c: {  	[tilespmem:$0x2120] =	vst v0  }
0x4d: {  	v0 =	vld [tilespmem:s15+$0x130];
	_ =	sdelay $0x4  }
0x4e: {  	[tilespmem:$0x2130] =	vst v0  }
0x4f: {  	v0 =	vld [tilespmem:s15+$0x140];
	_ =	sdelay $0x4  }
0x50: {  	[tilespmem:$0x2140] =	vst v0  }
0x51: {  	[tilespmem:s24], [sflag:$0x3] =	stream.indirect.gather [hbm4b:s4+s18], $0x80, s23, s18, $0xb8;
	[tilespmem:$0x1D380] =	vst v63  }
0x52: {  	_ =	swait.ge [sflag:s25], $0x2800  }
0x53: {  	[sflag:s25] =	ssyncset.done $0x0  }
0x54: {  	[sflag:s25] =	ssyncadd.s32 $0xFFFFD800  }
0x55: {  	v0 =	vld [tilespmem:s15+$0x1000];
	_ =	sdelay $0x4  }
0x56: {  	[tilespmem:$0x2180] =	vst v0  }
0x57: {  	v0 =	vld [tilespmem:s15+$0x1010];
	_ =	sdelay $0x4  }
0x58: {  	[tilespmem:$0x2190] =	vst v0  }
0x59: {  	v0 =	vld [tilespmem:s15+$0x1020];
	_ =	sdelay $0x4  }
0x5a: {  	[tilespmem:$0x21A0] =	vst v0  }
0x5b: {  	v0 =	vld [tilespmem:s15+$0x1030];
	_ =	sdelay $0x4  }
0x5c: {  	[tilespmem:$0x21B0] =	vst v0  }
0x5d: {  	v0 =	vld [tilespmem:s15+$0x1040];
	_ =	sdelay $0x4  }
0x5e: {  	[tilespmem:$0x21C0] =	vst v0  }
0x5f: {  	[spmem:s1] =	stream.indirect.scatter.add.f32 [tilespmem:s20], [sflag:$0x4], $0x80, s26, s18, $0xb8;
	[tilespmem:$0x1D380] =	vst v63  }
0x60: {  	_ =	swait.ge [sflag:s28], $0x2800  }
0x61: {  	[sflag:s28] =	ssyncset.done $0x0  }
0x62: {  	[sflag:s28] =	ssyncadd.s32 $0xFFFFD800  }
0x63: {  	v0 =	vld [tilespmem:s15+$0x180];
	_ =	sdelay $0x4  }
0x64: {  	[tilespmem:$0x2000] =	vst v0  }
0x65: {  	v0 =	vld [tilespmem:s15+$0x190];
	_ =	sdelay $0x4  }
0x66: {  	[tilespmem:$0x2010] =	vst v0  }
0x67: {  	v0 =	vld [tilespmem:s15+$0x1A0];
	_ =	sdelay $0x4  }
0x68: {  	[tilespmem:$0x2020] =	vst v0  }
0x69: {  	v0 =	vld [tilespmem:s15+$0x1B0];
	_ =	sdelay $0x4  }
0x6a: {  	[tilespmem:$0x2030] =	vst v0  }
0x6b: {  	v0 =	vld [tilespmem:s15+$0x1C0];
	_ =	sdelay $0x4  }
0x6c: {  	[tilespmem:$0x2040] =	vst v0  }
0x6d: {  	[tilespmem:s20], [sflag:$0x1] =	stream.indirect.gather [hbm4b:s4+s18], $0x80, s19, s18, $0xb8;
	[tilespmem:$0x1D380] =	vst v63  }
0x6e: {  	_ =	swait.ge [sflag:s29], $0x2800  }
0x6f: {  	[sflag:s29] =	ssyncset.done $0x0  }
0x70: {  	[sflag:s29] =	ssyncadd.s32 $0xFFFFD800  }
0x71: {  	v0 =	vld [tilespmem:s15+$0x1080];
	_ =	sdelay $0x4  }
0x72: {  	[tilespmem:$0x2200] =	vst v0  }
0x73: {  	v0 =	vld [tilespmem:s15+$0x1090];
	_ =	sdelay $0x4  }
0x74: {  	[tilespmem:$0x2210] =	vst v0  }
0x75: {  	v0 =	vld [tilespmem:s15+$0x10A0];
	_ =	sdelay $0x4  }
0x76: {  	[tilespmem:$0x2220] =	vst v0  }
0x77: {  	v0 =	vld [tilespmem:s15+$0x10B0];
	_ =	sdelay $0x4  }
0x78: {  	[tilespmem:$0x2230] =	vst v0  }
0x79: {  	v0 =	vld [tilespmem:s15+$0x10C0];
	_ =	sdelay $0x4  }
0x7a: {  	[tilespmem:$0x2240] =	vst v0  }
0x7b: {  	[spmem:s1] =	stream.indirect.scatter.add.f32 [tilespmem:s22], [sflag:$0x5], $0x80, s30, s18, $0xb8;
	[tilespmem:$0x1D380] =	vst v63  }
0x7c: {  	_ =	swait.ge [sflag:s31], $0x2800  }
0x7d: {  	p1 =	por $0x0, $0x0;
	[sflag:s31] =	ssyncset.done $0x0  }
0x7e: {  	s5 =	simm.s32 @!p1 $0x0;
	[sflag:s31] =	ssyncadd.s32 $0xFFFFD800  }
0x7f: {  	v0 =	vld @!p1 [tilespmem:s5+$0x200];
	_ =	sdelay $0x4  }
0x80: {  	[tilespmem:$0x2080] =	vst @!p1 v0  }
0x81: {  	v0 =	vld @!p1 [tilespmem:s5+$0x210];
	_ =	sdelay $0x4  }
0x82: {  	[tilespmem:$0x2090] =	vst @!p1 v0  }
0x83: {  	v0 =	vld @!p1 [tilespmem:s5+$0x220];
	_ =	sdelay $0x4  }
0x84: {  	[tilespmem:$0x20A0] =	vst @!p1 v0  }
0x85: {  	v0 =	vld @!p1 [tilespmem:s5+$0x230];
	_ =	sdelay $0x4  }
0x86: {  	[tilespmem:$0x20B0] =	vst @!p1 v0  }
0x87: {  	v0 =	vld @!p1 [tilespmem:s5+$0x240];
	_ =	sdelay $0x4  }
0x88: {  	s12 =	simm.s32 @!p1 $0x2080;
	s13 =	simm.s32 @!p1 $0x4B00;
	s5 =	simm.s32 @!p1 $0x50;
	[tilespmem:$0x20C0] =	vst @!p1 v0  }
0x89: {  	[tilespmem:s13], [sflag:$0x2] =	stream.indirect.gather @!p1 [hbm4b:s4+s5], $0x80, s12, s5, $0xb8;
	[tilespmem:$0x1D380] =	vst v63  }
0x8a: {  	_ =	swait.ge [sflag:s0], $0x2800  }
0x8b: {  	[sflag:s0] =	ssyncset.done $0x0  }
0x8c: {  	[sflag:s0] =	ssyncadd.s32 $0xFFFFD800  }
0x8d: {  	v0 =	vld [tilespmem:s15+$0x1100];
	_ =	sdelay $0x4  }
0x8e: {  	[tilespmem:$0x2280] =	vst v0  }
0x8f: {  	v0 =	vld [tilespmem:s15+$0x1110];
	_ =	sdelay $0x4  }
0x90: {  	[tilespmem:$0x2290] =	vst v0  }
0x91: {  	v0 =	vld [tilespmem:s15+$0x1120];
	_ =	sdelay $0x4  }
0x92: {  	[tilespmem:$0x22A0] =	vst v0  }
0x93: {  	v0 =	vld [tilespmem:s15+$0x1130];
	_ =	sdelay $0x4  }
0x94: {  	[tilespmem:$0x22B0] =	vst v0  }
0x95: {  	v0 =	vld [tilespmem:s15+$0x1140];
	_ =	sdelay $0x3  }
0x96: {  	p2 =	por $0x0, $0x0;
	s5 =	simm.s32 $0x600;
	s12 =	simm.s32 $0xC00  }
.LBB2_3:
0x97: {  	s11 =	simm.s32 @!p2 $0x6;
	[tilespmem:$0x22C0] =	vst v0;
	s13 =	smov.u32 s12;
	s12 =	sadd.s32 $0x600, s12  }
0x98: {  	[spmem:s1] =	stream.indirect.scatter.add.f32 [tilespmem:s24], [sflag:$0x6], $0x80, s2, s18, $0xb8;
	[tilespmem:$0x1D380] =	vst v63  }
0x99: {  	p1 =	sne.s32 s12, $0x3000;
	_ =	swait.ge @!p2 [sflag:s11], $0x2800  }
0x9a: {  	[sflag:s11] =	ssyncset.done @!p2 $0x0  }
0x9b: {  	[sflag:s11] =	ssyncadd.s32 @!p2 $0xFFFFD800;
	s11 =	sshra.s32 s5, $0x2  }
0x9c: {  	v0 =	vld [tilespmem:s11+$0x100];
	_ =	sdelay $0x4  }
0x9d: {  	[tilespmem:$0x2100] =	vst v0  }
0x9e: {  	v0 =	vld [tilespmem:s11+$0x110];
	_ =	sdelay $0x4  }
0x9f: {  	[tilespmem:$0x2110] =	vst v0  }
0xa0: {  	v0 =	vld [tilespmem:s11+$0x120];
	_ =	sdelay $0x4  }
0xa1: {  	[tilespmem:$0x2120] =	vst v0  }
0xa2: {  	v0 =	vld [tilespmem:s11+$0x130];
	_ =	sdelay $0x4  }
0xa3: {  	[tilespmem:$0x2130] =	vst v0  }
0xa4: {  	v0 =	vld [tilespmem:s11+$0x140];
	_ =	sdelay $0x4  }
0xa5: {  	[tilespmem:$0x2140] =	vst v0  }
0xa6: {  	[tilespmem:s24], [sflag:$0x3] =	stream.indirect.gather [hbm4b:s4+s18], $0x80, s23, s18, $0xb8;
	[tilespmem:$0x1D380] =	vst v63  }
0xa7: {  	_ =	swait.ge [sflag:s25], $0x2800  }
0xa8: {  	[sflag:s25] =	ssyncset.done $0x0  }
0xa9: {  	[sflag:s25] =	ssyncadd.s32 $0xFFFFD800  }
0xaa: {  	v0 =	vld [tilespmem:s11+$0x1000];
	_ =	sdelay $0x4  }
0xab: {  	[tilespmem:$0x2180] =	vst v0  }
0xac: {  	v0 =	vld [tilespmem:s11+$0x1010];
	_ =	sdelay $0x4  }
0xad: {  	[tilespmem:$0x2190] =	vst v0  }
0xae: {  	v0 =	vld [tilespmem:s11+$0x1020];
	_ =	sdelay $0x4  }
0xaf: {  	[tilespmem:$0x21A0] =	vst v0  }
0xb0: {  	v0 =	vld [tilespmem:s11+$0x1030];
	_ =	sdelay $0x4  }
0xb1: {  	[tilespmem:$0x21B0] =	vst v0  }
0xb2: {  	v0 =	vld [tilespmem:s11+$0x1040];
	_ =	sdelay $0x4  }
0xb3: {  	[tilespmem:$0x21C0] =	vst v0  }
0xb4: {  	[spmem:s1] =	stream.indirect.scatter.add.f32 [tilespmem:s20], [sflag:$0x4], $0x80, s26, s18, $0xb8;
	[tilespmem:$0x1D380] =	vst v63  }
0xb5: {  	_ =	swait.ge [sflag:s28], $0x2800  }
0xb6: {  	[sflag:s28] =	ssyncset.done $0x0  }
0xb7: {  	[sflag:s28] =	ssyncadd.s32 $0xFFFFD800  }
0xb8: {  	v0 =	vld [tilespmem:s11+$0x180];
	_ =	sdelay $0x4  }
0xb9: {  	[tilespmem:$0x2000] =	vst v0  }
0xba: {  	v0 =	vld [tilespmem:s11+$0x190];
	_ =	sdelay $0x4  }
0xbb: {  	[tilespmem:$0x2010] =	vst v0  }
0xbc: {  	v0 =	vld [tilespmem:s11+$0x1A0];
	_ =	sdelay $0x4  }
0xbd: {  	[tilespmem:$0x2020] =	vst v0  }
0xbe: {  	v0 =	vld [tilespmem:s11+$0x1B0];
	_ =	sdelay $0x4  }
0xbf: {  	[tilespmem:$0x2030] =	vst v0  }
0xc0: {  	v0 =	vld [tilespmem:s11+$0x1C0];
	_ =	sdelay $0x4  }
0xc1: {  	[tilespmem:$0x2040] =	vst v0  }
0xc2: {  	[tilespmem:s20], [sflag:$0x1] =	stream.indirect.gather [hbm4b:s4+s18], $0x80, s19, s18, $0xb8;
	[tilespmem:$0x1D380] =	vst v63  }
0xc3: {  	_ =	swait.ge [sflag:s29], $0x2800  }
0xc4: {  	[sflag:s29] =	ssyncset.done $0x0  }
0xc5: {  	[sflag:s29] =	ssyncadd.s32 $0xFFFFD800  }
0xc6: {  	v0 =	vld [tilespmem:s11+$0x1080];
	_ =	sdelay $0x4  }
0xc7: {  	[tilespmem:$0x2200] =	vst v0  }
0xc8: {  	v0 =	vld [tilespmem:s11+$0x1090];
	_ =	sdelay $0x4  }
0xc9: {  	[tilespmem:$0x2210] =	vst v0  }
0xca: {  	v0 =	vld [tilespmem:s11+$0x10A0];
	_ =	sdelay $0x4  }
0xcb: {  	[tilespmem:$0x2220] =	vst v0  }
0xcc: {  	v0 =	vld [tilespmem:s11+$0x10B0];
	_ =	sdelay $0x4  }
0xcd: {  	[tilespmem:$0x2230] =	vst v0  }
0xce: {  	v0 =	vld [tilespmem:s11+$0x10C0];
	_ =	sdelay $0x4  }
0xcf: {  	[tilespmem:$0x2240] =	vst v0  }
0xd0: {  	[spmem:s1] =	stream.indirect.scatter.add.f32 [tilespmem:s22], [sflag:$0x5], $0x80, s30, s18, $0xb8;
	[tilespmem:$0x1D380] =	vst v63  }
0xd1: {  	_ =	swait.ge [sflag:s31], $0x2800  }
0xd2: {  	p2 =	seq.s32 s5, $0x2A00;
	[sflag:s31] =	ssyncset.done $0x0  }
0xd3: {  	s14 =	sshra.s32 @!p2 s5, $0x2;
	s5 =	smov.u32 s13;
	[sflag:s31] =	ssyncadd.s32 $0xFFFFD800  }
0xd4: {  	v0 =	vld @!p2 [tilespmem:s14+$0x200];
	_ =	sdelay $0x4  }
0xd5: {  	[tilespmem:$0x2080] =	vst @!p2 v0  }
0xd6: {  	v0 =	vld @!p2 [tilespmem:s14+$0x210];
	_ =	sdelay $0x4  }
0xd7: {  	[tilespmem:$0x2090] =	vst @!p2 v0  }
0xd8: {  	v0 =	vld @!p2 [tilespmem:s14+$0x220];
	_ =	sdelay $0x4  }
0xd9: {  	[tilespmem:$0x20A0] =	vst @!p2 v0  }
0xda: {  	v0 =	vld @!p2 [tilespmem:s14+$0x230];
	_ =	sdelay $0x4  }
0xdb: {  	[tilespmem:$0x20B0] =	vst @!p2 v0  }
0xdc: {  	v0 =	vld @!p2 [tilespmem:s14+$0x240];
	_ =	sdelay $0x4  }
0xdd: {  	s13 =	simm.s32 @!p2 $0x50;
	s15 =	simm.s32 @!p2 $0x4B00;
	s14 =	simm.s32 @!p2 $0x2080;
	[tilespmem:$0x20C0] =	vst @!p2 v0  }
0xde: {  	[tilespmem:s15], [sflag:$0x2] =	stream.indirect.gather @!p2 [hbm4b:s4+s13], $0x80, s14, s13, $0xb8;
	[tilespmem:$0x1D380] =	vst v63  }
0xdf: {  	_ =	swait.ge [sflag:s0], $0x2800  }
0xe0: {  	[sflag:s0] =	ssyncset.done $0x0  }
0xe1: {  	[sflag:s0] =	ssyncadd.s32 $0xFFFFD800  }
0xe2: {  	v0 =	vld [tilespmem:s11+$0x1100];
	_ =	sdelay $0x4  }
0xe3: {  	[tilespmem:$0x2280] =	vst v0  }
0xe4: {  	v0 =	vld [tilespmem:s11+$0x1110];
	_ =	sdelay $0x4  }
0xe5: {  	[tilespmem:$0x2290] =	vst v0  }
0xe6: {  	v0 =	vld [tilespmem:s11+$0x1120];
	_ =	sdelay $0x4  }
0xe7: {  	[tilespmem:$0x22A0] =	vst v0  }
0xe8: {  	v0 =	vld [tilespmem:s11+$0x1130];
	_ =	sdelay $0x4  }
0xe9: {  	[tilespmem:$0x22B0] =	vst v0  }
.Ltmp0:
0xea: {  	v0 =	vld [tilespmem:s11+$0x1140];
	(pc) =	sbr.rel @p1 .LBB2_3-.Ltmp0, $2  }
0xeb: {  	_ =	sdelay $0x2  }
0xec: {  	p2 =	seq.s32 s5, $0x0  }
0xed: {  	s11 =	simm.s32 @!p2 $0x6;
	[tilespmem:$0x22C0] =	vst v0  }
0xee: {  	[spmem:s1] =	stream.indirect.scatter.add.f32 [tilespmem:s24], [sflag:$0x6], $0x80, s2, s18, $0xb8;
	[tilespmem:$0x1D380] =	vst v63  }
0xef: {  	_ =	swait.ge @!p2 [sflag:s11], $0x2800  }
0xf0: {  	[sflag:s11] =	ssyncset.done @!p2 $0x0  }
0xf1: {  	s15 =	sshra.s32 s5, $0x2;
	[sflag:s11] =	ssyncadd.s32 @!p2 $0xFFFFD800  }
0xf2: {  	v58 =	vld [tilespmem:s15+$0x100];
	_ =	sdelay $0x4  }
0xf3: {  	[tilespmem:$0x2100] =	vst v58  }
0xf4: {  	v0 =	vld [tilespmem:s15+$0x110];
	_ =	sdelay $0x4  }
0xf5: {  	[tilespmem:$0x2110] =	vst v0  }
0xf6: {  	v0 =	vld [tilespmem:s15+$0x120];
	_ =	sdelay $0x4  }
0xf7: {  	[tilespmem:$0x2120] =	vst v0  }
0xf8: {  	v0 =	vld [tilespmem:s15+$0x130];
	_ =	sdelay $0x4  }
0xf9: {  	[tilespmem:$0x2130] =	vst v0  }
0xfa: {  	v0 =	vld [tilespmem:s15+$0x140];
	_ =	sdelay $0x4  }
0xfb: {  	[tilespmem:$0x2140] =	vst v0  }
0xfc: {  	[tilespmem:s24], [sflag:$0x3] =	stream.indirect.gather [hbm4b:s4+s18], $0x80, s23, s18, $0xb8;
	[tilespmem:$0x1D380] =	vst v63  }
0xfd: {  	_ =	swait.ge [sflag:s25], $0x2800  }
0xfe: {  	[sflag:s25] =	ssyncset.done $0x0  }
0xff: {  	[sflag:s25] =	ssyncadd.s32 $0xFFFFD800  }
0x100: {  	v59 =	vld [tilespmem:s15+$0x1000];
	_ =	sdelay $0x4  }
0x101: {  	[tilespmem:$0x2180] =	vst v59  }
0x102: {  	v0 =	vld [tilespmem:s15+$0x1010];
	_ =	sdelay $0x4  }
0x103: {  	[tilespmem:$0x2190] =	vst v0  }
0x104: {  	v0 =	vld [tilespmem:s15+$0x1020];
	_ =	sdelay $0x4  }
0x105: {  	[tilespmem:$0x21A0] =	vst v0  }
0x106: {  	v0 =	vld [tilespmem:s15+$0x1030];
	_ =	sdelay $0x4  }
0x107: {  	[tilespmem:$0x21B0] =	vst v0  }
0x108: {  	v0 =	vld [tilespmem:s15+$0x1040];
	_ =	sdelay $0x4  }
0x109: {  	[tilespmem:$0x21C0] =	vst v0  }
0x10a: {  	[spmem:s1] =	stream.indirect.scatter.add.f32 [tilespmem:s20], [sflag:$0x4], $0x80, s26, s18, $0xb8;
	[tilespmem:$0x1D380] =	vst v63  }
0x10b: {  	_ =	swait.ge [sflag:s28], $0x2800  }
0x10c: {  	[sflag:s28] =	ssyncset.done $0x0  }
0x10d: {  	[sflag:s28] =	ssyncadd.s32 $0xFFFFD800  }
0x10e: {  	v60 =	vld [tilespmem:s15+$0x180];
	_ =	sdelay $0x4  }
0x10f: {  	[tilespmem:$0x2000] =	vst v60  }
0x110: {  	v0 =	vld [tilespmem:s15+$0x190];
	_ =	sdelay $0x4  }
0x111: {  	[tilespmem:$0x2010] =	vst v0  }
0x112: {  	v0 =	vld [tilespmem:s15+$0x1A0];
	_ =	sdelay $0x4  }
0x113: {  	[tilespmem:$0x2020] =	vst v0  }
0x114: {  	v0 =	vld [tilespmem:s15+$0x1B0];
	_ =	sdelay $0x4  }
0x115: {  	[tilespmem:$0x2030] =	vst v0  }
0x116: {  	v0 =	vld [tilespmem:s15+$0x1C0];
	_ =	sdelay $0x4  }
0x117: {  	[tilespmem:$0x2040] =	vst v0  }
0x118: {  	[tilespmem:s20], [sflag:$0x1] =	stream.indirect.gather [hbm4b:s4+s18], $0x80, s19, s18, $0xb8;
	[tilespmem:$0x1D380] =	vst v63  }
0x119: {  	_ =	swait.ge [sflag:s29], $0x2800  }
0x11a: {  	[sflag:s29] =	ssyncset.done $0x0  }
0x11b: {  	[sflag:s29] =	ssyncadd.s32 $0xFFFFD800  }
0x11c: {  	v61 =	vld [tilespmem:s15+$0x1080];
	_ =	sdelay $0x4  }
0x11d: {  	[tilespmem:$0x2200] =	vst v61  }
0x11e: {  	v0 =	vld [tilespmem:s15+$0x1090];
	_ =	sdelay $0x4  }
0x11f: {  	[tilespmem:$0x2210] =	vst v0  }
0x120: {  	v0 =	vld [tilespmem:s15+$0x10A0];
	_ =	sdelay $0x4  }
0x121: {  	[tilespmem:$0x2220] =	vst v0  }
0x122: {  	v0 =	vld [tilespmem:s15+$0x10B0];
	_ =	sdelay $0x4  }
0x123: {  	[tilespmem:$0x2230] =	vst v0  }
0x124: {  	v0 =	vld [tilespmem:s15+$0x10C0];
	_ =	sdelay $0x4  }
0x125: {  	[tilespmem:$0x2240] =	vst v0  }
0x126: {  	[spmem:s1] =	stream.indirect.scatter.add.f32 [tilespmem:s22], [sflag:$0x5], $0x80, s30, s18, $0xb8;
	[tilespmem:$0x1D380] =	vst v63  }
0x127: {  	_ =	swait.ge [sflag:s31], $0x2800  }
0x128: {  	p1 =	seq.s32 s5, $0x2A00;
	[sflag:s31] =	ssyncset.done $0x0  }
0x129: {  	s5 =	sshra.s32 @!p1 s5, $0x2;
	[sflag:s31] =	ssyncadd.s32 $0xFFFFD800  }
0x12a: {  	v0 =	vld @!p1 [tilespmem:s5+$0x200];
	_ =	sdelay $0x4  }
0x12b: {  	[tilespmem:$0x2080] =	vst @!p1 v0  }
0x12c: {  	v0 =	vld @!p1 [tilespmem:s5+$0x210];
	_ =	sdelay $0x4  }
0x12d: {  	[tilespmem:$0x2090] =	vst @!p1 v0  }
0x12e: {  	v0 =	vld @!p1 [tilespmem:s5+$0x220];
	_ =	sdelay $0x4  }
0x12f: {  	[tilespmem:$0x20A0] =	vst @!p1 v0  }
0x130: {  	v0 =	vld @!p1 [tilespmem:s5+$0x230];
	_ =	sdelay $0x4  }
0x131: {  	[tilespmem:$0x20B0] =	vst @!p1 v0  }
0x132: {  	v0 =	vld @!p1 [tilespmem:s5+$0x240];
	_ =	sdelay $0x4  }
0x133: {  	s12 =	simm.s32 @!p1 $0x2080;
	s13 =	simm.s32 @!p1 $0x4B00;
	s5 =	simm.s32 @!p1 $0x50;
	[tilespmem:$0x20C0] =	vst @!p1 v0  }
0x134: {  	[tilespmem:s13], [sflag:$0x2] =	stream.indirect.gather @!p1 [hbm4b:s4+s5], $0x80, s12, s5, $0xb8;
	[tilespmem:$0x1D380] =	vst v63  }
0x135: {  	_ =	swait.ge [sflag:s0], $0x2800  }
0x136: {  	[sflag:s0] =	ssyncset.done $0x0  }
0x137: {  	[sflag:s0] =	ssyncadd.s32 $0xFFFFD800  }
0x138: {  	v62 =	vld [tilespmem:s15+$0x1100];
	_ =	sdelay $0x4  }
0x139: {  	[tilespmem:$0x2280] =	vst v62  }
0x13a: {  	v0 =	vld [tilespmem:s15+$0x1110];
	_ =	sdelay $0x4  }
0x13b: {  	[tilespmem:$0x2290] =	vst v0  }
0x13c: {  	v0 =	vld [tilespmem:s15+$0x1120];
	_ =	sdelay $0x4  }
0x13d: {  	[tilespmem:$0x22A0] =	vst v0  }
0x13e: {  	v0 =	vld [tilespmem:s15+$0x1130];
	_ =	sdelay $0x4  }
0x13f: {  	[tilespmem:$0x22B0] =	vst v0  }
0x140: {  	v0 =	vld [tilespmem:s15+$0x1140];
	_ =	sdelay $0x4  }
0x141: {  	[tilespmem:$0x22C0] =	vst v0  }
0x142: {  	[spmem:s1] =	stream.indirect.scatter.add.f32 [tilespmem:s24], [sflag:$0x6], $0x80, s2, s18, $0xb8;
	[tilespmem:$0x1D380] =	vst v63  }
0x143: {  	_ =	swait.ge [sflag:s25], $0x2800  }
0x144: {  	[sflag:s25] =	ssyncset.done $0x0  }
0x145: {  	[sflag:s25] =	ssyncadd.s32 $0xFFFFD800  }
0x146: {  	v63 =	vld [tilespmem:$0x1C00]  }
0x147: {  	v1 =	vld [tilespmem:$0x1C10]  }
0x148: {  	v2 =	vld [tilespmem:$0x1C20]  }
0x149: {  	v3 =	vld [tilespmem:$0x1C30]  }
0x14a: {  	v4 =	vld [tilespmem:$0x1C40]  }
0x14b: {  	[tilespmem:$0x2180] =	vst v63  }
0x14c: {  	[tilespmem:$0x2190] =	vst v1  }
0x14d: {  	[tilespmem:$0x21A0] =	vst v2  }
0x14e: {  	[tilespmem:$0x21B0] =	vst v3  }
0x14f: {  	s9 =	sadd.s32 $0x1, s9;
	[tilespmem:$0x21C0] =	vst v4  }
0x150: {  	[spmem:s1] =	stream.indirect.scatter.add.f32 [tilespmem:s20], [sflag:$0x4], $0x80, s26, s18, $0xb8;
	[tilespmem:$0x1D380] =	vst v63  }
0x151: {  	p1 =	sne.s32 s9, $0x5;
	_ =	swait.ge [sflag:s8], $0x2800  }
.Ltmp1:
0x152: {  	[sflag:s8] =	ssyncset.done $0x0;
	(pc) =	sbr.rel @p1 .LBB2_2-.Ltmp1, $4  }
0x153: {  	[sflag:s8] =	ssyncadd.s32 $0xFFFFD800  }
0x154: {  	_ =	swait.ge [sflag:s28], $0x2800  }
0x155: {  	[sflag:s28] =	ssyncset.done $0x0  }
0x156: {  	[sflag:s28] =	ssyncadd.s32 $0xFFFFD800  }
0x157: {  	[bflag:$0x0] =	sbarrier.arrive $0xFFFF  }
0x158: {  	s11 =	rddreg [dreg:$0x6]  }
0x159: {  	s9 =	simm.s32 @p0 $0x1FC7;
	s12 =	rddreg [dreg:$0x8];
	s5 =	sadd.s32 @p0 $0x25800, s11  }
0x15a: {  	[hbm:s5], [sflag:s9] =	dma.local @p0 [spmem:s12], $0x1900  }
0x15b: {  	s5 =	simm.s32 @p0 $0x7  }
0x15c: {  	_ =	swait.ge @p0 [sflag:s5], $0x1900  }
0x15d: {  	[sflag:s5] =	ssyncset.done @p0 $0x0;
	s13 =	rddreg [dreg:$0x9]  }
0x15e: {  	[sflag:s5] =	ssyncadd.s32 @p0 $0xFFFFE700;
	s5 =	rddreg [dreg:$0x3]  }
0x15f: {  	s5 =	sadd.s32 @!p0 s5, s11;
	s11 =	rddreg [dreg:$0xa]  }
0x160: {  	[hbm:s5], [sflag:s13] =	dma.local @!p0 [spmem:s11], $0x2800  }
0x161: {  	s5 =	simm.s32 @!p0 $0x7  }
0x162: {  	_ =	swait.ge @!p0 [sflag:s5], $0x2800  }
0x163: {  	s3 =	sadd.s32 $0x1, s3;
	s15 =	rddreg [dreg:$0x7]  }
0x164: {  	p1 =	sne.s32 s3, s15  }
.Ltmp2:
0x165: {  	_ = 	snop;
	(pc) =	sbr.rel @p1 .LBB2_1-.Ltmp2, $3  }
0x166: {  	_ =	sdelay $0x1  }
0x167: {  	[sflag:s5] =	ssyncset.done @!p0 $0x0  }
0x168: {  	[sflag:s5] =	ssyncadd.s32 @!p0 $0xFFFFD800  }
0x169: {  	_ =	sfence.sel $0x180000  }
0x16a: {  	[bflag:$0x0] =	sbarrier.arrive $0xFFFF  }
0x16b: {  	_ =	strace $0x9000004D  }
0x16c: {  	s0 =	stileid.u32;
	[bflag:$0x2] =	sbarrier.arrive $0xFFFF  }
0x16d: {  	p0 =	sne.s32 s0, $0x0;
	s0 =	rddreg [dreg:$0x2]  }
0x16e: {  	s0 =	sadd.s32 @!p0 $0x100000, s0  }
0x16f: {  	[sflag:s0] =	ssyncadd.tile.s32 @!p0 $0x1;
	_ =	shalt  }
.Lfunc_end2:
_tile_overlayer_lowered:
.L_overlay_start_2:
0x170: {  	(tag) =	ssettag $0x2  }
0x171: {  	s0 =	rddreg [dreg:$0x0];
	s2 =	stileid.u32  }
0x172: {  	s1 =	rddreg [dreg:$0x1];
	p0 =	sne.s32 s2, $0x0  }
0x173: {  	s3 =	rddreg [dreg:$0x2];
	[bflag:$0x3] =	sbarrier.arrive $0xFFFF;
	s2 =	simm.s32 @!p0 $0x1C07  }
0x174: {  	[timem:s3], [sflag:s2] =	dma.local @!p0 [hbm:s0], s1  }
0x175: {  	s0 =	simm.s32 @!p0 $0x7  }
0x176: {  	_ =	swait.ge @!p0 [sflag:s0], s1  }
0x177: {  	s1 =	ssub.s32 @!p0 $0x0, s1;
	[sflag:s0] =	ssyncset.done @!p0 $0x0  }
0x178: {  	[sflag:s0] =	ssyncadd.s32 @!p0 s1  }
0x179: {  	[bflag:$0x3] =	sbarrier.arrive $0xFFFF  }
0x17a: {  	_ =	shalt  }

// kernel: kernel.8.cloned.1.call-start
scs
__scs_entry_jumppad:
0x0: {  	(pc) =	sbr.rel $0x88, $3  }
0x1: {  	(tag) =	ssettag $0x0;
	lr =	simm.s32 $0x1  }
0x2: {  	[smem:$0x3F98] =	sst lr;
	_ =	strace $0xD0000000  }
0x3: {  	_ = 	snop  }
0x4: {  	_ = 	snop  }
0x5: {  	_ = 	snop  }
0x6: {  	_ = 	snop  }
0x7: {  	_ = 	snop  }
__scs_overlays_trampoline_lowered:
0x8: {  	[smem:$0x3FA7] =	sst s0  }
0x9: {  	[smem:$0x3FA8] =	sst s1  }
0xa: {  	[smem:$0x3FA9] =	sst s2  }
0xb: {  	[smem:$0x3FAA] =	sst s3  }
0xc: {  	[smem:$0x3FAB] =	sst s4  }
0xd: {  	[smem:$0x3FAC] =	sst s5  }
0xe: {  	[smem:$0x3FAD] =	sst s6  }
0xf: {  	[smem:$0x3FAE] =	sst s7  }
0x10: {  	[smem:$0x3FAF] =	sst s8  }
0x11: {  	[smem:$0x3FB0] =	sst s9;
	s0 =	simm.s32 @!p0 $0x0  }
0x12: {  	s1 =	sld [smem:$0x3F96];
	s0 =	simm.s32 @p0 $0x1  }
0x13: {  	[smem:$0x3FB1] =	sst s0;
	s0 =	simm.s32 @!p1 $0x0  }
0x14: {  	s2 =	sld [smem:$0x3F95];
	s0 =	simm.s32 @p1 $0x1  }
0x15: {  	[smem:$0x3FB2] =	sst s0;
	s0 =	simm.s32 @!p2 $0x0  }
0x16: {  	s3 =	sld [smem:$0x3FDB];
	s0 =	simm.s32 @p2 $0x1  }
0x17: {  	s4 =	simm.s32 $0x1BF5;
	[smem:$0x3FB4] =	sst s0  }
0x18: {  	s0 =	sld [smem:$0x3F97];
	_ =	swait.ge [sflag:s4], $0x0  }
0x19: {  	s7 =	sld [smem:$0x3F98]  }
0x1a: {  	s8 =	sadd.s32 $0xFFFFE003, lr  }
0x1b: {  	s9 =	sadd.s32 $0xFFFFFEF7, lr;
	s5 =	simm.s32 $0xFFFFFFFF;
	p2 =	slt.u32 s8, $0xFFFFF086  }
0x1c: {  	p1 =	slt.u32 s9, $0xF7A;
	s5 =	simm.s32 @!p2 $0x0  }
0x1d: {  	s5 =	simm.s32 @p1 $0x1;
	p0 =	seq.s32 s7, s2  }
0x1e: {  	s7 =	smul.u32 @!p0 $0xF7A, s2;
	p2 =	seq.s32 @!p0 s5, $0x0  }
0x1f: {  	s9 =	smul.u32 $0xF7A, s1;
	s8 =	simm.s32 @!p0 $0x1BF5;
	p2 =	por !p2, p0  }
0x20: {  	[sflag:s8] =	ssyncset.s32 @!p0 $0xFFFFF086;
	s6 =	sadd.s32 @!p0 s3, s7;
	s7 =	simm.s32 @!p0 $0x108  }
0x21: {  	s3 =	sadd.s32 s3, s9;
	s6 =	sadd.s32 @!p0 $0x88, s6;
	s7 =	simm.s32 @p2 $0x1082  }
0x22: {  	[simem:s7], [sflag:s8] =	dma.local @!p0 [hbm:s6], $0xF7A  }
0x23: {  	s9 =	sor.u32 $0xD0000000, s2;
	s6 =	simm.s32 $0x108;
	_ =	swait.ge @!p0 [sflag:s8], $0x0  }
0x24: {  	s3 =	sadd.s32 $0x88, s3;
	s6 =	simm.s32 @!p1 $0x1082;
	[sflag:s4] =	ssyncset.s32 $0xFFFFF086  }
0x25: {  	[simem:s6], [sflag:s4] =	dma.local [hbm:s3], $0xF7A  }
0x26: {  	[smem:$0x3F98] =	sst s1;
	(tag) =	ssettag s2;
	_ =	strace s9  }
0x27: {  	s1 =	sld [smem:$0x3FA8]  }
0x28: {  	s2 =	sld [smem:$0x3FA9]  }
0x29: {  	s4 =	sld [smem:$0x3FAB]  }
0x2a: {  	p0 =	seq.s32 s5, $0x0;
	s5 =	sld [smem:$0x3FAC]  }
0x2b: {  	s6 =	sld [smem:$0x3FAD]  }
0x2c: {  	s7 =	sld [smem:$0x3FAE]  }
0x2d: {  	s3 =	simm.s32 $0x108;
	s8 =	sld [smem:$0x3FAF]  }
0x2e: {  	s3 =	simm.s32 @!p0 $0x1082;
	s9 =	sld [smem:$0x3FB0]  }
0x2f: {  	lr =	sadd.s32 s0, s3;
	s0 =	sld [smem:$0x3FA7]  }
0x30: {  	s3 =	sld [smem:$0x3FAA]  }
0x31: {  	[smem:$0x3FB3] =	sst s10  }
0x32: {  	s10 =	sld [smem:$0x3FB1];
	_ =	sdelay $0x3  }
0x33: {  	p0 =	seq.s32 s10, $0x1;
	s10 =	sld [smem:$0x3FB3];
	_ =	sdelay $0x3  }
0x34: {  	[smem:$0x3FB3] =	sst s10  }
0x35: {  	s10 =	sld [smem:$0x3FB2];
	_ =	sdelay $0x3  }
0x36: {  	p1 =	seq.s32 s10, $0x1;
	s10 =	sld [smem:$0x3FB3];
	_ =	sdelay $0x3  }
0x37: {  	[smem:$0x3FB3] =	sst s10  }
0x38: {  	s10 =	sld [smem:$0x3FB4]  }
0x39: {  	_ = 	snop;
	(pc) =	sbr.ind lr, $3  }
0x3a: {  	_ = 	snop  }
0x3b: {  	_ = 	snop  }
0x3c: {  	p2 =	seq.s32 s10, $0x1;
	s10 =	sld [smem:$0x3FB3]  }
0x3d: {  	_ =	shalt  }
0x3e: {  	_ =	shalt  }
0x3f: {  	_ =	shalt  }
0x40: {  	_ =	shalt  }
0x41: {  	_ =	shalt  }
0x42: {  	_ =	shalt  }
0x43: {  	_ =	shalt  }
0x44: {  	_ =	shalt  }
0x45: {  	_ =	shalt  }
0x46: {  	_ =	shalt  }
0x47: {  	_ =	shalt  }
0x48: {  	_ =	shalt  }
0x49: {  	_ =	shalt  }
0x4a: {  	_ =	shalt  }
0x4b: {  	_ =	shalt  }
0x4c: {  	_ =	shalt  }
0x4d: {  	_ =	shalt  }
0x4e: {  	_ =	shalt  }
0x4f: {  	_ =	shalt  }
0x50: {  	_ =	shalt  }
0x51: {  	_ =	shalt  }
0x52: {  	_ =	shalt  }
0x53: {  	_ =	shalt  }
0x54: {  	_ =	shalt  }
0x55: {  	_ =	shalt  }
0x56: {  	_ =	shalt  }
0x57: {  	_ =	shalt  }
0x58: {  	_ =	shalt  }
0x59: {  	_ =	shalt  }
0x5a: {  	_ =	shalt  }
0x5b: {  	_ =	shalt  }
0x5c: {  	_ =	shalt  }
0x5d: {  	_ =	shalt  }
0x5e: {  	_ =	shalt  }
0x5f: {  	_ =	shalt  }
0x60: {  	_ =	shalt  }
0x61: {  	_ =	shalt  }
0x62: {  	_ =	shalt  }
0x63: {  	_ =	shalt  }
0x64: {  	_ =	shalt  }
0x65: {  	_ =	shalt  }
0x66: {  	_ =	shalt  }
0x67: {  	_ =	shalt  }
0x68: {  	_ =	shalt  }
0x69: {  	_ =	shalt  }
0x6a: {  	_ =	shalt  }
0x6b: {  	_ =	shalt  }
0x6c: {  	_ =	shalt  }
0x6d: {  	_ =	shalt  }
0x6e: {  	_ =	shalt  }
0x6f: {  	_ =	shalt  }
0x70: {  	_ =	shalt  }
0x71: {  	_ =	shalt  }
0x72: {  	_ =	shalt  }
0x73: {  	_ =	shalt  }
0x74: {  	_ =	shalt  }
0x75: {  	_ =	shalt  }
0x76: {  	_ =	shalt  }
0x77: {  	_ =	shalt  }
0x78: {  	_ =	shalt  }
0x79: {  	_ =	shalt  }
0x7a: {  	_ =	shalt  }
0x7b: {  	_ =	shalt  }
0x7c: {  	_ =	shalt  }
0x7d: {  	_ =	shalt  }
0x7e: {  	_ =	shalt  }
0x7f: {  	_ =	shalt  }
0x80: {  	_ =	shalt  }
0x81: {  	_ =	shalt  }
0x82: {  	_ =	shalt  }
0x83: {  	_ =	shalt  }
0x84: {  	_ =	shalt  }
0x85: {  	_ =	shalt  }
0x86: {  	_ =	shalt  }
0x87: {  	_ =	shalt  }
.Lfunc_end0:
.L_simem_size_0:
called_computation_lowered:
.L_overlay_start_0:
0x88: {  	s2 =	sld [smem:$0x3FD9]  }
0x89: {  	s3 =	sld [smem:$0x3FFE];
	_ =	sdelay $0x1  }
0x8a: {  	s1 =	srdreg.scid  }
0x8b: {  	s0 =	sand.u32 $0x1, s1  }
0x8c: {  	s16 =	sshll.u32 s0, $0xA;
	s2 =	sadd.s32 s3, s2  }
0x8d: {  	s2 =	sadd.s32 s2, s16  }
0x8e: {  	[smem:$0x3FBF] =	sst s2  }
0x8f: {  	_ = 	snop  }
0x90: {  	(tm) =	ssettm $0x1  }
0x91: {  	s17 =	sld [smem:$0x3FFB];
	_ =	sdelay $0x3  }
0x92: {  	_ =	strace s17  }
0x93: {  	s2 =	sld [smem:$0x3FFC];
	_ =	sdelay $0x3  }
0x94: {  	_ =	strace s2  }
0x95: {  	s2 =	sld [smem:$0x3FFD];
	_ =	sdelay $0x3  }
0x96: {  	_ =	strace s2  }
0x97: {  	_ =	strace $0x8FFFFFFF  }
0x98: {  	s18 =	sld [smem:$0x3FDB];
	_ =	sdelay $0x1  }
0x99: {  	s19 =	simm.s32 $_scs_section_size  }
0x9a: {  	s4 =	simm.s32 $_size__tile_overlayer_lowered;
	s5 =	simm.s32 $_tile_overlayer_lowered  }
0x9b: {  	s22 =	simm.s32 $0x1BFF;
	s21 =	sshll.u32 s5, $0x1;
	s2 =	sadd.s32 s19, s18  }
0x9c: {  	s6 =	simm.s32 $0x0;
	s20 =	sshll.u32 s4, $0x1;
	s4 =	sadd.s32 s21, s2  }
0x9d: {  	[timem:s6], [sflag:s22] =	dma.local [hbm:s4], s20  }
0x9e: {  	_ =	swait.ge [sflag:s22], s20  }
0x9f: {  	s3 =	ssub.s32 $0x0, s20;
	[sflag:s22] =	ssyncset.done $0x0  }
0xa0: {  	[sflag:s22] =	ssyncadd.s32 s3;
	_ =	sdelay $0x1  }
0xa1: {  	s23 =	simm.s32 $0x1B8B  }
0xa2: {  	_ =	swait.ge [sflag:s23], $0x1  }
0xa3: {  	[sflag:s23] =	ssyncset.done $0x0  }
0xa4: {  	s25 =	simm.s32 $0x1B8E;
	s24 =	sld [smem:$0x3FFE];
	[sflag:s23] =	ssyncadd.s32 $0xFFFFFFFF  }
0xa5: {  	s26 =	simm.s32 $execute0_lowered;
	[smem:$0x3FD2] =	sst s25  }
0xa6: {  	s4 =	sshll.u32 s26, $0x1;
	_ =	strace $0x80000046;
	[dreg:$0x1] =	wrdreg $0xFFFFFFFF  }
0xa7: {  	s28 =	simm.s32 $_size_execute0_lowered;
	s2 =	sadd.s32 s2, s4;
	[dreg:$0x0] =	wrdreg $0x0  }
0xa8: {  	s4 =	sshll.u32 s28, $0x1;
	[dreg:$0x2] =	wrdreg s2  }
0xa9: {  	[dreg:$0x3] =	wrdreg s4  }
0xaa: {  	[dreg:$0x4] =	wrdreg $0xC0  }
0xab: {  	_ =	task [dreg:s6], $0x5FFFF  }
0xac: {  	[dreg:$0x1] =	wrdreg $0xFFFFFFFF  }
0xad: {  	[dreg:$0x0] =	wrdreg $0x60  }
0xae: {  	[dreg:$0x2] =	wrdreg s24  }
0xaf: {  	[dreg:$0x3] =	wrdreg $0x69000  }
0xb0: {  	[dreg:$0x4] =	wrdreg $0x9  }
0xb1: {  	_ =	task.clear_ibuf [dreg:s6], $0x5FFFF;
	_ =	strace $0x90000046  }
0xb2: {  	s29 =	simm.s32 $0x9;
	_ =	strace $0x80000048  }
0xb3: {  	_ =	swait.ge [sflag:s29], $0x1  }
0xb4: {  	[sflag:s29] =	ssyncadd.s32 $0xFFFFFFFF  }
0xb5: {  	_ =	strace $0x90000048  }
0xb6: {  	_ =	sfence  }
0xb7: {  	s30 =	sld [smem:$0x0];
	_ =	sdelay $0x2  }
0xb8: {  	s31 =	sshll.u32 s1, $0xD;
	s1 =	sshrl.u32 s1, $0x2  }
0xb9: {  	s3 =	sand.u32 $0x4000, s31;
	s1 =	sadd.s32 s1, s30  }
0xba: {  	s0 =	sor.u32 s3, s0;
	s1 =	sshll.u32 s1, $0x11  }
0xbb: {  	s0 =	sor.u32 s1, s0  }
0xbc: {  	s0 =	sadd.s32 $0x8F2B, s0  }
0xbd: {  	[sflag:s0] =	ssyncadd.remote.s32 $0x1  }
0xbe: {  	_ =	sfence.sel $0xFFFF  }
0xbf: {  	[dreg:$0x0] =	wrdreg $0xFFFFFFFF;
	(pc) =	sbr.abs _section_cstart, $3  }
0xc0: {  	[dreg:$0x1] =	wrdreg $0xFFFFFFFF  }
0xc1: {  	_ =	task.clear_ibuf [dreg:s6], $0x2FFFF;
	_ =	strace $0x9FFFFFFF  }
0xc2: {  	(tm) =	ssettm $0x7FFFFFFF  }
0xc3: {  	_ =	shalt  }
tec
execute0_lowered:
.L_overlay_start_1:
0x0: {  	(tag) =	ssettag $0x1  }
0x1: {  	s7 =	rddreg [dreg:$0x0]  }
0x2: {  	s2 =	rddreg [dreg:$0x1]  }
0x3: {  	s0 =	rddreg [dreg:$0x2]  }
0x4: {  	s3 =	simm.s32 $0x0;
	s1 =	stileid.u32;
	s5 =	srdreg.scid  }
0x5: {  	s14 =	simm.s32 $0x50;
	s15 =	simm.s32 $0x4000;
	s16 =	simm.s32 $0x4080  }
0x6: {  	s17 =	simm.s32 $0x1;
	s18 =	simm.s32 $0x2;
	[smem:$0x7FF] =	sst s3  }
0x7: {  	s4 =	sshll.u32 s1, $0xB;
	s20 =	smul.u32 $0x2800, s1;
	s5 =	sand.u32 $0x1, s5  }
0x8: {  	s11 =	smul.u32 $0x50000, s1;
	p0 =	seq.s32 s1, $0xF;
	_ =	strace $0x80000047  }
0x9: {  	s6 =	sadd.s32 s4, s7;
	s4 =	sadd.s32 $0x39C00, s7;
	s9 =	smul.u32 $0x27100, s5  }
0xa: {  	s10 =	ssub.s32 $0x2, s5;
	s5 =	sshll.u32 s5, $0xF;
	s8 =	sadd.s32 s20, s7  }
0xb: {  	s12 =	sshrl.u32 s10, $0x1;
	s5 =	sadd.s32 s5, s6;
	s31 =	sshrl.u32 s11, $0x2  }
0xc: {  	s11 =	sadd.s32 $0x12C000, s2;
	s9 =	sadd.s32 s9, s7;
	s10 =	ssub.s32 s10, s12  }
0xd: {  	s5 =	sadd.s32 $0x2A00, s5;
	s13 =	sadd.s32 s31, s2;
	s6 =	sadd.s32 $0x12A00, s8  }
0xe: {  	s7 =	sadd.s32 $0x38200, s7;
	s12 =	sshll.u32 @!p0 s1, $0x6;
	s11 =	sshrl.u32 @p0 s11, $0x3  }
0xf: {  	s21 =	sadd.s32 $0x3A200, s9;
	s8 =	smax.u32 s10, $0x1;
	s9 =	simm.s32 $0x3  }
0x10: {  	s10 =	simm.s32 $0x4100;
	s12 =	sor.u32 @!p0 $0x1C03, s12;
	s13 =	sshrl.u32 @!p0 s13, $0x3  }
0x11: {  	s19 =	sadd.s32 @p0 $0x25800, s21;
	s20 =	sadd.s32 @!p0 s20, s21;
	s21 =	simm.s32 $0x0  }
.LBB2_1:
0x12: {  	[tilespmem:s3], [sflag:$0x3] =	stream.linear.gather [hbm4b:s5+s3], $0x3E80, $0x38;
	[tilespmem:$0x1A180] =	vst v63  }
0x13: {  	_ =	swait.ge [sflag:s9], $0x3E80  }
0x14: {  	[sflag:s9] =	ssyncset.done $0x0  }
0x15: {  	[sflag:s9] =	ssyncadd.s32 $0xFFFFC180  }
0x16: {  	[tilespmem:s10], [sflag:$0x3] =	stream.linear.gather [hbm4b:s4+s3], $0x2800, $0x38;
	[tilespmem:$0x1A180] =	vst v63  }
0x17: {  	_ =	swait.ge [sflag:s9], $0x2800  }
0x18: {  	[sflag:s9] =	ssyncset.done $0x0  }
0x19: {  	s22 =	simm.s32 @p0 $0x1FC3;
	[sflag:s9] =	ssyncadd.s32 $0xFFFFD800  }
0x1a: {  	[spmem:s11], [sflag:s22] =	dma.local @p0 [hbm:s7], $0x1900  }
0x1b: {  	s22 =	simm.s32 @p0 $0x3  }
0x1c: {  	_ =	swait.ge @p0 [sflag:s22], $0x1900  }
0x1d: {  	[sflag:s22] =	ssyncset.done @p0 $0x0  }
0x1e: {  	[sflag:s22] =	ssyncadd.s32 @p0 $0xFFFFE700;
	s22 =	simm.s32 @!p0 $0x3  }
0x1f: {  	[spmem:s13], [sflag:s12] =	dma.local @!p0 [hbm:s6], $0x2800  }
0x20: {  	_ =	swait.ge @!p0 [sflag:s22], $0x2800  }
0x21: {  	[sflag:s22] =	ssyncset.done @!p0 $0x0  }
0x22: {  	[sflag:s22] =	ssyncadd.s32 @!p0 $0xFFFFD800  }
0x23: {  	[bflag:$0x0] =	sbarrier.arrive $0xFFFF  }
0x24: {  	v0 =	vld [tilespmem:$0x0]  }
0x25: {  	v1 =	vld [tilespmem:$0x10]  }
0x26: {  	v2 =	vld [tilespmem:$0x20]  }
0x27: {  	v3 =	vld [tilespmem:$0x30]  }
0x28: {  	v4 =	vld [tilespmem:$0x40]  }
0x29: {  	[tilespmem:$0x4000] =	vst v0  }
0x2a: {  	[tilespmem:$0x4010] =	vst v1  }
0x2b: {  	[tilespmem:$0x4020] =	vst v2  }
0x2c: {  	[tilespmem:$0x4030] =	vst v3  }
0x2d: {  	s31 =	simm.s32 $0x0;
	[tilespmem:$0x4040] =	vst v4  }
0x2e: {  	[spmem:s2] =	stream.indirect.scatter.add.f32 [tilespmem:s10], [sflag:$0x1], $0x80, s15, s14, $0xb8;
	[tilespmem:$0x1A180] =	vst v63  }
0x2f: {  	v0 =	vld [tilespmem:s31+$0x80];
	_ =	sdelay $0x4  }
0x30: {  	[tilespmem:$0x4080] =	vst v0  }
0x31: {  	v0 =	vld [tilespmem:s31+$0x90];
	_ =	sdelay $0x4  }
0x32: {  	[tilespmem:$0x4090] =	vst v0  }
0x33: {  	v0 =	vld [tilespmem:s31+$0xA0];
	_ =	sdelay $0x4  }
0x34: {  	[tilespmem:$0x40A0] =	vst v0  }
0x35: {  	v0 =	vld [tilespmem:s31+$0xB0];
	_ =	sdelay $0x4  }
0x36: {  	[tilespmem:$0x40B0] =	vst v0  }
0x37: {  	v0 =	vld [tilespmem:s31+$0xC0];
	_ =	sdelay $0x4  }
0x38: {  	[tilespmem:$0x40C0] =	vst v0  }
0x39: {  	[spmem:s2] =	stream.indirect.scatter.add.f32 [tilespmem:s10], [sflag:$0x2], $0x80, s16, s14, $0xb8;
	[tilespmem:$0x1A180] =	vst v63  }
0x3a: {  	_ =	swait.ge [sflag:s17], $0x2800  }
0x3b: {  	[sflag:s17] =	ssyncset.done $0x0  }
0x3c: {  	[sflag:s17] =	ssyncadd.s32 $0xFFFFD800  }
0x3d: {  	v63 =	vld [tilespmem:s31+$0x100];
	_ =	sdelay $0x4  }
0x3e: {  	[tilespmem:$0x4000] =	vst v63  }
0x3f: {  	v0 =	vld [tilespmem:s31+$0x110];
	_ =	sdelay $0x4  }
0x40: {  	[tilespmem:$0x4010] =	vst v0  }
0x41: {  	v0 =	vld [tilespmem:s31+$0x120];
	_ =	sdelay $0x4  }
0x42: {  	[tilespmem:$0x4020] =	vst v0  }
0x43: {  	v0 =	vld [tilespmem:s31+$0x130];
	_ =	sdelay $0x4  }
0x44: {  	[tilespmem:$0x4030] =	vst v0  }
0x45: {  	v0 =	vld [tilespmem:s31+$0x140];
	_ =	sdelay $0x4  }
0x46: {  	[tilespmem:$0x4040] =	vst v0  }
0x47: {  	[spmem:s2] =	stream.indirect.scatter.add.f32 [tilespmem:s10], [sflag:$0x1], $0x80, s15, s14, $0xb8;
	[tilespmem:$0x1A180] =	vst v63  }
0x48: {  	_ =	swait.ge [sflag:s18], $0x2800  }
0x49: {  	s25 =	simm.s32 $0x800;
	s22 =	simm.s32 $0x400;
	[sflag:s18] =	ssyncset.done $0x0  }
.LBB2_2:
0x4a: {  	s24 =	sshra.s32 s22, $0x2  }
0x4b: {  	[sflag:s18] =	ssyncadd.s32 $0xFFFFD800;
	s22 =	smov.u32 s25;
	s23 =	sadd.s32 $0x400, s25  }
0x4c: {  	p1 =	sne.s32 s25, $0xF400;
	v0 =	vld [tilespmem:s24+$0x80];
	_ =	sdelay $0x4  }
0x4d: {  	[tilespmem:$0x4080] =	vst v0  }
0x4e: {  	v0 =	vld [tilespmem:s24+$0x90];
	_ =	sdelay $0x4  }
0x4f: {  	[tilespmem:$0x4090] =	vst v0  }
0x50: {  	v0 =	vld [tilespmem:s24+$0xA0];
	_ =	sdelay $0x4  }
0x51: {  	[tilespmem:$0x40A0] =	vst v0  }
0x52: {  	v0 =	vld [tilespmem:s24+$0xB0];
	_ =	sdelay $0x4  }
0x53: {  	[tilespmem:$0x40B0] =	vst v0  }
0x54: {  	v0 =	vld [tilespmem:s24+$0xC0];
	_ =	sdelay $0x4  }
0x55: {  	[tilespmem:$0x40C0] =	vst v0  }
0x56: {  	[spmem:s2] =	stream.indirect.scatter.add.f32 [tilespmem:s10], [sflag:$0x2], $0x80, s16, s14, $0xb8;
	[tilespmem:$0x1A180] =	vst v63  }
0x57: {  	_ =	swait.ge [sflag:s17], $0x2800  }
0x58: {  	[sflag:s17] =	ssyncset.done $0x0  }
0x59: {  	[sflag:s17] =	ssyncadd.s32 $0xFFFFD800  }
0x5a: {  	v0 =	vld [tilespmem:s24+$0x100];
	_ =	sdelay $0x4  }
0x5b: {  	[tilespmem:$0x4000] =	vst v0  }
0x5c: {  	v0 =	vld [tilespmem:s24+$0x110];
	_ =	sdelay $0x4  }
0x5d: {  	[tilespmem:$0x4010] =	vst v0  }
0x5e: {  	v0 =	vld [tilespmem:s24+$0x120];
	_ =	sdelay $0x4  }
0x5f: {  	[tilespmem:$0x4020] =	vst v0  }
0x60: {  	v0 =	vld [tilespmem:s24+$0x130];
	_ =	sdelay $0x4  }
0x61: {  	[tilespmem:$0x4030] =	vst v0  }
0x62: {  	v0 =	vld [tilespmem:s24+$0x140];
	_ =	sdelay $0x3  }
.Ltmp0:
0x63: {  	(pc) =	sbr.rel @p1 .LBB2_2-.Ltmp0, $4  }
0x64: {  	[tilespmem:$0x4040] =	vst v0  }
0x65: {  	[spmem:s2] =	stream.indirect.scatter.add.f32 [tilespmem:s10], [sflag:$0x1], $0x80, s15, s14, $0xb8;
	[tilespmem:$0x1A180] =	vst v63  }
0x66: {  	_ =	swait.ge [sflag:s18], $0x2800  }
0x67: {  	s25 =	smov.u32 s23;
	[sflag:s18] =	ssyncset.done $0x0  }
0x68: {  	s22 =	sshra.s32 s22, $0x2;
	[sflag:s18] =	ssyncadd.s32 $0xFFFFD800  }
0x69: {  	v0 =	vld [tilespmem:s22+$0x80];
	_ =	sdelay $0x4  }
0x6a: {  	[tilespmem:$0x4080] =	vst v0  }
0x6b: {  	v0 =	vld [tilespmem:s22+$0x90];
	_ =	sdelay $0x4  }
0x6c: {  	[tilespmem:$0x4090] =	vst v0  }
0x6d: {  	v0 =	vld [tilespmem:s22+$0xA0];
	_ =	sdelay $0x4  }
0x6e: {  	[tilespmem:$0x40A0] =	vst v0  }
0x6f: {  	v0 =	vld [tilespmem:s22+$0xB0];
	_ =	sdelay $0x4  }
0x70: {  	[tilespmem:$0x40B0] =	vst v0  }
0x71: {  	v0 =	vld [tilespmem:s22+$0xC0];
	_ =	sdelay $0x4  }
0x72: {  	[tilespmem:$0x40C0] =	vst v0  }
0x73: {  	[spmem:s2] =	stream.indirect.scatter.add.f32 [tilespmem:s10], [sflag:$0x2], $0x80, s16, s14, $0xb8;
	[tilespmem:$0x1A180] =	vst v63  }
0x74: {  	_ =	swait.ge [sflag:s17], $0x2800  }
0x75: {  	[sflag:s17] =	ssyncset.done $0x0  }
0x76: {  	[sflag:s17] =	ssyncadd.s32 $0xFFFFD800  }
0x77: {  	v63 =	vld [tilespmem:s22+$0x100];
	_ =	sdelay $0x4  }
0x78: {  	[tilespmem:$0x4000] =	vst v63  }
0x79: {  	v0 =	vld [tilespmem:s22+$0x110];
	_ =	sdelay $0x4  }
0x7a: {  	[tilespmem:$0x4010] =	vst v0  }
0x7b: {  	v0 =	vld [tilespmem:s22+$0x120];
	_ =	sdelay $0x4  }
0x7c: {  	[tilespmem:$0x4020] =	vst v0  }
0x7d: {  	v0 =	vld [tilespmem:s22+$0x130];
	_ =	sdelay $0x4  }
0x7e: {  	[tilespmem:$0x4030] =	vst v0  }
0x7f: {  	v0 =	vld [tilespmem:s22+$0x140];
	_ =	sdelay $0x4  }
0x80: {  	[tilespmem:$0x4040] =	vst v0  }
0x81: {  	[spmem:s2] =	stream.indirect.scatter.add.f32 [tilespmem:s10], [sflag:$0x1], $0x80, s15, s14, $0xb8;
	[tilespmem:$0x1A180] =	vst v63  }
0x82: {  	_ =	swait.ge [sflag:s18], $0x2800  }
0x83: {  	[sflag:s18] =	ssyncset.done $0x0  }
0x84: {  	[sflag:s18] =	ssyncadd.s32 $0xFFFFD800  }
0x85: {  	_ =	swait.ge [sflag:s17], $0x2800  }
0x86: {  	[sflag:s17] =	ssyncset.done $0x0  }
0x87: {  	[sflag:s17] =	ssyncadd.s32 $0xFFFFD800  }
0x88: {  	s22 =	simm.s32 @p0 $0x1FC3;
	[bflag:$0x0] =	sbarrier.arrive $0xFFFF  }
0x89: {  	[hbm:s19], [sflag:s22] =	dma.local @p0 [spmem:s11], $0x1900  }
0x8a: {  	s22 =	simm.s32 @p0 $0x3  }
0x8b: {  	s21 =	sadd.s32 $0x1, s21;
	_ =	swait.ge @p0 [sflag:s22], $0x1900  }
0x8c: {  	p1 =	sne.s32 s21, s8;
	[sflag:s22] =	ssyncset.done @p0 $0x0  }
.Ltmp1:
0x8d: {  	[sflag:s22] =	ssyncadd.s32 @p0 $0xFFFFE700;
	s22 =	simm.s32 @!p0 $0x3;
	(pc) =	sbr.rel @p1 .LBB2_1-.Ltmp1, $4  }
0x8e: {  	[hbm:s20], [sflag:s12] =	dma.local @!p0 [spmem:s13], $0x2800  }
0x8f: {  	_ =	swait.ge @!p0 [sflag:s22], $0x2800  }
0x90: {  	[sflag:s22] =	ssyncset.done @!p0 $0x0  }
0x91: {  	[sflag:s22] =	ssyncadd.s32 @!p0 $0xFFFFD800  }
0x92: {  	_ =	sfence.sel $0x180000  }
0x93: {  	[bflag:$0x0] =	sbarrier.arrive $0xFFFF  }
0x94: {  	p0 =	sne.s32 s1, $0x0;
	_ =	strace $0x90000047  }
0x95: {  	s0 =	sadd.s32 @!p0 $0x100000, s0;
	[bflag:$0x2] =	sbarrier.arrive $0xFFFF  }
0x96: {  	[sflag:s0] =	ssyncadd.tile.s32 @!p0 $0x1;
	_ =	shalt  }
.Lfunc_end2:
_tile_overlayer_lowered:
.L_overlay_start_2:
0x97: {  	(tag) =	ssettag $0x2  }
0x98: {  	s0 =	rddreg [dreg:$0x0];
	s2 =	stileid.u32  }
0x99: {  	s1 =	rddreg [dreg:$0x1];
	p0 =	sne.s32 s2, $0x0  }
0x9a: {  	s3 =	rddreg [dreg:$0x2];
	[bflag:$0x3] =	sbarrier.arrive $0xFFFF;
	s2 =	simm.s32 @!p0 $0x1C03  }
0x9b: {  	[timem:s3], [sflag:s2] =	dma.local @!p0 [hbm:s0], s1  }
0x9c: {  	s0 =	simm.s32 @!p0 $0x3  }
0x9d: {  	_ =	swait.ge @!p0 [sflag:s0], s1  }
0x9e: {  	s1 =	ssub.s32 @!p0 $0x0, s1;
	[sflag:s0] =	ssyncset.done @!p0 $0x0  }
0x9f: {  	[sflag:s0] =	ssyncadd.s32 @!p0 s1  }
0xa0: {  	[bflag:$0x3] =	sbarrier.arrive $0xFFFF  }
0xa1: {  	_ =	shalt  }

</sc_bundles>
